<compile_context>
chip_gen: v7x
topology: tpu7x:2x2x1
jax: 0.10.2.dev20260603
libtpu: 0.0.44.dev20260713+nightly
codegen_flags: <defaults>
</compile_context>

<pallas_src>
import functools

import jax
import jax.numpy as jnp
from jax import lax
from jax.experimental import pallas as pl
from jax.experimental.pallas import tpu as pltpu
from jax.experimental.pallas import tpu_sc as plsc

N = 10000
NP = 12288
E = 320000
D_IN = 128
DH = 8
DP = 8
ZDP = 16
NC, NS, L = 2, 16, 16
NW = NC * NS
EPW = E // NW
ECH = 128
NCH = 80
EPWP = NCH * ECH
NPW = NP // NW
RPS = NP // NS
NBUF = 4

_MESH = plsc.VectorSubcoreMesh(core_axis_name="c", subcore_axis_name="s")
_SC_PARAMS = pltpu.CompilerParams(needs_layout_passes=False,
                                  use_tc_tiling_on_sc=False)


def _wid():
    return lax.axis_index("s") * NC + lax.axis_index("c")


def _rsqrt_newton(x):
    i = lax.bitcast_convert_type(x, jnp.int32)
    y = lax.bitcast_convert_type(jnp.int32(0x5F3759DF) - (i >> 1), jnp.float32)
    for _ in range(3):
        y = y * (1.5 - 0.5 * x * y * y)
    return y


def _mm_body(x_ref, w_ref, o_ref):
    o_ref[pl.ds(0, N), :] = jnp.dot(x_ref[...], w_ref[...],
                                    precision=lax.Precision.HIGHEST,
                                    preferred_element_type=jnp.float32)
    o_ref[pl.ds(N, NP - N), :] = jnp.zeros((NP - N, ZDP), jnp.float32)


def _matmul(xp, w1p):
    return pl.pallas_call(
        _mm_body,
        out_shape=jax.ShapeDtypeStruct((NP, ZDP), jnp.float32),
    )(xp, w1p)


def _deg_body(ei, degs_p, degd_p, idxv, h_out, h_in, pcol, hSo, hSi):
    c = lax.axis_index("c")
    s = lax.axis_index("s")
    w = _wid()
    nbase = s * RPS
    zero = jnp.zeros((L,), jnp.float32)

    def zbody(i, _):
        h_out[pl.ds(i * L, L)] = zero
        h_in[pl.ds(i * L, L)] = zero
        return 0

    lax.fori_loop(0, NP // L, zbody, 0, unroll=8)

    one = jnp.full((L,), 1.0, jnp.float32)
    pltpu.sync_copy(ei.at[0, pl.ds(w * EPW, EPW)], idxv)

    def sbody(i, _):
        plsc.addupdate_scatter(h_out, [idxv[pl.ds(i * L, L)]], one)
        return 0

    lax.fori_loop(0, EPW // L, sbody, 0, unroll=8)
    pltpu.sync_copy(ei.at[1, pl.ds(w * EPW, EPW)], idxv)

    def dbody(i, _):
        plsc.addupdate_scatter(h_in, [idxv[pl.ds(i * L, L)]], one)
        return 0

    lax.fori_loop(0, EPW // L, dbody, 0, unroll=8)

    pltpu.sync_copy(h_out, hSo.at[s])
    pltpu.sync_copy(h_in, hSi.at[s])
    plsc.subcore_barrier()

    for hS, out in ((hSo, degs_p), (hSi, degd_p)):
        pltpu.sync_copy(hS.at[:, pl.ds(nbase, RPS)], pcol)

        def cbody(j, _):
            acc = pcol[0, pl.ds(j * L, L)]
            for k in range(1, NS):
                acc = acc + pcol[k, pl.ds(j * L, L)]
            h_out[pl.ds(j * L, L)] = acc
            return 0

        lax.fori_loop(0, RPS // L, cbody, 0, unroll=2)
        pltpu.sync_copy(h_out.at[pl.ds(0, RPS)], out.at[c, pl.ds(nbase, RPS)])


_deg_kernel = functools.partial(
    pl.kernel,
    out_type=(
        jax.ShapeDtypeStruct((NC, NP), jnp.float32),
        jax.ShapeDtypeStruct((NC, NP), jnp.float32),
    ),
    mesh=_MESH,
    compiler_params=_SC_PARAMS,
    scratch_types=[
        pltpu.VMEM((EPW,), jnp.int32),
        pltpu.VMEM((NP,), jnp.float32),
        pltpu.VMEM((NP,), jnp.float32),
        pltpu.VMEM((NS, RPS), jnp.float32),
        pltpu.VMEM_SHARED((NS, NP), jnp.float32),
        pltpu.VMEM_SHARED((NS, NP), jnp.float32),
    ],
)(_deg_body)


def _np1_body(degs_p, degd_p, z1, eic, zrs, ns_o, nd_o, agg1p,
              psb, pdb, zbuf, ybuf, nsb, ndb, srcb, dstb, msg, y1S, aggS,
              gsem, ssem):
    c = lax.axis_index("c")
    s = lax.axis_index("s")
    w = _wid()
    nbase = s * RPS

    pltpu.sync_copy(degs_p.at[:, pl.ds(nbase, RPS)], psb)
    pltpu.sync_copy(degd_p.at[:, pl.ds(nbase, RPS)], pdb)
    pltpu.sync_copy(z1.at[pl.ds(nbase, RPS)], zbuf)
    pltpu.sync_copy(eic.at[0, w], srcb)
    pltpu.sync_copy(eic.at[1, w], dstb)

    def reduce_norm(pb, nb):
        def vbody(j, _):
            acc = pb[0, pl.ds(j * L, L)] + pb[1, pl.ds(j * L, L)]
            nrm = _rsqrt_newton(jnp.maximum(acc, 1.0))
            nb[pl.ds(j * L, L)] = jnp.where(acc > 0, nrm, 0.0)
            return 0

        lax.fori_loop(0, RPS // L, vbody, 0, unroll=2)

    reduce_norm(psb, nsb)
    reduce_norm(pdb, ndb)

    ioa = lax.broadcasted_iota(jnp.int32, (L,), 0)

    def ybody(g, _):
        nv = g * L + ioa
        nsv = nsb[pl.ds(g * L, L)]
        for f in range(DH):
            fv = jnp.full((L,), f, jnp.int32)
            v = plsc.load_gather(zbuf, [nv, fv])
            plsc.store_scatter(ybuf, [nv, fv],
                               jnp.where(nsv > 0.0, v * nsv, 0.0))
        return 0

    lax.fori_loop(0, RPS // L, ybody, 0, unroll=2)

    @pl.when(c == 0)
    def _():
        pltpu.sync_copy(nsb, ns_o.at[pl.ds(nbase, RPS)])
        pltpu.sync_copy(ndb, nd_o.at[pl.ds(nbase, RPS)])

    pltpu.sync_copy(ybuf, y1S.at[pl.ds(nbase, RPS)])
    pltpu.sync_copy(zrs, aggS.at[pl.ds(nbase, RPS)])
    plsc.subcore_barrier()

    def g_start(i, b):
        pltpu.make_async_copy(y1S.at[srcb.at[i]], msg.at[b], gsem).start()

    def g_wait(b):
        pltpu.make_async_copy(y1S.at[srcb.at[0]], msg.at[b], gsem).wait()

    def s_start(i, b):
        pltpu.make_async_copy(msg.at[b], aggS.at[dstb.at[i]],
                              ssem).start(add=True)

    def s_wait(b):
        pltpu.make_async_copy(msg.at[b], aggS.at[dstb.at[0]], ssem).wait()

    for b in range(NBUF):
        g_start(b, b)

    def ch(gi, _):
        i0 = gi * NBUF
        for b in range(NBUF):
            g_wait(b)
            s_start(i0 + b, b)
        for b in range(NBUF):
            s_wait(b)
            nxt = i0 + NBUF + b

            @pl.when(nxt < NCH)
            def _():
                g_start(nxt, b)

        return 0

    lax.fori_loop(0, NCH // NBUF, ch, 0)
    plsc.subcore_barrier()
    pltpu.sync_copy(aggS.at[pl.ds(nbase, RPS)],
                    agg1p.at[c, pl.ds(nbase, RPS)])


_np1_kernel = functools.partial(
    pl.kernel,
    out_type=(
        jax.ShapeDtypeStruct((NP,), jnp.float32),
        jax.ShapeDtypeStruct((NP,), jnp.float32),
        jax.ShapeDtypeStruct((NC, NP, DP), jnp.float32),
    ),
    mesh=_MESH,
    compiler_params=_SC_PARAMS,
    scratch_types=[
        pltpu.VMEM((NC, RPS), jnp.float32),
        pltpu.VMEM((NC, RPS), jnp.float32),
        pltpu.VMEM((RPS, ZDP), jnp.float32),
        pltpu.VMEM((RPS, DP), jnp.float32),
        pltpu.VMEM((RPS,), jnp.float32),
        pltpu.VMEM((RPS,), jnp.float32),
        pltpu.VMEM((NCH, ECH), jnp.int32),
        pltpu.VMEM((NCH, ECH), jnp.int32),
        pltpu.VMEM((NBUF, ECH, DP), jnp.float32),
        pltpu.VMEM_SHARED((NP, DP), jnp.float32),
        pltpu.VMEM_SHARED((NP, DP), jnp.float32),
        pltpu.SemaphoreType.DMA,
        pltpu.SemaphoreType.DMA,
    ],
)(_np1_body)


def _ep2_body(agg1p, ns_i, nd_i, b1p, w2p, ei, agg2p,
              p0b, p1b, nsb, ndb, b1b, w2b, y2s, y2full, a2b, sb, db, pcol,
              y2S, a2S):
    c = lax.axis_index("c")
    s = lax.axis_index("s")
    w = _wid()
    nbase = s * RPS

    pltpu.sync_copy(agg1p.at[0, pl.ds(nbase, RPS)], p0b)
    pltpu.sync_copy(agg1p.at[1, pl.ds(nbase, RPS)], p1b)
    pltpu.sync_copy(ns_i.at[pl.ds(nbase, RPS)], nsb)
    pltpu.sync_copy(nd_i.at[pl.ds(nbase, RPS)], ndb)
    pltpu.sync_copy(b1p, b1b)
    pltpu.sync_copy(w2p, w2b)
    pltpu.sync_copy(ei.at[0, pl.ds(w * EPW, EPW)], sb)
    pltpu.sync_copy(ei.at[1, pl.ds(w * EPW, EPW)], db)

    b1v = b1b[...]
    w2v = w2b[...]
    ioa = lax.broadcasted_iota(jnp.int32, (L,), 0)

    def nbody(g, _):
        nv = g * L + ioa
        ndv = ndb[pl.ds(g * L, L)]
        nsv = nsb[pl.ds(g * L, L)]
        acc = jnp.zeros((L,), jnp.float32)
        for f in range(DH):
            fv = jnp.full((L,), f, jnp.int32)
            a = plsc.load_gather(p0b, [nv, fv]) + plsc.load_gather(p1b, [nv, fv])
            h = jnp.maximum(a * ndv + b1v[f], 0.0)
            acc = acc + h * w2v[f]
        y2s[pl.ds(g * L, L)] = acc * nsv
        return 0

    lax.fori_loop(0, RPS // L, nbody, 0, unroll=2)
    pltpu.sync_copy(y2s, y2S.at[pl.ds(nbase, RPS)])

    zero = jnp.zeros((L,), jnp.float32)

    def zbody(i, _):
        a2b[pl.ds(i * L, L)] = zero
        return 0

    lax.fori_loop(0, NP // L, zbody, 0, unroll=8)
    plsc.subcore_barrier()
    pltpu.sync_copy(y2S, y2full)

    def body(i, _):
        v = plsc.load_gather(y2full, [sb[pl.ds(i * L, L)]])
        plsc.addupdate_scatter(a2b, [db[pl.ds(i * L, L)]], v)
        return 0

    lax.fori_loop(0, EPW // L, body, 0, unroll=8)

    pltpu.sync_copy(a2b, a2S.at[s])
    plsc.subcore_barrier()
    pltpu.sync_copy(a2S.at[:, pl.ds(nbase, RPS)], pcol)

    def cbody(j, _):
        acc = pcol[0, pl.ds(j * L, L)]
        for k in range(1, NS):
            acc = acc + pcol[k, pl.ds(j * L, L)]
        a2b[pl.ds(j * L, L)] = acc
        return 0

    lax.fori_loop(0, RPS // L, cbody, 0, unroll=2)
    pltpu.sync_copy(a2b.at[pl.ds(0, RPS)], agg2p.at[c, pl.ds(nbase, RPS)])


_ep2_kernel = functools.partial(
    pl.kernel,
    out_type=jax.ShapeDtypeStruct((NC, NP), jnp.float32),
    mesh=_MESH,
    compiler_params=_SC_PARAMS,
    scratch_types=[
        pltpu.VMEM((RPS, DP), jnp.float32),
        pltpu.VMEM((RPS, DP), jnp.float32),
        pltpu.VMEM((RPS,), jnp.float32),
        pltpu.VMEM((RPS,), jnp.float32),
        pltpu.VMEM((L,), jnp.float32),
        pltpu.VMEM((L,), jnp.float32),
        pltpu.VMEM((RPS,), jnp.float32),
        pltpu.VMEM((NP,), jnp.float32),
        pltpu.VMEM((NP,), jnp.float32),
        pltpu.VMEM((EPW,), jnp.int32),
        pltpu.VMEM((EPW,), jnp.int32),
        pltpu.VMEM((NS, RPS), jnp.float32),
        pltpu.VMEM_SHARED((NP,), jnp.float32),
        pltpu.VMEM_SHARED((NS, NP), jnp.float32),
    ],
)(_ep2_body)


def _fin_body(agg2p, nd_i, b2p, outv, pb, ndb, b2b, ob):
    w = _wid()
    base = w * NPW
    pltpu.sync_copy(agg2p.at[:, pl.ds(base, NPW)], pb)
    pltpu.sync_copy(nd_i.at[pl.ds(base, NPW)], ndb)
    pltpu.sync_copy(b2p, b2b)
    b2v = b2b[...]

    def body(j, _):
        acc = pb[0, pl.ds(j * L, L)] + pb[1, pl.ds(j * L, L)]
        ob[pl.ds(j * L, L)] = acc * ndb[pl.ds(j * L, L)] + b2v
        return 0

    lax.fori_loop(0, NPW // L, body, 0, unroll=2)
    pltpu.sync_copy(ob, outv.at[pl.ds(base, NPW)])


_fin_kernel = functools.partial(
    pl.kernel,
    out_type=jax.ShapeDtypeStruct((NP,), jnp.float32),
    mesh=_MESH,
    compiler_params=_SC_PARAMS,
    scratch_types=[
        pltpu.VMEM((NC, NPW), jnp.float32),
        pltpu.VMEM((NPW,), jnp.float32),
        pltpu.VMEM((L,), jnp.float32),
        pltpu.VMEM((NPW,), jnp.float32),
    ],
)(_fin_body)


def kernel(inputs, edge_index, W1, b1, W2, b2):
    x = inputs
    ei = edge_index.astype(jnp.int32)
    w1p = jnp.pad(W1, ((0, 0), (0, ZDP - DH)))
    b1p = jnp.pad(b1, (0, L - DH))
    w2p = jnp.pad(W2[:, 0], (0, L - DH))
    b2p = jnp.broadcast_to(b2, (L,))
    zrs = jnp.zeros((RPS, DP), jnp.float32)
    eic = jnp.pad(ei.reshape(2, NW, EPW), ((0, 0), (0, 0), (0, EPWP - EPW)),
                  constant_values=NP - 1).reshape(2, NW, NCH, ECH)

    z1 = _matmul(x, w1p)
    degs_p, degd_p = _deg_kernel(ei)
    ns, nd, agg1p = _np1_kernel(degs_p, degd_p, z1, eic, zrs)
    agg2p = _ep2_kernel(agg1p, ns, nd, b1p, w2p, ei)
    outv = _fin_kernel(agg2p, nd, b2p)
    return outv[:N].reshape(N, 1)

# --- scband reference (transcript-rebuilt; emitter-appended) ---
"""Pipeline reference for scband-graph-conv-network-2388001816782 (READ-ONLY COPY).

The authoritative reference and input builder live on the scoring server;
editing this copy changes nothing except your own understanding.
"""

import jax, jax.numpy as jnp
import numpy as np

N_NODES = 10000
N_EDGES = 320000
D_IN = 128
D_HID = 8
D_OUT = 1


def setup_inputs(seed: int = 0) -> dict:
    key = jax.random.key(seed)
    k1, k2, k3, k4, k5, k6 = jax.random.split(key, 6)
    x = jax.random.normal(k1, (N_NODES, D_IN), dtype=jnp.float32)
    edge_index = jax.random.randint(k2, (2, N_EDGES), 0, N_NODES, dtype=jnp.int64)
    # Glorot-initialized weights, zero biases (as in DGL GraphConv defaults)
    lim1 = float(np.sqrt(6.0 / (D_IN + D_HID)))
    W1 = jax.random.uniform(k3, (D_IN, D_HID), dtype=jnp.float32, minval=-lim1, maxval=lim1)
    b1 = jnp.zeros((D_HID,), dtype=jnp.float32)
    lim2 = float(np.sqrt(6.0 / (D_HID + D_OUT)))
    W2 = jax.random.uniform(k4, (D_HID, D_OUT), dtype=jnp.float32, minval=-lim2, maxval=lim2)
    b2 = jnp.zeros((D_OUT,), dtype=jnp.float32)
    return {"inputs": x, "edge_index": edge_index, "W1": W1, "b1": b1, "W2": W2, "b2": b2}


def _graph_conv(h, src, dst, W, b, n_nodes):
    # DGL GraphConv with norm='both':
    #   out = D_in^{-1/2} * A^T * (D_out^{-1/2} * h) * W + b
    ones = jnp.ones((src.shape[0],), dtype=h.dtype)
    deg_out = jnp.zeros((n_nodes,), dtype=h.dtype).at[src].add(ones)
    deg_in = jnp.zeros((n_nodes,), dtype=h.dtype).at[dst].add(ones)
    norm_src = jnp.where(deg_out > 0, jax.lax.rsqrt(jnp.maximum(deg_out, 1.0)), 0.0)
    norm_dst = jnp.where(deg_in > 0, jax.lax.rsqrt(jnp.maximum(deg_in, 1.0)), 0.0)
    h = h * norm_src[:, None]
    # mult W first when it reduces dimensionality (mathematically equivalent)
    h = h @ W
    msgs = jnp.take(h, src, axis=0)  # gather per-edge messages
    agg = jnp.zeros((n_nodes, h.shape[1]), dtype=h.dtype).at[dst].add(msgs)  # scatter-add
    return agg * norm_dst[:, None] + b


def reference(inputs, edge_index, W1, b1, W2, b2):
    src = edge_index[0]
    dst = edge_index[1]
    h = _graph_conv(inputs, src, dst, W1, b1, N_NODES)
    h = jax.nn.relu(h)
    h = _graph_conv(h, src, dst, W2, b2, N_NODES)
    return h

if __name__ == "__main__":
    import jax
    _d = setup_inputs()
    print(jax.jit(kernel)(*tuple(_d.values())))

</pallas_src>

<mosaic_0001>
#map = affine_map<(d0, d1) -> (0, 0, 0)>
#map1 = affine_map<(d0, d1) -> (0)>
#map2 = affine_map<(d0, d1) -> (0, 0)>
module attributes {stable_mosaic.version = 14 : i64} {
  func.func @_ep2_body(%arg0: i32, %arg1: i32, %arg2: memref<2x12288x8xf32, #tpu.memory_space<hbm>>, %arg3: memref<12288xf32, #tpu.memory_space<hbm>>, %arg4: memref<12288xf32, #tpu.memory_space<hbm>>, %arg5: memref<16xf32, #tpu.memory_space<hbm>>, %arg6: memref<16xf32, #tpu.memory_space<hbm>>, %arg7: memref<2x320000xi32, #tpu.memory_space<hbm>>, %arg8: memref<2x12288xf32, #tpu.memory_space<hbm>>, %arg9: memref<768x8xf32, #tpu.memory_space<vmem>>, %arg10: memref<768x8xf32, #tpu.memory_space<vmem>>, %arg11: memref<768xf32, #tpu.memory_space<vmem>>, %arg12: memref<768xf32, #tpu.memory_space<vmem>>, %arg13: memref<16xf32, #tpu.memory_space<vmem>>, %arg14: memref<16xf32, #tpu.memory_space<vmem>>, %arg15: memref<768xf32, #tpu.memory_space<vmem>>, %arg16: memref<12288xf32, #tpu.memory_space<vmem>>, %arg17: memref<12288xf32, #tpu.memory_space<vmem>>, %arg18: memref<10000xi32, #tpu.memory_space<vmem>>, %arg19: memref<10000xi32, #tpu.memory_space<vmem>>, %arg20: memref<16x768xf32, #tpu.memory_space<vmem>>, %arg21: memref<12288xf32, #tpu.memory_space<vmem_shared>>, %arg22: memref<16x12288xf32, #tpu.memory_space<vmem_shared>>) attributes {dimension_semantics = [#tpu.dimension_semantics<core_parallel>, #tpu.dimension_semantics<subcore_parallel>], iteration_bounds = array<i64: 2, 16>, scalar_prefetch = 0 : i64, scratch_operands = 14 : i64, tpu.core_type = #tpu.core_type<sc_vector_subcore>, window_params = [{transform_indices = #map}, {transform_indices = #map1}, {transform_indices = #map1}, {transform_indices = #map1}, {transform_indices = #map1}, {transform_indices = #map2}, {transform_indices = #map2}]} {
    %mul3A = arith.constant 2 : i32
    %mul3A_0 = arith.muli %arg1, %mul3A : i32
    %add3A = arith.addi %mul3A_0, %arg0 : i32
    %mul3A_1 = arith.constant 768 : i32
    %mul3A_2 = arith.muli %arg1, %mul3A_1 : i32
    %run_scoped3A = arith.constant 0 : i32
    "tpu.region"() ({
      %run_scoped3A_53 = tpu.sem_alloc : memref<!tpu.dma_semaphore, #tpu.memory_space<semaphore_mem>>
      %dma_start3A = arith.constant 0 : i32
      %dma_start3A_54 = tpu.memref_slice %arg2[%run_scoped3A, %mul3A_2, %dma_start3A] : memref<2x12288x8xf32, #tpu.memory_space<hbm>> -> memref<1x768x8xf32, #tpu.memory_space<hbm>>
      %dma_start3A_55 = tpu.memref_squeeze %dma_start3A_54 : memref<1x768x8xf32, #tpu.memory_space<hbm>> -> memref<768x8xf32, #tpu.memory_space<hbm>>
      %dma_start3A_56 = arith.constant 0 : i32
      %dma_start3A_57 = tpu.memref_slice %arg2[%run_scoped3A, %mul3A_2, %dma_start3A_56] : memref<2x12288x8xf32, #tpu.memory_space<hbm>> -> memref<1x768x8xf32, #tpu.memory_space<hbm>>
      %dma_start3A_58 = tpu.memref_squeeze %dma_start3A_57 : memref<1x768x8xf32, #tpu.memory_space<hbm>> -> memref<768x8xf32, #tpu.memory_space<hbm>>
      tpu.enqueue_dma source(%dma_start3A_58 : memref<768x8xf32, #tpu.memory_space<hbm>>) target(%arg9 : memref<768x8xf32, #tpu.memory_space<vmem>>) target_semaphore(%run_scoped3A_53 : memref<!tpu.dma_semaphore, #tpu.memory_space<semaphore_mem>>)
      %dma_wait3A = arith.constant 0 : i32
      %dma_wait3A_59 = tpu.memref_slice %arg2[%run_scoped3A, %mul3A_2, %dma_wait3A] : memref<2x12288x8xf32, #tpu.memory_space<hbm>> -> memref<1x768x8xf32, #tpu.memory_space<hbm>>
      %dma_wait3A_60 = tpu.memref_squeeze %dma_wait3A_59 : memref<1x768x8xf32, #tpu.memory_space<hbm>> -> memref<768x8xf32, #tpu.memory_space<hbm>>
      %dma_wait3A_61 = arith.constant 0 : i32
      %dma_wait3A_62 = tpu.memref_slice %arg2[%run_scoped3A, %mul3A_2, %dma_wait3A_61] : memref<2x12288x8xf32, #tpu.memory_space<hbm>> -> memref<1x768x8xf32, #tpu.memory_space<hbm>>
      %dma_wait3A_63 = tpu.memref_squeeze %dma_wait3A_62 : memref<1x768x8xf32, #tpu.memory_space<hbm>> -> memref<768x8xf32, #tpu.memory_space<hbm>>
      tpu.wait_dma2 semaphore(%run_scoped3A_53 : memref<!tpu.dma_semaphore, #tpu.memory_space<semaphore_mem>>) src(%dma_wait3A_63 : memref<768x8xf32, #tpu.memory_space<hbm>>) dst(%arg9 : memref<768x8xf32, #tpu.memory_space<vmem>>)
      tpu.yield
    }) : () -> ()
    %run_scoped3A_3 = arith.constant 1 : i32
    "tpu.region"() ({
      %run_scoped3A_53 = tpu.sem_alloc : memref<!tpu.dma_semaphore, #tpu.memory_space<semaphore_mem>>
      %dma_start3A = arith.constant 0 : i32
      %dma_start3A_54 = tpu.memref_slice %arg2[%run_scoped3A_3, %mul3A_2, %dma_start3A] : memref<2x12288x8xf32, #tpu.memory_space<hbm>> -> memref<1x768x8xf32, #tpu.memory_space<hbm>>
      %dma_start3A_55 = tpu.memref_squeeze %dma_start3A_54 : memref<1x768x8xf32, #tpu.memory_space<hbm>> -> memref<768x8xf32, #tpu.memory_space<hbm>>
      %dma_start3A_56 = arith.constant 0 : i32
      %dma_start3A_57 = tpu.memref_slice %arg2[%run_scoped3A_3, %mul3A_2, %dma_start3A_56] : memref<2x12288x8xf32, #tpu.memory_space<hbm>> -> memref<1x768x8xf32, #tpu.memory_space<hbm>>
      %dma_start3A_58 = tpu.memref_squeeze %dma_start3A_57 : memref<1x768x8xf32, #tpu.memory_space<hbm>> -> memref<768x8xf32, #tpu.memory_space<hbm>>
      tpu.enqueue_dma source(%dma_start3A_58 : memref<768x8xf32, #tpu.memory_space<hbm>>) target(%arg10 : memref<768x8xf32, #tpu.memory_space<vmem>>) target_semaphore(%run_scoped3A_53 : memref<!tpu.dma_semaphore, #tpu.memory_space<semaphore_mem>>)
      %dma_wait3A = arith.constant 0 : i32
      %dma_wait3A_59 = tpu.memref_slice %arg2[%run_scoped3A_3, %mul3A_2, %dma_wait3A] : memref<2x12288x8xf32, #tpu.memory_space<hbm>> -> memref<1x768x8xf32, #tpu.memory_space<hbm>>
      %dma_wait3A_60 = tpu.memref_squeeze %dma_wait3A_59 : memref<1x768x8xf32, #tpu.memory_space<hbm>> -> memref<768x8xf32, #tpu.memory_space<hbm>>
      %dma_wait3A_61 = arith.constant 0 : i32
      %dma_wait3A_62 = tpu.memref_slice %arg2[%run_scoped3A_3, %mul3A_2, %dma_wait3A_61] : memref<2x12288x8xf32, #tpu.memory_space<hbm>> -> memref<1x768x8xf32, #tpu.memory_space<hbm>>
      %dma_wait3A_63 = tpu.memref_squeeze %dma_wait3A_62 : memref<1x768x8xf32, #tpu.memory_space<hbm>> -> memref<768x8xf32, #tpu.memory_space<hbm>>
      tpu.wait_dma2 semaphore(%run_scoped3A_53 : memref<!tpu.dma_semaphore, #tpu.memory_space<semaphore_mem>>) src(%dma_wait3A_63 : memref<768x8xf32, #tpu.memory_space<hbm>>) dst(%arg10 : memref<768x8xf32, #tpu.memory_space<vmem>>)
      tpu.yield
    }) : () -> ()
    "tpu.region"() ({
      %run_scoped3A_53 = tpu.sem_alloc : memref<!tpu.dma_semaphore, #tpu.memory_space<semaphore_mem>>
      %dma_start3A = tpu.memref_slice %arg3[%mul3A_2] : memref<12288xf32, #tpu.memory_space<hbm>> -> memref<768xf32, #tpu.memory_space<hbm>>
      %dma_start3A_54 = tpu.memref_slice %arg3[%mul3A_2] : memref<12288xf32, #tpu.memory_space<hbm>> -> memref<768xf32, #tpu.memory_space<hbm>>
      tpu.enqueue_dma source(%dma_start3A_54 : memref<768xf32, #tpu.memory_space<hbm>>) target(%arg11 : memref<768xf32, #tpu.memory_space<vmem>>) target_semaphore(%run_scoped3A_53 : memref<!tpu.dma_semaphore, #tpu.memory_space<semaphore_mem>>)
      %dma_wait3A = tpu.memref_slice %arg3[%mul3A_2] : memref<12288xf32, #tpu.memory_space<hbm>> -> memref<768xf32, #tpu.memory_space<hbm>>
      %dma_wait3A_55 = tpu.memref_slice %arg3[%mul3A_2] : memref<12288xf32, #tpu.memory_space<hbm>> -> memref<768xf32, #tpu.memory_space<hbm>>
      tpu.wait_dma2 semaphore(%run_scoped3A_53 : memref<!tpu.dma_semaphore, #tpu.memory_space<semaphore_mem>>) src(%dma_wait3A_55 : memref<768xf32, #tpu.memory_space<hbm>>) dst(%arg11 : memref<768xf32, #tpu.memory_space<vmem>>)
      tpu.yield
    }) : () -> ()
    "tpu.region"() ({
      %run_scoped3A_53 = tpu.sem_alloc : memref<!tpu.dma_semaphore, #tpu.memory_space<semaphore_mem>>
      %dma_start3A = tpu.memref_slice %arg4[%mul3A_2] : memref<12288xf32, #tpu.memory_space<hbm>> -> memref<768xf32, #tpu.memory_space<hbm>>
      %dma_start3A_54 = tpu.memref_slice %arg4[%mul3A_2] : memref<12288xf32, #tpu.memory_space<hbm>> -> memref<768xf32, #tpu.memory_space<hbm>>
      tpu.enqueue_dma source(%dma_start3A_54 : memref<768xf32, #tpu.memory_space<hbm>>) target(%arg12 : memref<768xf32, #tpu.memory_space<vmem>>) target_semaphore(%run_scoped3A_53 : memref<!tpu.dma_semaphore, #tpu.memory_space<semaphore_mem>>)
      %dma_wait3A = tpu.memref_slice %arg4[%mul3A_2] : memref<12288xf32, #tpu.memory_space<hbm>> -> memref<768xf32, #tpu.memory_space<hbm>>
      %dma_wait3A_55 = tpu.memref_slice %arg4[%mul3A_2] : memref<12288xf32, #tpu.memory_space<hbm>> -> memref<768xf32, #tpu.memory_space<hbm>>
      tpu.wait_dma2 semaphore(%run_scoped3A_53 : memref<!tpu.dma_semaphore, #tpu.memory_space<semaphore_mem>>) src(%dma_wait3A_55 : memref<768xf32, #tpu.memory_space<hbm>>) dst(%arg12 : memref<768xf32, #tpu.memory_space<vmem>>)
      tpu.yield
    }) : () -> ()
    "tpu.region"() ({
      %run_scoped3A_53 = tpu.sem_alloc : memref<!tpu.dma_semaphore, #tpu.memory_space<semaphore_mem>>
      tpu.enqueue_dma source(%arg5 : memref<16xf32, #tpu.memory_space<hbm>>) target(%arg13 : memref<16xf32, #tpu.memory_space<vmem>>) target_semaphore(%run_scoped3A_53 : memref<!tpu.dma_semaphore, #tpu.memory_space<semaphore_mem>>)
      tpu.wait_dma2 semaphore(%run_scoped3A_53 : memref<!tpu.dma_semaphore, #tpu.memory_space<semaphore_mem>>) src(%arg5 : memref<16xf32, #tpu.memory_space<hbm>>) dst(%arg13 : memref<16xf32, #tpu.memory_space<vmem>>)
      tpu.yield
    }) : () -> ()
    "tpu.region"() ({
      %run_scoped3A_53 = tpu.sem_alloc : memref<!tpu.dma_semaphore, #tpu.memory_space<semaphore_mem>>
      tpu.enqueue_dma source(%arg6 : memref<16xf32, #tpu.memory_space<hbm>>) target(%arg14 : memref<16xf32, #tpu.memory_space<vmem>>) target_semaphore(%run_scoped3A_53 : memref<!tpu.dma_semaphore, #tpu.memory_space<semaphore_mem>>)
      tpu.wait_dma2 semaphore(%run_scoped3A_53 : memref<!tpu.dma_semaphore, #tpu.memory_space<semaphore_mem>>) src(%arg6 : memref<16xf32, #tpu.memory_space<hbm>>) dst(%arg14 : memref<16xf32, #tpu.memory_space<vmem>>)
      tpu.yield
    }) : () -> ()
    %mul3A_4 = arith.constant 10000 : i32
    %mul3A_5 = arith.muli %add3A, %mul3A_4 : i32
    %run_scoped3A_6 = arith.constant 0 : i32
    "tpu.region"() ({
      %run_scoped3A_53 = tpu.sem_alloc : memref<!tpu.dma_semaphore, #tpu.memory_space<semaphore_mem>>
      %dma_start3A = tpu.memref_slice %arg7[%run_scoped3A_6, %mul3A_5] : memref<2x320000xi32, #tpu.memory_space<hbm>> -> memref<1x10000xi32, #tpu.memory_space<hbm>>
      %dma_start3A_54 = tpu.memref_squeeze %dma_start3A : memref<1x10000xi32, #tpu.memory_space<hbm>> -> memref<10000xi32, #tpu.memory_space<hbm>>
      %dma_start3A_55 = tpu.memref_slice %arg7[%run_scoped3A_6, %mul3A_5] : memref<2x320000xi32, #tpu.memory_space<hbm>> -> memref<1x10000xi32, #tpu.memory_space<hbm>>
      %dma_start3A_56 = tpu.memref_squeeze %dma_start3A_55 : memref<1x10000xi32, #tpu.memory_space<hbm>> -> memref<10000xi32, #tpu.memory_space<hbm>>
      tpu.enqueue_dma source(%dma_start3A_56 : memref<10000xi32, #tpu.memory_space<hbm>>) target(%arg18 : memref<10000xi32, #tpu.memory_space<vmem>>) target_semaphore(%run_scoped3A_53 : memref<!tpu.dma_semaphore, #tpu.memory_space<semaphore_mem>>)
      %dma_wait3A = tpu.memref_slice %arg7[%run_scoped3A_6, %mul3A_5] : memref<2x320000xi32, #tpu.memory_space<hbm>> -> memref<1x10000xi32, #tpu.memory_space<hbm>>
      %dma_wait3A_57 = tpu.memref_squeeze %dma_wait3A : memref<1x10000xi32, #tpu.memory_space<hbm>> -> memref<10000xi32, #tpu.memory_space<hbm>>
      %dma_wait3A_58 = tpu.memref_slice %arg7[%run_scoped3A_6, %mul3A_5] : memref<2x320000xi32, #tpu.memory_space<hbm>> -> memref<1x10000xi32, #tpu.memory_space<hbm>>
      %dma_wait3A_59 = tpu.memref_squeeze %dma_wait3A_58 : memref<1x10000xi32, #tpu.memory_space<hbm>> -> memref<10000xi32, #tpu.memory_space<hbm>>
      tpu.wait_dma2 semaphore(%run_scoped3A_53 : memref<!tpu.dma_semaphore, #tpu.memory_space<semaphore_mem>>) src(%dma_wait3A_59 : memref<10000xi32, #tpu.memory_space<hbm>>) dst(%arg18 : memref<10000xi32, #tpu.memory_space<vmem>>)
      tpu.yield
    }) : () -> ()
    %mul3A_7 = arith.constant 10000 : i32
    %mul3A_8 = arith.muli %add3A, %mul3A_7 : i32
    %run_scoped3A_9 = arith.constant 1 : i32
    "tpu.region"() ({
      %run_scoped3A_53 = tpu.sem_alloc : memref<!tpu.dma_semaphore, #tpu.memory_space<semaphore_mem>>
      %dma_start3A = tpu.memref_slice %arg7[%run_scoped3A_9, %mul3A_8] : memref<2x320000xi32, #tpu.memory_space<hbm>> -> memref<1x10000xi32, #tpu.memory_space<hbm>>
      %dma_start3A_54 = tpu.memref_squeeze %dma_start3A : memref<1x10000xi32, #tpu.memory_space<hbm>> -> memref<10000xi32, #tpu.memory_space<hbm>>
      %dma_start3A_55 = tpu.memref_slice %arg7[%run_scoped3A_9, %mul3A_8] : memref<2x320000xi32, #tpu.memory_space<hbm>> -> memref<1x10000xi32, #tpu.memory_space<hbm>>
      %dma_start3A_56 = tpu.memref_squeeze %dma_start3A_55 : memref<1x10000xi32, #tpu.memory_space<hbm>> -> memref<10000xi32, #tpu.memory_space<hbm>>
      tpu.enqueue_dma source(%dma_start3A_56 : memref<10000xi32, #tpu.memory_space<hbm>>) target(%arg19 : memref<10000xi32, #tpu.memory_space<vmem>>) target_semaphore(%run_scoped3A_53 : memref<!tpu.dma_semaphore, #tpu.memory_space<semaphore_mem>>)
      %dma_wait3A = tpu.memref_slice %arg7[%run_scoped3A_9, %mul3A_8] : memref<2x320000xi32, #tpu.memory_space<hbm>> -> memref<1x10000xi32, #tpu.memory_space<hbm>>
      %dma_wait3A_57 = tpu.memref_squeeze %dma_wait3A : memref<1x10000xi32, #tpu.memory_space<hbm>> -> memref<10000xi32, #tpu.memory_space<hbm>>
      %dma_wait3A_58 = tpu.memref_slice %arg7[%run_scoped3A_9, %mul3A_8] : memref<2x320000xi32, #tpu.memory_space<hbm>> -> memref<1x10000xi32, #tpu.memory_space<hbm>>
      %dma_wait3A_59 = tpu.memref_squeeze %dma_wait3A_58 : memref<1x10000xi32, #tpu.memory_space<hbm>> -> memref<10000xi32, #tpu.memory_space<hbm>>
      tpu.wait_dma2 semaphore(%run_scoped3A_53 : memref<!tpu.dma_semaphore, #tpu.memory_space<semaphore_mem>>) src(%dma_wait3A_59 : memref<10000xi32, #tpu.memory_space<hbm>>) dst(%arg19 : memref<10000xi32, #tpu.memory_space<vmem>>)
      tpu.yield
    }) : () -> ()
    %get3A = arith.constant 0 : index
    %get3A_10 = tpu.vector_load %arg13[%get3A] {strides = array<i32>} : memref<16xf32, #tpu.memory_space<vmem>>, vector<16xf32>,
    %get3A_11 = arith.constant 0 : index
    %get3A_12 = tpu.vector_load %arg14[%get3A_11] {strides = array<i32>} : memref<16xf32, #tpu.memory_space<vmem>>, vector<16xf32>,
    %iota3A = tpu.iota {dimensions = array<i32: 0>} : vector<16xi32>
    %scan3A = arith.constant 0 : i32
    %scan3A_13 = arith.constant 0 : i32
    %scan3A_14 = arith.constant 48 : i32
    %scan3A_15 = arith.addi %scan3A_13, %scan3A_14 : i32
    %scan3A_16 = arith.constant 2 : i32
    %scan3A_17 = scf.for %scan3A_53 = %scan3A_13 to %scan3A_15 step %scan3A_16 iter_args(%scan3A_54 = %scan3A) -> (i32)  : i32 {
      %mul3A_55 = arith.constant 16 : i32
      %mul3A_56 = arith.muli %scan3A_53, %mul3A_55 : i32
      %add3A_57 = vector.broadcast %mul3A_56 : i32 to vector<16xi32>
      %add3A_58 = arith.addi %add3A_57, %iota3A : vector<16xi32>
      %mul3A_59 = arith.constant 16 : i32
      %mul3A_60 = arith.muli %scan3A_53, %mul3A_59 : i32
      %get3A_61 = arith.index_cast %mul3A_60 : i32 to index
      %get3A_62 = tpu.vector_load %arg12[%get3A_61] {strides = array<i32>} : memref<768xf32, #tpu.memory_space<vmem>>, vector<16xf32>,
      %mul3A_63 = arith.constant 16 : i32
      %mul3A_64 = arith.muli %scan3A_53, %mul3A_63 : i32
      %get3A_65 = arith.index_cast %mul3A_64 : i32 to index
      %get3A_66 = tpu.vector_load %arg11[%get3A_65] {strides = array<i32>} : memref<768xf32, #tpu.memory_space<vmem>>, vector<16xf32>,
      %broadcast_in_dim3A_67 = arith.constant 0.000000e+00 : f32
      %broadcast_in_dim3A_68 = vector.broadcast %broadcast_in_dim3A_67 : f32 to vector<16xf32>
      %broadcast_in_dim3A_69 = arith.constant 0 : i32
      %broadcast_in_dim3A_70 = vector.broadcast %broadcast_in_dim3A_69 : i32 to vector<16xi32>
      %gather3A_71 = tpu.vector_load_idx %arg9[%add3A_58, %broadcast_in_dim3A_70] : memref<768x8xf32, #tpu.memory_space<vmem>>[vector<16xi32>, vector<16xi32>], vector<16xf32>,
      %gather3A_72 = tpu.vector_load_idx %arg10[%add3A_58, %broadcast_in_dim3A_70] : memref<768x8xf32, #tpu.memory_space<vmem>>[vector<16xi32>, vector<16xi32>], vector<16xf32>,
      %add3A_73 = arith.addf %gather3A_71, %gather3A_72 : vector<16xf32>
      %mul3A_74 = arith.mulf %add3A_73, %get3A_62 : vector<16xf32>
      %slice3A = vector.extract_strided_slice %get3A_10 {offsets = [0], sizes = [1], strides = [1]} : vector<16xf32> to vector<1xf32>
      %squeeze3A = vector.extract %slice3A[0] : f32 from vector<1xf32>
      %add3A_75 = vector.broadcast %squeeze3A : f32 to vector<16xf32>
      %add3A_76 = arith.addf %mul3A_74, %add3A_75 : vector<16xf32>
      %max3A = arith.constant 0.000000e+00 : f32
      %max3A_77 = vector.broadcast %max3A : f32 to vector<16xf32>
      %max3A_78 = arith.maximumf %add3A_76, %max3A_77 : vector<16xf32>
      %slice3A_79 = vector.extract_strided_slice %get3A_12 {offsets = [0], sizes = [1], strides = [1]} : vector<16xf32> to vector<1xf32>
      %squeeze3A_80 = vector.extract %slice3A_79[0] : f32 from vector<1xf32>
      %mul3A_81 = vector.broadcast %squeeze3A_80 : f32 to vector<16xf32>
      %mul3A_82 = arith.mulf %max3A_78, %mul3A_81 : vector<16xf32>
      %add3A_83 = arith.addf %broadcast_in_dim3A_68, %mul3A_82 : vector<16xf32>
      %broadcast_in_dim3A_84 = arith.constant 1 : i32
      %broadcast_in_dim3A_85 = vector.broadcast %broadcast_in_dim3A_84 : i32 to vector<16xi32>
      %gather3A_86 = tpu.vector_load_idx %arg9[%add3A_58, %broadcast_in_dim3A_85] : memref<768x8xf32, #tpu.memory_space<vmem>>[vector<16xi32>, vector<16xi32>], vector<16xf32>,
      %gather3A_87 = tpu.vector_load_idx %arg10[%add3A_58, %broadcast_in_dim3A_85] : memref<768x8xf32, #tpu.memory_space<vmem>>[vector<16xi32>, vector<16xi32>], vector<16xf32>,
      %add3A_88 = arith.addf %gather3A_86, %gather3A_87 : vector<16xf32>
      %mul3A_89 = arith.mulf %add3A_88, %get3A_62 : vector<16xf32>
      %slice3A_90 = vector.extract_strided_slice %get3A_10 {offsets = [1], sizes = [1], strides = [1]} : vector<16xf32> to vector<1xf32>
      %squeeze3A_91 = vector.extract %slice3A_90[0] : f32 from vector<1xf32>
      %add3A_92 = vector.broadcast %squeeze3A_91 : f32 to vector<16xf32>
      %add3A_93 = arith.addf %mul3A_89, %add3A_92 : vector<16xf32>
      %max3A_94 = arith.constant 0.000000e+00 : f32
      %max3A_95 = vector.broadcast %max3A_94 : f32 to vector<16xf32>
      %max3A_96 = arith.maximumf %add3A_93, %max3A_95 : vector<16xf32>
      %slice3A_97 = vector.extract_strided_slice %get3A_12 {offsets = [1], sizes = [1], strides = [1]} : vector<16xf32> to vector<1xf32>
      %squeeze3A_98 = vector.extract %slice3A_97[0] : f32 from vector<1xf32>
      %mul3A_99 = vector.broadcast %squeeze3A_98 : f32 to vector<16xf32>
      %mul3A_100 = arith.mulf %max3A_96, %mul3A_99 : vector<16xf32>
      %add3A_101 = arith.addf %add3A_83, %mul3A_100 : vector<16xf32>
      %broadcast_in_dim3A_102 = arith.constant 2 : i32
      %broadcast_in_dim3A_103 = vector.broadcast %broadcast_in_dim3A_102 : i32 to vector<16xi32>
      %gather3A_104 = tpu.vector_load_idx %arg9[%add3A_58, %broadcast_in_dim3A_103] : memref<768x8xf32, #tpu.memory_space<vmem>>[vector<16xi32>, vector<16xi32>], vector<16xf32>,
      %gather3A_105 = tpu.vector_load_idx %arg10[%add3A_58, %broadcast_in_dim3A_103] : memref<768x8xf32, #tpu.memory_space<vmem>>[vector<16xi32>, vector<16xi32>], vector<16xf32>,
      %add3A_106 = arith.addf %gather3A_104, %gather3A_105 : vector<16xf32>
      %mul3A_107 = arith.mulf %add3A_106, %get3A_62 : vector<16xf32>
      %slice3A_108 = vector.extract_strided_slice %get3A_10 {offsets = [2], sizes = [1], strides = [1]} : vector<16xf32> to vector<1xf32>
      %squeeze3A_109 = vector.extract %slice3A_108[0] : f32 from vector<1xf32>
      %add3A_110 = vector.broadcast %squeeze3A_109 : f32 to vector<16xf32>
      %add3A_111 = arith.addf %mul3A_107, %add3A_110 : vector<16xf32>
      %max3A_112 = arith.constant 0.000000e+00 : f32
      %max3A_113 = vector.broadcast %max3A_112 : f32 to vector<16xf32>
      %max3A_114 = arith.maximumf %add3A_111, %max3A_113 : vector<16xf32>
      %slice3A_115 = vector.extract_strided_slice %get3A_12 {offsets = [2], sizes = [1], strides = [1]} : vector<16xf32> to vector<1xf32>
      %squeeze3A_116 = vector.extract %slice3A_115[0] : f32 from vector<1xf32>
      %mul3A_117 = vector.broadcast %squeeze3A_116 : f32 to vector<16xf32>
      %mul3A_118 = arith.mulf %max3A_114, %mul3A_117 : vector<16xf32>
      %add3A_119 = arith.addf %add3A_101, %mul3A_118 : vector<16xf32>
      %broadcast_in_dim3A_120 = arith.constant 3 : i32
      %broadcast_in_dim3A_121 = vector.broadcast %broadcast_in_dim3A_120 : i32 to vector<16xi32>
      %gather3A_122 = tpu.vector_load_idx %arg9[%add3A_58, %broadcast_in_dim3A_121] : memref<768x8xf32, #tpu.memory_space<vmem>>[vector<16xi32>, vector<16xi32>], vector<16xf32>,
      %gather3A_123 = tpu.vector_load_idx %arg10[%add3A_58, %broadcast_in_dim3A_121] : memref<768x8xf32, #tpu.memory_space<vmem>>[vector<16xi32>, vector<16xi32>], vector<16xf32>,
      %add3A_124 = arith.addf %gather3A_122, %gather3A_123 : vector<16xf32>
      %mul3A_125 = arith.mulf %add3A_124, %get3A_62 : vector<16xf32>
      %slice3A_126 = vector.extract_strided_slice %get3A_10 {offsets = [3], sizes = [1], strides = [1]} : vector<16xf32> to vector<1xf32>
      %squeeze3A_127 = vector.extract %slice3A_126[0] : f32 from vector<1xf32>
      %add3A_128 = vector.broadcast %squeeze3A_127 : f32 to vector<16xf32>
      %add3A_129 = arith.addf %mul3A_125, %add3A_128 : vector<16xf32>
      %max3A_130 = arith.constant 0.000000e+00 : f32
      %max3A_131 = vector.broadcast %max3A_130 : f32 to vector<16xf32>
      %max3A_132 = arith.maximumf %add3A_129, %max3A_131 : vector<16xf32>
      %slice3A_133 = vector.extract_strided_slice %get3A_12 {offsets = [3], sizes = [1], strides = [1]} : vector<16xf32> to vector<1xf32>
      %squeeze3A_134 = vector.extract %slice3A_133[0] : f32 from vector<1xf32>
      %mul3A_135 = vector.broadcast %squeeze3A_134 : f32 to vector<16xf32>
      %mul3A_136 = arith.mulf %max3A_132, %mul3A_135 : vector<16xf32>
      %add3A_137 = arith.addf %add3A_119, %mul3A_136 : vector<16xf32>
      %broadcast_in_dim3A_138 = arith.constant 4 : i32
      %broadcast_in_dim3A_139 = vector.broadcast %broadcast_in_dim3A_138 : i32 to vector<16xi32>
      %gather3A_140 = tpu.vector_load_idx %arg9[%add3A_58, %broadcast_in_dim3A_139] : memref<768x8xf32, #tpu.memory_space<vmem>>[vector<16xi32>, vector<16xi32>], vector<16xf32>,
      %gather3A_141 = tpu.vector_load_idx %arg10[%add3A_58, %broadcast_in_dim3A_139] : memref<768x8xf32, #tpu.memory_space<vmem>>[vector<16xi32>, vector<16xi32>], vector<16xf32>,
      %add3A_142 = arith.addf %gather3A_140, %gather3A_141 : vector<16xf32>
      %mul3A_143 = arith.mulf %add3A_142, %get3A_62 : vector<16xf32>
      %slice3A_144 = vector.extract_strided_slice %get3A_10 {offsets = [4], sizes = [1], strides = [1]} : vector<16xf32> to vector<1xf32>
      %squeeze3A_145 = vector.extract %slice3A_144[0] : f32 from vector<1xf32>
      %add3A_146 = vector.broadcast %squeeze3A_145 : f32 to vector<16xf32>
      %add3A_147 = arith.addf %mul3A_143, %add3A_146 : vector<16xf32>
      %max3A_148 = arith.constant 0.000000e+00 : f32
      %max3A_149 = vector.broadcast %max3A_148 : f32 to vector<16xf32>
      %max3A_150 = arith.maximumf %add3A_147, %max3A_149 : vector<16xf32>
      %slice3A_151 = vector.extract_strided_slice %get3A_12 {offsets = [4], sizes = [1], strides = [1]} : vector<16xf32> to vector<1xf32>
      %squeeze3A_152 = vector.extract %slice3A_151[0] : f32 from vector<1xf32>
      %mul3A_153 = vector.broadcast %squeeze3A_152 : f32 to vector<16xf32>
      %mul3A_154 = arith.mulf %max3A_150, %mul3A_153 : vector<16xf32>
      %add3A_155 = arith.addf %add3A_137, %mul3A_154 : vector<16xf32>
      %broadcast_in_dim3A_156 = arith.constant 5 : i32
      %broadcast_in_dim3A_157 = vector.broadcast %broadcast_in_dim3A_156 : i32 to vector<16xi32>
      %gather3A_158 = tpu.vector_load_idx %arg9[%add3A_58, %broadcast_in_dim3A_157] : memref<768x8xf32, #tpu.memory_space<vmem>>[vector<16xi32>, vector<16xi32>], vector<16xf32>,
      %gather3A_159 = tpu.vector_load_idx %arg10[%add3A_58, %broadcast_in_dim3A_157] : memref<768x8xf32, #tpu.memory_space<vmem>>[vector<16xi32>, vector<16xi32>], vector<16xf32>,
      %add3A_160 = arith.addf %gather3A_158, %gather3A_159 : vector<16xf32>
      %mul3A_161 = arith.mulf %add3A_160, %get3A_62 : vector<16xf32>
      %slice3A_162 = vector.extract_strided_slice %get3A_10 {offsets = [5], sizes = [1], strides = [1]} : vector<16xf32> to vector<1xf32>
      %squeeze3A_163 = vector.extract %slice3A_162[0] : f32 from vector<1xf32>
      %add3A_164 = vector.broadcast %squeeze3A_163 : f32 to vector<16xf32>
      %add3A_165 = arith.addf %mul3A_161, %add3A_164 : vector<16xf32>
      %max3A_166 = arith.constant 0.000000e+00 : f32
      %max3A_167 = vector.broadcast %max3A_166 : f32 to vector<16xf32>
      %max3A_168 = arith.maximumf %add3A_165, %max3A_167 : vector<16xf32>
      %slice3A_169 = vector.extract_strided_slice %get3A_12 {offsets = [5], sizes = [1], strides = [1]} : vector<16xf32> to vector<1xf32>
      %squeeze3A_170 = vector.extract %slice3A_169[0] : f32 from vector<1xf32>
      %mul3A_171 = vector.broadcast %squeeze3A_170 : f32 to vector<16xf32>
      %mul3A_172 = arith.mulf %max3A_168, %mul3A_171 : vector<16xf32>
      %add3A_173 = arith.addf %add3A_155, %mul3A_172 : vector<16xf32>
      %broadcast_in_dim3A_174 = arith.constant 6 : i32
      %broadcast_in_dim3A_175 = vector.broadcast %broadcast_in_dim3A_174 : i32 to vector<16xi32>
      %gather3A_176 = tpu.vector_load_idx %arg9[%add3A_58, %broadcast_in_dim3A_175] : memref<768x8xf32, #tpu.memory_space<vmem>>[vector<16xi32>, vector<16xi32>], vector<16xf32>,
      %gather3A_177 = tpu.vector_load_idx %arg10[%add3A_58, %broadcast_in_dim3A_175] : memref<768x8xf32, #tpu.memory_space<vmem>>[vector<16xi32>, vector<16xi32>], vector<16xf32>,
      %add3A_178 = arith.addf %gather3A_176, %gather3A_177 : vector<16xf32>
      %mul3A_179 = arith.mulf %add3A_178, %get3A_62 : vector<16xf32>
      %slice3A_180 = vector.extract_strided_slice %get3A_10 {offsets = [6], sizes = [1], strides = [1]} : vector<16xf32> to vector<1xf32>
      %squeeze3A_181 = vector.extract %slice3A_180[0] : f32 from vector<1xf32>
      %add3A_182 = vector.broadcast %squeeze3A_181 : f32 to vector<16xf32>
      %add3A_183 = arith.addf %mul3A_179, %add3A_182 : vector<16xf32>
      %max3A_184 = arith.constant 0.000000e+00 : f32
      %max3A_185 = vector.broadcast %max3A_184 : f32 to vector<16xf32>
      %max3A_186 = arith.maximumf %add3A_183, %max3A_185 : vector<16xf32>
      %slice3A_187 = vector.extract_strided_slice %get3A_12 {offsets = [6], sizes = [1], strides = [1]} : vector<16xf32> to vector<1xf32>
      %squeeze3A_188 = vector.extract %slice3A_187[0] : f32 from vector<1xf32>
      %mul3A_189 = vector.broadcast %squeeze3A_188 : f32 to vector<16xf32>
      %mul3A_190 = arith.mulf %max3A_186, %mul3A_189 : vector<16xf32>
      %add3A_191 = arith.addf %add3A_173, %mul3A_190 : vector<16xf32>
      %broadcast_in_dim3A_192 = arith.constant 7 : i32
      %broadcast_in_dim3A_193 = vector.broadcast %broadcast_in_dim3A_192 : i32 to vector<16xi32>
      %gather3A_194 = tpu.vector_load_idx %arg9[%add3A_58, %broadcast_in_dim3A_193] : memref<768x8xf32, #tpu.memory_space<vmem>>[vector<16xi32>, vector<16xi32>], vector<16xf32>,
      %gather3A_195 = tpu.vector_load_idx %arg10[%add3A_58, %broadcast_in_dim3A_193] : memref<768x8xf32, #tpu.memory_space<vmem>>[vector<16xi32>, vector<16xi32>], vector<16xf32>,
      %add3A_196 = arith.addf %gather3A_194, %gather3A_195 : vector<16xf32>
      %mul3A_197 = arith.mulf %add3A_196, %get3A_62 : vector<16xf32>
      %slice3A_198 = vector.extract_strided_slice %get3A_10 {offsets = [7], sizes = [1], strides = [1]} : vector<16xf32> to vector<1xf32>
      %squeeze3A_199 = vector.extract %slice3A_198[0] : f32 from vector<1xf32>
      %add3A_200 = vector.broadcast %squeeze3A_199 : f32 to vector<16xf32>
      %add3A_201 = arith.addf %mul3A_197, %add3A_200 : vector<16xf32>
      %max3A_202 = arith.constant 0.000000e+00 : f32
      %max3A_203 = vector.broadcast %max3A_202 : f32 to vector<16xf32>
      %max3A_204 = arith.maximumf %add3A_201, %max3A_203 : vector<16xf32>
      %slice3A_205 = vector.extract_strided_slice %get3A_12 {offsets = [7], sizes = [1], strides = [1]} : vector<16xf32> to vector<1xf32>
      %squeeze3A_206 = vector.extract %slice3A_205[0] : f32 from vector<1xf32>
      %mul3A_207 = vector.broadcast %squeeze3A_206 : f32 to vector<16xf32>
      %mul3A_208 = arith.mulf %max3A_204, %mul3A_207 : vector<16xf32>
      %add3A_209 = arith.addf %add3A_191, %mul3A_208 : vector<16xf32>
      %mul3A_210 = arith.mulf %add3A_209, %get3A_66 : vector<16xf32>
      %mul3A_211 = arith.constant 16 : i32
      %mul3A_212 = arith.muli %scan3A_53, %mul3A_211 : i32
      %swap3A = arith.index_cast %mul3A_212 : i32 to index
      %swap3A_213 = tpu.vector_load %arg15[%swap3A] {strides = array<i32>} : memref<768xf32, #tpu.memory_space<vmem>>, vector<16xf32>,
      tpu.vector_store %arg15[%swap3A], %mul3A_210 {strides = array<i32>} : memref<768xf32, #tpu.memory_space<vmem>>, vector<16xf32>,
      %scan3A_214 = arith.constant 0 : i32
      %scan3A_215 = arith.constant 1 : i32
      %scan3A_216 = arith.addi %scan3A_53, %scan3A_215 : i32
      %mul3A_217 = arith.constant 16 : i32
      %mul3A_218 = arith.muli %scan3A_216, %mul3A_217 : i32
      %add3A_219 = vector.broadcast %mul3A_218 : i32 to vector<16xi32>
      %add3A_220 = arith.addi %add3A_219, %iota3A : vector<16xi32>
      %mul3A_221 = arith.constant 16 : i32
      %mul3A_222 = arith.muli %scan3A_216, %mul3A_221 : i32
      %get3A_223 = arith.index_cast %mul3A_222 : i32 to index
      %get3A_224 = tpu.vector_load %arg12[%get3A_223] {strides = array<i32>} : memref<768xf32, #tpu.memory_space<vmem>>, vector<16xf32>,
      %mul3A_225 = arith.constant 16 : i32
      %mul3A_226 = arith.muli %scan3A_216, %mul3A_225 : i32
      %get3A_227 = arith.index_cast %mul3A_226 : i32 to index
      %get3A_228 = tpu.vector_load %arg11[%get3A_227] {strides = array<i32>} : memref<768xf32, #tpu.memory_space<vmem>>, vector<16xf32>,
      %broadcast_in_dim3A_229 = arith.constant 0.000000e+00 : f32
      %broadcast_in_dim3A_230 = vector.broadcast %broadcast_in_dim3A_229 : f32 to vector<16xf32>
      %broadcast_in_dim3A_231 = arith.constant 0 : i32
      %broadcast_in_dim3A_232 = vector.broadcast %broadcast_in_dim3A_231 : i32 to vector<16xi32>
      %gather3A_233 = tpu.vector_load_idx %arg9[%add3A_220, %broadcast_in_dim3A_232] : memref<768x8xf32, #tpu.memory_space<vmem>>[vector<16xi32>, vector<16xi32>], vector<16xf32>,
      %gather3A_234 = tpu.vector_load_idx %arg10[%add3A_220, %broadcast_in_dim3A_232] : memref<768x8xf32, #tpu.memory_space<vmem>>[vector<16xi32>, vector<16xi32>], vector<16xf32>,
      %add3A_235 = arith.addf %gather3A_233, %gather3A_234 : vector<16xf32>
      %mul3A_236 = arith.mulf %add3A_235, %get3A_224 : vector<16xf32>
      %slice3A_237 = vector.extract_strided_slice %get3A_10 {offsets = [0], sizes = [1], strides = [1]} : vector<16xf32> to vector<1xf32>
      %squeeze3A_238 = vector.extract %slice3A_237[0] : f32 from vector<1xf32>
      %add3A_239 = vector.broadcast %squeeze3A_238 : f32 to vector<16xf32>
      %add3A_240 = arith.addf %mul3A_236, %add3A_239 : vector<16xf32>
      %max3A_241 = arith.constant 0.000000e+00 : f32
      %max3A_242 = vector.broadcast %max3A_241 : f32 to vector<16xf32>
      %max3A_243 = arith.maximumf %add3A_240, %max3A_242 : vector<16xf32>
      %slice3A_244 = vector.extract_strided_slice %get3A_12 {offsets = [0], sizes = [1], strides = [1]} : vector<16xf32> to vector<1xf32>
      %squeeze3A_245 = vector.extract %slice3A_244[0] : f32 from vector<1xf32>
      %mul3A_246 = vector.broadcast %squeeze3A_245 : f32 to vector<16xf32>
      %mul3A_247 = arith.mulf %max3A_243, %mul3A_246 : vector<16xf32>
      %add3A_248 = arith.addf %broadcast_in_dim3A_230, %mul3A_247 : vector<16xf32>
      %broadcast_in_dim3A_249 = arith.constant 1 : i32
      %broadcast_in_dim3A_250 = vector.broadcast %broadcast_in_dim3A_249 : i32 to vector<16xi32>
      %gather3A_251 = tpu.vector_load_idx %arg9[%add3A_220, %broadcast_in_dim3A_250] : memref<768x8xf32, #tpu.memory_space<vmem>>[vector<16xi32>, vector<16xi32>], vector<16xf32>,
      %gather3A_252 = tpu.vector_load_idx %arg10[%add3A_220, %broadcast_in_dim3A_250] : memref<768x8xf32, #tpu.memory_space<vmem>>[vector<16xi32>, vector<16xi32>], vector<16xf32>,
      %add3A_253 = arith.addf %gather3A_251, %gather3A_252 : vector<16xf32>
      %mul3A_254 = arith.mulf %add3A_253, %get3A_224 : vector<16xf32>
      %slice3A_255 = vector.extract_strided_slice %get3A_10 {offsets = [1], sizes = [1], strides = [1]} : vector<16xf32> to vector<1xf32>
      %squeeze3A_256 = vector.extract %slice3A_255[0] : f32 from vector<1xf32>
      %add3A_257 = vector.broadcast %squeeze3A_256 : f32 to vector<16xf32>
      %add3A_258 = arith.addf %mul3A_254, %add3A_257 : vector<16xf32>
      %max3A_259 = arith.constant 0.000000e+00 : f32
      %max3A_260 = vector.broadcast %max3A_259 : f32 to vector<16xf32>
      %max3A_261 = arith.maximumf %add3A_258, %max3A_260 : vector<16xf32>
      %slice3A_262 = vector.extract_strided_slice %get3A_12 {offsets = [1], sizes = [1], strides = [1]} : vector<16xf32> to vector<1xf32>
      %squeeze3A_263 = vector.extract %slice3A_262[0] : f32 from vector<1xf32>
      %mul3A_264 = vector.broadcast %squeeze3A_263 : f32 to vector<16xf32>
      %mul3A_265 = arith.mulf %max3A_261, %mul3A_264 : vector<16xf32>
      %add3A_266 = arith.addf %add3A_248, %mul3A_265 : vector<16xf32>
      %broadcast_in_dim3A_267 = arith.constant 2 : i32
      %broadcast_in_dim3A_268 = vector.broadcast %broadcast_in_dim3A_267 : i32 to vector<16xi32>
      %gather3A_269 = tpu.vector_load_idx %arg9[%add3A_220, %broadcast_in_dim3A_268] : memref<768x8xf32, #tpu.memory_space<vmem>>[vector<16xi32>, vector<16xi32>], vector<16xf32>,
      %gather3A_270 = tpu.vector_load_idx %arg10[%add3A_220, %broadcast_in_dim3A_268] : memref<768x8xf32, #tpu.memory_space<vmem>>[vector<16xi32>, vector<16xi32>], vector<16xf32>,
      %add3A_271 = arith.addf %gather3A_269, %gather3A_270 : vector<16xf32>
      %mul3A_272 = arith.mulf %add3A_271, %get3A_224 : vector<16xf32>
      %slice3A_273 = vector.extract_strided_slice %get3A_10 {offsets = [2], sizes = [1], strides = [1]} : vector<16xf32> to vector<1xf32>
      %squeeze3A_274 = vector.extract %slice3A_273[0] : f32 from vector<1xf32>
      %add3A_275 = vector.broadcast %squeeze3A_274 : f32 to vector<16xf32>
      %add3A_276 = arith.addf %mul3A_272, %add3A_275 : vector<16xf32>
      %max3A_277 = arith.constant 0.000000e+00 : f32
      %max3A_278 = vector.broadcast %max3A_277 : f32 to vector<16xf32>
      %max3A_279 = arith.maximumf %add3A_276, %max3A_278 : vector<16xf32>
      %slice3A_280 = vector.extract_strided_slice %get3A_12 {offsets = [2], sizes = [1], strides = [1]} : vector<16xf32> to vector<1xf32>
      %squeeze3A_281 = vector.extract %slice3A_280[0] : f32 from vector<1xf32>
      %mul3A_282 = vector.broadcast %squeeze3A_281 : f32 to vector<16xf32>
      %mul3A_283 = arith.mulf %max3A_279, %mul3A_282 : vector<16xf32>
      %add3A_284 = arith.addf %add3A_266, %mul3A_283 : vector<16xf32>
      %broadcast_in_dim3A_285 = arith.constant 3 : i32
      %broadcast_in_dim3A_286 = vector.broadcast %broadcast_in_dim3A_285 : i32 to vector<16xi32>
      %gather3A_287 = tpu.vector_load_idx %arg9[%add3A_220, %broadcast_in_dim3A_286] : memref<768x8xf32, #tpu.memory_space<vmem>>[vector<16xi32>, vector<16xi32>], vector<16xf32>,
      %gather3A_288 = tpu.vector_load_idx %arg10[%add3A_220, %broadcast_in_dim3A_286] : memref<768x8xf32, #tpu.memory_space<vmem>>[vector<16xi32>, vector<16xi32>], vector<16xf32>,
      %add3A_289 = arith.addf %gather3A_287, %gather3A_288 : vector<16xf32>
      %mul3A_290 = arith.mulf %add3A_289, %get3A_224 : vector<16xf32>
      %slice3A_291 = vector.extract_strided_slice %get3A_10 {offsets = [3], sizes = [1], strides = [1]} : vector<16xf32> to vector<1xf32>
      %squeeze3A_292 = vector.extract %slice3A_291[0] : f32 from vector<1xf32>
      %add3A_293 = vector.broadcast %squeeze3A_292 : f32 to vector<16xf32>
      %add3A_294 = arith.addf %mul3A_290, %add3A_293 : vector<16xf32>
      %max3A_295 = arith.constant 0.000000e+00 : f32
      %max3A_296 = vector.broadcast %max3A_295 : f32 to vector<16xf32>
      %max3A_297 = arith.maximumf %add3A_294, %max3A_296 : vector<16xf32>
      %slice3A_298 = vector.extract_strided_slice %get3A_12 {offsets = [3], sizes = [1], strides = [1]} : vector<16xf32> to vector<1xf32>
      %squeeze3A_299 = vector.extract %slice3A_298[0] : f32 from vector<1xf32>
      %mul3A_300 = vector.broadcast %squeeze3A_299 : f32 to vector<16xf32>
      %mul3A_301 = arith.mulf %max3A_297, %mul3A_300 : vector<16xf32>
      %add3A_302 = arith.addf %add3A_284, %mul3A_301 : vector<16xf32>
      %broadcast_in_dim3A_303 = arith.constant 4 : i32
      %broadcast_in_dim3A_304 = vector.broadcast %broadcast_in_dim3A_303 : i32 to vector<16xi32>
      %gather3A_305 = tpu.vector_load_idx %arg9[%add3A_220, %broadcast_in_dim3A_304] : memref<768x8xf32, #tpu.memory_space<vmem>>[vector<16xi32>, vector<16xi32>], vector<16xf32>,
      %gather3A_306 = tpu.vector_load_idx %arg10[%add3A_220, %broadcast_in_dim3A_304] : memref<768x8xf32, #tpu.memory_space<vmem>>[vector<16xi32>, vector<16xi32>], vector<16xf32>,
      %add3A_307 = arith.addf %gather3A_305, %gather3A_306 : vector<16xf32>
      %mul3A_308 = arith.mulf %add3A_307, %get3A_224 : vector<16xf32>
      %slice3A_309 = vector.extract_strided_slice %get3A_10 {offsets = [4], sizes = [1], strides = [1]} : vector<16xf32> to vector<1xf32>
      %squeeze3A_310 = vector.extract %slice3A_309[0] : f32 from vector<1xf32>
      %add3A_311 = vector.broadcast %squeeze3A_310 : f32 to vector<16xf32>
      %add3A_312 = arith.addf %mul3A_308, %add3A_311 : vector<16xf32>
      %max3A_313 = arith.constant 0.000000e+00 : f32
      %max3A_314 = vector.broadcast %max3A_313 : f32 to vector<16xf32>
      %max3A_315 = arith.maximumf %add3A_312, %max3A_314 : vector<16xf32>
      %slice3A_316 = vector.extract_strided_slice %get3A_12 {offsets = [4], sizes = [1], strides = [1]} : vector<16xf32> to vector<1xf32>
      %squeeze3A_317 = vector.extract %slice3A_316[0] : f32 from vector<1xf32>
      %mul3A_318 = vector.broadcast %squeeze3A_317 : f32 to vector<16xf32>
      %mul3A_319 = arith.mulf %max3A_315, %mul3A_318 : vector<16xf32>
      %add3A_320 = arith.addf %add3A_302, %mul3A_319 : vector<16xf32>
      %broadcast_in_dim3A_321 = arith.constant 5 : i32
      %broadcast_in_dim3A_322 = vector.broadcast %broadcast_in_dim3A_321 : i32 to vector<16xi32>
      %gather3A_323 = tpu.vector_load_idx %arg9[%add3A_220, %broadcast_in_dim3A_322] : memref<768x8xf32, #tpu.memory_space<vmem>>[vector<16xi32>, vector<16xi32>], vector<16xf32>,
      %gather3A_324 = tpu.vector_load_idx %arg10[%add3A_220, %broadcast_in_dim3A_322] : memref<768x8xf32, #tpu.memory_space<vmem>>[vector<16xi32>, vector<16xi32>], vector<16xf32>,
      %add3A_325 = arith.addf %gather3A_323, %gather3A_324 : vector<16xf32>
      %mul3A_326 = arith.mulf %add3A_325, %get3A_224 : vector<16xf32>
      %slice3A_327 = vector.extract_strided_slice %get3A_10 {offsets = [5], sizes = [1], strides = [1]} : vector<16xf32> to vector<1xf32>
      %squeeze3A_328 = vector.extract %slice3A_327[0] : f32 from vector<1xf32>
      %add3A_329 = vector.broadcast %squeeze3A_328 : f32 to vector<16xf32>
      %add3A_330 = arith.addf %mul3A_326, %add3A_329 : vector<16xf32>
      %max3A_331 = arith.constant 0.000000e+00 : f32
      %max3A_332 = vector.broadcast %max3A_331 : f32 to vector<16xf32>
      %max3A_333 = arith.maximumf %add3A_330, %max3A_332 : vector<16xf32>
      %slice3A_334 = vector.extract_strided_slice %get3A_12 {offsets = [5], sizes = [1], strides = [1]} : vector<16xf32> to vector<1xf32>
      %squeeze3A_335 = vector.extract %slice3A_334[0] : f32 from vector<1xf32>
      %mul3A_336 = vector.broadcast %squeeze3A_335 : f32 to vector<16xf32>
      %mul3A_337 = arith.mulf %max3A_333, %mul3A_336 : vector<16xf32>
      %add3A_338 = arith.addf %add3A_320, %mul3A_337 : vector<16xf32>
      %broadcast_in_dim3A_339 = arith.constant 6 : i32
      %broadcast_in_dim3A_340 = vector.broadcast %broadcast_in_dim3A_339 : i32 to vector<16xi32>
      %gather3A_341 = tpu.vector_load_idx %arg9[%add3A_220, %broadcast_in_dim3A_340] : memref<768x8xf32, #tpu.memory_space<vmem>>[vector<16xi32>, vector<16xi32>], vector<16xf32>,
      %gather3A_342 = tpu.vector_load_idx %arg10[%add3A_220, %broadcast_in_dim3A_340] : memref<768x8xf32, #tpu.memory_space<vmem>>[vector<16xi32>, vector<16xi32>], vector<16xf32>,
      %add3A_343 = arith.addf %gather3A_341, %gather3A_342 : vector<16xf32>
      %mul3A_344 = arith.mulf %add3A_343, %get3A_224 : vector<16xf32>
      %slice3A_345 = vector.extract_strided_slice %get3A_10 {offsets = [6], sizes = [1], strides = [1]} : vector<16xf32> to vector<1xf32>
      %squeeze3A_346 = vector.extract %slice3A_345[0] : f32 from vector<1xf32>
      %add3A_347 = vector.broadcast %squeeze3A_346 : f32 to vector<16xf32>
      %add3A_348 = arith.addf %mul3A_344, %add3A_347 : vector<16xf32>
      %max3A_349 = arith.constant 0.000000e+00 : f32
      %max3A_350 = vector.broadcast %max3A_349 : f32 to vector<16xf32>
      %max3A_351 = arith.maximumf %add3A_348, %max3A_350 : vector<16xf32>
      %slice3A_352 = vector.extract_strided_slice %get3A_12 {offsets = [6], sizes = [1], strides = [1]} : vector<16xf32> to vector<1xf32>
      %squeeze3A_353 = vector.extract %slice3A_352[0] : f32 from vector<1xf32>
      %mul3A_354 = vector.broadcast %squeeze3A_353 : f32 to vector<16xf32>
      %mul3A_355 = arith.mulf %max3A_351, %mul3A_354 : vector<16xf32>
      %add3A_356 = arith.addf %add3A_338, %mul3A_355 : vector<16xf32>
      %broadcast_in_dim3A_357 = arith.constant 7 : i32
      %broadcast_in_dim3A_358 = vector.broadcast %broadcast_in_dim3A_357 : i32 to vector<16xi32>
      %gather3A_359 = tpu.vector_load_idx %arg9[%add3A_220, %broadcast_in_dim3A_358] : memref<768x8xf32, #tpu.memory_space<vmem>>[vector<16xi32>, vector<16xi32>], vector<16xf32>,
      %gather3A_360 = tpu.vector_load_idx %arg10[%add3A_220, %broadcast_in_dim3A_358] : memref<768x8xf32, #tpu.memory_space<vmem>>[vector<16xi32>, vector<16xi32>], vector<16xf32>,
      %add3A_361 = arith.addf %gather3A_359, %gather3A_360 : vector<16xf32>
      %mul3A_362 = arith.mulf %add3A_361, %get3A_224 : vector<16xf32>
      %slice3A_363 = vector.extract_strided_slice %get3A_10 {offsets = [7], sizes = [1], strides = [1]} : vector<16xf32> to vector<1xf32>
      %squeeze3A_364 = vector.extract %slice3A_363[0] : f32 from vector<1xf32>
      %add3A_365 = vector.broadcast %squeeze3A_364 : f32 to vector<16xf32>
      %add3A_366 = arith.addf %mul3A_362, %add3A_365 : vector<16xf32>
      %max3A_367 = arith.constant 0.000000e+00 : f32
      %max3A_368 = vector.broadcast %max3A_367 : f32 to vector<16xf32>
      %max3A_369 = arith.maximumf %add3A_366, %max3A_368 : vector<16xf32>
      %slice3A_370 = vector.extract_strided_slice %get3A_12 {offsets = [7], sizes = [1], strides = [1]} : vector<16xf32> to vector<1xf32>
      %squeeze3A_371 = vector.extract %slice3A_370[0] : f32 from vector<1xf32>
      %mul3A_372 = vector.broadcast %squeeze3A_371 : f32 to vector<16xf32>
      %mul3A_373 = arith.mulf %max3A_369, %mul3A_372 : vector<16xf32>
      %add3A_374 = arith.addf %add3A_356, %mul3A_373 : vector<16xf32>
      %mul3A_375 = arith.mulf %add3A_374, %get3A_228 : vector<16xf32>
      %mul3A_376 = arith.constant 16 : i32
      %mul3A_377 = arith.muli %scan3A_216, %mul3A_376 : i32
      %swap3A_378 = arith.index_cast %mul3A_377 : i32 to index
      %swap3A_379 = tpu.vector_load %arg15[%swap3A_378] {strides = array<i32>} : memref<768xf32, #tpu.memory_space<vmem>>, vector<16xf32>,
      tpu.vector_store %arg15[%swap3A_378], %mul3A_375 {strides = array<i32>} : memref<768xf32, #tpu.memory_space<vmem>>, vector<16xf32>,
      %scan3A_380 = arith.constant 0 : i32
      scf.yield %scan3A_380 : i32
    }
    %scan3A_18 = arith.constant 48 : i32
    "tpu.region"() ({
      %run_scoped3A_53 = tpu.sem_alloc : memref<!tpu.dma_semaphore, #tpu.memory_space<semaphore_mem>>
      %dma_start3A = tpu.memref_slice %arg21[%mul3A_2] : memref<12288xf32, #tpu.memory_space<vmem_shared>> -> memref<768xf32, #tpu.memory_space<vmem_shared>>
      %dma_start3A_54 = tpu.memref_slice %arg21[%mul3A_2] : memref<12288xf32, #tpu.memory_space<vmem_shared>> -> memref<768xf32, #tpu.memory_space<vmem_shared>>
      tpu.enqueue_dma source(%arg15 : memref<768xf32, #tpu.memory_space<vmem>>) target(%dma_start3A_54 : memref<768xf32, #tpu.memory_space<vmem_shared>>) target_semaphore(%run_scoped3A_53 : memref<!tpu.dma_semaphore, #tpu.memory_space<semaphore_mem>>)
      %dma_wait3A = tpu.memref_slice %arg21[%mul3A_2] : memref<12288xf32, #tpu.memory_space<vmem_shared>> -> memref<768xf32, #tpu.memory_space<vmem_shared>>
      %dma_wait3A_55 = tpu.memref_slice %arg21[%mul3A_2] : memref<12288xf32, #tpu.memory_space<vmem_shared>> -> memref<768xf32, #tpu.memory_space<vmem_shared>>
      tpu.wait_dma2 semaphore(%run_scoped3A_53 : memref<!tpu.dma_semaphore, #tpu.memory_space<semaphore_mem>>) src(%arg15 : memref<768xf32, #tpu.memory_space<vmem>>) dst(%dma_wait3A_55 : memref<768xf32, #tpu.memory_space<vmem_shared>>)
      tpu.yield
    }) : () -> ()
    %broadcast_in_dim3A = arith.constant 0.000000e+00 : f32
    %broadcast_in_dim3A_19 = vector.broadcast %broadcast_in_dim3A : f32 to vector<16xf32>
    %scan3A_20 = arith.constant 0 : i32
    %scan3A_21 = arith.constant 0 : i32
    %scan3A_22 = arith.constant 768 : i32
    %scan3A_23 = arith.addi %scan3A_21, %scan3A_22 : i32
    %scan3A_24 = arith.constant 8 : i32
    %scan3A_25 = scf.for %scan3A_53 = %scan3A_21 to %scan3A_23 step %scan3A_24 iter_args(%scan3A_54 = %scan3A_20) -> (i32)  : i32 {
      %mul3A_55 = arith.constant 16 : i32
      %mul3A_56 = arith.muli %scan3A_53, %mul3A_55 : i32
      %swap3A = arith.index_cast %mul3A_56 : i32 to index
      %swap3A_57 = tpu.vector_load %arg17[%swap3A] {strides = array<i32>} : memref<12288xf32, #tpu.memory_space<vmem>>, vector<16xf32>,
      tpu.vector_store %arg17[%swap3A], %broadcast_in_dim3A_19 {strides = array<i32>} : memref<12288xf32, #tpu.memory_space<vmem>>, vector<16xf32>,
      %scan3A_58 = arith.constant 0 : i32
      %scan3A_59 = arith.constant 1 : i32
      %scan3A_60 = arith.addi %scan3A_53, %scan3A_59 : i32
      %mul3A_61 = arith.constant 16 : i32
      %mul3A_62 = arith.muli %scan3A_60, %mul3A_61 : i32
      %swap3A_63 = arith.index_cast %mul3A_62 : i32 to index
      %swap3A_64 = tpu.vector_load %arg17[%swap3A_63] {strides = array<i32>} : memref<12288xf32, #tpu.memory_space<vmem>>, vector<16xf32>,
      tpu.vector_store %arg17[%swap3A_63], %broadcast_in_dim3A_19 {strides = array<i32>} : memref<12288xf32, #tpu.memory_space<vmem>>, vector<16xf32>,
      %scan3A_65 = arith.constant 0 : i32
      %scan3A_66 = arith.constant 2 : i32
      %scan3A_67 = arith.addi %scan3A_53, %scan3A_66 : i32
      %mul3A_68 = arith.constant 16 : i32
      %mul3A_69 = arith.muli %scan3A_67, %mul3A_68 : i32
      %swap3A_70 = arith.index_cast %mul3A_69 : i32 to index
      %swap3A_71 = tpu.vector_load %arg17[%swap3A_70] {strides = array<i32>} : memref<12288xf32, #tpu.memory_space<vmem>>, vector<16xf32>,
      tpu.vector_store %arg17[%swap3A_70], %broadcast_in_dim3A_19 {strides = array<i32>} : memref<12288xf32, #tpu.memory_space<vmem>>, vector<16xf32>,
      %scan3A_72 = arith.constant 0 : i32
      %scan3A_73 = arith.constant 3 : i32
      %scan3A_74 = arith.addi %scan3A_53, %scan3A_73 : i32
      %mul3A_75 = arith.constant 16 : i32
      %mul3A_76 = arith.muli %scan3A_74, %mul3A_75 : i32
      %swap3A_77 = arith.index_cast %mul3A_76 : i32 to index
      %swap3A_78 = tpu.vector_load %arg17[%swap3A_77] {strides = array<i32>} : memref<12288xf32, #tpu.memory_space<vmem>>, vector<16xf32>,
      tpu.vector_store %arg17[%swap3A_77], %broadcast_in_dim3A_19 {strides = array<i32>} : memref<12288xf32, #tpu.memory_space<vmem>>, vector<16xf32>,
      %scan3A_79 = arith.constant 0 : i32
      %scan3A_80 = arith.constant 4 : i32
      %scan3A_81 = arith.addi %scan3A_53, %scan3A_80 : i32
      %mul3A_82 = arith.constant 16 : i32
      %mul3A_83 = arith.muli %scan3A_81, %mul3A_82 : i32
      %swap3A_84 = arith.index_cast %mul3A_83 : i32 to index
      %swap3A_85 = tpu.vector_load %arg17[%swap3A_84] {strides = array<i32>} : memref<12288xf32, #tpu.memory_space<vmem>>, vector<16xf32>,
      tpu.vector_store %arg17[%swap3A_84], %broadcast_in_dim3A_19 {strides = array<i32>} : memref<12288xf32, #tpu.memory_space<vmem>>, vector<16xf32>,
      %scan3A_86 = arith.constant 0 : i32
      %scan3A_87 = arith.constant 5 : i32
      %scan3A_88 = arith.addi %scan3A_53, %scan3A_87 : i32
      %mul3A_89 = arith.constant 16 : i32
      %mul3A_90 = arith.muli %scan3A_88, %mul3A_89 : i32
      %swap3A_91 = arith.index_cast %mul3A_90 : i32 to index
      %swap3A_92 = tpu.vector_load %arg17[%swap3A_91] {strides = array<i32>} : memref<12288xf32, #tpu.memory_space<vmem>>, vector<16xf32>,
      tpu.vector_store %arg17[%swap3A_91], %broadcast_in_dim3A_19 {strides = array<i32>} : memref<12288xf32, #tpu.memory_space<vmem>>, vector<16xf32>,
      %scan3A_93 = arith.constant 0 : i32
      %scan3A_94 = arith.constant 6 : i32
      %scan3A_95 = arith.addi %scan3A_53, %scan3A_94 : i32
      %mul3A_96 = arith.constant 16 : i32
      %mul3A_97 = arith.muli %scan3A_95, %mul3A_96 : i32
      %swap3A_98 = arith.index_cast %mul3A_97 : i32 to index
      %swap3A_99 = tpu.vector_load %arg17[%swap3A_98] {strides = array<i32>} : memref<12288xf32, #tpu.memory_space<vmem>>, vector<16xf32>,
      tpu.vector_store %arg17[%swap3A_98], %broadcast_in_dim3A_19 {strides = array<i32>} : memref<12288xf32, #tpu.memory_space<vmem>>, vector<16xf32>,
      %scan3A_100 = arith.constant 0 : i32
      %scan3A_101 = arith.constant 7 : i32
      %scan3A_102 = arith.addi %scan3A_53, %scan3A_101 : i32
      %mul3A_103 = arith.constant 16 : i32
      %mul3A_104 = arith.muli %scan3A_102, %mul3A_103 : i32
      %swap3A_105 = arith.index_cast %mul3A_104 : i32 to index
      %swap3A_106 = tpu.vector_load %arg17[%swap3A_105] {strides = array<i32>} : memref<12288xf32, #tpu.memory_space<vmem>>, vector<16xf32>,
      tpu.vector_store %arg17[%swap3A_105], %broadcast_in_dim3A_19 {strides = array<i32>} : memref<12288xf32, #tpu.memory_space<vmem>>, vector<16xf32>,
      %scan3A_107 = arith.constant 0 : i32
      scf.yield %scan3A_107 : i32
    }
    %scan3A_26 = arith.constant 768 : i32
    %barrier3A = arith.constant 0 : index
    tpu.barrier barrier_id(%barrier3A)
    "tpu.region"() ({
      %run_scoped3A_53 = tpu.sem_alloc : memref<!tpu.dma_semaphore, #tpu.memory_space<semaphore_mem>>
      tpu.enqueue_dma source(%arg21 : memref<12288xf32, #tpu.memory_space<vmem_shared>>) target(%arg16 : memref<12288xf32, #tpu.memory_space<vmem>>) target_semaphore(%run_scoped3A_53 : memref<!tpu.dma_semaphore, #tpu.memory_space<semaphore_mem>>)
      tpu.wait_dma2 semaphore(%run_scoped3A_53 : memref<!tpu.dma_semaphore, #tpu.memory_space<semaphore_mem>>) src(%arg21 : memref<12288xf32, #tpu.memory_space<vmem_shared>>) dst(%arg16 : memref<12288xf32, #tpu.memory_space<vmem>>)
      tpu.yield
    }) : () -> ()
    %scan3A_27 = arith.constant 0 : i32
    %scan3A_28 = arith.constant 0 : i32
    %scan3A_29 = arith.constant 624 : i32
    %scan3A_30 = arith.addi %scan3A_28, %scan3A_29 : i32
    %scan3A_31 = arith.constant 8 : i32
    %scan3A_32 = scf.for %scan3A_53 = %scan3A_28 to %scan3A_30 step %scan3A_31 iter_args(%scan3A_54 = %scan3A_27) -> (i32)  : i32 {
      %mul3A_55 = arith.constant 16 : i32
      %mul3A_56 = arith.muli %scan3A_53, %mul3A_55 : i32
      %get3A_57 = arith.index_cast %mul3A_56 : i32 to index
      %get3A_58 = tpu.vector_load %arg18[%get3A_57] {strides = array<i32>} : memref<10000xi32, #tpu.memory_space<vmem>>, vector<16xi32>,
      %gather3A_59 = tpu.vector_load_idx %arg16[%get3A_58] : memref<12288xf32, #tpu.memory_space<vmem>>[vector<16xi32>], vector<16xf32>,
      %mul3A_60 = arith.constant 16 : i32
      %mul3A_61 = arith.muli %scan3A_53, %mul3A_60 : i32
      %get3A_62 = arith.index_cast %mul3A_61 : i32 to index
      %get3A_63 = tpu.vector_load %arg19[%get3A_62] {strides = array<i32>} : memref<10000xi32, #tpu.memory_space<vmem>>, vector<16xi32>,
      tpu.vector_store_idx %arg17[%get3A_63], %gather3A_59 {add = true} : memref<12288xf32, #tpu.memory_space<vmem>>[vector<16xi32>], vector<16xf32>,
      %scan3A_64 = arith.constant 0 : i32
      %scan3A_65 = arith.constant 1 : i32
      %scan3A_66 = arith.addi %scan3A_53, %scan3A_65 : i32
      %mul3A_67 = arith.constant 16 : i32
      %mul3A_68 = arith.muli %scan3A_66, %mul3A_67 : i32
      %get3A_69 = arith.index_cast %mul3A_68 : i32 to index
      %get3A_70 = tpu.vector_load %arg18[%get3A_69] {strides = array<i32>} : memref<10000xi32, #tpu.memory_space<vmem>>, vector<16xi32>,
      %gather3A_71 = tpu.vector_load_idx %arg16[%get3A_70] : memref<12288xf32, #tpu.memory_space<vmem>>[vector<16xi32>], vector<16xf32>,
      %mul3A_72 = arith.constant 16 : i32
      %mul3A_73 = arith.muli %scan3A_66, %mul3A_72 : i32
      %get3A_74 = arith.index_cast %mul3A_73 : i32 to index
      %get3A_75 = tpu.vector_load %arg19[%get3A_74] {strides = array<i32>} : memref<10000xi32, #tpu.memory_space<vmem>>, vector<16xi32>,
      tpu.vector_store_idx %arg17[%get3A_75], %gather3A_71 {add = true} : memref<12288xf32, #tpu.memory_space<vmem>>[vector<16xi32>], vector<16xf32>,
      %scan3A_76 = arith.constant 0 : i32
      %scan3A_77 = arith.constant 2 : i32
      %scan3A_78 = arith.addi %scan3A_53, %scan3A_77 : i32
      %mul3A_79 = arith.constant 16 : i32
      %mul3A_80 = arith.muli %scan3A_78, %mul3A_79 : i32
      %get3A_81 = arith.index_cast %mul3A_80 : i32 to index
      %get3A_82 = tpu.vector_load %arg18[%get3A_81] {strides = array<i32>} : memref<10000xi32, #tpu.memory_space<vmem>>, vector<16xi32>,
      %gather3A_83 = tpu.vector_load_idx %arg16[%get3A_82] : memref<12288xf32, #tpu.memory_space<vmem>>[vector<16xi32>], vector<16xf32>,
      %mul3A_84 = arith.constant 16 : i32
      %mul3A_85 = arith.muli %scan3A_78, %mul3A_84 : i32
      %get3A_86 = arith.index_cast %mul3A_85 : i32 to index
      %get3A_87 = tpu.vector_load %arg19[%get3A_86] {strides = array<i32>} : memref<10000xi32, #tpu.memory_space<vmem>>, vector<16xi32>,
      tpu.vector_store_idx %arg17[%get3A_87], %gather3A_83 {add = true} : memref<12288xf32, #tpu.memory_space<vmem>>[vector<16xi32>], vector<16xf32>,
      %scan3A_88 = arith.constant 0 : i32
      %scan3A_89 = arith.constant 3 : i32
      %scan3A_90 = arith.addi %scan3A_53, %scan3A_89 : i32
      %mul3A_91 = arith.constant 16 : i32
      %mul3A_92 = arith.muli %scan3A_90, %mul3A_91 : i32
      %get3A_93 = arith.index_cast %mul3A_92 : i32 to index
      %get3A_94 = tpu.vector_load %arg18[%get3A_93] {strides = array<i32>} : memref<10000xi32, #tpu.memory_space<vmem>>, vector<16xi32>,
      %gather3A_95 = tpu.vector_load_idx %arg16[%get3A_94] : memref<12288xf32, #tpu.memory_space<vmem>>[vector<16xi32>], vector<16xf32>,
      %mul3A_96 = arith.constant 16 : i32
      %mul3A_97 = arith.muli %scan3A_90, %mul3A_96 : i32
      %get3A_98 = arith.index_cast %mul3A_97 : i32 to index
      %get3A_99 = tpu.vector_load %arg19[%get3A_98] {strides = array<i32>} : memref<10000xi32, #tpu.memory_space<vmem>>, vector<16xi32>,
      tpu.vector_store_idx %arg17[%get3A_99], %gather3A_95 {add = true} : memref<12288xf32, #tpu.memory_space<vmem>>[vector<16xi32>], vector<16xf32>,
      %scan3A_100 = arith.constant 0 : i32
      %scan3A_101 = arith.constant 4 : i32
      %scan3A_102 = arith.addi %scan3A_53, %scan3A_101 : i32
      %mul3A_103 = arith.constant 16 : i32
      %mul3A_104 = arith.muli %scan3A_102, %mul3A_103 : i32
      %get3A_105 = arith.index_cast %mul3A_104 : i32 to index
      %get3A_106 = tpu.vector_load %arg18[%get3A_105] {strides = array<i32>} : memref<10000xi32, #tpu.memory_space<vmem>>, vector<16xi32>,
      %gather3A_107 = tpu.vector_load_idx %arg16[%get3A_106] : memref<12288xf32, #tpu.memory_space<vmem>>[vector<16xi32>], vector<16xf32>,
      %mul3A_108 = arith.constant 16 : i32
      %mul3A_109 = arith.muli %scan3A_102, %mul3A_108 : i32
      %get3A_110 = arith.index_cast %mul3A_109 : i32 to index
      %get3A_111 = tpu.vector_load %arg19[%get3A_110] {strides = array<i32>} : memref<10000xi32, #tpu.memory_space<vmem>>, vector<16xi32>,
      tpu.vector_store_idx %arg17[%get3A_111], %gather3A_107 {add = true} : memref<12288xf32, #tpu.memory_space<vmem>>[vector<16xi32>], vector<16xf32>,
      %scan3A_112 = arith.constant 0 : i32
      %scan3A_113 = arith.constant 5 : i32
      %scan3A_114 = arith.addi %scan3A_53, %scan3A_113 : i32
      %mul3A_115 = arith.constant 16 : i32
      %mul3A_116 = arith.muli %scan3A_114, %mul3A_115 : i32
      %get3A_117 = arith.index_cast %mul3A_116 : i32 to index
      %get3A_118 = tpu.vector_load %arg18[%get3A_117] {strides = array<i32>} : memref<10000xi32, #tpu.memory_space<vmem>>, vector<16xi32>,
      %gather3A_119 = tpu.vector_load_idx %arg16[%get3A_118] : memref<12288xf32, #tpu.memory_space<vmem>>[vector<16xi32>], vector<16xf32>,
      %mul3A_120 = arith.constant 16 : i32
      %mul3A_121 = arith.muli %scan3A_114, %mul3A_120 : i32
      %get3A_122 = arith.index_cast %mul3A_121 : i32 to index
      %get3A_123 = tpu.vector_load %arg19[%get3A_122] {strides = array<i32>} : memref<10000xi32, #tpu.memory_space<vmem>>, vector<16xi32>,
      tpu.vector_store_idx %arg17[%get3A_123], %gather3A_119 {add = true} : memref<12288xf32, #tpu.memory_space<vmem>>[vector<16xi32>], vector<16xf32>,
      %scan3A_124 = arith.constant 0 : i32
      %scan3A_125 = arith.constant 6 : i32
      %scan3A_126 = arith.addi %scan3A_53, %scan3A_125 : i32
      %mul3A_127 = arith.constant 16 : i32
      %mul3A_128 = arith.muli %scan3A_126, %mul3A_127 : i32
      %get3A_129 = arith.index_cast %mul3A_128 : i32 to index
      %get3A_130 = tpu.vector_load %arg18[%get3A_129] {strides = array<i32>} : memref<10000xi32, #tpu.memory_space<vmem>>, vector<16xi32>,
      %gather3A_131 = tpu.vector_load_idx %arg16[%get3A_130] : memref<12288xf32, #tpu.memory_space<vmem>>[vector<16xi32>], vector<16xf32>,
      %mul3A_132 = arith.constant 16 : i32
      %mul3A_133 = arith.muli %scan3A_126, %mul3A_132 : i32
      %get3A_134 = arith.index_cast %mul3A_133 : i32 to index
      %get3A_135 = tpu.vector_load %arg19[%get3A_134] {strides = array<i32>} : memref<10000xi32, #tpu.memory_space<vmem>>, vector<16xi32>,
      tpu.vector_store_idx %arg17[%get3A_135], %gather3A_131 {add = true} : memref<12288xf32, #tpu.memory_space<vmem>>[vector<16xi32>], vector<16xf32>,
      %scan3A_136 = arith.constant 0 : i32
      %scan3A_137 = arith.constant 7 : i32
      %scan3A_138 = arith.addi %scan3A_53, %scan3A_137 : i32
      %mul3A_139 = arith.constant 16 : i32
      %mul3A_140 = arith.muli %scan3A_138, %mul3A_139 : i32
      %get3A_141 = arith.index_cast %mul3A_140 : i32 to index
      %get3A_142 = tpu.vector_load %arg18[%get3A_141] {strides = array<i32>} : memref<10000xi32, #tpu.memory_space<vmem>>, vector<16xi32>,
      %gather3A_143 = tpu.vector_load_idx %arg16[%get3A_142] : memref<12288xf32, #tpu.memory_space<vmem>>[vector<16xi32>], vector<16xf32>,
      %mul3A_144 = arith.constant 16 : i32
      %mul3A_145 = arith.muli %scan3A_138, %mul3A_144 : i32
      %get3A_146 = arith.index_cast %mul3A_145 : i32 to index
      %get3A_147 = tpu.vector_load %arg19[%get3A_146] {strides = array<i32>} : memref<10000xi32, #tpu.memory_space<vmem>>, vector<16xi32>,
      tpu.vector_store_idx %arg17[%get3A_147], %gather3A_143 {add = true} : memref<12288xf32, #tpu.memory_space<vmem>>[vector<16xi32>], vector<16xf32>,
      %scan3A_148 = arith.constant 0 : i32
      scf.yield %scan3A_148 : i32
    }
    %scan3A_33 = arith.constant 624 : i32
    %scan3A_34 = arith.addi %scan3A_28, %scan3A_33 : i32
    %mul3A_35 = arith.constant 16 : i32
    %mul3A_36 = arith.muli %scan3A_34, %mul3A_35 : i32
    %get3A_37 = arith.index_cast %mul3A_36 : i32 to index
    %get3A_38 = tpu.vector_load %arg18[%get3A_37] {strides = array<i32>} : memref<10000xi32, #tpu.memory_space<vmem>>, vector<16xi32>,
    %gather3A = tpu.vector_load_idx %arg16[%get3A_38] : memref<12288xf32, #tpu.memory_space<vmem>>[vector<16xi32>], vector<16xf32>,
    %mul3A_39 = arith.constant 16 : i32
    %mul3A_40 = arith.muli %scan3A_34, %mul3A_39 : i32
    %get3A_41 = arith.index_cast %mul3A_40 : i32 to index
    %get3A_42 = tpu.vector_load %arg19[%get3A_41] {strides = array<i32>} : memref<10000xi32, #tpu.memory_space<vmem>>, vector<16xi32>,
    tpu.vector_store_idx %arg17[%get3A_42], %gather3A {add = true} : memref<12288xf32, #tpu.memory_space<vmem>>[vector<16xi32>], vector<16xf32>,
    %scan3A_43 = arith.constant 0 : i32
    %scan3A_44 = arith.constant 625 : i32
    "tpu.region"() ({
      %run_scoped3A_53 = tpu.sem_alloc : memref<!tpu.dma_semaphore, #tpu.memory_space<semaphore_mem>>
      %dma_start3A = arith.constant 0 : i32
      %dma_start3A_54 = tpu.memref_slice %arg22[%arg1, %dma_start3A] : memref<16x12288xf32, #tpu.memory_space<vmem_shared>> -> memref<1x12288xf32, #tpu.memory_space<vmem_shared>>
      %dma_start3A_55 = tpu.memref_squeeze %dma_start3A_54 : memref<1x12288xf32, #tpu.memory_space<vmem_shared>> -> memref<12288xf32, #tpu.memory_space<vmem_shared>>
      %dma_start3A_56 = arith.constant 0 : i32
      %dma_start3A_57 = tpu.memref_slice %arg22[%arg1, %dma_start3A_56] : memref<16x12288xf32, #tpu.memory_space<vmem_shared>> -> memref<1x12288xf32, #tpu.memory_space<vmem_shared>>
      %dma_start3A_58 = tpu.memref_squeeze %dma_start3A_57 : memref<1x12288xf32, #tpu.memory_space<vmem_shared>> -> memref<12288xf32, #tpu.memory_space<vmem_shared>>
      tpu.enqueue_dma source(%arg17 : memref<12288xf32, #tpu.memory_space<vmem>>) target(%dma_start3A_58 : memref<12288xf32, #tpu.memory_space<vmem_shared>>) target_semaphore(%run_scoped3A_53 : memref<!tpu.dma_semaphore, #tpu.memory_space<semaphore_mem>>)
      %dma_wait3A = arith.constant 0 : i32
      %dma_wait3A_59 = tpu.memref_slice %arg22[%arg1, %dma_wait3A] : memref<16x12288xf32, #tpu.memory_space<vmem_shared>> -> memref<1x12288xf32, #tpu.memory_space<vmem_shared>>
      %dma_wait3A_60 = tpu.memref_squeeze %dma_wait3A_59 : memref<1x12288xf32, #tpu.memory_space<vmem_shared>> -> memref<12288xf32, #tpu.memory_space<vmem_shared>>
      %dma_wait3A_61 = arith.constant 0 : i32
      %dma_wait3A_62 = tpu.memref_slice %arg22[%arg1, %dma_wait3A_61] : memref<16x12288xf32, #tpu.memory_space<vmem_shared>> -> memref<1x12288xf32, #tpu.memory_space<vmem_shared>>
      %dma_wait3A_63 = tpu.memref_squeeze %dma_wait3A_62 : memref<1x12288xf32, #tpu.memory_space<vmem_shared>> -> memref<12288xf32, #tpu.memory_space<vmem_shared>>
      tpu.wait_dma2 semaphore(%run_scoped3A_53 : memref<!tpu.dma_semaphore, #tpu.memory_space<semaphore_mem>>) src(%arg17 : memref<12288xf32, #tpu.memory_space<vmem>>) dst(%dma_wait3A_63 : memref<12288xf32, #tpu.memory_space<vmem_shared>>)
      tpu.yield
    }) : () -> ()
    %barrier3A_45 = arith.constant 0 : index
    tpu.barrier barrier_id(%barrier3A_45)
    "tpu.region"() ({
      %run_scoped3A_53 = tpu.sem_alloc : memref<!tpu.dma_semaphore, #tpu.memory_space<semaphore_mem>>
      %dma_start3A = arith.constant 0 : i32
      %dma_start3A_54 = tpu.memref_slice %arg22[%dma_start3A, %mul3A_2] : memref<16x12288xf32, #tpu.memory_space<vmem_shared>> -> memref<16x768xf32, #tpu.memory_space<vmem_shared>>
      %dma_start3A_55 = arith.constant 0 : i32
      %dma_start3A_56 = tpu.memref_slice %arg22[%dma_start3A_55, %mul3A_2] : memref<16x12288xf32, #tpu.memory_space<vmem_shared>> -> memref<16x768xf32, #tpu.memory_space<vmem_shared>>
      tpu.enqueue_dma source(%dma_start3A_56 : memref<16x768xf32, #tpu.memory_space<vmem_shared>>) target(%arg20 : memref<16x768xf32, #tpu.memory_space<vmem>>) target_semaphore(%run_scoped3A_53 : memref<!tpu.dma_semaphore, #tpu.memory_space<semaphore_mem>>)
      %dma_wait3A = arith.constant 0 : i32
      %dma_wait3A_57 = tpu.memref_slice %arg22[%dma_wait3A, %mul3A_2] : memref<16x12288xf32, #tpu.memory_space<vmem_shared>> -> memref<16x768xf32, #tpu.memory_space<vmem_shared>>
      %dma_wait3A_58 = arith.constant 0 : i32
      %dma_wait3A_59 = tpu.memref_slice %arg22[%dma_wait3A_58, %mul3A_2] : memref<16x12288xf32, #tpu.memory_space<vmem_shared>> -> memref<16x768xf32, #tpu.memory_space<vmem_shared>>
      tpu.wait_dma2 semaphore(%run_scoped3A_53 : memref<!tpu.dma_semaphore, #tpu.memory_space<semaphore_mem>>) src(%dma_wait3A_59 : memref<16x768xf32, #tpu.memory_space<vmem_shared>>) dst(%arg20 : memref<16x768xf32, #tpu.memory_space<vmem>>)
      tpu.yield
    }) : () -> ()
    %scan3A_46 = arith.constant 0 : i32
    %scan3A_47 = arith.constant 0 : i32
    %scan3A_48 = arith.constant 48 : i32
    %scan3A_49 = arith.addi %scan3A_47, %scan3A_48 : i32
    %scan3A_50 = arith.constant 2 : i32
    %scan3A_51 = scf.for %scan3A_53 = %scan3A_47 to %scan3A_49 step %scan3A_50 iter_args(%scan3A_54 = %scan3A_46) -> (i32)  : i32 {
      %mul3A_55 = arith.constant 16 : i32
      %mul3A_56 = arith.muli %scan3A_53, %mul3A_55 : i32
      %get3A_57 = arith.constant 0 : i32
      %get3A_58 = arith.index_cast %get3A_57 : i32 to index
      %get3A_59 = arith.index_cast %mul3A_56 : i32 to index
      %get3A_60 = tpu.vector_load %arg20[%get3A_58, %get3A_59] {strides = array<i32>} : memref<16x768xf32, #tpu.memory_space<vmem>>, vector<16xf32>,
      %mul3A_61 = arith.constant 16 : i32
      %mul3A_62 = arith.muli %scan3A_53, %mul3A_61 : i32
      %get3A_63 = arith.constant 1 : i32
      %get3A_64 = arith.index_cast %get3A_63 : i32 to index
      %get3A_65 = arith.index_cast %mul3A_62 : i32 to index
      %get3A_66 = tpu.vector_load %arg20[%get3A_64, %get3A_65] {strides = array<i32>} : memref<16x768xf32, #tpu.memory_space<vmem>>, vector<16xf32>,
      %add3A_67 = arith.addf %get3A_60, %get3A_66 : vector<16xf32>
      %mul3A_68 = arith.constant 16 : i32
      %mul3A_69 = arith.muli %scan3A_53, %mul3A_68 : i32
      %get3A_70 = arith.constant 2 : i32
      %get3A_71 = arith.index_cast %get3A_70 : i32 to index
      %get3A_72 = arith.index_cast %mul3A_69 : i32 to index
      %get3A_73 = tpu.vector_load %arg20[%get3A_71, %get3A_72] {strides = array<i32>} : memref<16x768xf32, #tpu.memory_space<vmem>>, vector<16xf32>,
      %add3A_74 = arith.addf %add3A_67, %get3A_73 : vector<16xf32>
      %mul3A_75 = arith.constant 16 : i32
      %mul3A_76 = arith.muli %scan3A_53, %mul3A_75 : i32
      %get3A_77 = arith.constant 3 : i32
      %get3A_78 = arith.index_cast %get3A_77 : i32 to index
      %get3A_79 = arith.index_cast %mul3A_76 : i32 to index
      %get3A_80 = tpu.vector_load %arg20[%get3A_78, %get3A_79] {strides = array<i32>} : memref<16x768xf32, #tpu.memory_space<vmem>>, vector<16xf32>,
      %add3A_81 = arith.addf %add3A_74, %get3A_80 : vector<16xf32>
      %mul3A_82 = arith.constant 16 : i32
      %mul3A_83 = arith.muli %scan3A_53, %mul3A_82 : i32
      %get3A_84 = arith.constant 4 : i32
      %get3A_85 = arith.index_cast %get3A_84 : i32 to index
      %get3A_86 = arith.index_cast %mul3A_83 : i32 to index
      %get3A_87 = tpu.vector_load %arg20[%get3A_85, %get3A_86] {strides = array<i32>} : memref<16x768xf32, #tpu.memory_space<vmem>>, vector<16xf32>,
      %add3A_88 = arith.addf %add3A_81, %get3A_87 : vector<16xf32>
      %mul3A_89 = arith.constant 16 : i32
      %mul3A_90 = arith.muli %scan3A_53, %mul3A_89 : i32
      %get3A_91 = arith.constant 5 : i32
      %get3A_92 = arith.index_cast %get3A_91 : i32 to index
      %get3A_93 = arith.index_cast %mul3A_90 : i32 to index
      %get3A_94 = tpu.vector_load %arg20[%get3A_92, %get3A_93] {strides = array<i32>} : memref<16x768xf32, #tpu.memory_space<vmem>>, vector<16xf32>,
      %add3A_95 = arith.addf %add3A_88, %get3A_94 : vector<16xf32>
      %mul3A_96 = arith.constant 16 : i32
      %mul3A_97 = arith.muli %scan3A_53, %mul3A_96 : i32
      %get3A_98 = arith.constant 6 : i32
      %get3A_99 = arith.index_cast %get3A_98 : i32 to index
      %get3A_100 = arith.index_cast %mul3A_97 : i32 to index
      %get3A_101 = tpu.vector_load %arg20[%get3A_99, %get3A_100] {strides = array<i32>} : memref<16x768xf32, #tpu.memory_space<vmem>>, vector<16xf32>,
      %add3A_102 = arith.addf %add3A_95, %get3A_101 : vector<16xf32>
      %mul3A_103 = arith.constant 16 : i32
      %mul3A_104 = arith.muli %scan3A_53, %mul3A_103 : i32
      %get3A_105 = arith.constant 7 : i32
      %get3A_106 = arith.index_cast %get3A_105 : i32 to index
      %get3A_107 = arith.index_cast %mul3A_104 : i32 to index
      %get3A_108 = tpu.vector_load %arg20[%get3A_106, %get3A_107] {strides = array<i32>} : memref<16x768xf32, #tpu.memory_space<vmem>>, vector<16xf32>,
      %add3A_109 = arith.addf %add3A_102, %get3A_108 : vector<16xf32>
      %mul3A_110 = arith.constant 16 : i32
      %mul3A_111 = arith.muli %scan3A_53, %mul3A_110 : i32
      %get3A_112 = arith.constant 8 : i32
      %get3A_113 = arith.index_cast %get3A_112 : i32 to index
      %get3A_114 = arith.index_cast %mul3A_111 : i32 to index
      %get3A_115 = tpu.vector_load %arg20[%get3A_113, %get3A_114] {strides = array<i32>} : memref<16x768xf32, #tpu.memory_space<vmem>>, vector<16xf32>,
      %add3A_116 = arith.addf %add3A_109, %get3A_115 : vector<16xf32>
      %mul3A_117 = arith.constant 16 : i32
      %mul3A_118 = arith.muli %scan3A_53, %mul3A_117 : i32
      %get3A_119 = arith.constant 9 : i32
      %get3A_120 = arith.index_cast %get3A_119 : i32 to index
      %get3A_121 = arith.index_cast %mul3A_118 : i32 to index
      %get3A_122 = tpu.vector_load %arg20[%get3A_120, %get3A_121] {strides = array<i32>} : memref<16x768xf32, #tpu.memory_space<vmem>>, vector<16xf32>,
      %add3A_123 = arith.addf %add3A_116, %get3A_122 : vector<16xf32>
      %mul3A_124 = arith.constant 16 : i32
      %mul3A_125 = arith.muli %scan3A_53, %mul3A_124 : i32
      %get3A_126 = arith.constant 10 : i32
      %get3A_127 = arith.index_cast %get3A_126 : i32 to index
      %get3A_128 = arith.index_cast %mul3A_125 : i32 to index
      %get3A_129 = tpu.vector_load %arg20[%get3A_127, %get3A_128] {strides = array<i32>} : memref<16x768xf32, #tpu.memory_space<vmem>>, vector<16xf32>,
      %add3A_130 = arith.addf %add3A_123, %get3A_129 : vector<16xf32>
      %mul3A_131 = arith.constant 16 : i32
      %mul3A_132 = arith.muli %scan3A_53, %mul3A_131 : i32
      %get3A_133 = arith.constant 11 : i32
      %get3A_134 = arith.index_cast %get3A_133 : i32 to index
      %get3A_135 = arith.index_cast %mul3A_132 : i32 to index
      %get3A_136 = tpu.vector_load %arg20[%get3A_134, %get3A_135] {strides = array<i32>} : memref<16x768xf32, #tpu.memory_space<vmem>>, vector<16xf32>,
      %add3A_137 = arith.addf %add3A_130, %get3A_136 : vector<16xf32>
      %mul3A_138 = arith.constant 16 : i32
      %mul3A_139 = arith.muli %scan3A_53, %mul3A_138 : i32
      %get3A_140 = arith.constant 12 : i32
      %get3A_141 = arith.index_cast %get3A_140 : i32 to index
      %get3A_142 = arith.index_cast %mul3A_139 : i32 to index
      %get3A_143 = tpu.vector_load %arg20[%get3A_141, %get3A_142] {strides = array<i32>} : memref<16x768xf32, #tpu.memory_space<vmem>>, vector<16xf32>,
      %add3A_144 = arith.addf %add3A_137, %get3A_143 : vector<16xf32>
      %mul3A_145 = arith.constant 16 : i32
      %mul3A_146 = arith.muli %scan3A_53, %mul3A_145 : i32
      %get3A_147 = arith.constant 13 : i32
      %get3A_148 = arith.index_cast %get3A_147 : i32 to index
      %get3A_149 = arith.index_cast %mul3A_146 : i32 to index
      %get3A_150 = tpu.vector_load %arg20[%get3A_148, %get3A_149] {strides = array<i32>} : memref<16x768xf32, #tpu.memory_space<vmem>>, vector<16xf32>,
      %add3A_151 = arith.addf %add3A_144, %get3A_150 : vector<16xf32>
      %mul3A_152 = arith.constant 16 : i32
      %mul3A_153 = arith.muli %scan3A_53, %mul3A_152 : i32
      %get3A_154 = arith.constant 14 : i32
      %get3A_155 = arith.index_cast %get3A_154 : i32 to index
      %get3A_156 = arith.index_cast %mul3A_153 : i32 to index
      %get3A_157 = tpu.vector_load %arg20[%get3A_155, %get3A_156] {strides = array<i32>} : memref<16x768xf32, #tpu.memory_space<vmem>>, vector<16xf32>,
      %add3A_158 = arith.addf %add3A_151, %get3A_157 : vector<16xf32>
      %mul3A_159 = arith.constant 16 : i32
      %mul3A_160 = arith.muli %scan3A_53, %mul3A_159 : i32
      %get3A_161 = arith.constant 15 : i32
      %get3A_162 = arith.index_cast %get3A_161 : i32 to index
      %get3A_163 = arith.index_cast %mul3A_160 : i32 to index
      %get3A_164 = tpu.vector_load %arg20[%get3A_162, %get3A_163] {strides = array<i32>} : memref<16x768xf32, #tpu.memory_space<vmem>>, vector<16xf32>,
      %add3A_165 = arith.addf %add3A_158, %get3A_164 : vector<16xf32>
      %mul3A_166 = arith.constant 16 : i32
      %mul3A_167 = arith.muli %scan3A_53, %mul3A_166 : i32
      %swap3A = arith.index_cast %mul3A_167 : i32 to index
      %swap3A_168 = tpu.vector_load %arg17[%swap3A] {strides = array<i32>} : memref<12288xf32, #tpu.memory_space<vmem>>, vector<16xf32>,
      tpu.vector_store %arg17[%swap3A], %add3A_165 {strides = array<i32>} : memref<12288xf32, #tpu.memory_space<vmem>>, vector<16xf32>,
      %scan3A_169 = arith.constant 0 : i32
      %scan3A_170 = arith.constant 1 : i32
      %scan3A_171 = arith.addi %scan3A_53, %scan3A_170 : i32
      %mul3A_172 = arith.constant 16 : i32
      %mul3A_173 = arith.muli %scan3A_171, %mul3A_172 : i32
      %get3A_174 = arith.constant 0 : i32
      %get3A_175 = arith.index_cast %get3A_174 : i32 to index
      %get3A_176 = arith.index_cast %mul3A_173 : i32 to index
      %get3A_177 = tpu.vector_load %arg20[%get3A_175, %get3A_176] {strides = array<i32>} : memref<16x768xf32, #tpu.memory_space<vmem>>, vector<16xf32>,
      %mul3A_178 = arith.constant 16 : i32
      %mul3A_179 = arith.muli %scan3A_171, %mul3A_178 : i32
      %get3A_180 = arith.constant 1 : i32
      %get3A_181 = arith.index_cast %get3A_180 : i32 to index
      %get3A_182 = arith.index_cast %mul3A_179 : i32 to index
      %get3A_183 = tpu.vector_load %arg20[%get3A_181, %get3A_182] {strides = array<i32>} : memref<16x768xf32, #tpu.memory_space<vmem>>, vector<16xf32>,
      %add3A_184 = arith.addf %get3A_177, %get3A_183 : vector<16xf32>
      %mul3A_185 = arith.constant 16 : i32
      %mul3A_186 = arith.muli %scan3A_171, %mul3A_185 : i32
      %get3A_187 = arith.constant 2 : i32
      %get3A_188 = arith.index_cast %get3A_187 : i32 to index
      %get3A_189 = arith.index_cast %mul3A_186 : i32 to index
      %get3A_190 = tpu.vector_load %arg20[%get3A_188, %get3A_189] {strides = array<i32>} : memref<16x768xf32, #tpu.memory_space<vmem>>, vector<16xf32>,
      %add3A_191 = arith.addf %add3A_184, %get3A_190 : vector<16xf32>
      %mul3A_192 = arith.constant 16 : i32
      %mul3A_193 = arith.muli %scan3A_171, %mul3A_192 : i32
      %get3A_194 = arith.constant 3 : i32
      %get3A_195 = arith.index_cast %get3A_194 : i32 to index
      %get3A_196 = arith.index_cast %mul3A_193 : i32 to index
      %get3A_197 = tpu.vector_load %arg20[%get3A_195, %get3A_196] {strides = array<i32>} : memref<16x768xf32, #tpu.memory_space<vmem>>, vector<16xf32>,
      %add3A_198 = arith.addf %add3A_191, %get3A_197 : vector<16xf32>
      %mul3A_199 = arith.constant 16 : i32
      %mul3A_200 = arith.muli %scan3A_171, %mul3A_199 : i32
      %get3A_201 = arith.constant 4 : i32
      %get3A_202 = arith.index_cast %get3A_201 : i32 to index
      %get3A_203 = arith.index_cast %mul3A_200 : i32 to index
      %get3A_204 = tpu.vector_load %arg20[%get3A_202, %get3A_203] {strides = array<i32>} : memref<16x768xf32, #tpu.memory_space<vmem>>, vector<16xf32>,
      %add3A_205 = arith.addf %add3A_198, %get3A_204 : vector<16xf32>
      %mul3A_206 = arith.constant 16 : i32
      %mul3A_207 = arith.muli %scan3A_171, %mul3A_206 : i32
      %get3A_208 = arith.constant 5 : i32
      %get3A_209 = arith.index_cast %get3A_208 : i32 to index
      %get3A_210 = arith.index_cast %mul3A_207 : i32 to index
      %get3A_211 = tpu.vector_load %arg20[%get3A_209, %get3A_210] {strides = array<i32>} : memref<16x768xf32, #tpu.memory_space<vmem>>, vector<16xf32>,
      %add3A_212 = arith.addf %add3A_205, %get3A_211 : vector<16xf32>
      %mul3A_213 = arith.constant 16 : i32
      %mul3A_214 = arith.muli %scan3A_171, %mul3A_213 : i32
      %get3A_215 = arith.constant 6 : i32
      %get3A_216 = arith.index_cast %get3A_215 : i32 to index
      %get3A_217 = arith.index_cast %mul3A_214 : i32 to index
      %get3A_218 = tpu.vector_load %arg20[%get3A_216, %get3A_217] {strides = array<i32>} : memref<16x768xf32, #tpu.memory_space<vmem>>, vector<16xf32>,
      %add3A_219 = arith.addf %add3A_212, %get3A_218 : vector<16xf32>
      %mul3A_220 = arith.constant 16 : i32
      %mul3A_221 = arith.muli %scan3A_171, %mul3A_220 : i32
      %get3A_222 = arith.constant 7 : i32
      %get3A_223 = arith.index_cast %get3A_222 : i32 to index
      %get3A_224 = arith.index_cast %mul3A_221 : i32 to index
      %get3A_225 = tpu.vector_load %arg20[%get3A_223, %get3A_224] {strides = array<i32>} : memref<16x768xf32, #tpu.memory_space<vmem>>, vector<16xf32>,
      %add3A_226 = arith.addf %add3A_219, %get3A_225 : vector<16xf32>
      %mul3A_227 = arith.constant 16 : i32
      %mul3A_228 = arith.muli %scan3A_171, %mul3A_227 : i32
      %get3A_229 = arith.constant 8 : i32
      %get3A_230 = arith.index_cast %get3A_229 : i32 to index
      %get3A_231 = arith.index_cast %mul3A_228 : i32 to index
      %get3A_232 = tpu.vector_load %arg20[%get3A_230, %get3A_231] {strides = array<i32>} : memref<16x768xf32, #tpu.memory_space<vmem>>, vector<16xf32>,
      %add3A_233 = arith.addf %add3A_226, %get3A_232 : vector<16xf32>
      %mul3A_234 = arith.constant 16 : i32
      %mul3A_235 = arith.muli %scan3A_171, %mul3A_234 : i32
      %get3A_236 = arith.constant 9 : i32
      %get3A_237 = arith.index_cast %get3A_236 : i32 to index
      %get3A_238 = arith.index_cast %mul3A_235 : i32 to index
      %get3A_239 = tpu.vector_load %arg20[%get3A_237, %get3A_238] {strides = array<i32>} : memref<16x768xf32, #tpu.memory_space<vmem>>, vector<16xf32>,
      %add3A_240 = arith.addf %add3A_233, %get3A_239 : vector<16xf32>
      %mul3A_241 = arith.constant 16 : i32
      %mul3A_242 = arith.muli %scan3A_171, %mul3A_241 : i32
      %get3A_243 = arith.constant 10 : i32
      %get3A_244 = arith.index_cast %get3A_243 : i32 to index
      %get3A_245 = arith.index_cast %mul3A_242 : i32 to index
      %get3A_246 = tpu.vector_load %arg20[%get3A_244, %get3A_245] {strides = array<i32>} : memref<16x768xf32, #tpu.memory_space<vmem>>, vector<16xf32>,
      %add3A_247 = arith.addf %add3A_240, %get3A_246 : vector<16xf32>
      %mul3A_248 = arith.constant 16 : i32
      %mul3A_249 = arith.muli %scan3A_171, %mul3A_248 : i32
      %get3A_250 = arith.constant 11 : i32
      %get3A_251 = arith.index_cast %get3A_250 : i32 to index
      %get3A_252 = arith.index_cast %mul3A_249 : i32 to index
      %get3A_253 = tpu.vector_load %arg20[%get3A_251, %get3A_252] {strides = array<i32>} : memref<16x768xf32, #tpu.memory_space<vmem>>, vector<16xf32>,
      %add3A_254 = arith.addf %add3A_247, %get3A_253 : vector<16xf32>
      %mul3A_255 = arith.constant 16 : i32
      %mul3A_256 = arith.muli %scan3A_171, %mul3A_255 : i32
      %get3A_257 = arith.constant 12 : i32
      %get3A_258 = arith.index_cast %get3A_257 : i32 to index
      %get3A_259 = arith.index_cast %mul3A_256 : i32 to index
      %get3A_260 = tpu.vector_load %arg20[%get3A_258, %get3A_259] {strides = array<i32>} : memref<16x768xf32, #tpu.memory_space<vmem>>, vector<16xf32>,
      %add3A_261 = arith.addf %add3A_254, %get3A_260 : vector<16xf32>
      %mul3A_262 = arith.constant 16 : i32
      %mul3A_263 = arith.muli %scan3A_171, %mul3A_262 : i32
      %get3A_264 = arith.constant 13 : i32
      %get3A_265 = arith.index_cast %get3A_264 : i32 to index
      %get3A_266 = arith.index_cast %mul3A_263 : i32 to index
      %get3A_267 = tpu.vector_load %arg20[%get3A_265, %get3A_266] {strides = array<i32>} : memref<16x768xf32, #tpu.memory_space<vmem>>, vector<16xf32>,
      %add3A_268 = arith.addf %add3A_261, %get3A_267 : vector<16xf32>
      %mul3A_269 = arith.constant 16 : i32
      %mul3A_270 = arith.muli %scan3A_171, %mul3A_269 : i32
      %get3A_271 = arith.constant 14 : i32
      %get3A_272 = arith.index_cast %get3A_271 : i32 to index
      %get3A_273 = arith.index_cast %mul3A_270 : i32 to index
      %get3A_274 = tpu.vector_load %arg20[%get3A_272, %get3A_273] {strides = array<i32>} : memref<16x768xf32, #tpu.memory_space<vmem>>, vector<16xf32>,
      %add3A_275 = arith.addf %add3A_268, %get3A_274 : vector<16xf32>
      %mul3A_276 = arith.constant 16 : i32
      %mul3A_277 = arith.muli %scan3A_171, %mul3A_276 : i32
      %get3A_278 = arith.constant 15 : i32
      %get3A_279 = arith.index_cast %get3A_278 : i32 to index
      %get3A_280 = arith.index_cast %mul3A_277 : i32 to index
      %get3A_281 = tpu.vector_load %arg20[%get3A_279, %get3A_280] {strides = array<i32>} : memref<16x768xf32, #tpu.memory_space<vmem>>, vector<16xf32>,
      %add3A_282 = arith.addf %add3A_275, %get3A_281 : vector<16xf32>
      %mul3A_283 = arith.constant 16 : i32
      %mul3A_284 = arith.muli %scan3A_171, %mul3A_283 : i32
      %swap3A_285 = arith.index_cast %mul3A_284 : i32 to index
      %swap3A_286 = tpu.vector_load %arg17[%swap3A_285] {strides = array<i32>} : memref<12288xf32, #tpu.memory_space<vmem>>, vector<16xf32>,
      tpu.vector_store %arg17[%swap3A_285], %add3A_282 {strides = array<i32>} : memref<12288xf32, #tpu.memory_space<vmem>>, vector<16xf32>,
      %scan3A_287 = arith.constant 0 : i32
      scf.yield %scan3A_287 : i32
    }
    %scan3A_52 = arith.constant 48 : i32
    "tpu.region"() ({
      %run_scoped3A_53 = tpu.sem_alloc : memref<!tpu.dma_semaphore, #tpu.memory_space<semaphore_mem>>
      %dma_start3A = arith.constant 0 : i32
      %dma_start3A_54 = tpu.memref_slice %arg17[%dma_start3A] : memref<12288xf32, #tpu.memory_space<vmem>> -> memref<768xf32, #tpu.memory_space<vmem>>
      %dma_start3A_55 = tpu.memref_slice %arg8[%arg0, %mul3A_2] : memref<2x12288xf32, #tpu.memory_space<hbm>> -> memref<1x768xf32, #tpu.memory_space<hbm>>
      %dma_start3A_56 = tpu.memref_squeeze %dma_start3A_55 : memref<1x768xf32, #tpu.memory_space<hbm>> -> memref<768xf32, #tpu.memory_space<hbm>>
      %dma_start3A_57 = tpu.memref_slice %arg8[%arg0, %mul3A_2] : memref<2x12288xf32, #tpu.memory_space<hbm>> -> memref<1x768xf32, #tpu.memory_space<hbm>>
      %dma_start3A_58 = tpu.memref_squeeze %dma_start3A_57 : memref<1x768xf32, #tpu.memory_space<hbm>> -> memref<768xf32, #tpu.memory_space<hbm>>
      %dma_start3A_59 = arith.constant 0 : i32
      %dma_start3A_60 = tpu.memref_slice %arg17[%dma_start3A_59] : memref<12288xf32, #tpu.memory_space<vmem>> -> memref<768xf32, #tpu.memory_space<vmem>>
      tpu.enqueue_dma source(%dma_start3A_60 : memref<768xf32, #tpu.memory_space<vmem>>) target(%dma_start3A_58 : memref<768xf32, #tpu.memory_space<hbm>>) target_semaphore(%run_scoped3A_53 : memref<!tpu.dma_semaphore, #tpu.memory_space<semaphore_mem>>)
      %dma_wait3A = arith.constant 0 : i32
      %dma_wait3A_61 = tpu.memref_slice %arg17[%dma_wait3A] : memref<12288xf32, #tpu.memory_space<vmem>> -> memref<768xf32, #tpu.memory_space<vmem>>
      %dma_wait3A_62 = tpu.memref_slice %arg8[%arg0, %mul3A_2] : memref<2x12288xf32, #tpu.memory_space<hbm>> -> memref<1x768xf32, #tpu.memory_space<hbm>>
      %dma_wait3A_63 = tpu.memref_squeeze %dma_wait3A_62 : memref<1x768xf32, #tpu.memory_space<hbm>> -> memref<768xf32, #tpu.memory_space<hbm>>
      %dma_wait3A_64 = tpu.memref_slice %arg8[%arg0, %mul3A_2] : memref<2x12288xf32, #tpu.memory_space<hbm>> -> memref<1x768xf32, #tpu.memory_space<hbm>>
      %dma_wait3A_65 = tpu.memref_squeeze %dma_wait3A_64 : memref<1x768xf32, #tpu.memory_space<hbm>> -> memref<768xf32, #tpu.memory_space<hbm>>
      %dma_wait3A_66 = arith.constant 0 : i32
      %dma_wait3A_67 = tpu.memref_slice %arg17[%dma_wait3A_66] : memref<12288xf32, #tpu.memory_space<vmem>> -> memref<768xf32, #tpu.memory_space<vmem>>
      tpu.wait_dma2 semaphore(%run_scoped3A_53 : memref<!tpu.dma_semaphore, #tpu.memory_space<semaphore_mem>>) src(%dma_wait3A_67 : memref<768xf32, #tpu.memory_space<vmem>>) dst(%dma_wait3A_65 : memref<768xf32, #tpu.memory_space<hbm>>)
      tpu.yield
    }) : () -> ()
    return
  }
}

#map = affine_map<(d0, d1) -> (0, 0)>
module attributes {stable_mosaic.version = 14 : i64} {
  func.func @_deg_body(%arg0: i32, %arg1: i32, %arg2: memref<2x320000xi32, #tpu.memory_space<hbm>>, %arg3: memref<2x12288xf32, #tpu.memory_space<hbm>>, %arg4: memref<2x12288xf32, #tpu.memory_space<hbm>>, %arg5: memref<10000xi32, #tpu.memory_space<vmem>>, %arg6: memref<12288xf32, #tpu.memory_space<vmem>>, %arg7: memref<12288xf32, #tpu.memory_space<vmem>>, %arg8: memref<16x768xf32, #tpu.memory_space<vmem>>, %arg9: memref<16x12288xf32, #tpu.memory_space<vmem_shared>>, %arg10: memref<16x12288xf32, #tpu.memory_space<vmem_shared>>) attributes {dimension_semantics = [#tpu.dimension_semantics<core_parallel>, #tpu.dimension_semantics<subcore_parallel>], iteration_bounds = array<i64: 2, 16>, scalar_prefetch = 0 : i64, scratch_operands = 6 : i64, tpu.core_type = #tpu.core_type<sc_vector_subcore>, window_params = [{transform_indices = #map}, {transform_indices = #map}, {transform_indices = #map}]} {
    %mul3A = arith.constant 2 : i32
    %mul3A_0 = arith.muli %arg1, %mul3A : i32
    %add3A = arith.addi %mul3A_0, %arg0 : i32
    %mul3A_1 = arith.constant 768 : i32
    %mul3A_2 = arith.muli %arg1, %mul3A_1 : i32
    %broadcast_in_dim3A = arith.constant 0.000000e+00 : f32
    %broadcast_in_dim3A_3 = vector.broadcast %broadcast_in_dim3A : f32 to vector<16xf32>
    %scan3A = arith.constant 0 : i32
    %scan3A_4 = arith.constant 0 : i32
    %scan3A_5 = arith.constant 768 : i32
    %scan3A_6 = arith.addi %scan3A_4, %scan3A_5 : i32
    %scan3A_7 = arith.constant 8 : i32
    %scan3A_8 = scf.for %scan3A_58 = %scan3A_4 to %scan3A_6 step %scan3A_7 iter_args(%scan3A_59 = %scan3A) -> (i32)  : i32 {
      %mul3A_60 = arith.constant 16 : i32
      %mul3A_61 = arith.muli %scan3A_58, %mul3A_60 : i32
      %swap3A = arith.index_cast %mul3A_61 : i32 to index
      %swap3A_62 = tpu.vector_load %arg6[%swap3A] {strides = array<i32>} : memref<12288xf32, #tpu.memory_space<vmem>>, vector<16xf32>,
      tpu.vector_store %arg6[%swap3A], %broadcast_in_dim3A_3 {strides = array<i32>} : memref<12288xf32, #tpu.memory_space<vmem>>, vector<16xf32>,
      %mul3A_63 = arith.constant 16 : i32
      %mul3A_64 = arith.muli %scan3A_58, %mul3A_63 : i32
      %swap3A_65 = arith.index_cast %mul3A_64 : i32 to index
      %swap3A_66 = tpu.vector_load %arg7[%swap3A_65] {strides = array<i32>} : memref<12288xf32, #tpu.memory_space<vmem>>, vector<16xf32>,
      tpu.vector_store %arg7[%swap3A_65], %broadcast_in_dim3A_3 {strides = array<i32>} : memref<12288xf32, #tpu.memory_space<vmem>>, vector<16xf32>,
      %scan3A_67 = arith.constant 0 : i32
      %scan3A_68 = arith.constant 1 : i32
      %scan3A_69 = arith.addi %scan3A_58, %scan3A_68 : i32
      %mul3A_70 = arith.constant 16 : i32
      %mul3A_71 = arith.muli %scan3A_69, %mul3A_70 : i32
      %swap3A_72 = arith.index_cast %mul3A_71 : i32 to index
      %swap3A_73 = tpu.vector_load %arg6[%swap3A_72] {strides = array<i32>} : memref<12288xf32, #tpu.memory_space<vmem>>, vector<16xf32>,
      tpu.vector_store %arg6[%swap3A_72], %broadcast_in_dim3A_3 {strides = array<i32>} : memref<12288xf32, #tpu.memory_space<vmem>>, vector<16xf32>,
      %mul3A_74 = arith.constant 16 : i32
      %mul3A_75 = arith.muli %scan3A_69, %mul3A_74 : i32
      %swap3A_76 = arith.index_cast %mul3A_75 : i32 to index
      %swap3A_77 = tpu.vector_load %arg7[%swap3A_76] {strides = array<i32>} : memref<12288xf32, #tpu.memory_space<vmem>>, vector<16xf32>,
      tpu.vector_store %arg7[%swap3A_76], %broadcast_in_dim3A_3 {strides = array<i32>} : memref<12288xf32, #tpu.memory_space<vmem>>, vector<16xf32>,
      %scan3A_78 = arith.constant 0 : i32
      %scan3A_79 = arith.constant 2 : i32
      %scan3A_80 = arith.addi %scan3A_58, %scan3A_79 : i32
      %mul3A_81 = arith.constant 16 : i32
      %mul3A_82 = arith.muli %scan3A_80, %mul3A_81 : i32
      %swap3A_83 = arith.index_cast %mul3A_82 : i32 to index
      %swap3A_84 = tpu.vector_load %arg6[%swap3A_83] {strides = array<i32>} : memref<12288xf32, #tpu.memory_space<vmem>>, vector<16xf32>,
      tpu.vector_store %arg6[%swap3A_83], %broadcast_in_dim3A_3 {strides = array<i32>} : memref<12288xf32, #tpu.memory_space<vmem>>, vector<16xf32>,
      %mul3A_85 = arith.constant 16 : i32
      %mul3A_86 = arith.muli %scan3A_80, %mul3A_85 : i32
      %swap3A_87 = arith.index_cast %mul3A_86 : i32 to index
      %swap3A_88 = tpu.vector_load %arg7[%swap3A_87] {strides = array<i32>} : memref<12288xf32, #tpu.memory_space<vmem>>, vector<16xf32>,
      tpu.vector_store %arg7[%swap3A_87], %broadcast_in_dim3A_3 {strides = array<i32>} : memref<12288xf32, #tpu.memory_space<vmem>>, vector<16xf32>,
      %scan3A_89 = arith.constant 0 : i32
      %scan3A_90 = arith.constant 3 : i32
      %scan3A_91 = arith.addi %scan3A_58, %scan3A_90 : i32
      %mul3A_92 = arith.constant 16 : i32
      %mul3A_93 = arith.muli %scan3A_91, %mul3A_92 : i32
      %swap3A_94 = arith.index_cast %mul3A_93 : i32 to index
      %swap3A_95 = tpu.vector_load %arg6[%swap3A_94] {strides = array<i32>} : memref<12288xf32, #tpu.memory_space<vmem>>, vector<16xf32>,
      tpu.vector_store %arg6[%swap3A_94], %broadcast_in_dim3A_3 {strides = array<i32>} : memref<12288xf32, #tpu.memory_space<vmem>>, vector<16xf32>,
      %mul3A_96 = arith.constant 16 : i32
      %mul3A_97 = arith.muli %scan3A_91, %mul3A_96 : i32
      %swap3A_98 = arith.index_cast %mul3A_97 : i32 to index
      %swap3A_99 = tpu.vector_load %arg7[%swap3A_98] {strides = array<i32>} : memref<12288xf32, #tpu.memory_space<vmem>>, vector<16xf32>,
      tpu.vector_store %arg7[%swap3A_98], %broadcast_in_dim3A_3 {strides = array<i32>} : memref<12288xf32, #tpu.memory_space<vmem>>, vector<16xf32>,
      %scan3A_100 = arith.constant 0 : i32
      %scan3A_101 = arith.constant 4 : i32
      %scan3A_102 = arith.addi %scan3A_58, %scan3A_101 : i32
      %mul3A_103 = arith.constant 16 : i32
      %mul3A_104 = arith.muli %scan3A_102, %mul3A_103 : i32
      %swap3A_105 = arith.index_cast %mul3A_104 : i32 to index
      %swap3A_106 = tpu.vector_load %arg6[%swap3A_105] {strides = array<i32>} : memref<12288xf32, #tpu.memory_space<vmem>>, vector<16xf32>,
      tpu.vector_store %arg6[%swap3A_105], %broadcast_in_dim3A_3 {strides = array<i32>} : memref<12288xf32, #tpu.memory_space<vmem>>, vector<16xf32>,
      %mul3A_107 = arith.constant 16 : i32
      %mul3A_108 = arith.muli %scan3A_102, %mul3A_107 : i32
      %swap3A_109 = arith.index_cast %mul3A_108 : i32 to index
      %swap3A_110 = tpu.vector_load %arg7[%swap3A_109] {strides = array<i32>} : memref<12288xf32, #tpu.memory_space<vmem>>, vector<16xf32>,
      tpu.vector_store %arg7[%swap3A_109], %broadcast_in_dim3A_3 {strides = array<i32>} : memref<12288xf32, #tpu.memory_space<vmem>>, vector<16xf32>,
      %scan3A_111 = arith.constant 0 : i32
      %scan3A_112 = arith.constant 5 : i32
      %scan3A_113 = arith.addi %scan3A_58, %scan3A_112 : i32
      %mul3A_114 = arith.constant 16 : i32
      %mul3A_115 = arith.muli %scan3A_113, %mul3A_114 : i32
      %swap3A_116 = arith.index_cast %mul3A_115 : i32 to index
      %swap3A_117 = tpu.vector_load %arg6[%swap3A_116] {strides = array<i32>} : memref<12288xf32, #tpu.memory_space<vmem>>, vector<16xf32>,
      tpu.vector_store %arg6[%swap3A_116], %broadcast_in_dim3A_3 {strides = array<i32>} : memref<12288xf32, #tpu.memory_space<vmem>>, vector<16xf32>,
      %mul3A_118 = arith.constant 16 : i32
      %mul3A_119 = arith.muli %scan3A_113, %mul3A_118 : i32
      %swap3A_120 = arith.index_cast %mul3A_119 : i32 to index
      %swap3A_121 = tpu.vector_load %arg7[%swap3A_120] {strides = array<i32>} : memref<12288xf32, #tpu.memory_space<vmem>>, vector<16xf32>,
      tpu.vector_store %arg7[%swap3A_120], %broadcast_in_dim3A_3 {strides = array<i32>} : memref<12288xf32, #tpu.memory_space<vmem>>, vector<16xf32>,
      %scan3A_122 = arith.constant 0 : i32
      %scan3A_123 = arith.constant 6 : i32
      %scan3A_124 = arith.addi %scan3A_58, %scan3A_123 : i32
      %mul3A_125 = arith.constant 16 : i32
      %mul3A_126 = arith.muli %scan3A_124, %mul3A_125 : i32
      %swap3A_127 = arith.index_cast %mul3A_126 : i32 to index
      %swap3A_128 = tpu.vector_load %arg6[%swap3A_127] {strides = array<i32>} : memref<12288xf32, #tpu.memory_space<vmem>>, vector<16xf32>,
      tpu.vector_store %arg6[%swap3A_127], %broadcast_in_dim3A_3 {strides = array<i32>} : memref<12288xf32, #tpu.memory_space<vmem>>, vector<16xf32>,
      %mul3A_129 = arith.constant 16 : i32
      %mul3A_130 = arith.muli %scan3A_124, %mul3A_129 : i32
      %swap3A_131 = arith.index_cast %mul3A_130 : i32 to index
      %swap3A_132 = tpu.vector_load %arg7[%swap3A_131] {strides = array<i32>} : memref<12288xf32, #tpu.memory_space<vmem>>, vector<16xf32>,
      tpu.vector_store %arg7[%swap3A_131], %broadcast_in_dim3A_3 {strides = array<i32>} : memref<12288xf32, #tpu.memory_space<vmem>>, vector<16xf32>,
      %scan3A_133 = arith.constant 0 : i32
      %scan3A_134 = arith.constant 7 : i32
      %scan3A_135 = arith.addi %scan3A_58, %scan3A_134 : i32
      %mul3A_136 = arith.constant 16 : i32
      %mul3A_137 = arith.muli %scan3A_135, %mul3A_136 : i32
      %swap3A_138 = arith.index_cast %mul3A_137 : i32 to index
      %swap3A_139 = tpu.vector_load %arg6[%swap3A_138] {strides = array<i32>} : memref<12288xf32, #tpu.memory_space<vmem>>, vector<16xf32>,
      tpu.vector_store %arg6[%swap3A_138], %broadcast_in_dim3A_3 {strides = array<i32>} : memref<12288xf32, #tpu.memory_space<vmem>>, vector<16xf32>,
      %mul3A_140 = arith.constant 16 : i32
      %mul3A_141 = arith.muli %scan3A_135, %mul3A_140 : i32
      %swap3A_142 = arith.index_cast %mul3A_141 : i32 to index
      %swap3A_143 = tpu.vector_load %arg7[%swap3A_142] {strides = array<i32>} : memref<12288xf32, #tpu.memory_space<vmem>>, vector<16xf32>,
      tpu.vector_store %arg7[%swap3A_142], %broadcast_in_dim3A_3 {strides = array<i32>} : memref<12288xf32, #tpu.memory_space<vmem>>, vector<16xf32>,
      %scan3A_144 = arith.constant 0 : i32
      scf.yield %scan3A_144 : i32
    }
    %scan3A_9 = arith.constant 768 : i32
    %broadcast_in_dim3A_10 = arith.constant 1.000000e+00 : f32
    %broadcast_in_dim3A_11 = vector.broadcast %broadcast_in_dim3A_10 : f32 to vector<16xf32>
    %mul3A_12 = arith.constant 10000 : i32
    %mul3A_13 = arith.muli %add3A, %mul3A_12 : i32
    %run_scoped3A = arith.constant 0 : i32
    "tpu.region"() ({
      %run_scoped3A_58 = tpu.sem_alloc : memref<!tpu.dma_semaphore, #tpu.memory_space<semaphore_mem>>
      %dma_start3A = tpu.memref_slice %arg2[%run_scoped3A, %mul3A_13] : memref<2x320000xi32, #tpu.memory_space<hbm>> -> memref<1x10000xi32, #tpu.memory_space<hbm>>
      %dma_start3A_59 = tpu.memref_squeeze %dma_start3A : memref<1x10000xi32, #tpu.memory_space<hbm>> -> memref<10000xi32, #tpu.memory_space<hbm>>
      %dma_start3A_60 = tpu.memref_slice %arg2[%run_scoped3A, %mul3A_13] : memref<2x320000xi32, #tpu.memory_space<hbm>> -> memref<1x10000xi32, #tpu.memory_space<hbm>>
      %dma_start3A_61 = tpu.memref_squeeze %dma_start3A_60 : memref<1x10000xi32, #tpu.memory_space<hbm>> -> memref<10000xi32, #tpu.memory_space<hbm>>
      tpu.enqueue_dma source(%dma_start3A_61 : memref<10000xi32, #tpu.memory_space<hbm>>) target(%arg5 : memref<10000xi32, #tpu.memory_space<vmem>>) target_semaphore(%run_scoped3A_58 : memref<!tpu.dma_semaphore, #tpu.memory_space<semaphore_mem>>)
      %dma_wait3A = tpu.memref_slice %arg2[%run_scoped3A, %mul3A_13] : memref<2x320000xi32, #tpu.memory_space<hbm>> -> memref<1x10000xi32, #tpu.memory_space<hbm>>
      %dma_wait3A_62 = tpu.memref_squeeze %dma_wait3A : memref<1x10000xi32, #tpu.memory_space<hbm>> -> memref<10000xi32, #tpu.memory_space<hbm>>
      %dma_wait3A_63 = tpu.memref_slice %arg2[%run_scoped3A, %mul3A_13] : memref<2x320000xi32, #tpu.memory_space<hbm>> -> memref<1x10000xi32, #tpu.memory_space<hbm>>
      %dma_wait3A_64 = tpu.memref_squeeze %dma_wait3A_63 : memref<1x10000xi32, #tpu.memory_space<hbm>> -> memref<10000xi32, #tpu.memory_space<hbm>>
      tpu.wait_dma2 semaphore(%run_scoped3A_58 : memref<!tpu.dma_semaphore, #tpu.memory_space<semaphore_mem>>) src(%dma_wait3A_64 : memref<10000xi32, #tpu.memory_space<hbm>>) dst(%arg5 : memref<10000xi32, #tpu.memory_space<vmem>>)
      tpu.yield
    }) : () -> ()
    %scan3A_14 = arith.constant 0 : i32
    %scan3A_15 = arith.constant 0 : i32
    %scan3A_16 = arith.constant 624 : i32
    %scan3A_17 = arith.addi %scan3A_15, %scan3A_16 : i32
    %scan3A_18 = arith.constant 8 : i32
    %scan3A_19 = scf.for %scan3A_58 = %scan3A_15 to %scan3A_17 step %scan3A_18 iter_args(%scan3A_59 = %scan3A_14) -> (i32)  : i32 {
      %mul3A_60 = arith.constant 16 : i32
      %mul3A_61 = arith.muli %scan3A_58, %mul3A_60 : i32
      %get3A_62 = arith.index_cast %mul3A_61 : i32 to index
      %get3A_63 = tpu.vector_load %arg5[%get3A_62] {strides = array<i32>} : memref<10000xi32, #tpu.memory_space<vmem>>, vector<16xi32>,
      tpu.vector_store_idx %arg6[%get3A_63], %broadcast_in_dim3A_11 {add = true} : memref<12288xf32, #tpu.memory_space<vmem>>[vector<16xi32>], vector<16xf32>,
      %scan3A_64 = arith.constant 0 : i32
      %scan3A_65 = arith.constant 1 : i32
      %scan3A_66 = arith.addi %scan3A_58, %scan3A_65 : i32
      %mul3A_67 = arith.constant 16 : i32
      %mul3A_68 = arith.muli %scan3A_66, %mul3A_67 : i32
      %get3A_69 = arith.index_cast %mul3A_68 : i32 to index
      %get3A_70 = tpu.vector_load %arg5[%get3A_69] {strides = array<i32>} : memref<10000xi32, #tpu.memory_space<vmem>>, vector<16xi32>,
      tpu.vector_store_idx %arg6[%get3A_70], %broadcast_in_dim3A_11 {add = true} : memref<12288xf32, #tpu.memory_space<vmem>>[vector<16xi32>], vector<16xf32>,
      %scan3A_71 = arith.constant 0 : i32
      %scan3A_72 = arith.constant 2 : i32
      %scan3A_73 = arith.addi %scan3A_58, %scan3A_72 : i32
      %mul3A_74 = arith.constant 16 : i32
      %mul3A_75 = arith.muli %scan3A_73, %mul3A_74 : i32
      %get3A_76 = arith.index_cast %mul3A_75 : i32 to index
      %get3A_77 = tpu.vector_load %arg5[%get3A_76] {strides = array<i32>} : memref<10000xi32, #tpu.memory_space<vmem>>, vector<16xi32>,
      tpu.vector_store_idx %arg6[%get3A_77], %broadcast_in_dim3A_11 {add = true} : memref<12288xf32, #tpu.memory_space<vmem>>[vector<16xi32>], vector<16xf32>,
      %scan3A_78 = arith.constant 0 : i32
      %scan3A_79 = arith.constant 3 : i32
      %scan3A_80 = arith.addi %scan3A_58, %scan3A_79 : i32
      %mul3A_81 = arith.constant 16 : i32
      %mul3A_82 = arith.muli %scan3A_80, %mul3A_81 : i32
      %get3A_83 = arith.index_cast %mul3A_82 : i32 to index
      %get3A_84 = tpu.vector_load %arg5[%get3A_83] {strides = array<i32>} : memref<10000xi32, #tpu.memory_space<vmem>>, vector<16xi32>,
      tpu.vector_store_idx %arg6[%get3A_84], %broadcast_in_dim3A_11 {add = true} : memref<12288xf32, #tpu.memory_space<vmem>>[vector<16xi32>], vector<16xf32>,
      %scan3A_85 = arith.constant 0 : i32
      %scan3A_86 = arith.constant 4 : i32
      %scan3A_87 = arith.addi %scan3A_58, %scan3A_86 : i32
      %mul3A_88 = arith.constant 16 : i32
      %mul3A_89 = arith.muli %scan3A_87, %mul3A_88 : i32
      %get3A_90 = arith.index_cast %mul3A_89 : i32 to index
      %get3A_91 = tpu.vector_load %arg5[%get3A_90] {strides = array<i32>} : memref<10000xi32, #tpu.memory_space<vmem>>, vector<16xi32>,
      tpu.vector_store_idx %arg6[%get3A_91], %broadcast_in_dim3A_11 {add = true} : memref<12288xf32, #tpu.memory_space<vmem>>[vector<16xi32>], vector<16xf32>,
      %scan3A_92 = arith.constant 0 : i32
      %scan3A_93 = arith.constant 5 : i32
      %scan3A_94 = arith.addi %scan3A_58, %scan3A_93 : i32
      %mul3A_95 = arith.constant 16 : i32
      %mul3A_96 = arith.muli %scan3A_94, %mul3A_95 : i32
      %get3A_97 = arith.index_cast %mul3A_96 : i32 to index
      %get3A_98 = tpu.vector_load %arg5[%get3A_97] {strides = array<i32>} : memref<10000xi32, #tpu.memory_space<vmem>>, vector<16xi32>,
      tpu.vector_store_idx %arg6[%get3A_98], %broadcast_in_dim3A_11 {add = true} : memref<12288xf32, #tpu.memory_space<vmem>>[vector<16xi32>], vector<16xf32>,
      %scan3A_99 = arith.constant 0 : i32
      %scan3A_100 = arith.constant 6 : i32
      %scan3A_101 = arith.addi %scan3A_58, %scan3A_100 : i32
      %mul3A_102 = arith.constant 16 : i32
      %mul3A_103 = arith.muli %scan3A_101, %mul3A_102 : i32
      %get3A_104 = arith.index_cast %mul3A_103 : i32 to index
      %get3A_105 = tpu.vector_load %arg5[%get3A_104] {strides = array<i32>} : memref<10000xi32, #tpu.memory_space<vmem>>, vector<16xi32>,
      tpu.vector_store_idx %arg6[%get3A_105], %broadcast_in_dim3A_11 {add = true} : memref<12288xf32, #tpu.memory_space<vmem>>[vector<16xi32>], vector<16xf32>,
      %scan3A_106 = arith.constant 0 : i32
      %scan3A_107 = arith.constant 7 : i32
      %scan3A_108 = arith.addi %scan3A_58, %scan3A_107 : i32
      %mul3A_109 = arith.constant 16 : i32
      %mul3A_110 = arith.muli %scan3A_108, %mul3A_109 : i32
      %get3A_111 = arith.index_cast %mul3A_110 : i32 to index
      %get3A_112 = tpu.vector_load %arg5[%get3A_111] {strides = array<i32>} : memref<10000xi32, #tpu.memory_space<vmem>>, vector<16xi32>,
      tpu.vector_store_idx %arg6[%get3A_112], %broadcast_in_dim3A_11 {add = true} : memref<12288xf32, #tpu.memory_space<vmem>>[vector<16xi32>], vector<16xf32>,
      %scan3A_113 = arith.constant 0 : i32
      scf.yield %scan3A_113 : i32
    }
    %scan3A_20 = arith.constant 624 : i32
    %scan3A_21 = arith.addi %scan3A_15, %scan3A_20 : i32
    %mul3A_22 = arith.constant 16 : i32
    %mul3A_23 = arith.muli %scan3A_21, %mul3A_22 : i32
    %get3A = arith.index_cast %mul3A_23 : i32 to index
    %get3A_24 = tpu.vector_load %arg5[%get3A] {strides = array<i32>} : memref<10000xi32, #tpu.memory_space<vmem>>, vector<16xi32>,
    tpu.vector_store_idx %arg6[%get3A_24], %broadcast_in_dim3A_11 {add = true} : memref<12288xf32, #tpu.memory_space<vmem>>[vector<16xi32>], vector<16xf32>,
    %scan3A_25 = arith.constant 0 : i32
    %scan3A_26 = arith.constant 625 : i32
    %mul3A_27 = arith.constant 10000 : i32
    %mul3A_28 = arith.muli %add3A, %mul3A_27 : i32
    %run_scoped3A_29 = arith.constant 1 : i32
    "tpu.region"() ({
      %run_scoped3A_58 = tpu.sem_alloc : memref<!tpu.dma_semaphore, #tpu.memory_space<semaphore_mem>>
      %dma_start3A = tpu.memref_slice %arg2[%run_scoped3A_29, %mul3A_28] : memref<2x320000xi32, #tpu.memory_space<hbm>> -> memref<1x10000xi32, #tpu.memory_space<hbm>>
      %dma_start3A_59 = tpu.memref_squeeze %dma_start3A : memref<1x10000xi32, #tpu.memory_space<hbm>> -> memref<10000xi32, #tpu.memory_space<hbm>>
      %dma_start3A_60 = tpu.memref_slice %arg2[%run_scoped3A_29, %mul3A_28] : memref<2x320000xi32, #tpu.memory_space<hbm>> -> memref<1x10000xi32, #tpu.memory_space<hbm>>
      %dma_start3A_61 = tpu.memref_squeeze %dma_start3A_60 : memref<1x10000xi32, #tpu.memory_space<hbm>> -> memref<10000xi32, #tpu.memory_space<hbm>>
      tpu.enqueue_dma source(%dma_start3A_61 : memref<10000xi32, #tpu.memory_space<hbm>>) target(%arg5 : memref<10000xi32, #tpu.memory_space<vmem>>) target_semaphore(%run_scoped3A_58 : memref<!tpu.dma_semaphore, #tpu.memory_space<semaphore_mem>>)
      %dma_wait3A = tpu.memref_slice %arg2[%run_scoped3A_29, %mul3A_28] : memref<2x320000xi32, #tpu.memory_space<hbm>> -> memref<1x10000xi32, #tpu.memory_space<hbm>>
      %dma_wait3A_62 = tpu.memref_squeeze %dma_wait3A : memref<1x10000xi32, #tpu.memory_space<hbm>> -> memref<10000xi32, #tpu.memory_space<hbm>>
      %dma_wait3A_63 = tpu.memref_slice %arg2[%run_scoped3A_29, %mul3A_28] : memref<2x320000xi32, #tpu.memory_space<hbm>> -> memref<1x10000xi32, #tpu.memory_space<hbm>>
      %dma_wait3A_64 = tpu.memref_squeeze %dma_wait3A_63 : memref<1x10000xi32, #tpu.memory_space<hbm>> -> memref<10000xi32, #tpu.memory_space<hbm>>
      tpu.wait_dma2 semaphore(%run_scoped3A_58 : memref<!tpu.dma_semaphore, #tpu.memory_space<semaphore_mem>>) src(%dma_wait3A_64 : memref<10000xi32, #tpu.memory_space<hbm>>) dst(%arg5 : memref<10000xi32, #tpu.memory_space<vmem>>)
      tpu.yield
    }) : () -> ()
    %scan3A_30 = arith.constant 0 : i32
    %scan3A_31 = arith.constant 0 : i32
    %scan3A_32 = arith.constant 624 : i32
    %scan3A_33 = arith.addi %scan3A_31, %scan3A_32 : i32
    %scan3A_34 = arith.constant 8 : i32
    %scan3A_35 = scf.for %scan3A_58 = %scan3A_31 to %scan3A_33 step %scan3A_34 iter_args(%scan3A_59 = %scan3A_30) -> (i32)  : i32 {
      %mul3A_60 = arith.constant 16 : i32
      %mul3A_61 = arith.muli %scan3A_58, %mul3A_60 : i32
      %get3A_62 = arith.index_cast %mul3A_61 : i32 to index
      %get3A_63 = tpu.vector_load %arg5[%get3A_62] {strides = array<i32>} : memref<10000xi32, #tpu.memory_space<vmem>>, vector<16xi32>,
      tpu.vector_store_idx %arg7[%get3A_63], %broadcast_in_dim3A_11 {add = true} : memref<12288xf32, #tpu.memory_space<vmem>>[vector<16xi32>], vector<16xf32>,
      %scan3A_64 = arith.constant 0 : i32
      %scan3A_65 = arith.constant 1 : i32
      %scan3A_66 = arith.addi %scan3A_58, %scan3A_65 : i32
      %mul3A_67 = arith.constant 16 : i32
      %mul3A_68 = arith.muli %scan3A_66, %mul3A_67 : i32
      %get3A_69 = arith.index_cast %mul3A_68 : i32 to index
      %get3A_70 = tpu.vector_load %arg5[%get3A_69] {strides = array<i32>} : memref<10000xi32, #tpu.memory_space<vmem>>, vector<16xi32>,
      tpu.vector_store_idx %arg7[%get3A_70], %broadcast_in_dim3A_11 {add = true} : memref<12288xf32, #tpu.memory_space<vmem>>[vector<16xi32>], vector<16xf32>,
      %scan3A_71 = arith.constant 0 : i32
      %scan3A_72 = arith.constant 2 : i32
      %scan3A_73 = arith.addi %scan3A_58, %scan3A_72 : i32
      %mul3A_74 = arith.constant 16 : i32
      %mul3A_75 = arith.muli %scan3A_73, %mul3A_74 : i32
      %get3A_76 = arith.index_cast %mul3A_75 : i32 to index
      %get3A_77 = tpu.vector_load %arg5[%get3A_76] {strides = array<i32>} : memref<10000xi32, #tpu.memory_space<vmem>>, vector<16xi32>,
      tpu.vector_store_idx %arg7[%get3A_77], %broadcast_in_dim3A_11 {add = true} : memref<12288xf32, #tpu.memory_space<vmem>>[vector<16xi32>], vector<16xf32>,
      %scan3A_78 = arith.constant 0 : i32
      %scan3A_79 = arith.constant 3 : i32
      %scan3A_80 = arith.addi %scan3A_58, %scan3A_79 : i32
      %mul3A_81 = arith.constant 16 : i32
      %mul3A_82 = arith.muli %scan3A_80, %mul3A_81 : i32
      %get3A_83 = arith.index_cast %mul3A_82 : i32 to index
      %get3A_84 = tpu.vector_load %arg5[%get3A_83] {strides = array<i32>} : memref<10000xi32, #tpu.memory_space<vmem>>, vector<16xi32>,
      tpu.vector_store_idx %arg7[%get3A_84], %broadcast_in_dim3A_11 {add = true} : memref<12288xf32, #tpu.memory_space<vmem>>[vector<16xi32>], vector<16xf32>,
      %scan3A_85 = arith.constant 0 : i32
      %scan3A_86 = arith.constant 4 : i32
      %scan3A_87 = arith.addi %scan3A_58, %scan3A_86 : i32
      %mul3A_88 = arith.constant 16 : i32
      %mul3A_89 = arith.muli %scan3A_87, %mul3A_88 : i32
      %get3A_90 = arith.index_cast %mul3A_89 : i32 to index
      %get3A_91 = tpu.vector_load %arg5[%get3A_90] {strides = array<i32>} : memref<10000xi32, #tpu.memory_space<vmem>>, vector<16xi32>,
      tpu.vector_store_idx %arg7[%get3A_91], %broadcast_in_dim3A_11 {add = true} : memref<12288xf32, #tpu.memory_space<vmem>>[vector<16xi32>], vector<16xf32>,
      %scan3A_92 = arith.constant 0 : i32
      %scan3A_93 = arith.constant 5 : i32
      %scan3A_94 = arith.addi %scan3A_58, %scan3A_93 : i32
      %mul3A_95 = arith.constant 16 : i32
      %mul3A_96 = arith.muli %scan3A_94, %mul3A_95 : i32
      %get3A_97 = arith.index_cast %mul3A_96 : i32 to index
      %get3A_98 = tpu.vector_load %arg5[%get3A_97] {strides = array<i32>} : memref<10000xi32, #tpu.memory_space<vmem>>, vector<16xi32>,
      tpu.vector_store_idx %arg7[%get3A_98], %broadcast_in_dim3A_11 {add = true} : memref<12288xf32, #tpu.memory_space<vmem>>[vector<16xi32>], vector<16xf32>,
      %scan3A_99 = arith.constant 0 : i32
      %scan3A_100 = arith.constant 6 : i32
      %scan3A_101 = arith.addi %scan3A_58, %scan3A_100 : i32
      %mul3A_102 = arith.constant 16 : i32
      %mul3A_103 = arith.muli %scan3A_101, %mul3A_102 : i32
      %get3A_104 = arith.index_cast %mul3A_103 : i32 to index
      %get3A_105 = tpu.vector_load %arg5[%get3A_104] {strides = array<i32>} : memref<10000xi32, #tpu.memory_space<vmem>>, vector<16xi32>,
      tpu.vector_store_idx %arg7[%get3A_105], %broadcast_in_dim3A_11 {add = true} : memref<12288xf32, #tpu.memory_space<vmem>>[vector<16xi32>], vector<16xf32>,
      %scan3A_106 = arith.constant 0 : i32
      %scan3A_107 = arith.constant 7 : i32
      %scan3A_108 = arith.addi %scan3A_58, %scan3A_107 : i32
      %mul3A_109 = arith.constant 16 : i32
      %mul3A_110 = arith.muli %scan3A_108, %mul3A_109 : i32
      %get3A_111 = arith.index_cast %mul3A_110 : i32 to index
      %get3A_112 = tpu.vector_load %arg5[%get3A_111] {strides = array<i32>} : memref<10000xi32, #tpu.memory_space<vmem>>, vector<16xi32>,
      tpu.vector_store_idx %arg7[%get3A_112], %broadcast_in_dim3A_11 {add = true} : memref<12288xf32, #tpu.memory_space<vmem>>[vector<16xi32>], vector<16xf32>,
      %scan3A_113 = arith.constant 0 : i32
      scf.yield %scan3A_113 : i32
    }
    %scan3A_36 = arith.constant 624 : i32
    %scan3A_37 = arith.addi %scan3A_31, %scan3A_36 : i32
    %mul3A_38 = arith.constant 16 : i32
    %mul3A_39 = arith.muli %scan3A_37, %mul3A_38 : i32
    %get3A_40 = arith.index_cast %mul3A_39 : i32 to index
    %get3A_41 = tpu.vector_load %arg5[%get3A_40] {strides = array<i32>} : memref<10000xi32, #tpu.memory_space<vmem>>, vector<16xi32>,
    tpu.vector_store_idx %arg7[%get3A_41], %broadcast_in_dim3A_11 {add = true} : memref<12288xf32, #tpu.memory_space<vmem>>[vector<16xi32>], vector<16xf32>,
    %scan3A_42 = arith.constant 0 : i32
    %scan3A_43 = arith.constant 625 : i32
    "tpu.region"() ({
      %run_scoped3A_58 = tpu.sem_alloc : memref<!tpu.dma_semaphore, #tpu.memory_space<semaphore_mem>>
      %dma_start3A = arith.constant 0 : i32
      %dma_start3A_59 = tpu.memref_slice %arg9[%arg1, %dma_start3A] : memref<16x12288xf32, #tpu.memory_space<vmem_shared>> -> memref<1x12288xf32, #tpu.memory_space<vmem_shared>>
      %dma_start3A_60 = tpu.memref_squeeze %dma_start3A_59 : memref<1x12288xf32, #tpu.memory_space<vmem_shared>> -> memref<12288xf32, #tpu.memory_space<vmem_shared>>
      %dma_start3A_61 = arith.constant 0 : i32
      %dma_start3A_62 = tpu.memref_slice %arg9[%arg1, %dma_start3A_61] : memref<16x12288xf32, #tpu.memory_space<vmem_shared>> -> memref<1x12288xf32, #tpu.memory_space<vmem_shared>>
      %dma_start3A_63 = tpu.memref_squeeze %dma_start3A_62 : memref<1x12288xf32, #tpu.memory_space<vmem_shared>> -> memref<12288xf32, #tpu.memory_space<vmem_shared>>
      tpu.enqueue_dma source(%arg6 : memref<12288xf32, #tpu.memory_space<vmem>>) target(%dma_start3A_63 : memref<12288xf32, #tpu.memory_space<vmem_shared>>) target_semaphore(%run_scoped3A_58 : memref<!tpu.dma_semaphore, #tpu.memory_space<semaphore_mem>>)
      %dma_wait3A = arith.constant 0 : i32
      %dma_wait3A_64 = tpu.memref_slice %arg9[%arg1, %dma_wait3A] : memref<16x12288xf32, #tpu.memory_space<vmem_shared>> -> memref<1x12288xf32, #tpu.memory_space<vmem_shared>>
      %dma_wait3A_65 = tpu.memref_squeeze %dma_wait3A_64 : memref<1x12288xf32, #tpu.memory_space<vmem_shared>> -> memref<12288xf32, #tpu.memory_space<vmem_shared>>
      %dma_wait3A_66 = arith.constant 0 : i32
      %dma_wait3A_67 = tpu.memref_slice %arg9[%arg1, %dma_wait3A_66] : memref<16x12288xf32, #tpu.memory_space<vmem_shared>> -> memref<1x12288xf32, #tpu.memory_space<vmem_shared>>
      %dma_wait3A_68 = tpu.memref_squeeze %dma_wait3A_67 : memref<1x12288xf32, #tpu.memory_space<vmem_shared>> -> memref<12288xf32, #tpu.memory_space<vmem_shared>>
      tpu.wait_dma2 semaphore(%run_scoped3A_58 : memref<!tpu.dma_semaphore, #tpu.memory_space<semaphore_mem>>) src(%arg6 : memref<12288xf32, #tpu.memory_space<vmem>>) dst(%dma_wait3A_68 : memref<12288xf32, #tpu.memory_space<vmem_shared>>)
      tpu.yield
    }) : () -> ()
    "tpu.region"() ({
      %run_scoped3A_58 = tpu.sem_alloc : memref<!tpu.dma_semaphore, #tpu.memory_space<semaphore_mem>>
      %dma_start3A = arith.constant 0 : i32
      %dma_start3A_59 = tpu.memref_slice %arg10[%arg1, %dma_start3A] : memref<16x12288xf32, #tpu.memory_space<vmem_shared>> -> memref<1x12288xf32, #tpu.memory_space<vmem_shared>>
      %dma_start3A_60 = tpu.memref_squeeze %dma_start3A_59 : memref<1x12288xf32, #tpu.memory_space<vmem_shared>> -> memref<12288xf32, #tpu.memory_space<vmem_shared>>
      %dma_start3A_61 = arith.constant 0 : i32
      %dma_start3A_62 = tpu.memref_slice %arg10[%arg1, %dma_start3A_61] : memref<16x12288xf32, #tpu.memory_space<vmem_shared>> -> memref<1x12288xf32, #tpu.memory_space<vmem_shared>>
      %dma_start3A_63 = tpu.memref_squeeze %dma_start3A_62 : memref<1x12288xf32, #tpu.memory_space<vmem_shared>> -> memref<12288xf32, #tpu.memory_space<vmem_shared>>
      tpu.enqueue_dma source(%arg7 : memref<12288xf32, #tpu.memory_space<vmem>>) target(%dma_start3A_63 : memref<12288xf32, #tpu.memory_space<vmem_shared>>) target_semaphore(%run_scoped3A_58 : memref<!tpu.dma_semaphore, #tpu.memory_space<semaphore_mem>>)
      %dma_wait3A = arith.constant 0 : i32
      %dma_wait3A_64 = tpu.memref_slice %arg10[%arg1, %dma_wait3A] : memref<16x12288xf32, #tpu.memory_space<vmem_shared>> -> memref<1x12288xf32, #tpu.memory_space<vmem_shared>>
      %dma_wait3A_65 = tpu.memref_squeeze %dma_wait3A_64 : memref<1x12288xf32, #tpu.memory_space<vmem_shared>> -> memref<12288xf32, #tpu.memory_space<vmem_shared>>
      %dma_wait3A_66 = arith.constant 0 : i32
      %dma_wait3A_67 = tpu.memref_slice %arg10[%arg1, %dma_wait3A_66] : memref<16x12288xf32, #tpu.memory_space<vmem_shared>> -> memref<1x12288xf32, #tpu.memory_space<vmem_shared>>
      %dma_wait3A_68 = tpu.memref_squeeze %dma_wait3A_67 : memref<1x12288xf32, #tpu.memory_space<vmem_shared>> -> memref<12288xf32, #tpu.memory_space<vmem_shared>>
      tpu.wait_dma2 semaphore(%run_scoped3A_58 : memref<!tpu.dma_semaphore, #tpu.memory_space<semaphore_mem>>) src(%arg7 : memref<12288xf32, #tpu.memory_space<vmem>>) dst(%dma_wait3A_68 : memref<12288xf32, #tpu.memory_space<vmem_shared>>)
      tpu.yield
    }) : () -> ()
    %barrier3A = arith.constant 0 : index
    tpu.barrier barrier_id(%barrier3A)
    "tpu.region"() ({
      %run_scoped3A_58 = tpu.sem_alloc : memref<!tpu.dma_semaphore, #tpu.memory_space<semaphore_mem>>
      %dma_start3A = arith.constant 0 : i32
      %dma_start3A_59 = tpu.memref_slice %arg9[%dma_start3A, %mul3A_2] : memref<16x12288xf32, #tpu.memory_space<vmem_shared>> -> memref<16x768xf32, #tpu.memory_space<vmem_shared>>
      %dma_start3A_60 = arith.constant 0 : i32
      %dma_start3A_61 = tpu.memref_slice %arg9[%dma_start3A_60, %mul3A_2] : memref<16x12288xf32, #tpu.memory_space<vmem_shared>> -> memref<16x768xf32, #tpu.memory_space<vmem_shared>>
      tpu.enqueue_dma source(%dma_start3A_61 : memref<16x768xf32, #tpu.memory_space<vmem_shared>>) target(%arg8 : memref<16x768xf32, #tpu.memory_space<vmem>>) target_semaphore(%run_scoped3A_58 : memref<!tpu.dma_semaphore, #tpu.memory_space<semaphore_mem>>)
      %dma_wait3A = arith.constant 0 : i32
      %dma_wait3A_62 = tpu.memref_slice %arg9[%dma_wait3A, %mul3A_2] : memref<16x12288xf32, #tpu.memory_space<vmem_shared>> -> memref<16x768xf32, #tpu.memory_space<vmem_shared>>
      %dma_wait3A_63 = arith.constant 0 : i32
      %dma_wait3A_64 = tpu.memref_slice %arg9[%dma_wait3A_63, %mul3A_2] : memref<16x12288xf32, #tpu.memory_space<vmem_shared>> -> memref<16x768xf32, #tpu.memory_space<vmem_shared>>
      tpu.wait_dma2 semaphore(%run_scoped3A_58 : memref<!tpu.dma_semaphore, #tpu.memory_space<semaphore_mem>>) src(%dma_wait3A_64 : memref<16x768xf32, #tpu.memory_space<vmem_shared>>) dst(%arg8 : memref<16x768xf32, #tpu.memory_space<vmem>>)
      tpu.yield
    }) : () -> ()
    %scan3A_44 = arith.constant 0 : i32
    %scan3A_45 = arith.constant 0 : i32
    %scan3A_46 = arith.constant 48 : i32
    %scan3A_47 = arith.addi %scan3A_45, %scan3A_46 : i32
    %scan3A_48 = arith.constant 2 : i32
    %scan3A_49 = scf.for %scan3A_58 = %scan3A_45 to %scan3A_47 step %scan3A_48 iter_args(%scan3A_59 = %scan3A_44) -> (i32)  : i32 {
      %mul3A_60 = arith.constant 16 : i32
      %mul3A_61 = arith.muli %scan3A_58, %mul3A_60 : i32
      %get3A_62 = arith.constant 0 : i32
      %get3A_63 = arith.index_cast %get3A_62 : i32 to index
      %get3A_64 = arith.index_cast %mul3A_61 : i32 to index
      %get3A_65 = tpu.vector_load %arg8[%get3A_63, %get3A_64] {strides = array<i32>} : memref<16x768xf32, #tpu.memory_space<vmem>>, vector<16xf32>,
      %mul3A_66 = arith.constant 16 : i32
      %mul3A_67 = arith.muli %scan3A_58, %mul3A_66 : i32
      %get3A_68 = arith.constant 1 : i32
      %get3A_69 = arith.index_cast %get3A_68 : i32 to index
      %get3A_70 = arith.index_cast %mul3A_67 : i32 to index
      %get3A_71 = tpu.vector_load %arg8[%get3A_69, %get3A_70] {strides = array<i32>} : memref<16x768xf32, #tpu.memory_space<vmem>>, vector<16xf32>,
      %add3A_72 = arith.addf %get3A_65, %get3A_71 : vector<16xf32>
      %mul3A_73 = arith.constant 16 : i32
      %mul3A_74 = arith.muli %scan3A_58, %mul3A_73 : i32
      %get3A_75 = arith.constant 2 : i32
      %get3A_76 = arith.index_cast %get3A_75 : i32 to index
      %get3A_77 = arith.index_cast %mul3A_74 : i32 to index
      %get3A_78 = tpu.vector_load %arg8[%get3A_76, %get3A_77] {strides = array<i32>} : memref<16x768xf32, #tpu.memory_space<vmem>>, vector<16xf32>,
      %add3A_79 = arith.addf %add3A_72, %get3A_78 : vector<16xf32>
      %mul3A_80 = arith.constant 16 : i32
      %mul3A_81 = arith.muli %scan3A_58, %mul3A_80 : i32
      %get3A_82 = arith.constant 3 : i32
      %get3A_83 = arith.index_cast %get3A_82 : i32 to index
      %get3A_84 = arith.index_cast %mul3A_81 : i32 to index
      %get3A_85 = tpu.vector_load %arg8[%get3A_83, %get3A_84] {strides = array<i32>} : memref<16x768xf32, #tpu.memory_space<vmem>>, vector<16xf32>,
      %add3A_86 = arith.addf %add3A_79, %get3A_85 : vector<16xf32>
      %mul3A_87 = arith.constant 16 : i32
      %mul3A_88 = arith.muli %scan3A_58, %mul3A_87 : i32
      %get3A_89 = arith.constant 4 : i32
      %get3A_90 = arith.index_cast %get3A_89 : i32 to index
      %get3A_91 = arith.index_cast %mul3A_88 : i32 to index
      %get3A_92 = tpu.vector_load %arg8[%get3A_90, %get3A_91] {strides = array<i32>} : memref<16x768xf32, #tpu.memory_space<vmem>>, vector<16xf32>,
      %add3A_93 = arith.addf %add3A_86, %get3A_92 : vector<16xf32>
      %mul3A_94 = arith.constant 16 : i32
      %mul3A_95 = arith.muli %scan3A_58, %mul3A_94 : i32
      %get3A_96 = arith.constant 5 : i32
      %get3A_97 = arith.index_cast %get3A_96 : i32 to index
      %get3A_98 = arith.index_cast %mul3A_95 : i32 to index
      %get3A_99 = tpu.vector_load %arg8[%get3A_97, %get3A_98] {strides = array<i32>} : memref<16x768xf32, #tpu.memory_space<vmem>>, vector<16xf32>,
      %add3A_100 = arith.addf %add3A_93, %get3A_99 : vector<16xf32>
      %mul3A_101 = arith.constant 16 : i32
      %mul3A_102 = arith.muli %scan3A_58, %mul3A_101 : i32
      %get3A_103 = arith.constant 6 : i32
      %get3A_104 = arith.index_cast %get3A_103 : i32 to index
      %get3A_105 = arith.index_cast %mul3A_102 : i32 to index
      %get3A_106 = tpu.vector_load %arg8[%get3A_104, %get3A_105] {strides = array<i32>} : memref<16x768xf32, #tpu.memory_space<vmem>>, vector<16xf32>,
      %add3A_107 = arith.addf %add3A_100, %get3A_106 : vector<16xf32>
      %mul3A_108 = arith.constant 16 : i32
      %mul3A_109 = arith.muli %scan3A_58, %mul3A_108 : i32
      %get3A_110 = arith.constant 7 : i32
      %get3A_111 = arith.index_cast %get3A_110 : i32 to index
      %get3A_112 = arith.index_cast %mul3A_109 : i32 to index
      %get3A_113 = tpu.vector_load %arg8[%get3A_111, %get3A_112] {strides = array<i32>} : memref<16x768xf32, #tpu.memory_space<vmem>>, vector<16xf32>,
      %add3A_114 = arith.addf %add3A_107, %get3A_113 : vector<16xf32>
      %mul3A_115 = arith.constant 16 : i32
      %mul3A_116 = arith.muli %scan3A_58, %mul3A_115 : i32
      %get3A_117 = arith.constant 8 : i32
      %get3A_118 = arith.index_cast %get3A_117 : i32 to index
      %get3A_119 = arith.index_cast %mul3A_116 : i32 to index
      %get3A_120 = tpu.vector_load %arg8[%get3A_118, %get3A_119] {strides = array<i32>} : memref<16x768xf32, #tpu.memory_space<vmem>>, vector<16xf32>,
      %add3A_121 = arith.addf %add3A_114, %get3A_120 : vector<16xf32>
      %mul3A_122 = arith.constant 16 : i32
      %mul3A_123 = arith.muli %scan3A_58, %mul3A_122 : i32
      %get3A_124 = arith.constant 9 : i32
      %get3A_125 = arith.index_cast %get3A_124 : i32 to index
      %get3A_126 = arith.index_cast %mul3A_123 : i32 to index
      %get3A_127 = tpu.vector_load %arg8[%get3A_125, %get3A_126] {strides = array<i32>} : memref<16x768xf32, #tpu.memory_space<vmem>>, vector<16xf32>,
      %add3A_128 = arith.addf %add3A_121, %get3A_127 : vector<16xf32>
      %mul3A_129 = arith.constant 16 : i32
      %mul3A_130 = arith.muli %scan3A_58, %mul3A_129 : i32
      %get3A_131 = arith.constant 10 : i32
      %get3A_132 = arith.index_cast %get3A_131 : i32 to index
      %get3A_133 = arith.index_cast %mul3A_130 : i32 to index
      %get3A_134 = tpu.vector_load %arg8[%get3A_132, %get3A_133] {strides = array<i32>} : memref<16x768xf32, #tpu.memory_space<vmem>>, vector<16xf32>,
      %add3A_135 = arith.addf %add3A_128, %get3A_134 : vector<16xf32>
      %mul3A_136 = arith.constant 16 : i32
      %mul3A_137 = arith.muli %scan3A_58, %mul3A_136 : i32
      %get3A_138 = arith.constant 11 : i32
      %get3A_139 = arith.index_cast %get3A_138 : i32 to index
      %get3A_140 = arith.index_cast %mul3A_137 : i32 to index
      %get3A_141 = tpu.vector_load %arg8[%get3A_139, %get3A_140] {strides = array<i32>} : memref<16x768xf32, #tpu.memory_space<vmem>>, vector<16xf32>,
      %add3A_142 = arith.addf %add3A_135, %get3A_141 : vector<16xf32>
      %mul3A_143 = arith.constant 16 : i32
      %mul3A_144 = arith.muli %scan3A_58, %mul3A_143 : i32
      %get3A_145 = arith.constant 12 : i32
      %get3A_146 = arith.index_cast %get3A_145 : i32 to index
      %get3A_147 = arith.index_cast %mul3A_144 : i32 to index
      %get3A_148 = tpu.vector_load %arg8[%get3A_146, %get3A_147] {strides = array<i32>} : memref<16x768xf32, #tpu.memory_space<vmem>>, vector<16xf32>,
      %add3A_149 = arith.addf %add3A_142, %get3A_148 : vector<16xf32>
      %mul3A_150 = arith.constant 16 : i32
      %mul3A_151 = arith.muli %scan3A_58, %mul3A_150 : i32
      %get3A_152 = arith.constant 13 : i32
      %get3A_153 = arith.index_cast %get3A_152 : i32 to index
      %get3A_154 = arith.index_cast %mul3A_151 : i32 to index
      %get3A_155 = tpu.vector_load %arg8[%get3A_153, %get3A_154] {strides = array<i32>} : memref<16x768xf32, #tpu.memory_space<vmem>>, vector<16xf32>,
      %add3A_156 = arith.addf %add3A_149, %get3A_155 : vector<16xf32>
      %mul3A_157 = arith.constant 16 : i32
      %mul3A_158 = arith.muli %scan3A_58, %mul3A_157 : i32
      %get3A_159 = arith.constant 14 : i32
      %get3A_160 = arith.index_cast %get3A_159 : i32 to index
      %get3A_161 = arith.index_cast %mul3A_158 : i32 to index
      %get3A_162 = tpu.vector_load %arg8[%get3A_160, %get3A_161] {strides = array<i32>} : memref<16x768xf32, #tpu.memory_space<vmem>>, vector<16xf32>,
      %add3A_163 = arith.addf %add3A_156, %get3A_162 : vector<16xf32>
      %mul3A_164 = arith.constant 16 : i32
      %mul3A_165 = arith.muli %scan3A_58, %mul3A_164 : i32
      %get3A_166 = arith.constant 15 : i32
      %get3A_167 = arith.index_cast %get3A_166 : i32 to index
      %get3A_168 = arith.index_cast %mul3A_165 : i32 to index
      %get3A_169 = tpu.vector_load %arg8[%get3A_167, %get3A_168] {strides = array<i32>} : memref<16x768xf32, #tpu.memory_space<vmem>>, vector<16xf32>,
      %add3A_170 = arith.addf %add3A_163, %get3A_169 : vector<16xf32>
      %mul3A_171 = arith.constant 16 : i32
      %mul3A_172 = arith.muli %scan3A_58, %mul3A_171 : i32
      %swap3A = arith.index_cast %mul3A_172 : i32 to index
      %swap3A_173 = tpu.vector_load %arg6[%swap3A] {strides = array<i32>} : memref<12288xf32, #tpu.memory_space<vmem>>, vector<16xf32>,
      tpu.vector_store %arg6[%swap3A], %add3A_170 {strides = array<i32>} : memref<12288xf32, #tpu.memory_space<vmem>>, vector<16xf32>,
      %scan3A_174 = arith.constant 0 : i32
      %scan3A_175 = arith.constant 1 : i32
      %scan3A_176 = arith.addi %scan3A_58, %scan3A_175 : i32
      %mul3A_177 = arith.constant 16 : i32
      %mul3A_178 = arith.muli %scan3A_176, %mul3A_177 : i32
      %get3A_179 = arith.constant 0 : i32
      %get3A_180 = arith.index_cast %get3A_179 : i32 to index
      %get3A_181 = arith.index_cast %mul3A_178 : i32 to index
      %get3A_182 = tpu.vector_load %arg8[%get3A_180, %get3A_181] {strides = array<i32>} : memref<16x768xf32, #tpu.memory_space<vmem>>, vector<16xf32>,
      %mul3A_183 = arith.constant 16 : i32
      %mul3A_184 = arith.muli %scan3A_176, %mul3A_183 : i32
      %get3A_185 = arith.constant 1 : i32
      %get3A_186 = arith.index_cast %get3A_185 : i32 to index
      %get3A_187 = arith.index_cast %mul3A_184 : i32 to index
      %get3A_188 = tpu.vector_load %arg8[%get3A_186, %get3A_187] {strides = array<i32>} : memref<16x768xf32, #tpu.memory_space<vmem>>, vector<16xf32>,
      %add3A_189 = arith.addf %get3A_182, %get3A_188 : vector<16xf32>
      %mul3A_190 = arith.constant 16 : i32
      %mul3A_191 = arith.muli %scan3A_176, %mul3A_190 : i32
      %get3A_192 = arith.constant 2 : i32
      %get3A_193 = arith.index_cast %get3A_192 : i32 to index
      %get3A_194 = arith.index_cast %mul3A_191 : i32 to index
      %get3A_195 = tpu.vector_load %arg8[%get3A_193, %get3A_194] {strides = array<i32>} : memref<16x768xf32, #tpu.memory_space<vmem>>, vector<16xf32>,
      %add3A_196 = arith.addf %add3A_189, %get3A_195 : vector<16xf32>
      %mul3A_197 = arith.constant 16 : i32
      %mul3A_198 = arith.muli %scan3A_176, %mul3A_197 : i32
      %get3A_199 = arith.constant 3 : i32
      %get3A_200 = arith.index_cast %get3A_199 : i32 to index
      %get3A_201 = arith.index_cast %mul3A_198 : i32 to index
      %get3A_202 = tpu.vector_load %arg8[%get3A_200, %get3A_201] {strides = array<i32>} : memref<16x768xf32, #tpu.memory_space<vmem>>, vector<16xf32>,
      %add3A_203 = arith.addf %add3A_196, %get3A_202 : vector<16xf32>
      %mul3A_204 = arith.constant 16 : i32
      %mul3A_205 = arith.muli %scan3A_176, %mul3A_204 : i32
      %get3A_206 = arith.constant 4 : i32
      %get3A_207 = arith.index_cast %get3A_206 : i32 to index
      %get3A_208 = arith.index_cast %mul3A_205 : i32 to index
      %get3A_209 = tpu.vector_load %arg8[%get3A_207, %get3A_208] {strides = array<i32>} : memref<16x768xf32, #tpu.memory_space<vmem>>, vector<16xf32>,
      %add3A_210 = arith.addf %add3A_203, %get3A_209 : vector<16xf32>
      %mul3A_211 = arith.constant 16 : i32
      %mul3A_212 = arith.muli %scan3A_176, %mul3A_211 : i32
      %get3A_213 = arith.constant 5 : i32
      %get3A_214 = arith.index_cast %get3A_213 : i32 to index
      %get3A_215 = arith.index_cast %mul3A_212 : i32 to index
      %get3A_216 = tpu.vector_load %arg8[%get3A_214, %get3A_215] {strides = array<i32>} : memref<16x768xf32, #tpu.memory_space<vmem>>, vector<16xf32>,
      %add3A_217 = arith.addf %add3A_210, %get3A_216 : vector<16xf32>
      %mul3A_218 = arith.constant 16 : i32
      %mul3A_219 = arith.muli %scan3A_176, %mul3A_218 : i32
      %get3A_220 = arith.constant 6 : i32
      %get3A_221 = arith.index_cast %get3A_220 : i32 to index
      %get3A_222 = arith.index_cast %mul3A_219 : i32 to index
      %get3A_223 = tpu.vector_load %arg8[%get3A_221, %get3A_222] {strides = array<i32>} : memref<16x768xf32, #tpu.memory_space<vmem>>, vector<16xf32>,
      %add3A_224 = arith.addf %add3A_217, %get3A_223 : vector<16xf32>
      %mul3A_225 = arith.constant 16 : i32
      %mul3A_226 = arith.muli %scan3A_176, %mul3A_225 : i32
      %get3A_227 = arith.constant 7 : i32
      %get3A_228 = arith.index_cast %get3A_227 : i32 to index
      %get3A_229 = arith.index_cast %mul3A_226 : i32 to index
      %get3A_230 = tpu.vector_load %arg8[%get3A_228, %get3A_229] {strides = array<i32>} : memref<16x768xf32, #tpu.memory_space<vmem>>, vector<16xf32>,
      %add3A_231 = arith.addf %add3A_224, %get3A_230 : vector<16xf32>
      %mul3A_232 = arith.constant 16 : i32
      %mul3A_233 = arith.muli %scan3A_176, %mul3A_232 : i32
      %get3A_234 = arith.constant 8 : i32
      %get3A_235 = arith.index_cast %get3A_234 : i32 to index
      %get3A_236 = arith.index_cast %mul3A_233 : i32 to index
      %get3A_237 = tpu.vector_load %arg8[%get3A_235, %get3A_236] {strides = array<i32>} : memref<16x768xf32, #tpu.memory_space<vmem>>, vector<16xf32>,
      %add3A_238 = arith.addf %add3A_231, %get3A_237 : vector<16xf32>
      %mul3A_239 = arith.constant 16 : i32
      %mul3A_240 = arith.muli %scan3A_176, %mul3A_239 : i32
      %get3A_241 = arith.constant 9 : i32
      %get3A_242 = arith.index_cast %get3A_241 : i32 to index
      %get3A_243 = arith.index_cast %mul3A_240 : i32 to index
      %get3A_244 = tpu.vector_load %arg8[%get3A_242, %get3A_243] {strides = array<i32>} : memref<16x768xf32, #tpu.memory_space<vmem>>, vector<16xf32>,
      %add3A_245 = arith.addf %add3A_238, %get3A_244 : vector<16xf32>
      %mul3A_246 = arith.constant 16 : i32
      %mul3A_247 = arith.muli %scan3A_176, %mul3A_246 : i32
      %get3A_248 = arith.constant 10 : i32
      %get3A_249 = arith.index_cast %get3A_248 : i32 to index
      %get3A_250 = arith.index_cast %mul3A_247 : i32 to index
      %get3A_251 = tpu.vector_load %arg8[%get3A_249, %get3A_250] {strides = array<i32>} : memref<16x768xf32, #tpu.memory_space<vmem>>, vector<16xf32>,
      %add3A_252 = arith.addf %add3A_245, %get3A_251 : vector<16xf32>
      %mul3A_253 = arith.constant 16 : i32
      %mul3A_254 = arith.muli %scan3A_176, %mul3A_253 : i32
      %get3A_255 = arith.constant 11 : i32
      %get3A_256 = arith.index_cast %get3A_255 : i32 to index
      %get3A_257 = arith.index_cast %mul3A_254 : i32 to index
      %get3A_258 = tpu.vector_load %arg8[%get3A_256, %get3A_257] {strides = array<i32>} : memref<16x768xf32, #tpu.memory_space<vmem>>, vector<16xf32>,
      %add3A_259 = arith.addf %add3A_252, %get3A_258 : vector<16xf32>
      %mul3A_260 = arith.constant 16 : i32
      %mul3A_261 = arith.muli %scan3A_176, %mul3A_260 : i32
      %get3A_262 = arith.constant 12 : i32
      %get3A_263 = arith.index_cast %get3A_262 : i32 to index
      %get3A_264 = arith.index_cast %mul3A_261 : i32 to index
      %get3A_265 = tpu.vector_load %arg8[%get3A_263, %get3A_264] {strides = array<i32>} : memref<16x768xf32, #tpu.memory_space<vmem>>, vector<16xf32>,
      %add3A_266 = arith.addf %add3A_259, %get3A_265 : vector<16xf32>
      %mul3A_267 = arith.constant 16 : i32
      %mul3A_268 = arith.muli %scan3A_176, %mul3A_267 : i32
      %get3A_269 = arith.constant 13 : i32
      %get3A_270 = arith.index_cast %get3A_269 : i32 to index
      %get3A_271 = arith.index_cast %mul3A_268 : i32 to index
      %get3A_272 = tpu.vector_load %arg8[%get3A_270, %get3A_271] {strides = array<i32>} : memref<16x768xf32, #tpu.memory_space<vmem>>, vector<16xf32>,
      %add3A_273 = arith.addf %add3A_266, %get3A_272 : vector<16xf32>
      %mul3A_274 = arith.constant 16 : i32
      %mul3A_275 = arith.muli %scan3A_176, %mul3A_274 : i32
      %get3A_276 = arith.constant 14 : i32
      %get3A_277 = arith.index_cast %get3A_276 : i32 to index
      %get3A_278 = arith.index_cast %mul3A_275 : i32 to index
      %get3A_279 = tpu.vector_load %arg8[%get3A_277, %get3A_278] {strides = array<i32>} : memref<16x768xf32, #tpu.memory_space<vmem>>, vector<16xf32>,
      %add3A_280 = arith.addf %add3A_273, %get3A_279 : vector<16xf32>
      %mul3A_281 = arith.constant 16 : i32
      %mul3A_282 = arith.muli %scan3A_176, %mul3A_281 : i32
      %get3A_283 = arith.constant 15 : i32
      %get3A_284 = arith.index_cast %get3A_283 : i32 to index
      %get3A_285 = arith.index_cast %mul3A_282 : i32 to index
      %get3A_286 = tpu.vector_load %arg8[%get3A_284, %get3A_285] {strides = array<i32>} : memref<16x768xf32, #tpu.memory_space<vmem>>, vector<16xf32>,
      %add3A_287 = arith.addf %add3A_280, %get3A_286 : vector<16xf32>
      %mul3A_288 = arith.constant 16 : i32
      %mul3A_289 = arith.muli %scan3A_176, %mul3A_288 : i32
      %swap3A_290 = arith.index_cast %mul3A_289 : i32 to index
      %swap3A_291 = tpu.vector_load %arg6[%swap3A_290] {strides = array<i32>} : memref<12288xf32, #tpu.memory_space<vmem>>, vector<16xf32>,
      tpu.vector_store %arg6[%swap3A_290], %add3A_287 {strides = array<i32>} : memref<12288xf32, #tpu.memory_space<vmem>>, vector<16xf32>,
      %scan3A_292 = arith.constant 0 : i32
      scf.yield %scan3A_292 : i32
    }
    %scan3A_50 = arith.constant 48 : i32
    "tpu.region"() ({
      %run_scoped3A_58 = tpu.sem_alloc : memref<!tpu.dma_semaphore, #tpu.memory_space<semaphore_mem>>
      %dma_start3A = arith.constant 0 : i32
      %dma_start3A_59 = tpu.memref_slice %arg6[%dma_start3A] : memref<12288xf32, #tpu.memory_space<vmem>> -> memref<768xf32, #tpu.memory_space<vmem>>
      %dma_start3A_60 = tpu.memref_slice %arg3[%arg0, %mul3A_2] : memref<2x12288xf32, #tpu.memory_space<hbm>> -> memref<1x768xf32, #tpu.memory_space<hbm>>
      %dma_start3A_61 = tpu.memref_squeeze %dma_start3A_60 : memref<1x768xf32, #tpu.memory_space<hbm>> -> memref<768xf32, #tpu.memory_space<hbm>>
      %dma_start3A_62 = tpu.memref_slice %arg3[%arg0, %mul3A_2] : memref<2x12288xf32, #tpu.memory_space<hbm>> -> memref<1x768xf32, #tpu.memory_space<hbm>>
      %dma_start3A_63 = tpu.memref_squeeze %dma_start3A_62 : memref<1x768xf32, #tpu.memory_space<hbm>> -> memref<768xf32, #tpu.memory_space<hbm>>
      %dma_start3A_64 = arith.constant 0 : i32
      %dma_start3A_65 = tpu.memref_slice %arg6[%dma_start3A_64] : memref<12288xf32, #tpu.memory_space<vmem>> -> memref<768xf32, #tpu.memory_space<vmem>>
      tpu.enqueue_dma source(%dma_start3A_65 : memref<768xf32, #tpu.memory_space<vmem>>) target(%dma_start3A_63 : memref<768xf32, #tpu.memory_space<hbm>>) target_semaphore(%run_scoped3A_58 : memref<!tpu.dma_semaphore, #tpu.memory_space<semaphore_mem>>)
      %dma_wait3A = arith.constant 0 : i32
      %dma_wait3A_66 = tpu.memref_slice %arg6[%dma_wait3A] : memref<12288xf32, #tpu.memory_space<vmem>> -> memref<768xf32, #tpu.memory_space<vmem>>
      %dma_wait3A_67 = tpu.memref_slice %arg3[%arg0, %mul3A_2] : memref<2x12288xf32, #tpu.memory_space<hbm>> -> memref<1x768xf32, #tpu.memory_space<hbm>>
      %dma_wait3A_68 = tpu.memref_squeeze %dma_wait3A_67 : memref<1x768xf32, #tpu.memory_space<hbm>> -> memref<768xf32, #tpu.memory_space<hbm>>
      %dma_wait3A_69 = tpu.memref_slice %arg3[%arg0, %mul3A_2] : memref<2x12288xf32, #tpu.memory_space<hbm>> -> memref<1x768xf32, #tpu.memory_space<hbm>>
      %dma_wait3A_70 = tpu.memref_squeeze %dma_wait3A_69 : memref<1x768xf32, #tpu.memory_space<hbm>> -> memref<768xf32, #tpu.memory_space<hbm>>
      %dma_wait3A_71 = arith.constant 0 : i32
      %dma_wait3A_72 = tpu.memref_slice %arg6[%dma_wait3A_71] : memref<12288xf32, #tpu.memory_space<vmem>> -> memref<768xf32, #tpu.memory_space<vmem>>
      tpu.wait_dma2 semaphore(%run_scoped3A_58 : memref<!tpu.dma_semaphore, #tpu.memory_space<semaphore_mem>>) src(%dma_wait3A_72 : memref<768xf32, #tpu.memory_space<vmem>>) dst(%dma_wait3A_70 : memref<768xf32, #tpu.memory_space<hbm>>)
      tpu.yield
    }) : () -> ()
    "tpu.region"() ({
      %run_scoped3A_58 = tpu.sem_alloc : memref<!tpu.dma_semaphore, #tpu.memory_space<semaphore_mem>>
      %dma_start3A = arith.constant 0 : i32
      %dma_start3A_59 = tpu.memref_slice %arg10[%dma_start3A, %mul3A_2] : memref<16x12288xf32, #tpu.memory_space<vmem_shared>> -> memref<16x768xf32, #tpu.memory_space<vmem_shared>>
      %dma_start3A_60 = arith.constant 0 : i32
      %dma_start3A_61 = tpu.memref_slice %arg10[%dma_start3A_60, %mul3A_2] : memref<16x12288xf32, #tpu.memory_space<vmem_shared>> -> memref<16x768xf32, #tpu.memory_space<vmem_shared>>
      tpu.enqueue_dma source(%dma_start3A_61 : memref<16x768xf32, #tpu.memory_space<vmem_shared>>) target(%arg8 : memref<16x768xf32, #tpu.memory_space<vmem>>) target_semaphore(%run_scoped3A_58 : memref<!tpu.dma_semaphore, #tpu.memory_space<semaphore_mem>>)
      %dma_wait3A = arith.constant 0 : i32
      %dma_wait3A_62 = tpu.memref_slice %arg10[%dma_wait3A, %mul3A_2] : memref<16x12288xf32, #tpu.memory_space<vmem_shared>> -> memref<16x768xf32, #tpu.memory_space<vmem_shared>>
      %dma_wait3A_63 = arith.constant 0 : i32
      %dma_wait3A_64 = tpu.memref_slice %arg10[%dma_wait3A_63, %mul3A_2] : memref<16x12288xf32, #tpu.memory_space<vmem_shared>> -> memref<16x768xf32, #tpu.memory_space<vmem_shared>>
      tpu.wait_dma2 semaphore(%run_scoped3A_58 : memref<!tpu.dma_semaphore, #tpu.memory_space<semaphore_mem>>) src(%dma_wait3A_64 : memref<16x768xf32, #tpu.memory_space<vmem_shared>>) dst(%arg8 : memref<16x768xf32, #tpu.memory_space<vmem>>)
      tpu.yield
    }) : () -> ()
    %scan3A_51 = arith.constant 0 : i32
    %scan3A_52 = arith.constant 0 : i32
    %scan3A_53 = arith.constant 48 : i32
    %scan3A_54 = arith.addi %scan3A_52, %scan3A_53 : i32
    %scan3A_55 = arith.constant 2 : i32
    %scan3A_56 = scf.for %scan3A_58 = %scan3A_52 to %scan3A_54 step %scan3A_55 iter_args(%scan3A_59 = %scan3A_51) -> (i32)  : i32 {
      %mul3A_60 = arith.constant 16 : i32
      %mul3A_61 = arith.muli %scan3A_58, %mul3A_60 : i32
      %get3A_62 = arith.constant 0 : i32
      %get3A_63 = arith.index_cast %get3A_62 : i32 to index
      %get3A_64 = arith.index_cast %mul3A_61 : i32 to index
      %get3A_65 = tpu.vector_load %arg8[%get3A_63, %get3A_64] {strides = array<i32>} : memref<16x768xf32, #tpu.memory_space<vmem>>, vector<16xf32>,
      %mul3A_66 = arith.constant 16 : i32
      %mul3A_67 = arith.muli %scan3A_58, %mul3A_66 : i32
      %get3A_68 = arith.constant 1 : i32
      %get3A_69 = arith.index_cast %get3A_68 : i32 to index
      %get3A_70 = arith.index_cast %mul3A_67 : i32 to index
      %get3A_71 = tpu.vector_load %arg8[%get3A_69, %get3A_70] {strides = array<i32>} : memref<16x768xf32, #tpu.memory_space<vmem>>, vector<16xf32>,
      %add3A_72 = arith.addf %get3A_65, %get3A_71 : vector<16xf32>
      %mul3A_73 = arith.constant 16 : i32
      %mul3A_74 = arith.muli %scan3A_58, %mul3A_73 : i32
      %get3A_75 = arith.constant 2 : i32
      %get3A_76 = arith.index_cast %get3A_75 : i32 to index
      %get3A_77 = arith.index_cast %mul3A_74 : i32 to index
      %get3A_78 = tpu.vector_load %arg8[%get3A_76, %get3A_77] {strides = array<i32>} : memref<16x768xf32, #tpu.memory_space<vmem>>, vector<16xf32>,
      %add3A_79 = arith.addf %add3A_72, %get3A_78 : vector<16xf32>
      %mul3A_80 = arith.constant 16 : i32
      %mul3A_81 = arith.muli %scan3A_58, %mul3A_80 : i32
      %get3A_82 = arith.constant 3 : i32
      %get3A_83 = arith.index_cast %get3A_82 : i32 to index
      %get3A_84 = arith.index_cast %mul3A_81 : i32 to index
      %get3A_85 = tpu.vector_load %arg8[%get3A_83, %get3A_84] {strides = array<i32>} : memref<16x768xf32, #tpu.memory_space<vmem>>, vector<16xf32>,
      %add3A_86 = arith.addf %add3A_79, %get3A_85 : vector<16xf32>
      %mul3A_87 = arith.constant 16 : i32
      %mul3A_88 = arith.muli %scan3A_58, %mul3A_87 : i32
      %get3A_89 = arith.constant 4 : i32
      %get3A_90 = arith.index_cast %get3A_89 : i32 to index
      %get3A_91 = arith.index_cast %mul3A_88 : i32 to index
      %get3A_92 = tpu.vector_load %arg8[%get3A_90, %get3A_91] {strides = array<i32>} : memref<16x768xf32, #tpu.memory_space<vmem>>, vector<16xf32>,
      %add3A_93 = arith.addf %add3A_86, %get3A_92 : vector<16xf32>
      %mul3A_94 = arith.constant 16 : i32
      %mul3A_95 = arith.muli %scan3A_58, %mul3A_94 : i32
      %get3A_96 = arith.constant 5 : i32
      %get3A_97 = arith.index_cast %get3A_96 : i32 to index
      %get3A_98 = arith.index_cast %mul3A_95 : i32 to index
      %get3A_99 = tpu.vector_load %arg8[%get3A_97, %get3A_98] {strides = array<i32>} : memref<16x768xf32, #tpu.memory_space<vmem>>, vector<16xf32>,
      %add3A_100 = arith.addf %add3A_93, %get3A_99 : vector<16xf32>
      %mul3A_101 = arith.constant 16 : i32
      %mul3A_102 = arith.muli %scan3A_58, %mul3A_101 : i32
      %get3A_103 = arith.constant 6 : i32
      %get3A_104 = arith.index_cast %get3A_103 : i32 to index
      %get3A_105 = arith.index_cast %mul3A_102 : i32 to index
      %get3A_106 = tpu.vector_load %arg8[%get3A_104, %get3A_105] {strides = array<i32>} : memref<16x768xf32, #tpu.memory_space<vmem>>, vector<16xf32>,
      %add3A_107 = arith.addf %add3A_100, %get3A_106 : vector<16xf32>
      %mul3A_108 = arith.constant 16 : i32
      %mul3A_109 = arith.muli %scan3A_58, %mul3A_108 : i32
      %get3A_110 = arith.constant 7 : i32
      %get3A_111 = arith.index_cast %get3A_110 : i32 to index
      %get3A_112 = arith.index_cast %mul3A_109 : i32 to index
      %get3A_113 = tpu.vector_load %arg8[%get3A_111, %get3A_112] {strides = array<i32>} : memref<16x768xf32, #tpu.memory_space<vmem>>, vector<16xf32>,
      %add3A_114 = arith.addf %add3A_107, %get3A_113 : vector<16xf32>
      %mul3A_115 = arith.constant 16 : i32
      %mul3A_116 = arith.muli %scan3A_58, %mul3A_115 : i32
      %get3A_117 = arith.constant 8 : i32
      %get3A_118 = arith.index_cast %get3A_117 : i32 to index
      %get3A_119 = arith.index_cast %mul3A_116 : i32 to index
      %get3A_120 = tpu.vector_load %arg8[%get3A_118, %get3A_119] {strides = array<i32>} : memref<16x768xf32, #tpu.memory_space<vmem>>, vector<16xf32>,
      %add3A_121 = arith.addf %add3A_114, %get3A_120 : vector<16xf32>
      %mul3A_122 = arith.constant 16 : i32
      %mul3A_123 = arith.muli %scan3A_58, %mul3A_122 : i32
      %get3A_124 = arith.constant 9 : i32
      %get3A_125 = arith.index_cast %get3A_124 : i32 to index
      %get3A_126 = arith.index_cast %mul3A_123 : i32 to index
      %get3A_127 = tpu.vector_load %arg8[%get3A_125, %get3A_126] {strides = array<i32>} : memref<16x768xf32, #tpu.memory_space<vmem>>, vector<16xf32>,
      %add3A_128 = arith.addf %add3A_121, %get3A_127 : vector<16xf32>
      %mul3A_129 = arith.constant 16 : i32
      %mul3A_130 = arith.muli %scan3A_58, %mul3A_129 : i32
      %get3A_131 = arith.constant 10 : i32
      %get3A_132 = arith.index_cast %get3A_131 : i32 to index
      %get3A_133 = arith.index_cast %mul3A_130 : i32 to index
      %get3A_134 = tpu.vector_load %arg8[%get3A_132, %get3A_133] {strides = array<i32>} : memref<16x768xf32, #tpu.memory_space<vmem>>, vector<16xf32>,
      %add3A_135 = arith.addf %add3A_128, %get3A_134 : vector<16xf32>
      %mul3A_136 = arith.constant 16 : i32
      %mul3A_137 = arith.muli %scan3A_58, %mul3A_136 : i32
      %get3A_138 = arith.constant 11 : i32
      %get3A_139 = arith.index_cast %get3A_138 : i32 to index
      %get3A_140 = arith.index_cast %mul3A_137 : i32 to index
      %get3A_141 = tpu.vector_load %arg8[%get3A_139, %get3A_140] {strides = array<i32>} : memref<16x768xf32, #tpu.memory_space<vmem>>, vector<16xf32>,
      %add3A_142 = arith.addf %add3A_135, %get3A_141 : vector<16xf32>
      %mul3A_143 = arith.constant 16 : i32
      %mul3A_144 = arith.muli %scan3A_58, %mul3A_143 : i32
      %get3A_145 = arith.constant 12 : i32
      %get3A_146 = arith.index_cast %get3A_145 : i32 to index
      %get3A_147 = arith.index_cast %mul3A_144 : i32 to index
      %get3A_148 = tpu.vector_load %arg8[%get3A_146, %get3A_147] {strides = array<i32>} : memref<16x768xf32, #tpu.memory_space<vmem>>, vector<16xf32>,
      %add3A_149 = arith.addf %add3A_142, %get3A_148 : vector<16xf32>
      %mul3A_150 = arith.constant 16 : i32
      %mul3A_151 = arith.muli %scan3A_58, %mul3A_150 : i32
      %get3A_152 = arith.constant 13 : i32
      %get3A_153 = arith.index_cast %get3A_152 : i32 to index
      %get3A_154 = arith.index_cast %mul3A_151 : i32 to index
      %get3A_155 = tpu.vector_load %arg8[%get3A_153, %get3A_154] {strides = array<i32>} : memref<16x768xf32, #tpu.memory_space<vmem>>, vector<16xf32>,
      %add3A_156 = arith.addf %add3A_149, %get3A_155 : vector<16xf32>
      %mul3A_157 = arith.constant 16 : i32
      %mul3A_158 = arith.muli %scan3A_58, %mul3A_157 : i32
      %get3A_159 = arith.constant 14 : i32
      %get3A_160 = arith.index_cast %get3A_159 : i32 to index
      %get3A_161 = arith.index_cast %mul3A_158 : i32 to index
      %get3A_162 = tpu.vector_load %arg8[%get3A_160, %get3A_161] {strides = array<i32>} : memref<16x768xf32, #tpu.memory_space<vmem>>, vector<16xf32>,
      %add3A_163 = arith.addf %add3A_156, %get3A_162 : vector<16xf32>
      %mul3A_164 = arith.constant 16 : i32
      %mul3A_165 = arith.muli %scan3A_58, %mul3A_164 : i32
      %get3A_166 = arith.constant 15 : i32
      %get3A_167 = arith.index_cast %get3A_166 : i32 to index
      %get3A_168 = arith.index_cast %mul3A_165 : i32 to index
      %get3A_169 = tpu.vector_load %arg8[%get3A_167, %get3A_168] {strides = array<i32>} : memref<16x768xf32, #tpu.memory_space<vmem>>, vector<16xf32>,
      %add3A_170 = arith.addf %add3A_163, %get3A_169 : vector<16xf32>
      %mul3A_171 = arith.constant 16 : i32
      %mul3A_172 = arith.muli %scan3A_58, %mul3A_171 : i32
      %swap3A = arith.index_cast %mul3A_172 : i32 to index
      %swap3A_173 = tpu.vector_load %arg6[%swap3A] {strides = array<i32>} : memref<12288xf32, #tpu.memory_space<vmem>>, vector<16xf32>,
      tpu.vector_store %arg6[%swap3A], %add3A_170 {strides = array<i32>} : memref<12288xf32, #tpu.memory_space<vmem>>, vector<16xf32>,
      %scan3A_174 = arith.constant 0 : i32
      %scan3A_175 = arith.constant 1 : i32
      %scan3A_176 = arith.addi %scan3A_58, %scan3A_175 : i32
      %mul3A_177 = arith.constant 16 : i32
      %mul3A_178 = arith.muli %scan3A_176, %mul3A_177 : i32
      %get3A_179 = arith.constant 0 : i32
      %get3A_180 = arith.index_cast %get3A_179 : i32 to index
      %get3A_181 = arith.index_cast %mul3A_178 : i32 to index
      %get3A_182 = tpu.vector_load %arg8[%get3A_180, %get3A_181] {strides = array<i32>} : memref<16x768xf32, #tpu.memory_space<vmem>>, vector<16xf32>,
      %mul3A_183 = arith.constant 16 : i32
      %mul3A_184 = arith.muli %scan3A_176, %mul3A_183 : i32
      %get3A_185 = arith.constant 1 : i32
      %get3A_186 = arith.index_cast %get3A_185 : i32 to index
      %get3A_187 = arith.index_cast %mul3A_184 : i32 to index
      %get3A_188 = tpu.vector_load %arg8[%get3A_186, %get3A_187] {strides = array<i32>} : memref<16x768xf32, #tpu.memory_space<vmem>>, vector<16xf32>,
      %add3A_189 = arith.addf %get3A_182, %get3A_188 : vector<16xf32>
      %mul3A_190 = arith.constant 16 : i32
      %mul3A_191 = arith.muli %scan3A_176, %mul3A_190 : i32
      %get3A_192 = arith.constant 2 : i32
      %get3A_193 = arith.index_cast %get3A_192 : i32 to index
      %get3A_194 = arith.index_cast %mul3A_191 : i32 to index
      %get3A_195 = tpu.vector_load %arg8[%get3A_193, %get3A_194] {strides = array<i32>} : memref<16x768xf32, #tpu.memory_space<vmem>>, vector<16xf32>,
      %add3A_196 = arith.addf %add3A_189, %get3A_195 : vector<16xf32>
      %mul3A_197 = arith.constant 16 : i32
      %mul3A_198 = arith.muli %scan3A_176, %mul3A_197 : i32
      %get3A_199 = arith.constant 3 : i32
      %get3A_200 = arith.index_cast %get3A_199 : i32 to index
      %get3A_201 = arith.index_cast %mul3A_198 : i32 to index
      %get3A_202 = tpu.vector_load %arg8[%get3A_200, %get3A_201] {strides = array<i32>} : memref<16x768xf32, #tpu.memory_space<vmem>>, vector<16xf32>,
      %add3A_203 = arith.addf %add3A_196, %get3A_202 : vector<16xf32>
      %mul3A_204 = arith.constant 16 : i32
      %mul3A_205 = arith.muli %scan3A_176, %mul3A_204 : i32
      %get3A_206 = arith.constant 4 : i32
      %get3A_207 = arith.index_cast %get3A_206 : i32 to index
      %get3A_208 = arith.index_cast %mul3A_205 : i32 to index
      %get3A_209 = tpu.vector_load %arg8[%get3A_207, %get3A_208] {strides = array<i32>} : memref<16x768xf32, #tpu.memory_space<vmem>>, vector<16xf32>,
      %add3A_210 = arith.addf %add3A_203, %get3A_209 : vector<16xf32>
      %mul3A_211 = arith.constant 16 : i32
      %mul3A_212 = arith.muli %scan3A_176, %mul3A_211 : i32
      %get3A_213 = arith.constant 5 : i32
      %get3A_214 = arith.index_cast %get3A_213 : i32 to index
      %get3A_215 = arith.index_cast %mul3A_212 : i32 to index
      %get3A_216 = tpu.vector_load %arg8[%get3A_214, %get3A_215] {strides = array<i32>} : memref<16x768xf32, #tpu.memory_space<vmem>>, vector<16xf32>,
      %add3A_217 = arith.addf %add3A_210, %get3A_216 : vector<16xf32>
      %mul3A_218 = arith.constant 16 : i32
      %mul3A_219 = arith.muli %scan3A_176, %mul3A_218 : i32
      %get3A_220 = arith.constant 6 : i32
      %get3A_221 = arith.index_cast %get3A_220 : i32 to index
      %get3A_222 = arith.index_cast %mul3A_219 : i32 to index
      %get3A_223 = tpu.vector_load %arg8[%get3A_221, %get3A_222] {strides = array<i32>} : memref<16x768xf32, #tpu.memory_space<vmem>>, vector<16xf32>,
      %add3A_224 = arith.addf %add3A_217, %get3A_223 : vector<16xf32>
      %mul3A_225 = arith.constant 16 : i32
      %mul3A_226 = arith.muli %scan3A_176, %mul3A_225 : i32
      %get3A_227 = arith.constant 7 : i32
      %get3A_228 = arith.index_cast %get3A_227 : i32 to index
      %get3A_229 = arith.index_cast %mul3A_226 : i32 to index
      %get3A_230 = tpu.vector_load %arg8[%get3A_228, %get3A_229] {strides = array<i32>} : memref<16x768xf32, #tpu.memory_space<vmem>>, vector<16xf32>,
      %add3A_231 = arith.addf %add3A_224, %get3A_230 : vector<16xf32>
      %mul3A_232 = arith.constant 16 : i32
      %mul3A_233 = arith.muli %scan3A_176, %mul3A_232 : i32
      %get3A_234 = arith.constant 8 : i32
      %get3A_235 = arith.index_cast %get3A_234 : i32 to index
      %get3A_236 = arith.index_cast %mul3A_233 : i32 to index
      %get3A_237 = tpu.vector_load %arg8[%get3A_235, %get3A_236] {strides = array<i32>} : memref<16x768xf32, #tpu.memory_space<vmem>>, vector<16xf32>,
      %add3A_238 = arith.addf %add3A_231, %get3A_237 : vector<16xf32>
      %mul3A_239 = arith.constant 16 : i32
      %mul3A_240 = arith.muli %scan3A_176, %mul3A_239 : i32
      %get3A_241 = arith.constant 9 : i32
      %get3A_242 = arith.index_cast %get3A_241 : i32 to index
      %get3A_243 = arith.index_cast %mul3A_240 : i32 to index
      %get3A_244 = tpu.vector_load %arg8[%get3A_242, %get3A_243] {strides = array<i32>} : memref<16x768xf32, #tpu.memory_space<vmem>>, vector<16xf32>,
      %add3A_245 = arith.addf %add3A_238, %get3A_244 : vector<16xf32>
      %mul3A_246 = arith.constant 16 : i32
      %mul3A_247 = arith.muli %scan3A_176, %mul3A_246 : i32
      %get3A_248 = arith.constant 10 : i32
      %get3A_249 = arith.index_cast %get3A_248 : i32 to index
      %get3A_250 = arith.index_cast %mul3A_247 : i32 to index
      %get3A_251 = tpu.vector_load %arg8[%get3A_249, %get3A_250] {strides = array<i32>} : memref<16x768xf32, #tpu.memory_space<vmem>>, vector<16xf32>,
      %add3A_252 = arith.addf %add3A_245, %get3A_251 : vector<16xf32>
      %mul3A_253 = arith.constant 16 : i32
      %mul3A_254 = arith.muli %scan3A_176, %mul3A_253 : i32
      %get3A_255 = arith.constant 11 : i32
      %get3A_256 = arith.index_cast %get3A_255 : i32 to index
      %get3A_257 = arith.index_cast %mul3A_254 : i32 to index
      %get3A_258 = tpu.vector_load %arg8[%get3A_256, %get3A_257] {strides = array<i32>} : memref<16x768xf32, #tpu.memory_space<vmem>>, vector<16xf32>,
      %add3A_259 = arith.addf %add3A_252, %get3A_258 : vector<16xf32>
      %mul3A_260 = arith.constant 16 : i32
      %mul3A_261 = arith.muli %scan3A_176, %mul3A_260 : i32
      %get3A_262 = arith.constant 12 : i32
      %get3A_263 = arith.index_cast %get3A_262 : i32 to index
      %get3A_264 = arith.index_cast %mul3A_261 : i32 to index
      %get3A_265 = tpu.vector_load %arg8[%get3A_263, %get3A_264] {strides = array<i32>} : memref<16x768xf32, #tpu.memory_space<vmem>>, vector<16xf32>,
      %add3A_266 = arith.addf %add3A_259, %get3A_265 : vector<16xf32>
      %mul3A_267 = arith.constant 16 : i32
      %mul3A_268 = arith.muli %scan3A_176, %mul3A_267 : i32
      %get3A_269 = arith.constant 13 : i32
      %get3A_270 = arith.index_cast %get3A_269 : i32 to index
      %get3A_271 = arith.index_cast %mul3A_268 : i32 to index
      %get3A_272 = tpu.vector_load %arg8[%get3A_270, %get3A_271] {strides = array<i32>} : memref<16x768xf32, #tpu.memory_space<vmem>>, vector<16xf32>,
      %add3A_273 = arith.addf %add3A_266, %get3A_272 : vector<16xf32>
      %mul3A_274 = arith.constant 16 : i32
      %mul3A_275 = arith.muli %scan3A_176, %mul3A_274 : i32
      %get3A_276 = arith.constant 14 : i32
      %get3A_277 = arith.index_cast %get3A_276 : i32 to index
      %get3A_278 = arith.index_cast %mul3A_275 : i32 to index
      %get3A_279 = tpu.vector_load %arg8[%get3A_277, %get3A_278] {strides = array<i32>} : memref<16x768xf32, #tpu.memory_space<vmem>>, vector<16xf32>,
      %add3A_280 = arith.addf %add3A_273, %get3A_279 : vector<16xf32>
      %mul3A_281 = arith.constant 16 : i32
      %mul3A_282 = arith.muli %scan3A_176, %mul3A_281 : i32
      %get3A_283 = arith.constant 15 : i32
      %get3A_284 = arith.index_cast %get3A_283 : i32 to index
      %get3A_285 = arith.index_cast %mul3A_282 : i32 to index
      %get3A_286 = tpu.vector_load %arg8[%get3A_284, %get3A_285] {strides = array<i32>} : memref<16x768xf32, #tpu.memory_space<vmem>>, vector<16xf32>,
      %add3A_287 = arith.addf %add3A_280, %get3A_286 : vector<16xf32>
      %mul3A_288 = arith.constant 16 : i32
      %mul3A_289 = arith.muli %scan3A_176, %mul3A_288 : i32
      %swap3A_290 = arith.index_cast %mul3A_289 : i32 to index
      %swap3A_291 = tpu.vector_load %arg6[%swap3A_290] {strides = array<i32>} : memref<12288xf32, #tpu.memory_space<vmem>>, vector<16xf32>,
      tpu.vector_store %arg6[%swap3A_290], %add3A_287 {strides = array<i32>} : memref<12288xf32, #tpu.memory_space<vmem>>, vector<16xf32>,
      %scan3A_292 = arith.constant 0 : i32
      scf.yield %scan3A_292 : i32
    }
    %scan3A_57 = arith.constant 48 : i32
    "tpu.region"() ({
      %run_scoped3A_58 = tpu.sem_alloc : memref<!tpu.dma_semaphore, #tpu.memory_space<semaphore_mem>>
      %dma_start3A = arith.constant 0 : i32
      %dma_start3A_59 = tpu.memref_slice %arg6[%dma_start3A] : memref<12288xf32, #tpu.memory_space<vmem>> -> memref<768xf32, #tpu.memory_space<vmem>>
      %dma_start3A_60 = tpu.memref_slice %arg4[%arg0, %mul3A_2] : memref<2x12288xf32, #tpu.memory_space<hbm>> -> memref<1x768xf32, #tpu.memory_space<hbm>>
      %dma_start3A_61 = tpu.memref_squeeze %dma_start3A_60 : memref<1x768xf32, #tpu.memory_space<hbm>> -> memref<768xf32, #tpu.memory_space<hbm>>
      %dma_start3A_62 = tpu.memref_slice %arg4[%arg0, %mul3A_2] : memref<2x12288xf32, #tpu.memory_space<hbm>> -> memref<1x768xf32, #tpu.memory_space<hbm>>
      %dma_start3A_63 = tpu.memref_squeeze %dma_start3A_62 : memref<1x768xf32, #tpu.memory_space<hbm>> -> memref<768xf32, #tpu.memory_space<hbm>>
      %dma_start3A_64 = arith.constant 0 : i32
      %dma_start3A_65 = tpu.memref_slice %arg6[%dma_start3A_64] : memref<12288xf32, #tpu.memory_space<vmem>> -> memref<768xf32, #tpu.memory_space<vmem>>
      tpu.enqueue_dma source(%dma_start3A_65 : memref<768xf32, #tpu.memory_space<vmem>>) target(%dma_start3A_63 : memref<768xf32, #tpu.memory_space<hbm>>) target_semaphore(%run_scoped3A_58 : memref<!tpu.dma_semaphore, #tpu.memory_space<semaphore_mem>>)
      %dma_wait3A = arith.constant 0 : i32
      %dma_wait3A_66 = tpu.memref_slice %arg6[%dma_wait3A] : memref<12288xf32, #tpu.memory_space<vmem>> -> memref<768xf32, #tpu.memory_space<vmem>>
      %dma_wait3A_67 = tpu.memref_slice %arg4[%arg0, %mul3A_2] : memref<2x12288xf32, #tpu.memory_space<hbm>> -> memref<1x768xf32, #tpu.memory_space<hbm>>
      %dma_wait3A_68 = tpu.memref_squeeze %dma_wait3A_67 : memref<1x768xf32, #tpu.memory_space<hbm>> -> memref<768xf32, #tpu.memory_space<hbm>>
      %dma_wait3A_69 = tpu.memref_slice %arg4[%arg0, %mul3A_2] : memref<2x12288xf32, #tpu.memory_space<hbm>> -> memref<1x768xf32, #tpu.memory_space<hbm>>
      %dma_wait3A_70 = tpu.memref_squeeze %dma_wait3A_69 : memref<1x768xf32, #tpu.memory_space<hbm>> -> memref<768xf32, #tpu.memory_space<hbm>>
      %dma_wait3A_71 = arith.constant 0 : i32
      %dma_wait3A_72 = tpu.memref_slice %arg6[%dma_wait3A_71] : memref<12288xf32, #tpu.memory_space<vmem>> -> memref<768xf32, #tpu.memory_space<vmem>>
      tpu.wait_dma2 semaphore(%run_scoped3A_58 : memref<!tpu.dma_semaphore, #tpu.memory_space<semaphore_mem>>) src(%dma_wait3A_72 : memref<768xf32, #tpu.memory_space<vmem>>) dst(%dma_wait3A_70 : memref<768xf32, #tpu.memory_space<hbm>>)
      tpu.yield
    }) : () -> ()
    return
  }
}

#map = affine_map<(d0, d1) -> (0, 0)>
#map1 = affine_map<(d0, d1) -> (0, 0, 0, 0)>
#map2 = affine_map<(d0, d1) -> (0)>
#map3 = affine_map<(d0, d1) -> (0, 0, 0)>
module attributes {stable_mosaic.version = 14 : i64} {
  func.func @_np1_body(%arg0: i32, %arg1: i32, %arg2: memref<2x12288xf32, #tpu.memory_space<hbm>>, %arg3: memref<2x12288xf32, #tpu.memory_space<hbm>>, %arg4: memref<12288x16xf32, #tpu.memory_space<hbm>>, %arg5: memref<2x32x80x128xi32, #tpu.memory_space<hbm>>, %arg6: memref<768x8xf32, #tpu.memory_space<hbm>>, %arg7: memref<12288xf32, #tpu.memory_space<hbm>>, %arg8: memref<12288xf32, #tpu.memory_space<hbm>>, %arg9: memref<2x12288x8xf32, #tpu.memory_space<hbm>>, %arg10: memref<2x768xf32, #tpu.memory_space<vmem>>, %arg11: memref<2x768xf32, #tpu.memory_space<vmem>>, %arg12: memref<768x16xf32, #tpu.memory_space<vmem>>, %arg13: memref<768x8xf32, #tpu.memory_space<vmem>>, %arg14: memref<768xf32, #tpu.memory_space<vmem>>, %arg15: memref<768xf32, #tpu.memory_space<vmem>>, %arg16: memref<80x128xi32, #tpu.memory_space<vmem>>, %arg17: memref<80x128xi32, #tpu.memory_space<vmem>>, %arg18: memref<4x128x8xf32, #tpu.memory_space<vmem>>, %arg19: memref<12288x8xf32, #tpu.memory_space<vmem_shared>>, %arg20: memref<12288x8xf32, #tpu.memory_space<vmem_shared>>, %arg21: memref<!tpu.dma_semaphore, #tpu.memory_space<semaphore_mem>>, %arg22: memref<!tpu.dma_semaphore, #tpu.memory_space<semaphore_mem>>) attributes {dimension_semantics = [#tpu.dimension_semantics<core_parallel>, #tpu.dimension_semantics<subcore_parallel>], iteration_bounds = array<i64: 2, 16>, scalar_prefetch = 0 : i64, scratch_operands = 13 : i64, tpu.core_type = #tpu.core_type<sc_vector_subcore>, window_params = [{transform_indices = #map}, {transform_indices = #map}, {transform_indices = #map}, {transform_indices = #map1}, {transform_indices = #map}, {transform_indices = #map2}, {transform_indices = #map2}, {transform_indices = #map3}]} {
    %mul3A = arith.constant 2 : i32
    %mul3A_0 = arith.muli %arg1, %mul3A : i32
    %add3A = arith.addi %mul3A_0, %arg0 : i32
    %mul3A_1 = arith.constant 768 : i32
    %mul3A_2 = arith.muli %arg1, %mul3A_1 : i32
    "tpu.region"() ({
      %run_scoped3A_81 = tpu.sem_alloc : memref<!tpu.dma_semaphore, #tpu.memory_space<semaphore_mem>>
      %dma_start3A_82 = arith.constant 0 : i32
      %dma_start3A_83 = tpu.memref_slice %arg2[%dma_start3A_82, %mul3A_2] : memref<2x12288xf32, #tpu.memory_space<hbm>> -> memref<2x768xf32, #tpu.memory_space<hbm>>
      %dma_start3A_84 = arith.constant 0 : i32
      %dma_start3A_85 = tpu.memref_slice %arg2[%dma_start3A_84, %mul3A_2] : memref<2x12288xf32, #tpu.memory_space<hbm>> -> memref<2x768xf32, #tpu.memory_space<hbm>>
      tpu.enqueue_dma source(%dma_start3A_85 : memref<2x768xf32, #tpu.memory_space<hbm>>) target(%arg10 : memref<2x768xf32, #tpu.memory_space<vmem>>) target_semaphore(%run_scoped3A_81 : memref<!tpu.dma_semaphore, #tpu.memory_space<semaphore_mem>>)
      %dma_wait3A = arith.constant 0 : i32
      %dma_wait3A_86 = tpu.memref_slice %arg2[%dma_wait3A, %mul3A_2] : memref<2x12288xf32, #tpu.memory_space<hbm>> -> memref<2x768xf32, #tpu.memory_space<hbm>>
      %dma_wait3A_87 = arith.constant 0 : i32
      %dma_wait3A_88 = tpu.memref_slice %arg2[%dma_wait3A_87, %mul3A_2] : memref<2x12288xf32, #tpu.memory_space<hbm>> -> memref<2x768xf32, #tpu.memory_space<hbm>>
      tpu.wait_dma2 semaphore(%run_scoped3A_81 : memref<!tpu.dma_semaphore, #tpu.memory_space<semaphore_mem>>) src(%dma_wait3A_88 : memref<2x768xf32, #tpu.memory_space<hbm>>) dst(%arg10 : memref<2x768xf32, #tpu.memory_space<vmem>>)
      tpu.yield
    }) : () -> ()
    "tpu.region"() ({
      %run_scoped3A_81 = tpu.sem_alloc : memref<!tpu.dma_semaphore, #tpu.memory_space<semaphore_mem>>
      %dma_start3A_82 = arith.constant 0 : i32
      %dma_start3A_83 = tpu.memref_slice %arg3[%dma_start3A_82, %mul3A_2] : memref<2x12288xf32, #tpu.memory_space<hbm>> -> memref<2x768xf32, #tpu.memory_space<hbm>>
      %dma_start3A_84 = arith.constant 0 : i32
      %dma_start3A_85 = tpu.memref_slice %arg3[%dma_start3A_84, %mul3A_2] : memref<2x12288xf32, #tpu.memory_space<hbm>> -> memref<2x768xf32, #tpu.memory_space<hbm>>
      tpu.enqueue_dma source(%dma_start3A_85 : memref<2x768xf32, #tpu.memory_space<hbm>>) target(%arg11 : memref<2x768xf32, #tpu.memory_space<vmem>>) target_semaphore(%run_scoped3A_81 : memref<!tpu.dma_semaphore, #tpu.memory_space<semaphore_mem>>)
      %dma_wait3A = arith.constant 0 : i32
      %dma_wait3A_86 = tpu.memref_slice %arg3[%dma_wait3A, %mul3A_2] : memref<2x12288xf32, #tpu.memory_space<hbm>> -> memref<2x768xf32, #tpu.memory_space<hbm>>
      %dma_wait3A_87 = arith.constant 0 : i32
      %dma_wait3A_88 = tpu.memref_slice %arg3[%dma_wait3A_87, %mul3A_2] : memref<2x12288xf32, #tpu.memory_space<hbm>> -> memref<2x768xf32, #tpu.memory_space<hbm>>
      tpu.wait_dma2 semaphore(%run_scoped3A_81 : memref<!tpu.dma_semaphore, #tpu.memory_space<semaphore_mem>>) src(%dma_wait3A_88 : memref<2x768xf32, #tpu.memory_space<hbm>>) dst(%arg11 : memref<2x768xf32, #tpu.memory_space<vmem>>)
      tpu.yield
    }) : () -> ()
    "tpu.region"() ({
      %run_scoped3A_81 = tpu.sem_alloc : memref<!tpu.dma_semaphore, #tpu.memory_space<semaphore_mem>>
      %dma_start3A_82 = arith.constant 0 : i32
      %dma_start3A_83 = tpu.memref_slice %arg4[%mul3A_2, %dma_start3A_82] : memref<12288x16xf32, #tpu.memory_space<hbm>> -> memref<768x16xf32, #tpu.memory_space<hbm>>
      %dma_start3A_84 = arith.constant 0 : i32
      %dma_start3A_85 = tpu.memref_slice %arg4[%mul3A_2, %dma_start3A_84] : memref<12288x16xf32, #tpu.memory_space<hbm>> -> memref<768x16xf32, #tpu.memory_space<hbm>>
      tpu.enqueue_dma source(%dma_start3A_85 : memref<768x16xf32, #tpu.memory_space<hbm>>) target(%arg12 : memref<768x16xf32, #tpu.memory_space<vmem>>) target_semaphore(%run_scoped3A_81 : memref<!tpu.dma_semaphore, #tpu.memory_space<semaphore_mem>>)
      %dma_wait3A = arith.constant 0 : i32
      %dma_wait3A_86 = tpu.memref_slice %arg4[%mul3A_2, %dma_wait3A] : memref<12288x16xf32, #tpu.memory_space<hbm>> -> memref<768x16xf32, #tpu.memory_space<hbm>>
      %dma_wait3A_87 = arith.constant 0 : i32
      %dma_wait3A_88 = tpu.memref_slice %arg4[%mul3A_2, %dma_wait3A_87] : memref<12288x16xf32, #tpu.memory_space<hbm>> -> memref<768x16xf32, #tpu.memory_space<hbm>>
      tpu.wait_dma2 semaphore(%run_scoped3A_81 : memref<!tpu.dma_semaphore, #tpu.memory_space<semaphore_mem>>) src(%dma_wait3A_88 : memref<768x16xf32, #tpu.memory_space<hbm>>) dst(%arg12 : memref<768x16xf32, #tpu.memory_space<vmem>>)
      tpu.yield
    }) : () -> ()
    %run_scoped3A = arith.constant 0 : i32
    "tpu.region"() ({
      %run_scoped3A_81 = tpu.sem_alloc : memref<!tpu.dma_semaphore, #tpu.memory_space<semaphore_mem>>
      %dma_start3A_82 = arith.constant 0 : i32
      %dma_start3A_83 = arith.constant 0 : i32
      %dma_start3A_84 = tpu.memref_slice %arg5[%run_scoped3A, %add3A, %dma_start3A_82, %dma_start3A_83] : memref<2x32x80x128xi32, #tpu.memory_space<hbm>> -> memref<1x1x80x128xi32, #tpu.memory_space<hbm>>
      %dma_start3A_85 = tpu.memref_squeeze %dma_start3A_84 : memref<1x1x80x128xi32, #tpu.memory_space<hbm>> -> memref<80x128xi32, #tpu.memory_space<hbm>>
      %dma_start3A_86 = arith.constant 0 : i32
      %dma_start3A_87 = arith.constant 0 : i32
      %dma_start3A_88 = tpu.memref_slice %arg5[%run_scoped3A, %add3A, %dma_start3A_86, %dma_start3A_87] : memref<2x32x80x128xi32, #tpu.memory_space<hbm>> -> memref<1x1x80x128xi32, #tpu.memory_space<hbm>>
      %dma_start3A_89 = tpu.memref_squeeze %dma_start3A_88 : memref<1x1x80x128xi32, #tpu.memory_space<hbm>> -> memref<80x128xi32, #tpu.memory_space<hbm>>
      tpu.enqueue_dma source(%dma_start3A_89 : memref<80x128xi32, #tpu.memory_space<hbm>>) target(%arg16 : memref<80x128xi32, #tpu.memory_space<vmem>>) target_semaphore(%run_scoped3A_81 : memref<!tpu.dma_semaphore, #tpu.memory_space<semaphore_mem>>)
      %dma_wait3A = arith.constant 0 : i32
      %dma_wait3A_90 = arith.constant 0 : i32
      %dma_wait3A_91 = tpu.memref_slice %arg5[%run_scoped3A, %add3A, %dma_wait3A, %dma_wait3A_90] : memref<2x32x80x128xi32, #tpu.memory_space<hbm>> -> memref<1x1x80x128xi32, #tpu.memory_space<hbm>>
      %dma_wait3A_92 = tpu.memref_squeeze %dma_wait3A_91 : memref<1x1x80x128xi32, #tpu.memory_space<hbm>> -> memref<80x128xi32, #tpu.memory_space<hbm>>
      %dma_wait3A_93 = arith.constant 0 : i32
      %dma_wait3A_94 = arith.constant 0 : i32
      %dma_wait3A_95 = tpu.memref_slice %arg5[%run_scoped3A, %add3A, %dma_wait3A_93, %dma_wait3A_94] : memref<2x32x80x128xi32, #tpu.memory_space<hbm>> -> memref<1x1x80x128xi32, #tpu.memory_space<hbm>>
      %dma_wait3A_96 = tpu.memref_squeeze %dma_wait3A_95 : memref<1x1x80x128xi32, #tpu.memory_space<hbm>> -> memref<80x128xi32, #tpu.memory_space<hbm>>
      tpu.wait_dma2 semaphore(%run_scoped3A_81 : memref<!tpu.dma_semaphore, #tpu.memory_space<semaphore_mem>>) src(%dma_wait3A_96 : memref<80x128xi32, #tpu.memory_space<hbm>>) dst(%arg16 : memref<80x128xi32, #tpu.memory_space<vmem>>)
      tpu.yield
    }) : () -> ()
    %run_scoped3A_3 = arith.constant 1 : i32
    "tpu.region"() ({
      %run_scoped3A_81 = tpu.sem_alloc : memref<!tpu.dma_semaphore, #tpu.memory_space<semaphore_mem>>
      %dma_start3A_82 = arith.constant 0 : i32
      %dma_start3A_83 = arith.constant 0 : i32
      %dma_start3A_84 = tpu.memref_slice %arg5[%run_scoped3A_3, %add3A, %dma_start3A_82, %dma_start3A_83] : memref<2x32x80x128xi32, #tpu.memory_space<hbm>> -> memref<1x1x80x128xi32, #tpu.memory_space<hbm>>
      %dma_start3A_85 = tpu.memref_squeeze %dma_start3A_84 : memref<1x1x80x128xi32, #tpu.memory_space<hbm>> -> memref<80x128xi32, #tpu.memory_space<hbm>>
      %dma_start3A_86 = arith.constant 0 : i32
      %dma_start3A_87 = arith.constant 0 : i32
      %dma_start3A_88 = tpu.memref_slice %arg5[%run_scoped3A_3, %add3A, %dma_start3A_86, %dma_start3A_87] : memref<2x32x80x128xi32, #tpu.memory_space<hbm>> -> memref<1x1x80x128xi32, #tpu.memory_space<hbm>>
      %dma_start3A_89 = tpu.memref_squeeze %dma_start3A_88 : memref<1x1x80x128xi32, #tpu.memory_space<hbm>> -> memref<80x128xi32, #tpu.memory_space<hbm>>
      tpu.enqueue_dma source(%dma_start3A_89 : memref<80x128xi32, #tpu.memory_space<hbm>>) target(%arg17 : memref<80x128xi32, #tpu.memory_space<vmem>>) target_semaphore(%run_scoped3A_81 : memref<!tpu.dma_semaphore, #tpu.memory_space<semaphore_mem>>)
      %dma_wait3A = arith.constant 0 : i32
      %dma_wait3A_90 = arith.constant 0 : i32
      %dma_wait3A_91 = tpu.memref_slice %arg5[%run_scoped3A_3, %add3A, %dma_wait3A, %dma_wait3A_90] : memref<2x32x80x128xi32, #tpu.memory_space<hbm>> -> memref<1x1x80x128xi32, #tpu.memory_space<hbm>>
      %dma_wait3A_92 = tpu.memref_squeeze %dma_wait3A_91 : memref<1x1x80x128xi32, #tpu.memory_space<hbm>> -> memref<80x128xi32, #tpu.memory_space<hbm>>
      %dma_wait3A_93 = arith.constant 0 : i32
      %dma_wait3A_94 = arith.constant 0 : i32
      %dma_wait3A_95 = tpu.memref_slice %arg5[%run_scoped3A_3, %add3A, %dma_wait3A_93, %dma_wait3A_94] : memref<2x32x80x128xi32, #tpu.memory_space<hbm>> -> memref<1x1x80x128xi32, #tpu.memory_space<hbm>>
      %dma_wait3A_96 = tpu.memref_squeeze %dma_wait3A_95 : memref<1x1x80x128xi32, #tpu.memory_space<hbm>> -> memref<80x128xi32, #tpu.memory_space<hbm>>
      tpu.wait_dma2 semaphore(%run_scoped3A_81 : memref<!tpu.dma_semaphore, #tpu.memory_space<semaphore_mem>>) src(%dma_wait3A_96 : memref<80x128xi32, #tpu.memory_space<hbm>>) dst(%arg17 : memref<80x128xi32, #tpu.memory_space<vmem>>)
      tpu.yield
    }) : () -> ()
    %scan3A = arith.constant 0 : i32
    %scan3A_4 = arith.constant 0 : i32
    %scan3A_5 = arith.constant 48 : i32
    %scan3A_6 = arith.addi %scan3A_4, %scan3A_5 : i32
    %scan3A_7 = arith.constant 2 : i32
    %scan3A_8 = scf.for %scan3A_81 = %scan3A_4 to %scan3A_6 step %scan3A_7 iter_args(%scan3A_82 = %scan3A) -> (i32)  : i32 {
      %mul3A_83 = arith.constant 16 : i32
      %mul3A_84 = arith.muli %scan3A_81, %mul3A_83 : i32
      %get3A = arith.constant 0 : i32
      %get3A_85 = arith.index_cast %get3A : i32 to index
      %get3A_86 = arith.index_cast %mul3A_84 : i32 to index
      %get3A_87 = tpu.vector_load %arg10[%get3A_85, %get3A_86] {strides = array<i32>} : memref<2x768xf32, #tpu.memory_space<vmem>>, vector<16xf32>,
      %mul3A_88 = arith.constant 16 : i32
      %mul3A_89 = arith.muli %scan3A_81, %mul3A_88 : i32
      %get3A_90 = arith.constant 1 : i32
      %get3A_91 = arith.index_cast %get3A_90 : i32 to index
      %get3A_92 = arith.index_cast %mul3A_89 : i32 to index
      %get3A_93 = tpu.vector_load %arg10[%get3A_91, %get3A_92] {strides = array<i32>} : memref<2x768xf32, #tpu.memory_space<vmem>>, vector<16xf32>,
      %add3A_94 = arith.addf %get3A_87, %get3A_93 : vector<16xf32>
      %max3A = arith.constant 1.000000e+00 : f32
      %max3A_95 = vector.broadcast %max3A : f32 to vector<16xf32>
      %max3A_96 = arith.maximumf %add3A_94, %max3A_95 : vector<16xf32>
      %bitcast_convert_type3A = tpu.bitcast %max3A_96 : vector<16xf32> -> vector<16xi32>
      %shift_right_arithmetic3A = arith.constant 1 : i32
      %shift_right_arithmetic3A_97 = vector.broadcast %shift_right_arithmetic3A : i32 to vector<16xi32>
      %shift_right_arithmetic3A_98 = arith.shrsi %bitcast_convert_type3A, %shift_right_arithmetic3A_97 : vector<16xi32>
      %sub3A = arith.constant 1597463007 : i32
      %sub3A_99 = vector.broadcast %sub3A : i32 to vector<16xi32>
      %sub3A_100 = arith.subi %sub3A_99, %shift_right_arithmetic3A_98 : vector<16xi32>
      %bitcast_convert_type3A_101 = tpu.bitcast %sub3A_100 : vector<16xi32> -> vector<16xf32>
      %mul3A_102 = arith.constant 5.000000e-01 : f32
      %mul3A_103 = vector.broadcast %mul3A_102 : f32 to vector<16xf32>
      %mul3A_104 = arith.mulf %mul3A_103, %max3A_96 : vector<16xf32>
      %mul3A_105 = arith.mulf %mul3A_104, %bitcast_convert_type3A_101 : vector<16xf32>
      %mul3A_106 = arith.mulf %mul3A_105, %bitcast_convert_type3A_101 : vector<16xf32>
      %sub3A_107 = arith.constant 1.500000e+00 : f32
      %sub3A_108 = vector.broadcast %sub3A_107 : f32 to vector<16xf32>
      %sub3A_109 = arith.subf %sub3A_108, %mul3A_106 : vector<16xf32>
      %mul3A_110 = arith.mulf %bitcast_convert_type3A_101, %sub3A_109 : vector<16xf32>
      %mul3A_111 = arith.constant 5.000000e-01 : f32
      %mul3A_112 = vector.broadcast %mul3A_111 : f32 to vector<16xf32>
      %mul3A_113 = arith.mulf %mul3A_112, %max3A_96 : vector<16xf32>
      %mul3A_114 = arith.mulf %mul3A_113, %mul3A_110 : vector<16xf32>
      %mul3A_115 = arith.mulf %mul3A_114, %mul3A_110 : vector<16xf32>
      %sub3A_116 = arith.constant 1.500000e+00 : f32
      %sub3A_117 = vector.broadcast %sub3A_116 : f32 to vector<16xf32>
      %sub3A_118 = arith.subf %sub3A_117, %mul3A_115 : vector<16xf32>
      %mul3A_119 = arith.mulf %mul3A_110, %sub3A_118 : vector<16xf32>
      %mul3A_120 = arith.constant 5.000000e-01 : f32
      %mul3A_121 = vector.broadcast %mul3A_120 : f32 to vector<16xf32>
      %mul3A_122 = arith.mulf %mul3A_121, %max3A_96 : vector<16xf32>
      %mul3A_123 = arith.mulf %mul3A_122, %mul3A_119 : vector<16xf32>
      %mul3A_124 = arith.mulf %mul3A_123, %mul3A_119 : vector<16xf32>
      %sub3A_125 = arith.constant 1.500000e+00 : f32
      %sub3A_126 = vector.broadcast %sub3A_125 : f32 to vector<16xf32>
      %sub3A_127 = arith.subf %sub3A_126, %mul3A_124 : vector<16xf32>
      %mul3A_128 = arith.mulf %mul3A_119, %sub3A_127 : vector<16xf32>
      %gt3A = arith.constant 0.000000e+00 : f32
      %gt3A_129 = vector.broadcast %gt3A : f32 to vector<16xf32>
      %gt3A_130 = arith.cmpf ogt, %add3A_94, %gt3A_129 : vector<16xf32>
      %jit3A = arith.constant 0.000000e+00 : f32
      %broadcast_in_dim3A = vector.broadcast %jit3A : f32 to vector<16xf32>
      %select_n3A = arith.select %gt3A_130, %mul3A_128, %broadcast_in_dim3A : vector<16xi1>, vector<16xf32>
      %mul3A_131 = arith.constant 16 : i32
      %mul3A_132 = arith.muli %scan3A_81, %mul3A_131 : i32
      %swap3A = arith.index_cast %mul3A_132 : i32 to index
      %swap3A_133 = tpu.vector_load %arg14[%swap3A] {strides = array<i32>} : memref<768xf32, #tpu.memory_space<vmem>>, vector<16xf32>,
      tpu.vector_store %arg14[%swap3A], %select_n3A {strides = array<i32>} : memref<768xf32, #tpu.memory_space<vmem>>, vector<16xf32>,
      %scan3A_134 = arith.constant 0 : i32
      %scan3A_135 = arith.constant 1 : i32
      %scan3A_136 = arith.addi %scan3A_81, %scan3A_135 : i32
      %mul3A_137 = arith.constant 16 : i32
      %mul3A_138 = arith.muli %scan3A_136, %mul3A_137 : i32
      %get3A_139 = arith.constant 0 : i32
      %get3A_140 = arith.index_cast %get3A_139 : i32 to index
      %get3A_141 = arith.index_cast %mul3A_138 : i32 to index
      %get3A_142 = tpu.vector_load %arg10[%get3A_140, %get3A_141] {strides = array<i32>} : memref<2x768xf32, #tpu.memory_space<vmem>>, vector<16xf32>,
      %mul3A_143 = arith.constant 16 : i32
      %mul3A_144 = arith.muli %scan3A_136, %mul3A_143 : i32
      %get3A_145 = arith.constant 1 : i32
      %get3A_146 = arith.index_cast %get3A_145 : i32 to index
      %get3A_147 = arith.index_cast %mul3A_144 : i32 to index
      %get3A_148 = tpu.vector_load %arg10[%get3A_146, %get3A_147] {strides = array<i32>} : memref<2x768xf32, #tpu.memory_space<vmem>>, vector<16xf32>,
      %add3A_149 = arith.addf %get3A_142, %get3A_148 : vector<16xf32>
      %max3A_150 = arith.constant 1.000000e+00 : f32
      %max3A_151 = vector.broadcast %max3A_150 : f32 to vector<16xf32>
      %max3A_152 = arith.maximumf %add3A_149, %max3A_151 : vector<16xf32>
      %bitcast_convert_type3A_153 = tpu.bitcast %max3A_152 : vector<16xf32> -> vector<16xi32>
      %shift_right_arithmetic3A_154 = arith.constant 1 : i32
      %shift_right_arithmetic3A_155 = vector.broadcast %shift_right_arithmetic3A_154 : i32 to vector<16xi32>
      %shift_right_arithmetic3A_156 = arith.shrsi %bitcast_convert_type3A_153, %shift_right_arithmetic3A_155 : vector<16xi32>
      %sub3A_157 = arith.constant 1597463007 : i32
      %sub3A_158 = vector.broadcast %sub3A_157 : i32 to vector<16xi32>
      %sub3A_159 = arith.subi %sub3A_158, %shift_right_arithmetic3A_156 : vector<16xi32>
      %bitcast_convert_type3A_160 = tpu.bitcast %sub3A_159 : vector<16xi32> -> vector<16xf32>
      %mul3A_161 = arith.constant 5.000000e-01 : f32
      %mul3A_162 = vector.broadcast %mul3A_161 : f32 to vector<16xf32>
      %mul3A_163 = arith.mulf %mul3A_162, %max3A_152 : vector<16xf32>
      %mul3A_164 = arith.mulf %mul3A_163, %bitcast_convert_type3A_160 : vector<16xf32>
      %mul3A_165 = arith.mulf %mul3A_164, %bitcast_convert_type3A_160 : vector<16xf32>
      %sub3A_166 = arith.constant 1.500000e+00 : f32
      %sub3A_167 = vector.broadcast %sub3A_166 : f32 to vector<16xf32>
      %sub3A_168 = arith.subf %sub3A_167, %mul3A_165 : vector<16xf32>
      %mul3A_169 = arith.mulf %bitcast_convert_type3A_160, %sub3A_168 : vector<16xf32>
      %mul3A_170 = arith.constant 5.000000e-01 : f32
      %mul3A_171 = vector.broadcast %mul3A_170 : f32 to vector<16xf32>
      %mul3A_172 = arith.mulf %mul3A_171, %max3A_152 : vector<16xf32>
      %mul3A_173 = arith.mulf %mul3A_172, %mul3A_169 : vector<16xf32>
      %mul3A_174 = arith.mulf %mul3A_173, %mul3A_169 : vector<16xf32>
      %sub3A_175 = arith.constant 1.500000e+00 : f32
      %sub3A_176 = vector.broadcast %sub3A_175 : f32 to vector<16xf32>
      %sub3A_177 = arith.subf %sub3A_176, %mul3A_174 : vector<16xf32>
      %mul3A_178 = arith.mulf %mul3A_169, %sub3A_177 : vector<16xf32>
      %mul3A_179 = arith.constant 5.000000e-01 : f32
      %mul3A_180 = vector.broadcast %mul3A_179 : f32 to vector<16xf32>
      %mul3A_181 = arith.mulf %mul3A_180, %max3A_152 : vector<16xf32>
      %mul3A_182 = arith.mulf %mul3A_181, %mul3A_178 : vector<16xf32>
      %mul3A_183 = arith.mulf %mul3A_182, %mul3A_178 : vector<16xf32>
      %sub3A_184 = arith.constant 1.500000e+00 : f32
      %sub3A_185 = vector.broadcast %sub3A_184 : f32 to vector<16xf32>
      %sub3A_186 = arith.subf %sub3A_185, %mul3A_183 : vector<16xf32>
      %mul3A_187 = arith.mulf %mul3A_178, %sub3A_186 : vector<16xf32>
      %gt3A_188 = arith.constant 0.000000e+00 : f32
      %gt3A_189 = vector.broadcast %gt3A_188 : f32 to vector<16xf32>
      %gt3A_190 = arith.cmpf ogt, %add3A_149, %gt3A_189 : vector<16xf32>
      %jit3A_191 = arith.constant 0.000000e+00 : f32
      %broadcast_in_dim3A_192 = vector.broadcast %jit3A_191 : f32 to vector<16xf32>
      %select_n3A_193 = arith.select %gt3A_190, %mul3A_187, %broadcast_in_dim3A_192 : vector<16xi1>, vector<16xf32>
      %mul3A_194 = arith.constant 16 : i32
      %mul3A_195 = arith.muli %scan3A_136, %mul3A_194 : i32
      %swap3A_196 = arith.index_cast %mul3A_195 : i32 to index
      %swap3A_197 = tpu.vector_load %arg14[%swap3A_196] {strides = array<i32>} : memref<768xf32, #tpu.memory_space<vmem>>, vector<16xf32>,
      tpu.vector_store %arg14[%swap3A_196], %select_n3A_193 {strides = array<i32>} : memref<768xf32, #tpu.memory_space<vmem>>, vector<16xf32>,
      %scan3A_198 = arith.constant 0 : i32
      scf.yield %scan3A_198 : i32
    }
    %scan3A_9 = arith.constant 48 : i32
    %scan3A_10 = arith.constant 0 : i32
    %scan3A_11 = arith.constant 0 : i32
    %scan3A_12 = arith.constant 48 : i32
    %scan3A_13 = arith.addi %scan3A_11, %scan3A_12 : i32
    %scan3A_14 = arith.constant 2 : i32
    %scan3A_15 = scf.for %scan3A_81 = %scan3A_11 to %scan3A_13 step %scan3A_14 iter_args(%scan3A_82 = %scan3A_10) -> (i32)  : i32 {
      %mul3A_83 = arith.constant 16 : i32
      %mul3A_84 = arith.muli %scan3A_81, %mul3A_83 : i32
      %get3A = arith.constant 0 : i32
      %get3A_85 = arith.index_cast %get3A : i32 to index
      %get3A_86 = arith.index_cast %mul3A_84 : i32 to index
      %get3A_87 = tpu.vector_load %arg11[%get3A_85, %get3A_86] {strides = array<i32>} : memref<2x768xf32, #tpu.memory_space<vmem>>, vector<16xf32>,
      %mul3A_88 = arith.constant 16 : i32
      %mul3A_89 = arith.muli %scan3A_81, %mul3A_88 : i32
      %get3A_90 = arith.constant 1 : i32
      %get3A_91 = arith.index_cast %get3A_90 : i32 to index
      %get3A_92 = arith.index_cast %mul3A_89 : i32 to index
      %get3A_93 = tpu.vector_load %arg11[%get3A_91, %get3A_92] {strides = array<i32>} : memref<2x768xf32, #tpu.memory_space<vmem>>, vector<16xf32>,
      %add3A_94 = arith.addf %get3A_87, %get3A_93 : vector<16xf32>
      %max3A = arith.constant 1.000000e+00 : f32
      %max3A_95 = vector.broadcast %max3A : f32 to vector<16xf32>
      %max3A_96 = arith.maximumf %add3A_94, %max3A_95 : vector<16xf32>
      %bitcast_convert_type3A = tpu.bitcast %max3A_96 : vector<16xf32> -> vector<16xi32>
      %shift_right_arithmetic3A = arith.constant 1 : i32
      %shift_right_arithmetic3A_97 = vector.broadcast %shift_right_arithmetic3A : i32 to vector<16xi32>
      %shift_right_arithmetic3A_98 = arith.shrsi %bitcast_convert_type3A, %shift_right_arithmetic3A_97 : vector<16xi32>
      %sub3A = arith.constant 1597463007 : i32
      %sub3A_99 = vector.broadcast %sub3A : i32 to vector<16xi32>
      %sub3A_100 = arith.subi %sub3A_99, %shift_right_arithmetic3A_98 : vector<16xi32>
      %bitcast_convert_type3A_101 = tpu.bitcast %sub3A_100 : vector<16xi32> -> vector<16xf32>
      %mul3A_102 = arith.constant 5.000000e-01 : f32
      %mul3A_103 = vector.broadcast %mul3A_102 : f32 to vector<16xf32>
      %mul3A_104 = arith.mulf %mul3A_103, %max3A_96 : vector<16xf32>
      %mul3A_105 = arith.mulf %mul3A_104, %bitcast_convert_type3A_101 : vector<16xf32>
      %mul3A_106 = arith.mulf %mul3A_105, %bitcast_convert_type3A_101 : vector<16xf32>
      %sub3A_107 = arith.constant 1.500000e+00 : f32
      %sub3A_108 = vector.broadcast %sub3A_107 : f32 to vector<16xf32>
      %sub3A_109 = arith.subf %sub3A_108, %mul3A_106 : vector<16xf32>
      %mul3A_110 = arith.mulf %bitcast_convert_type3A_101, %sub3A_109 : vector<16xf32>
      %mul3A_111 = arith.constant 5.000000e-01 : f32
      %mul3A_112 = vector.broadcast %mul3A_111 : f32 to vector<16xf32>
      %mul3A_113 = arith.mulf %mul3A_112, %max3A_96 : vector<16xf32>
      %mul3A_114 = arith.mulf %mul3A_113, %mul3A_110 : vector<16xf32>
      %mul3A_115 = arith.mulf %mul3A_114, %mul3A_110 : vector<16xf32>
      %sub3A_116 = arith.constant 1.500000e+00 : f32
      %sub3A_117 = vector.broadcast %sub3A_116 : f32 to vector<16xf32>
      %sub3A_118 = arith.subf %sub3A_117, %mul3A_115 : vector<16xf32>
      %mul3A_119 = arith.mulf %mul3A_110, %sub3A_118 : vector<16xf32>
      %mul3A_120 = arith.constant 5.000000e-01 : f32
      %mul3A_121 = vector.broadcast %mul3A_120 : f32 to vector<16xf32>
      %mul3A_122 = arith.mulf %mul3A_121, %max3A_96 : vector<16xf32>
      %mul3A_123 = arith.mulf %mul3A_122, %mul3A_119 : vector<16xf32>
      %mul3A_124 = arith.mulf %mul3A_123, %mul3A_119 : vector<16xf32>
      %sub3A_125 = arith.constant 1.500000e+00 : f32
      %sub3A_126 = vector.broadcast %sub3A_125 : f32 to vector<16xf32>
      %sub3A_127 = arith.subf %sub3A_126, %mul3A_124 : vector<16xf32>
      %mul3A_128 = arith.mulf %mul3A_119, %sub3A_127 : vector<16xf32>
      %gt3A = arith.constant 0.000000e+00 : f32
      %gt3A_129 = vector.broadcast %gt3A : f32 to vector<16xf32>
      %gt3A_130 = arith.cmpf ogt, %add3A_94, %gt3A_129 : vector<16xf32>
      %jit3A = arith.constant 0.000000e+00 : f32
      %broadcast_in_dim3A = vector.broadcast %jit3A : f32 to vector<16xf32>
      %select_n3A = arith.select %gt3A_130, %mul3A_128, %broadcast_in_dim3A : vector<16xi1>, vector<16xf32>
      %mul3A_131 = arith.constant 16 : i32
      %mul3A_132 = arith.muli %scan3A_81, %mul3A_131 : i32
      %swap3A = arith.index_cast %mul3A_132 : i32 to index
      %swap3A_133 = tpu.vector_load %arg15[%swap3A] {strides = array<i32>} : memref<768xf32, #tpu.memory_space<vmem>>, vector<16xf32>,
      tpu.vector_store %arg15[%swap3A], %select_n3A {strides = array<i32>} : memref<768xf32, #tpu.memory_space<vmem>>, vector<16xf32>,
      %scan3A_134 = arith.constant 0 : i32
      %scan3A_135 = arith.constant 1 : i32
      %scan3A_136 = arith.addi %scan3A_81, %scan3A_135 : i32
      %mul3A_137 = arith.constant 16 : i32
      %mul3A_138 = arith.muli %scan3A_136, %mul3A_137 : i32
      %get3A_139 = arith.constant 0 : i32
      %get3A_140 = arith.index_cast %get3A_139 : i32 to index
      %get3A_141 = arith.index_cast %mul3A_138 : i32 to index
      %get3A_142 = tpu.vector_load %arg11[%get3A_140, %get3A_141] {strides = array<i32>} : memref<2x768xf32, #tpu.memory_space<vmem>>, vector<16xf32>,
      %mul3A_143 = arith.constant 16 : i32
      %mul3A_144 = arith.muli %scan3A_136, %mul3A_143 : i32
      %get3A_145 = arith.constant 1 : i32
      %get3A_146 = arith.index_cast %get3A_145 : i32 to index
      %get3A_147 = arith.index_cast %mul3A_144 : i32 to index
      %get3A_148 = tpu.vector_load %arg11[%get3A_146, %get3A_147] {strides = array<i32>} : memref<2x768xf32, #tpu.memory_space<vmem>>, vector<16xf32>,
      %add3A_149 = arith.addf %get3A_142, %get3A_148 : vector<16xf32>
      %max3A_150 = arith.constant 1.000000e+00 : f32
      %max3A_151 = vector.broadcast %max3A_150 : f32 to vector<16xf32>
      %max3A_152 = arith.maximumf %add3A_149, %max3A_151 : vector<16xf32>
      %bitcast_convert_type3A_153 = tpu.bitcast %max3A_152 : vector<16xf32> -> vector<16xi32>
      %shift_right_arithmetic3A_154 = arith.constant 1 : i32
      %shift_right_arithmetic3A_155 = vector.broadcast %shift_right_arithmetic3A_154 : i32 to vector<16xi32>
      %shift_right_arithmetic3A_156 = arith.shrsi %bitcast_convert_type3A_153, %shift_right_arithmetic3A_155 : vector<16xi32>
      %sub3A_157 = arith.constant 1597463007 : i32
      %sub3A_158 = vector.broadcast %sub3A_157 : i32 to vector<16xi32>
      %sub3A_159 = arith.subi %sub3A_158, %shift_right_arithmetic3A_156 : vector<16xi32>
      %bitcast_convert_type3A_160 = tpu.bitcast %sub3A_159 : vector<16xi32> -> vector<16xf32>
      %mul3A_161 = arith.constant 5.000000e-01 : f32
      %mul3A_162 = vector.broadcast %mul3A_161 : f32 to vector<16xf32>
      %mul3A_163 = arith.mulf %mul3A_162, %max3A_152 : vector<16xf32>
      %mul3A_164 = arith.mulf %mul3A_163, %bitcast_convert_type3A_160 : vector<16xf32>
      %mul3A_165 = arith.mulf %mul3A_164, %bitcast_convert_type3A_160 : vector<16xf32>
      %sub3A_166 = arith.constant 1.500000e+00 : f32
      %sub3A_167 = vector.broadcast %sub3A_166 : f32 to vector<16xf32>
      %sub3A_168 = arith.subf %sub3A_167, %mul3A_165 : vector<16xf32>
      %mul3A_169 = arith.mulf %bitcast_convert_type3A_160, %sub3A_168 : vector<16xf32>
      %mul3A_170 = arith.constant 5.000000e-01 : f32
      %mul3A_171 = vector.broadcast %mul3A_170 : f32 to vector<16xf32>
      %mul3A_172 = arith.mulf %mul3A_171, %max3A_152 : vector<16xf32>
      %mul3A_173 = arith.mulf %mul3A_172, %mul3A_169 : vector<16xf32>
      %mul3A_174 = arith.mulf %mul3A_173, %mul3A_169 : vector<16xf32>
      %sub3A_175 = arith.constant 1.500000e+00 : f32
      %sub3A_176 = vector.broadcast %sub3A_175 : f32 to vector<16xf32>
      %sub3A_177 = arith.subf %sub3A_176, %mul3A_174 : vector<16xf32>
      %mul3A_178 = arith.mulf %mul3A_169, %sub3A_177 : vector<16xf32>
      %mul3A_179 = arith.constant 5.000000e-01 : f32
      %mul3A_180 = vector.broadcast %mul3A_179 : f32 to vector<16xf32>
      %mul3A_181 = arith.mulf %mul3A_180, %max3A_152 : vector<16xf32>
      %mul3A_182 = arith.mulf %mul3A_181, %mul3A_178 : vector<16xf32>
      %mul3A_183 = arith.mulf %mul3A_182, %mul3A_178 : vector<16xf32>
      %sub3A_184 = arith.constant 1.500000e+00 : f32
      %sub3A_185 = vector.broadcast %sub3A_184 : f32 to vector<16xf32>
      %sub3A_186 = arith.subf %sub3A_185, %mul3A_183 : vector<16xf32>
      %mul3A_187 = arith.mulf %mul3A_178, %sub3A_186 : vector<16xf32>
      %gt3A_188 = arith.constant 0.000000e+00 : f32
      %gt3A_189 = vector.broadcast %gt3A_188 : f32 to vector<16xf32>
      %gt3A_190 = arith.cmpf ogt, %add3A_149, %gt3A_189 : vector<16xf32>
      %jit3A_191 = arith.constant 0.000000e+00 : f32
      %broadcast_in_dim3A_192 = vector.broadcast %jit3A_191 : f32 to vector<16xf32>
      %select_n3A_193 = arith.select %gt3A_190, %mul3A_187, %broadcast_in_dim3A_192 : vector<16xi1>, vector<16xf32>
      %mul3A_194 = arith.constant 16 : i32
      %mul3A_195 = arith.muli %scan3A_136, %mul3A_194 : i32
      %swap3A_196 = arith.index_cast %mul3A_195 : i32 to index
      %swap3A_197 = tpu.vector_load %arg15[%swap3A_196] {strides = array<i32>} : memref<768xf32, #tpu.memory_space<vmem>>, vector<16xf32>,
      tpu.vector_store %arg15[%swap3A_196], %select_n3A_193 {strides = array<i32>} : memref<768xf32, #tpu.memory_space<vmem>>, vector<16xf32>,
      %scan3A_198 = arith.constant 0 : i32
      scf.yield %scan3A_198 : i32
    }
    %scan3A_16 = arith.constant 48 : i32
    %iota3A = tpu.iota {dimensions = array<i32: 0>} : vector<16xi32>
    %scan3A_17 = arith.constant 0 : i32
    %scan3A_18 = arith.constant 0 : i32
    %scan3A_19 = arith.constant 48 : i32
    %scan3A_20 = arith.addi %scan3A_18, %scan3A_19 : i32
    %scan3A_21 = arith.constant 2 : i32
    %scan3A_22 = scf.for %scan3A_81 = %scan3A_18 to %scan3A_20 step %scan3A_21 iter_args(%scan3A_82 = %scan3A_17) -> (i32)  : i32 {
      %mul3A_83 = arith.constant 16 : i32
      %mul3A_84 = arith.muli %scan3A_81, %mul3A_83 : i32
      %add3A_85 = vector.broadcast %mul3A_84 : i32 to vector<16xi32>
      %add3A_86 = arith.addi %add3A_85, %iota3A : vector<16xi32>
      %mul3A_87 = arith.constant 16 : i32
      %mul3A_88 = arith.muli %scan3A_81, %mul3A_87 : i32
      %get3A = arith.index_cast %mul3A_88 : i32 to index
      %get3A_89 = tpu.vector_load %arg14[%get3A] {strides = array<i32>} : memref<768xf32, #tpu.memory_space<vmem>>, vector<16xf32>,
      %broadcast_in_dim3A = arith.constant 0 : i32
      %broadcast_in_dim3A_90 = vector.broadcast %broadcast_in_dim3A : i32 to vector<16xi32>
      %gather3A = tpu.vector_load_idx %arg12[%add3A_86, %broadcast_in_dim3A_90] : memref<768x16xf32, #tpu.memory_space<vmem>>[vector<16xi32>, vector<16xi32>], vector<16xf32>,
      %gt3A = arith.constant 0.000000e+00 : f32
      %gt3A_91 = vector.broadcast %gt3A : f32 to vector<16xf32>
      %gt3A_92 = arith.cmpf ogt, %get3A_89, %gt3A_91 : vector<16xf32>
      %mul3A_93 = arith.mulf %gather3A, %get3A_89 : vector<16xf32>
      %jit3A = arith.constant 0.000000e+00 : f32
      %broadcast_in_dim3A_94 = vector.broadcast %jit3A : f32 to vector<16xf32>
      %select_n3A = arith.select %gt3A_92, %mul3A_93, %broadcast_in_dim3A_94 : vector<16xi1>, vector<16xf32>
      tpu.vector_store_idx %arg13[%add3A_86, %broadcast_in_dim3A_90], %select_n3A : memref<768x8xf32, #tpu.memory_space<vmem>>[vector<16xi32>, vector<16xi32>], vector<16xf32>,
      %broadcast_in_dim3A_95 = arith.constant 1 : i32
      %broadcast_in_dim3A_96 = vector.broadcast %broadcast_in_dim3A_95 : i32 to vector<16xi32>
      %gather3A_97 = tpu.vector_load_idx %arg12[%add3A_86, %broadcast_in_dim3A_96] : memref<768x16xf32, #tpu.memory_space<vmem>>[vector<16xi32>, vector<16xi32>], vector<16xf32>,
      %gt3A_98 = arith.constant 0.000000e+00 : f32
      %gt3A_99 = vector.broadcast %gt3A_98 : f32 to vector<16xf32>
      %gt3A_100 = arith.cmpf ogt, %get3A_89, %gt3A_99 : vector<16xf32>
      %mul3A_101 = arith.mulf %gather3A_97, %get3A_89 : vector<16xf32>
      %jit3A_102 = arith.constant 0.000000e+00 : f32
      %broadcast_in_dim3A_103 = vector.broadcast %jit3A_102 : f32 to vector<16xf32>
      %select_n3A_104 = arith.select %gt3A_100, %mul3A_101, %broadcast_in_dim3A_103 : vector<16xi1>, vector<16xf32>
      tpu.vector_store_idx %arg13[%add3A_86, %broadcast_in_dim3A_96], %select_n3A_104 : memref<768x8xf32, #tpu.memory_space<vmem>>[vector<16xi32>, vector<16xi32>], vector<16xf32>,
      %broadcast_in_dim3A_105 = arith.constant 2 : i32
      %broadcast_in_dim3A_106 = vector.broadcast %broadcast_in_dim3A_105 : i32 to vector<16xi32>
      %gather3A_107 = tpu.vector_load_idx %arg12[%add3A_86, %broadcast_in_dim3A_106] : memref<768x16xf32, #tpu.memory_space<vmem>>[vector<16xi32>, vector<16xi32>], vector<16xf32>,
      %gt3A_108 = arith.constant 0.000000e+00 : f32
      %gt3A_109 = vector.broadcast %gt3A_108 : f32 to vector<16xf32>
      %gt3A_110 = arith.cmpf ogt, %get3A_89, %gt3A_109 : vector<16xf32>
      %mul3A_111 = arith.mulf %gather3A_107, %get3A_89 : vector<16xf32>
      %jit3A_112 = arith.constant 0.000000e+00 : f32
      %broadcast_in_dim3A_113 = vector.broadcast %jit3A_112 : f32 to vector<16xf32>
      %select_n3A_114 = arith.select %gt3A_110, %mul3A_111, %broadcast_in_dim3A_113 : vector<16xi1>, vector<16xf32>
      tpu.vector_store_idx %arg13[%add3A_86, %broadcast_in_dim3A_106], %select_n3A_114 : memref<768x8xf32, #tpu.memory_space<vmem>>[vector<16xi32>, vector<16xi32>], vector<16xf32>,
      %broadcast_in_dim3A_115 = arith.constant 3 : i32
      %broadcast_in_dim3A_116 = vector.broadcast %broadcast_in_dim3A_115 : i32 to vector<16xi32>
      %gather3A_117 = tpu.vector_load_idx %arg12[%add3A_86, %broadcast_in_dim3A_116] : memref<768x16xf32, #tpu.memory_space<vmem>>[vector<16xi32>, vector<16xi32>], vector<16xf32>,
      %gt3A_118 = arith.constant 0.000000e+00 : f32
      %gt3A_119 = vector.broadcast %gt3A_118 : f32 to vector<16xf32>
      %gt3A_120 = arith.cmpf ogt, %get3A_89, %gt3A_119 : vector<16xf32>
      %mul3A_121 = arith.mulf %gather3A_117, %get3A_89 : vector<16xf32>
      %jit3A_122 = arith.constant 0.000000e+00 : f32
      %broadcast_in_dim3A_123 = vector.broadcast %jit3A_122 : f32 to vector<16xf32>
      %select_n3A_124 = arith.select %gt3A_120, %mul3A_121, %broadcast_in_dim3A_123 : vector<16xi1>, vector<16xf32>
      tpu.vector_store_idx %arg13[%add3A_86, %broadcast_in_dim3A_116], %select_n3A_124 : memref<768x8xf32, #tpu.memory_space<vmem>>[vector<16xi32>, vector<16xi32>], vector<16xf32>,
      %broadcast_in_dim3A_125 = arith.constant 4 : i32
      %broadcast_in_dim3A_126 = vector.broadcast %broadcast_in_dim3A_125 : i32 to vector<16xi32>
      %gather3A_127 = tpu.vector_load_idx %arg12[%add3A_86, %broadcast_in_dim3A_126] : memref<768x16xf32, #tpu.memory_space<vmem>>[vector<16xi32>, vector<16xi32>], vector<16xf32>,
      %gt3A_128 = arith.constant 0.000000e+00 : f32
      %gt3A_129 = vector.broadcast %gt3A_128 : f32 to vector<16xf32>
      %gt3A_130 = arith.cmpf ogt, %get3A_89, %gt3A_129 : vector<16xf32>
      %mul3A_131 = arith.mulf %gather3A_127, %get3A_89 : vector<16xf32>
      %jit3A_132 = arith.constant 0.000000e+00 : f32
      %broadcast_in_dim3A_133 = vector.broadcast %jit3A_132 : f32 to vector<16xf32>
      %select_n3A_134 = arith.select %gt3A_130, %mul3A_131, %broadcast_in_dim3A_133 : vector<16xi1>, vector<16xf32>
      tpu.vector_store_idx %arg13[%add3A_86, %broadcast_in_dim3A_126], %select_n3A_134 : memref<768x8xf32, #tpu.memory_space<vmem>>[vector<16xi32>, vector<16xi32>], vector<16xf32>,
      %broadcast_in_dim3A_135 = arith.constant 5 : i32
      %broadcast_in_dim3A_136 = vector.broadcast %broadcast_in_dim3A_135 : i32 to vector<16xi32>
      %gather3A_137 = tpu.vector_load_idx %arg12[%add3A_86, %broadcast_in_dim3A_136] : memref<768x16xf32, #tpu.memory_space<vmem>>[vector<16xi32>, vector<16xi32>], vector<16xf32>,
      %gt3A_138 = arith.constant 0.000000e+00 : f32
      %gt3A_139 = vector.broadcast %gt3A_138 : f32 to vector<16xf32>
      %gt3A_140 = arith.cmpf ogt, %get3A_89, %gt3A_139 : vector<16xf32>
      %mul3A_141 = arith.mulf %gather3A_137, %get3A_89 : vector<16xf32>
      %jit3A_142 = arith.constant 0.000000e+00 : f32
      %broadcast_in_dim3A_143 = vector.broadcast %jit3A_142 : f32 to vector<16xf32>
      %select_n3A_144 = arith.select %gt3A_140, %mul3A_141, %broadcast_in_dim3A_143 : vector<16xi1>, vector<16xf32>
      tpu.vector_store_idx %arg13[%add3A_86, %broadcast_in_dim3A_136], %select_n3A_144 : memref<768x8xf32, #tpu.memory_space<vmem>>[vector<16xi32>, vector<16xi32>], vector<16xf32>,
      %broadcast_in_dim3A_145 = arith.constant 6 : i32
      %broadcast_in_dim3A_146 = vector.broadcast %broadcast_in_dim3A_145 : i32 to vector<16xi32>
      %gather3A_147 = tpu.vector_load_idx %arg12[%add3A_86, %broadcast_in_dim3A_146] : memref<768x16xf32, #tpu.memory_space<vmem>>[vector<16xi32>, vector<16xi32>], vector<16xf32>,
      %gt3A_148 = arith.constant 0.000000e+00 : f32
      %gt3A_149 = vector.broadcast %gt3A_148 : f32 to vector<16xf32>
      %gt3A_150 = arith.cmpf ogt, %get3A_89, %gt3A_149 : vector<16xf32>
      %mul3A_151 = arith.mulf %gather3A_147, %get3A_89 : vector<16xf32>
      %jit3A_152 = arith.constant 0.000000e+00 : f32
      %broadcast_in_dim3A_153 = vector.broadcast %jit3A_152 : f32 to vector<16xf32>
      %select_n3A_154 = arith.select %gt3A_150, %mul3A_151, %broadcast_in_dim3A_153 : vector<16xi1>, vector<16xf32>
      tpu.vector_store_idx %arg13[%add3A_86, %broadcast_in_dim3A_146], %select_n3A_154 : memref<768x8xf32, #tpu.memory_space<vmem>>[vector<16xi32>, vector<16xi32>], vector<16xf32>,
      %broadcast_in_dim3A_155 = arith.constant 7 : i32
      %broadcast_in_dim3A_156 = vector.broadcast %broadcast_in_dim3A_155 : i32 to vector<16xi32>
      %gather3A_157 = tpu.vector_load_idx %arg12[%add3A_86, %broadcast_in_dim3A_156] : memref<768x16xf32, #tpu.memory_space<vmem>>[vector<16xi32>, vector<16xi32>], vector<16xf32>,
      %gt3A_158 = arith.constant 0.000000e+00 : f32
      %gt3A_159 = vector.broadcast %gt3A_158 : f32 to vector<16xf32>
      %gt3A_160 = arith.cmpf ogt, %get3A_89, %gt3A_159 : vector<16xf32>
      %mul3A_161 = arith.mulf %gather3A_157, %get3A_89 : vector<16xf32>
      %jit3A_162 = arith.constant 0.000000e+00 : f32
      %broadcast_in_dim3A_163 = vector.broadcast %jit3A_162 : f32 to vector<16xf32>
      %select_n3A_164 = arith.select %gt3A_160, %mul3A_161, %broadcast_in_dim3A_163 : vector<16xi1>, vector<16xf32>
      tpu.vector_store_idx %arg13[%add3A_86, %broadcast_in_dim3A_156], %select_n3A_164 : memref<768x8xf32, #tpu.memory_space<vmem>>[vector<16xi32>, vector<16xi32>], vector<16xf32>,
      %scan3A_165 = arith.constant 0 : i32
      %scan3A_166 = arith.constant 1 : i32
      %scan3A_167 = arith.addi %scan3A_81, %scan3A_166 : i32
      %mul3A_168 = arith.constant 16 : i32
      %mul3A_169 = arith.muli %scan3A_167, %mul3A_168 : i32
      %add3A_170 = vector.broadcast %mul3A_169 : i32 to vector<16xi32>
      %add3A_171 = arith.addi %add3A_170, %iota3A : vector<16xi32>
      %mul3A_172 = arith.constant 16 : i32
      %mul3A_173 = arith.muli %scan3A_167, %mul3A_172 : i32
      %get3A_174 = arith.index_cast %mul3A_173 : i32 to index
      %get3A_175 = tpu.vector_load %arg14[%get3A_174] {strides = array<i32>} : memref<768xf32, #tpu.memory_space<vmem>>, vector<16xf32>,
      %broadcast_in_dim3A_176 = arith.constant 0 : i32
      %broadcast_in_dim3A_177 = vector.broadcast %broadcast_in_dim3A_176 : i32 to vector<16xi32>
      %gather3A_178 = tpu.vector_load_idx %arg12[%add3A_171, %broadcast_in_dim3A_177] : memref<768x16xf32, #tpu.memory_space<vmem>>[vector<16xi32>, vector<16xi32>], vector<16xf32>,
      %gt3A_179 = arith.constant 0.000000e+00 : f32
      %gt3A_180 = vector.broadcast %gt3A_179 : f32 to vector<16xf32>
      %gt3A_181 = arith.cmpf ogt, %get3A_175, %gt3A_180 : vector<16xf32>
      %mul3A_182 = arith.mulf %gather3A_178, %get3A_175 : vector<16xf32>
      %jit3A_183 = arith.constant 0.000000e+00 : f32
      %broadcast_in_dim3A_184 = vector.broadcast %jit3A_183 : f32 to vector<16xf32>
      %select_n3A_185 = arith.select %gt3A_181, %mul3A_182, %broadcast_in_dim3A_184 : vector<16xi1>, vector<16xf32>
      tpu.vector_store_idx %arg13[%add3A_171, %broadcast_in_dim3A_177], %select_n3A_185 : memref<768x8xf32, #tpu.memory_space<vmem>>[vector<16xi32>, vector<16xi32>], vector<16xf32>,
      %broadcast_in_dim3A_186 = arith.constant 1 : i32
      %broadcast_in_dim3A_187 = vector.broadcast %broadcast_in_dim3A_186 : i32 to vector<16xi32>
      %gather3A_188 = tpu.vector_load_idx %arg12[%add3A_171, %broadcast_in_dim3A_187] : memref<768x16xf32, #tpu.memory_space<vmem>>[vector<16xi32>, vector<16xi32>], vector<16xf32>,
      %gt3A_189 = arith.constant 0.000000e+00 : f32
      %gt3A_190 = vector.broadcast %gt3A_189 : f32 to vector<16xf32>
      %gt3A_191 = arith.cmpf ogt, %get3A_175, %gt3A_190 : vector<16xf32>
      %mul3A_192 = arith.mulf %gather3A_188, %get3A_175 : vector<16xf32>
      %jit3A_193 = arith.constant 0.000000e+00 : f32
      %broadcast_in_dim3A_194 = vector.broadcast %jit3A_193 : f32 to vector<16xf32>
      %select_n3A_195 = arith.select %gt3A_191, %mul3A_192, %broadcast_in_dim3A_194 : vector<16xi1>, vector<16xf32>
      tpu.vector_store_idx %arg13[%add3A_171, %broadcast_in_dim3A_187], %select_n3A_195 : memref<768x8xf32, #tpu.memory_space<vmem>>[vector<16xi32>, vector<16xi32>], vector<16xf32>,
      %broadcast_in_dim3A_196 = arith.constant 2 : i32
      %broadcast_in_dim3A_197 = vector.broadcast %broadcast_in_dim3A_196 : i32 to vector<16xi32>
      %gather3A_198 = tpu.vector_load_idx %arg12[%add3A_171, %broadcast_in_dim3A_197] : memref<768x16xf32, #tpu.memory_space<vmem>>[vector<16xi32>, vector<16xi32>], vector<16xf32>,
      %gt3A_199 = arith.constant 0.000000e+00 : f32
      %gt3A_200 = vector.broadcast %gt3A_199 : f32 to vector<16xf32>
      %gt3A_201 = arith.cmpf ogt, %get3A_175, %gt3A_200 : vector<16xf32>
      %mul3A_202 = arith.mulf %gather3A_198, %get3A_175 : vector<16xf32>
      %jit3A_203 = arith.constant 0.000000e+00 : f32
      %broadcast_in_dim3A_204 = vector.broadcast %jit3A_203 : f32 to vector<16xf32>
      %select_n3A_205 = arith.select %gt3A_201, %mul3A_202, %broadcast_in_dim3A_204 : vector<16xi1>, vector<16xf32>
      tpu.vector_store_idx %arg13[%add3A_171, %broadcast_in_dim3A_197], %select_n3A_205 : memref<768x8xf32, #tpu.memory_space<vmem>>[vector<16xi32>, vector<16xi32>], vector<16xf32>,
      %broadcast_in_dim3A_206 = arith.constant 3 : i32
      %broadcast_in_dim3A_207 = vector.broadcast %broadcast_in_dim3A_206 : i32 to vector<16xi32>
      %gather3A_208 = tpu.vector_load_idx %arg12[%add3A_171, %broadcast_in_dim3A_207] : memref<768x16xf32, #tpu.memory_space<vmem>>[vector<16xi32>, vector<16xi32>], vector<16xf32>,
      %gt3A_209 = arith.constant 0.000000e+00 : f32
      %gt3A_210 = vector.broadcast %gt3A_209 : f32 to vector<16xf32>
      %gt3A_211 = arith.cmpf ogt, %get3A_175, %gt3A_210 : vector<16xf32>
      %mul3A_212 = arith.mulf %gather3A_208, %get3A_175 : vector<16xf32>
      %jit3A_213 = arith.constant 0.000000e+00 : f32
      %broadcast_in_dim3A_214 = vector.broadcast %jit3A_213 : f32 to vector<16xf32>
      %select_n3A_215 = arith.select %gt3A_211, %mul3A_212, %broadcast_in_dim3A_214 : vector<16xi1>, vector<16xf32>
      tpu.vector_store_idx %arg13[%add3A_171, %broadcast_in_dim3A_207], %select_n3A_215 : memref<768x8xf32, #tpu.memory_space<vmem>>[vector<16xi32>, vector<16xi32>], vector<16xf32>,
      %broadcast_in_dim3A_216 = arith.constant 4 : i32
      %broadcast_in_dim3A_217 = vector.broadcast %broadcast_in_dim3A_216 : i32 to vector<16xi32>
      %gather3A_218 = tpu.vector_load_idx %arg12[%add3A_171, %broadcast_in_dim3A_217] : memref<768x16xf32, #tpu.memory_space<vmem>>[vector<16xi32>, vector<16xi32>], vector<16xf32>,
      %gt3A_219 = arith.constant 0.000000e+00 : f32
      %gt3A_220 = vector.broadcast %gt3A_219 : f32 to vector<16xf32>
      %gt3A_221 = arith.cmpf ogt, %get3A_175, %gt3A_220 : vector<16xf32>
      %mul3A_222 = arith.mulf %gather3A_218, %get3A_175 : vector<16xf32>
      %jit3A_223 = arith.constant 0.000000e+00 : f32
      %broadcast_in_dim3A_224 = vector.broadcast %jit3A_223 : f32 to vector<16xf32>
      %select_n3A_225 = arith.select %gt3A_221, %mul3A_222, %broadcast_in_dim3A_224 : vector<16xi1>, vector<16xf32>
      tpu.vector_store_idx %arg13[%add3A_171, %broadcast_in_dim3A_217], %select_n3A_225 : memref<768x8xf32, #tpu.memory_space<vmem>>[vector<16xi32>, vector<16xi32>], vector<16xf32>,
      %broadcast_in_dim3A_226 = arith.constant 5 : i32
      %broadcast_in_dim3A_227 = vector.broadcast %broadcast_in_dim3A_226 : i32 to vector<16xi32>
      %gather3A_228 = tpu.vector_load_idx %arg12[%add3A_171, %broadcast_in_dim3A_227] : memref<768x16xf32, #tpu.memory_space<vmem>>[vector<16xi32>, vector<16xi32>], vector<16xf32>,
      %gt3A_229 = arith.constant 0.000000e+00 : f32
      %gt3A_230 = vector.broadcast %gt3A_229 : f32 to vector<16xf32>
      %gt3A_231 = arith.cmpf ogt, %get3A_175, %gt3A_230 : vector<16xf32>
      %mul3A_232 = arith.mulf %gather3A_228, %get3A_175 : vector<16xf32>
      %jit3A_233 = arith.constant 0.000000e+00 : f32
      %broadcast_in_dim3A_234 = vector.broadcast %jit3A_233 : f32 to vector<16xf32>
      %select_n3A_235 = arith.select %gt3A_231, %mul3A_232, %broadcast_in_dim3A_234 : vector<16xi1>, vector<16xf32>
      tpu.vector_store_idx %arg13[%add3A_171, %broadcast_in_dim3A_227], %select_n3A_235 : memref<768x8xf32, #tpu.memory_space<vmem>>[vector<16xi32>, vector<16xi32>], vector<16xf32>,
      %broadcast_in_dim3A_236 = arith.constant 6 : i32
      %broadcast_in_dim3A_237 = vector.broadcast %broadcast_in_dim3A_236 : i32 to vector<16xi32>
      %gather3A_238 = tpu.vector_load_idx %arg12[%add3A_171, %broadcast_in_dim3A_237] : memref<768x16xf32, #tpu.memory_space<vmem>>[vector<16xi32>, vector<16xi32>], vector<16xf32>,
      %gt3A_239 = arith.constant 0.000000e+00 : f32
      %gt3A_240 = vector.broadcast %gt3A_239 : f32 to vector<16xf32>
      %gt3A_241 = arith.cmpf ogt, %get3A_175, %gt3A_240 : vector<16xf32>
      %mul3A_242 = arith.mulf %gather3A_238, %get3A_175 : vector<16xf32>
      %jit3A_243 = arith.constant 0.000000e+00 : f32
      %broadcast_in_dim3A_244 = vector.broadcast %jit3A_243 : f32 to vector<16xf32>
      %select_n3A_245 = arith.select %gt3A_241, %mul3A_242, %broadcast_in_dim3A_244 : vector<16xi1>, vector<16xf32>
      tpu.vector_store_idx %arg13[%add3A_171, %broadcast_in_dim3A_237], %select_n3A_245 : memref<768x8xf32, #tpu.memory_space<vmem>>[vector<16xi32>, vector<16xi32>], vector<16xf32>,
      %broadcast_in_dim3A_246 = arith.constant 7 : i32
      %broadcast_in_dim3A_247 = vector.broadcast %broadcast_in_dim3A_246 : i32 to vector<16xi32>
      %gather3A_248 = tpu.vector_load_idx %arg12[%add3A_171, %broadcast_in_dim3A_247] : memref<768x16xf32, #tpu.memory_space<vmem>>[vector<16xi32>, vector<16xi32>], vector<16xf32>,
      %gt3A_249 = arith.constant 0.000000e+00 : f32
      %gt3A_250 = vector.broadcast %gt3A_249 : f32 to vector<16xf32>
      %gt3A_251 = arith.cmpf ogt, %get3A_175, %gt3A_250 : vector<16xf32>
      %mul3A_252 = arith.mulf %gather3A_248, %get3A_175 : vector<16xf32>
      %jit3A_253 = arith.constant 0.000000e+00 : f32
      %broadcast_in_dim3A_254 = vector.broadcast %jit3A_253 : f32 to vector<16xf32>
      %select_n3A_255 = arith.select %gt3A_251, %mul3A_252, %broadcast_in_dim3A_254 : vector<16xi1>, vector<16xf32>
      tpu.vector_store_idx %arg13[%add3A_171, %broadcast_in_dim3A_247], %select_n3A_255 : memref<768x8xf32, #tpu.memory_space<vmem>>[vector<16xi32>, vector<16xi32>], vector<16xf32>,
      %scan3A_256 = arith.constant 0 : i32
      scf.yield %scan3A_256 : i32
    }
    %scan3A_23 = arith.constant 48 : i32
    %eq3A = arith.constant 0 : i32
    %eq3A_24 = arith.cmpi eq, %arg0, %eq3A : i32
    %convert_element_type3A = arith.extui %eq3A_24 : i1 to i32
    %cond3A = arith.constant 0 : i32
    %cond3A_25 = arith.cmpi ne, %convert_element_type3A, %cond3A : i32
    scf.if %cond3A_25 {
      "tpu.region"() ({
        %run_scoped3A_81 = tpu.sem_alloc : memref<!tpu.dma_semaphore, #tpu.memory_space<semaphore_mem>>
        %dma_start3A_82 = tpu.memref_slice %arg7[%mul3A_2] : memref<12288xf32, #tpu.memory_space<hbm>> -> memref<768xf32, #tpu.memory_space<hbm>>
        %dma_start3A_83 = tpu.memref_slice %arg7[%mul3A_2] : memref<12288xf32, #tpu.memory_space<hbm>> -> memref<768xf32, #tpu.memory_space<hbm>>
        tpu.enqueue_dma source(%arg14 : memref<768xf32, #tpu.memory_space<vmem>>) target(%dma_start3A_83 : memref<768xf32, #tpu.memory_space<hbm>>) target_semaphore(%run_scoped3A_81 : memref<!tpu.dma_semaphore, #tpu.memory_space<semaphore_mem>>)
        %dma_wait3A = tpu.memref_slice %arg7[%mul3A_2] : memref<12288xf32, #tpu.memory_space<hbm>> -> memref<768xf32, #tpu.memory_space<hbm>>
        %dma_wait3A_84 = tpu.memref_slice %arg7[%mul3A_2] : memref<12288xf32, #tpu.memory_space<hbm>> -> memref<768xf32, #tpu.memory_space<hbm>>
        tpu.wait_dma2 semaphore(%run_scoped3A_81 : memref<!tpu.dma_semaphore, #tpu.memory_space<semaphore_mem>>) src(%arg14 : memref<768xf32, #tpu.memory_space<vmem>>) dst(%dma_wait3A_84 : memref<768xf32, #tpu.memory_space<hbm>>)
        tpu.yield
      }) : () -> ()
      "tpu.region"() ({
        %run_scoped3A_81 = tpu.sem_alloc : memref<!tpu.dma_semaphore, #tpu.memory_space<semaphore_mem>>
        %dma_start3A_82 = tpu.memref_slice %arg8[%mul3A_2] : memref<12288xf32, #tpu.memory_space<hbm>> -> memref<768xf32, #tpu.memory_space<hbm>>
        %dma_start3A_83 = tpu.memref_slice %arg8[%mul3A_2] : memref<12288xf32, #tpu.memory_space<hbm>> -> memref<768xf32, #tpu.memory_space<hbm>>
        tpu.enqueue_dma source(%arg15 : memref<768xf32, #tpu.memory_space<vmem>>) target(%dma_start3A_83 : memref<768xf32, #tpu.memory_space<hbm>>) target_semaphore(%run_scoped3A_81 : memref<!tpu.dma_semaphore, #tpu.memory_space<semaphore_mem>>)
        %dma_wait3A = tpu.memref_slice %arg8[%mul3A_2] : memref<12288xf32, #tpu.memory_space<hbm>> -> memref<768xf32, #tpu.memory_space<hbm>>
        %dma_wait3A_84 = tpu.memref_slice %arg8[%mul3A_2] : memref<12288xf32, #tpu.memory_space<hbm>> -> memref<768xf32, #tpu.memory_space<hbm>>
        tpu.wait_dma2 semaphore(%run_scoped3A_81 : memref<!tpu.dma_semaphore, #tpu.memory_space<semaphore_mem>>) src(%arg15 : memref<768xf32, #tpu.memory_space<vmem>>) dst(%dma_wait3A_84 : memref<768xf32, #tpu.memory_space<hbm>>)
        tpu.yield
      }) : () -> ()
    } else {
    }
    "tpu.region"() ({
      %run_scoped3A_81 = tpu.sem_alloc : memref<!tpu.dma_semaphore, #tpu.memory_space<semaphore_mem>>
      %dma_start3A_82 = arith.constant 0 : i32
      %dma_start3A_83 = tpu.memref_slice %arg19[%mul3A_2, %dma_start3A_82] : memref<12288x8xf32, #tpu.memory_space<vmem_shared>> -> memref<768x8xf32, #tpu.memory_space<vmem_shared>>
      %dma_start3A_84 = arith.constant 0 : i32
      %dma_start3A_85 = tpu.memref_slice %arg19[%mul3A_2, %dma_start3A_84] : memref<12288x8xf32, #tpu.memory_space<vmem_shared>> -> memref<768x8xf32, #tpu.memory_space<vmem_shared>>
      tpu.enqueue_dma source(%arg13 : memref<768x8xf32, #tpu.memory_space<vmem>>) target(%dma_start3A_85 : memref<768x8xf32, #tpu.memory_space<vmem_shared>>) target_semaphore(%run_scoped3A_81 : memref<!tpu.dma_semaphore, #tpu.memory_space<semaphore_mem>>)
      %dma_wait3A = arith.constant 0 : i32
      %dma_wait3A_86 = tpu.memref_slice %arg19[%mul3A_2, %dma_wait3A] : memref<12288x8xf32, #tpu.memory_space<vmem_shared>> -> memref<768x8xf32, #tpu.memory_space<vmem_shared>>
      %dma_wait3A_87 = arith.constant 0 : i32
      %dma_wait3A_88 = tpu.memref_slice %arg19[%mul3A_2, %dma_wait3A_87] : memref<12288x8xf32, #tpu.memory_space<vmem_shared>> -> memref<768x8xf32, #tpu.memory_space<vmem_shared>>
      tpu.wait_dma2 semaphore(%run_scoped3A_81 : memref<!tpu.dma_semaphore, #tpu.memory_space<semaphore_mem>>) src(%arg13 : memref<768x8xf32, #tpu.memory_space<vmem>>) dst(%dma_wait3A_88 : memref<768x8xf32, #tpu.memory_space<vmem_shared>>)
      tpu.yield
    }) : () -> ()
    "tpu.region"() ({
      %run_scoped3A_81 = tpu.sem_alloc : memref<!tpu.dma_semaphore, #tpu.memory_space<semaphore_mem>>
      %dma_start3A_82 = arith.constant 0 : i32
      %dma_start3A_83 = tpu.memref_slice %arg20[%mul3A_2, %dma_start3A_82] : memref<12288x8xf32, #tpu.memory_space<vmem_shared>> -> memref<768x8xf32, #tpu.memory_space<vmem_shared>>
      tpu.enqueue_dma source(%arg6 : memref<768x8xf32, #tpu.memory_space<hbm>>) target(%dma_start3A_83 : memref<768x8xf32, #tpu.memory_space<vmem_shared>>) target_semaphore(%run_scoped3A_81 : memref<!tpu.dma_semaphore, #tpu.memory_space<semaphore_mem>>)
      %dma_wait3A = arith.constant 0 : i32
      %dma_wait3A_84 = tpu.memref_slice %arg20[%mul3A_2, %dma_wait3A] : memref<12288x8xf32, #tpu.memory_space<vmem_shared>> -> memref<768x8xf32, #tpu.memory_space<vmem_shared>>
      tpu.wait_dma2 semaphore(%run_scoped3A_81 : memref<!tpu.dma_semaphore, #tpu.memory_space<semaphore_mem>>) src(%arg6 : memref<768x8xf32, #tpu.memory_space<hbm>>) dst(%dma_wait3A_84 : memref<768x8xf32, #tpu.memory_space<vmem_shared>>)
      tpu.yield
    }) : () -> ()
    %barrier3A = arith.constant 0 : index
    tpu.barrier barrier_id(%barrier3A)
    %dma_start3A = arith.constant 0 : i32
    %dma_start3A_26 = arith.constant 0 : i32
    %dma_start3A_27 = arith.constant 0 : i32
    %dma_start3A_28 = arith.constant 0 : i32
    %dma_start3A_29 = tpu.memref_slice %arg18[%dma_start3A_26, %dma_start3A_27, %dma_start3A_28] : memref<4x128x8xf32, #tpu.memory_space<vmem>> -> memref<1x128x8xf32, #tpu.memory_space<vmem>>
    %dma_start3A_30 = tpu.memref_squeeze %dma_start3A_29 : memref<1x128x8xf32, #tpu.memory_space<vmem>> -> memref<128x8xf32, #tpu.memory_space<vmem>>
    %dma_start3A_31 = arith.constant 0 : i32
    %dma_start3A_32 = tpu.memref_slice %arg16[%dma_start3A, %dma_start3A_31] : memref<80x128xi32, #tpu.memory_space<vmem>> -> memref<1x128xi32, #tpu.memory_space<vmem>>
    %dma_start3A_33 = tpu.memref_squeeze %dma_start3A_32 : memref<1x128xi32, #tpu.memory_space<vmem>> -> memref<128xi32, #tpu.memory_space<vmem>>
    %dma_start3A_34 = arith.constant 0 : i32
    %dma_start3A_35 = arith.constant 0 : i32
    %dma_start3A_36 = tpu.memref_slice %arg19[%dma_start3A_34, %dma_start3A_35] : memref<12288x8xf32, #tpu.memory_space<vmem_shared>> -> memref<12288x8xf32, #tpu.memory_space<vmem_shared>>
    tpu.enqueue_indirect_dma source(%dma_start3A_36 : memref<12288x8xf32, #tpu.memory_space<vmem_shared>>) target(%dma_start3A_30 : memref<128x8xf32, #tpu.memory_space<vmem>>) offsets(%dma_start3A_33 : memref<128xi32, #tpu.memory_space<vmem>>) semaphore(%arg21 : memref<!tpu.dma_semaphore, #tpu.memory_space<semaphore_mem>>)
    %dma_start3A_37 = arith.constant 1 : i32
    %dma_start3A_38 = arith.constant 1 : i32
    %dma_start3A_39 = arith.constant 0 : i32
    %dma_start3A_40 = arith.constant 0 : i32
    %dma_start3A_41 = tpu.memref_slice %arg18[%dma_start3A_38, %dma_start3A_39, %dma_start3A_40] : memref<4x128x8xf32, #tpu.memory_space<vmem>> -> memref<1x128x8xf32, #tpu.memory_space<vmem>>
    %dma_start3A_42 = tpu.memref_squeeze %dma_start3A_41 : memref<1x128x8xf32, #tpu.memory_space<vmem>> -> memref<128x8xf32, #tpu.memory_space<vmem>>
    %dma_start3A_43 = arith.constant 0 : i32
    %dma_start3A_44 = tpu.memref_slice %arg16[%dma_start3A_37, %dma_start3A_43] : memref<80x128xi32, #tpu.memory_space<vmem>> -> memref<1x128xi32, #tpu.memory_space<vmem>>
    %dma_start3A_45 = tpu.memref_squeeze %dma_start3A_44 : memref<1x128xi32, #tpu.memory_space<vmem>> -> memref<128xi32, #tpu.memory_space<vmem>>
    %dma_start3A_46 = arith.constant 0 : i32
    %dma_start3A_47 = arith.constant 0 : i32
    %dma_start3A_48 = tpu.memref_slice %arg19[%dma_start3A_46, %dma_start3A_47] : memref<12288x8xf32, #tpu.memory_space<vmem_shared>> -> memref<12288x8xf32, #tpu.memory_space<vmem_shared>>
    tpu.enqueue_indirect_dma source(%dma_start3A_48 : memref<12288x8xf32, #tpu.memory_space<vmem_shared>>) target(%dma_start3A_42 : memref<128x8xf32, #tpu.memory_space<vmem>>) offsets(%dma_start3A_45 : memref<128xi32, #tpu.memory_space<vmem>>) semaphore(%arg21 : memref<!tpu.dma_semaphore, #tpu.memory_space<semaphore_mem>>)
    %dma_start3A_49 = arith.constant 2 : i32
    %dma_start3A_50 = arith.constant 2 : i32
    %dma_start3A_51 = arith.constant 0 : i32
    %dma_start3A_52 = arith.constant 0 : i32
    %dma_start3A_53 = tpu.memref_slice %arg18[%dma_start3A_50, %dma_start3A_51, %dma_start3A_52] : memref<4x128x8xf32, #tpu.memory_space<vmem>> -> memref<1x128x8xf32, #tpu.memory_space<vmem>>
    %dma_start3A_54 = tpu.memref_squeeze %dma_start3A_53 : memref<1x128x8xf32, #tpu.memory_space<vmem>> -> memref<128x8xf32, #tpu.memory_space<vmem>>
    %dma_start3A_55 = arith.constant 0 : i32
    %dma_start3A_56 = tpu.memref_slice %arg16[%dma_start3A_49, %dma_start3A_55] : memref<80x128xi32, #tpu.memory_space<vmem>> -> memref<1x128xi32, #tpu.memory_space<vmem>>
    %dma_start3A_57 = tpu.memref_squeeze %dma_start3A_56 : memref<1x128xi32, #tpu.memory_space<vmem>> -> memref<128xi32, #tpu.memory_space<vmem>>
    %dma_start3A_58 = arith.constant 0 : i32
    %dma_start3A_59 = arith.constant 0 : i32
    %dma_start3A_60 = tpu.memref_slice %arg19[%dma_start3A_58, %dma_start3A_59] : memref<12288x8xf32, #tpu.memory_space<vmem_shared>> -> memref<12288x8xf32, #tpu.memory_space<vmem_shared>>
    tpu.enqueue_indirect_dma source(%dma_start3A_60 : memref<12288x8xf32, #tpu.memory_space<vmem_shared>>) target(%dma_start3A_54 : memref<128x8xf32, #tpu.memory_space<vmem>>) offsets(%dma_start3A_57 : memref<128xi32, #tpu.memory_space<vmem>>) semaphore(%arg21 : memref<!tpu.dma_semaphore, #tpu.memory_space<semaphore_mem>>)
    %dma_start3A_61 = arith.constant 3 : i32
    %dma_start3A_62 = arith.constant 3 : i32
    %dma_start3A_63 = arith.constant 0 : i32
    %dma_start3A_64 = arith.constant 0 : i32
    %dma_start3A_65 = tpu.memref_slice %arg18[%dma_start3A_62, %dma_start3A_63, %dma_start3A_64] : memref<4x128x8xf32, #tpu.memory_space<vmem>> -> memref<1x128x8xf32, #tpu.memory_space<vmem>>
    %dma_start3A_66 = tpu.memref_squeeze %dma_start3A_65 : memref<1x128x8xf32, #tpu.memory_space<vmem>> -> memref<128x8xf32, #tpu.memory_space<vmem>>
    %dma_start3A_67 = arith.constant 0 : i32
    %dma_start3A_68 = tpu.memref_slice %arg16[%dma_start3A_61, %dma_start3A_67] : memref<80x128xi32, #tpu.memory_space<vmem>> -> memref<1x128xi32, #tpu.memory_space<vmem>>
    %dma_start3A_69 = tpu.memref_squeeze %dma_start3A_68 : memref<1x128xi32, #tpu.memory_space<vmem>> -> memref<128xi32, #tpu.memory_space<vmem>>
    %dma_start3A_70 = arith.constant 0 : i32
    %dma_start3A_71 = arith.constant 0 : i32
    %dma_start3A_72 = tpu.memref_slice %arg19[%dma_start3A_70, %dma_start3A_71] : memref<12288x8xf32, #tpu.memory_space<vmem_shared>> -> memref<12288x8xf32, #tpu.memory_space<vmem_shared>>
    tpu.enqueue_indirect_dma source(%dma_start3A_72 : memref<12288x8xf32, #tpu.memory_space<vmem_shared>>) target(%dma_start3A_66 : memref<128x8xf32, #tpu.memory_space<vmem>>) offsets(%dma_start3A_69 : memref<128xi32, #tpu.memory_space<vmem>>) semaphore(%arg21 : memref<!tpu.dma_semaphore, #tpu.memory_space<semaphore_mem>>)
    %scan3A_73 = arith.constant 0 : i32
    %scan3A_74 = arith.constant 0 : i32
    %scan3A_75 = arith.constant 20 : i32
    %scan3A_76 = arith.addi %scan3A_74, %scan3A_75 : i32
    %scan3A_77 = arith.constant 1 : i32
    %scan3A_78 = scf.for %scan3A_81 = %scan3A_74 to %scan3A_76 step %scan3A_77 iter_args(%scan3A_82 = %scan3A_73) -> (i32)  : i32 {
      %mul3A_83 = arith.constant 4 : i32
      %mul3A_84 = arith.muli %scan3A_81, %mul3A_83 : i32
      %dma_wait3A = arith.constant 0 : i32
      %dma_wait3A_85 = arith.constant 0 : i32
      %dma_wait3A_86 = arith.constant 0 : i32
      %dma_wait3A_87 = arith.constant 0 : i32
      %dma_wait3A_88 = tpu.memref_slice %arg18[%dma_wait3A_85, %dma_wait3A_86, %dma_wait3A_87] : memref<4x128x8xf32, #tpu.memory_space<vmem>> -> memref<1x128x8xf32, #tpu.memory_space<vmem>>
      %dma_wait3A_89 = tpu.memref_squeeze %dma_wait3A_88 : memref<1x128x8xf32, #tpu.memory_space<vmem>> -> memref<128x8xf32, #tpu.memory_space<vmem>>
      %dma_wait3A_90 = arith.constant 0 : i32
      %dma_wait3A_91 = tpu.memref_slice %arg16[%dma_wait3A, %dma_wait3A_90] : memref<80x128xi32, #tpu.memory_space<vmem>> -> memref<1x128xi32, #tpu.memory_space<vmem>>
      %dma_wait3A_92 = tpu.memref_squeeze %dma_wait3A_91 : memref<1x128xi32, #tpu.memory_space<vmem>> -> memref<128xi32, #tpu.memory_space<vmem>>
      %dma_wait3A_93 = arith.constant 0 : i32
      %dma_wait3A_94 = arith.constant 0 : i32
      %dma_wait3A_95 = tpu.memref_slice %arg19[%dma_wait3A_93, %dma_wait3A_94] : memref<12288x8xf32, #tpu.memory_space<vmem_shared>> -> memref<12288x8xf32, #tpu.memory_space<vmem_shared>>
      tpu.wait_indirect_dma semaphore(%arg21 : memref<!tpu.dma_semaphore, #tpu.memory_space<semaphore_mem>>) src(%dma_wait3A_95 : memref<12288x8xf32, #tpu.memory_space<vmem_shared>>) dst(%dma_wait3A_89 : memref<128x8xf32, #tpu.memory_space<vmem>>)
      %add3A_96 = arith.constant 0 : i32
      %add3A_97 = arith.addi %mul3A_84, %add3A_96 : i32
      %dma_start3A_98 = arith.constant 0 : i32
      %dma_start3A_99 = arith.constant 0 : i32
      %dma_start3A_100 = arith.constant 0 : i32
      %dma_start3A_101 = tpu.memref_slice %arg18[%dma_start3A_98, %dma_start3A_99, %dma_start3A_100] : memref<4x128x8xf32, #tpu.memory_space<vmem>> -> memref<1x128x8xf32, #tpu.memory_space<vmem>>
      %dma_start3A_102 = tpu.memref_squeeze %dma_start3A_101 : memref<1x128x8xf32, #tpu.memory_space<vmem>> -> memref<128x8xf32, #tpu.memory_space<vmem>>
      %dma_start3A_103 = arith.constant 0 : i32
      %dma_start3A_104 = tpu.memref_slice %arg17[%add3A_97, %dma_start3A_103] : memref<80x128xi32, #tpu.memory_space<vmem>> -> memref<1x128xi32, #tpu.memory_space<vmem>>
      %dma_start3A_105 = tpu.memref_squeeze %dma_start3A_104 : memref<1x128xi32, #tpu.memory_space<vmem>> -> memref<128xi32, #tpu.memory_space<vmem>>
      %dma_start3A_106 = arith.constant 0 : i32
      %dma_start3A_107 = arith.constant 0 : i32
      %dma_start3A_108 = tpu.memref_slice %arg20[%dma_start3A_106, %dma_start3A_107] : memref<12288x8xf32, #tpu.memory_space<vmem_shared>> -> memref<12288x8xf32, #tpu.memory_space<vmem_shared>>
      tpu.enqueue_indirect_dma source(%dma_start3A_102 : memref<128x8xf32, #tpu.memory_space<vmem>>) target(%dma_start3A_108 : memref<12288x8xf32, #tpu.memory_space<vmem_shared>>) offsets(%dma_start3A_105 : memref<128xi32, #tpu.memory_space<vmem>>) semaphore(%arg22 : memref<!tpu.dma_semaphore, #tpu.memory_space<semaphore_mem>>) {add = true}
      %dma_wait3A_109 = arith.constant 0 : i32
      %dma_wait3A_110 = arith.constant 1 : i32
      %dma_wait3A_111 = arith.constant 0 : i32
      %dma_wait3A_112 = arith.constant 0 : i32
      %dma_wait3A_113 = tpu.memref_slice %arg18[%dma_wait3A_110, %dma_wait3A_111, %dma_wait3A_112] : memref<4x128x8xf32, #tpu.memory_space<vmem>> -> memref<1x128x8xf32, #tpu.memory_space<vmem>>
      %dma_wait3A_114 = tpu.memref_squeeze %dma_wait3A_113 : memref<1x128x8xf32, #tpu.memory_space<vmem>> -> memref<128x8xf32, #tpu.memory_space<vmem>>
      %dma_wait3A_115 = arith.constant 0 : i32
      %dma_wait3A_116 = tpu.memref_slice %arg16[%dma_wait3A_109, %dma_wait3A_115] : memref<80x128xi32, #tpu.memory_space<vmem>> -> memref<1x128xi32, #tpu.memory_space<vmem>>
      %dma_wait3A_117 = tpu.memref_squeeze %dma_wait3A_116 : memref<1x128xi32, #tpu.memory_space<vmem>> -> memref<128xi32, #tpu.memory_space<vmem>>
      %dma_wait3A_118 = arith.constant 0 : i32
      %dma_wait3A_119 = arith.constant 0 : i32
      %dma_wait3A_120 = tpu.memref_slice %arg19[%dma_wait3A_118, %dma_wait3A_119] : memref<12288x8xf32, #tpu.memory_space<vmem_shared>> -> memref<12288x8xf32, #tpu.memory_space<vmem_shared>>
      tpu.wait_indirect_dma semaphore(%arg21 : memref<!tpu.dma_semaphore, #tpu.memory_space<semaphore_mem>>) src(%dma_wait3A_120 : memref<12288x8xf32, #tpu.memory_space<vmem_shared>>) dst(%dma_wait3A_114 : memref<128x8xf32, #tpu.memory_space<vmem>>)
      %add3A_121 = arith.constant 1 : i32
      %add3A_122 = arith.addi %mul3A_84, %add3A_121 : i32
      %dma_start3A_123 = arith.constant 1 : i32
      %dma_start3A_124 = arith.constant 0 : i32
      %dma_start3A_125 = arith.constant 0 : i32
      %dma_start3A_126 = tpu.memref_slice %arg18[%dma_start3A_123, %dma_start3A_124, %dma_start3A_125] : memref<4x128x8xf32, #tpu.memory_space<vmem>> -> memref<1x128x8xf32, #tpu.memory_space<vmem>>
      %dma_start3A_127 = tpu.memref_squeeze %dma_start3A_126 : memref<1x128x8xf32, #tpu.memory_space<vmem>> -> memref<128x8xf32, #tpu.memory_space<vmem>>
      %dma_start3A_128 = arith.constant 0 : i32
      %dma_start3A_129 = tpu.memref_slice %arg17[%add3A_122, %dma_start3A_128] : memref<80x128xi32, #tpu.memory_space<vmem>> -> memref<1x128xi32, #tpu.memory_space<vmem>>
      %dma_start3A_130 = tpu.memref_squeeze %dma_start3A_129 : memref<1x128xi32, #tpu.memory_space<vmem>> -> memref<128xi32, #tpu.memory_space<vmem>>
      %dma_start3A_131 = arith.constant 0 : i32
      %dma_start3A_132 = arith.constant 0 : i32
      %dma_start3A_133 = tpu.memref_slice %arg20[%dma_start3A_131, %dma_start3A_132] : memref<12288x8xf32, #tpu.memory_space<vmem_shared>> -> memref<12288x8xf32, #tpu.memory_space<vmem_shared>>
      tpu.enqueue_indirect_dma source(%dma_start3A_127 : memref<128x8xf32, #tpu.memory_space<vmem>>) target(%dma_start3A_133 : memref<12288x8xf32, #tpu.memory_space<vmem_shared>>) offsets(%dma_start3A_130 : memref<128xi32, #tpu.memory_space<vmem>>) semaphore(%arg22 : memref<!tpu.dma_semaphore, #tpu.memory_space<semaphore_mem>>) {add = true}
      %dma_wait3A_134 = arith.constant 0 : i32
      %dma_wait3A_135 = arith.constant 2 : i32
      %dma_wait3A_136 = arith.constant 0 : i32
      %dma_wait3A_137 = arith.constant 0 : i32
      %dma_wait3A_138 = tpu.memref_slice %arg18[%dma_wait3A_135, %dma_wait3A_136, %dma_wait3A_137] : memref<4x128x8xf32, #tpu.memory_space<vmem>> -> memref<1x128x8xf32, #tpu.memory_space<vmem>>
      %dma_wait3A_139 = tpu.memref_squeeze %dma_wait3A_138 : memref<1x128x8xf32, #tpu.memory_space<vmem>> -> memref<128x8xf32, #tpu.memory_space<vmem>>
      %dma_wait3A_140 = arith.constant 0 : i32
      %dma_wait3A_141 = tpu.memref_slice %arg16[%dma_wait3A_134, %dma_wait3A_140] : memref<80x128xi32, #tpu.memory_space<vmem>> -> memref<1x128xi32, #tpu.memory_space<vmem>>
      %dma_wait3A_142 = tpu.memref_squeeze %dma_wait3A_141 : memref<1x128xi32, #tpu.memory_space<vmem>> -> memref<128xi32, #tpu.memory_space<vmem>>
      %dma_wait3A_143 = arith.constant 0 : i32
      %dma_wait3A_144 = arith.constant 0 : i32
      %dma_wait3A_145 = tpu.memref_slice %arg19[%dma_wait3A_143, %dma_wait3A_144] : memref<12288x8xf32, #tpu.memory_space<vmem_shared>> -> memref<12288x8xf32, #tpu.memory_space<vmem_shared>>
      tpu.wait_indirect_dma semaphore(%arg21 : memref<!tpu.dma_semaphore, #tpu.memory_space<semaphore_mem>>) src(%dma_wait3A_145 : memref<12288x8xf32, #tpu.memory_space<vmem_shared>>) dst(%dma_wait3A_139 : memref<128x8xf32, #tpu.memory_space<vmem>>)
      %add3A_146 = arith.constant 2 : i32
      %add3A_147 = arith.addi %mul3A_84, %add3A_146 : i32
      %dma_start3A_148 = arith.constant 2 : i32
      %dma_start3A_149 = arith.constant 0 : i32
      %dma_start3A_150 = arith.constant 0 : i32
      %dma_start3A_151 = tpu.memref_slice %arg18[%dma_start3A_148, %dma_start3A_149, %dma_start3A_150] : memref<4x128x8xf32, #tpu.memory_space<vmem>> -> memref<1x128x8xf32, #tpu.memory_space<vmem>>
      %dma_start3A_152 = tpu.memref_squeeze %dma_start3A_151 : memref<1x128x8xf32, #tpu.memory_space<vmem>> -> memref<128x8xf32, #tpu.memory_space<vmem>>
      %dma_start3A_153 = arith.constant 0 : i32
      %dma_start3A_154 = tpu.memref_slice %arg17[%add3A_147, %dma_start3A_153] : memref<80x128xi32, #tpu.memory_space<vmem>> -> memref<1x128xi32, #tpu.memory_space<vmem>>
      %dma_start3A_155 = tpu.memref_squeeze %dma_start3A_154 : memref<1x128xi32, #tpu.memory_space<vmem>> -> memref<128xi32, #tpu.memory_space<vmem>>
      %dma_start3A_156 = arith.constant 0 : i32
      %dma_start3A_157 = arith.constant 0 : i32
      %dma_start3A_158 = tpu.memref_slice %arg20[%dma_start3A_156, %dma_start3A_157] : memref<12288x8xf32, #tpu.memory_space<vmem_shared>> -> memref<12288x8xf32, #tpu.memory_space<vmem_shared>>
      tpu.enqueue_indirect_dma source(%dma_start3A_152 : memref<128x8xf32, #tpu.memory_space<vmem>>) target(%dma_start3A_158 : memref<12288x8xf32, #tpu.memory_space<vmem_shared>>) offsets(%dma_start3A_155 : memref<128xi32, #tpu.memory_space<vmem>>) semaphore(%arg22 : memref<!tpu.dma_semaphore, #tpu.memory_space<semaphore_mem>>) {add = true}
      %dma_wait3A_159 = arith.constant 0 : i32
      %dma_wait3A_160 = arith.constant 3 : i32
      %dma_wait3A_161 = arith.constant 0 : i32
      %dma_wait3A_162 = arith.constant 0 : i32
      %dma_wait3A_163 = tpu.memref_slice %arg18[%dma_wait3A_160, %dma_wait3A_161, %dma_wait3A_162] : memref<4x128x8xf32, #tpu.memory_space<vmem>> -> memref<1x128x8xf32, #tpu.memory_space<vmem>>
      %dma_wait3A_164 = tpu.memref_squeeze %dma_wait3A_163 : memref<1x128x8xf32, #tpu.memory_space<vmem>> -> memref<128x8xf32, #tpu.memory_space<vmem>>
      %dma_wait3A_165 = arith.constant 0 : i32
      %dma_wait3A_166 = tpu.memref_slice %arg16[%dma_wait3A_159, %dma_wait3A_165] : memref<80x128xi32, #tpu.memory_space<vmem>> -> memref<1x128xi32, #tpu.memory_space<vmem>>
      %dma_wait3A_167 = tpu.memref_squeeze %dma_wait3A_166 : memref<1x128xi32, #tpu.memory_space<vmem>> -> memref<128xi32, #tpu.memory_space<vmem>>
      %dma_wait3A_168 = arith.constant 0 : i32
      %dma_wait3A_169 = arith.constant 0 : i32
      %dma_wait3A_170 = tpu.memref_slice %arg19[%dma_wait3A_168, %dma_wait3A_169] : memref<12288x8xf32, #tpu.memory_space<vmem_shared>> -> memref<12288x8xf32, #tpu.memory_space<vmem_shared>>
      tpu.wait_indirect_dma semaphore(%arg21 : memref<!tpu.dma_semaphore, #tpu.memory_space<semaphore_mem>>) src(%dma_wait3A_170 : memref<12288x8xf32, #tpu.memory_space<vmem_shared>>) dst(%dma_wait3A_164 : memref<128x8xf32, #tpu.memory_space<vmem>>)
      %add3A_171 = arith.constant 3 : i32
      %add3A_172 = arith.addi %mul3A_84, %add3A_171 : i32
      %dma_start3A_173 = arith.constant 3 : i32
      %dma_start3A_174 = arith.constant 0 : i32
      %dma_start3A_175 = arith.constant 0 : i32
      %dma_start3A_176 = tpu.memref_slice %arg18[%dma_start3A_173, %dma_start3A_174, %dma_start3A_175] : memref<4x128x8xf32, #tpu.memory_space<vmem>> -> memref<1x128x8xf32, #tpu.memory_space<vmem>>
      %dma_start3A_177 = tpu.memref_squeeze %dma_start3A_176 : memref<1x128x8xf32, #tpu.memory_space<vmem>> -> memref<128x8xf32, #tpu.memory_space<vmem>>
      %dma_start3A_178 = arith.constant 0 : i32
      %dma_start3A_179 = tpu.memref_slice %arg17[%add3A_172, %dma_start3A_178] : memref<80x128xi32, #tpu.memory_space<vmem>> -> memref<1x128xi32, #tpu.memory_space<vmem>>
      %dma_start3A_180 = tpu.memref_squeeze %dma_start3A_179 : memref<1x128xi32, #tpu.memory_space<vmem>> -> memref<128xi32, #tpu.memory_space<vmem>>
      %dma_start3A_181 = arith.constant 0 : i32
      %dma_start3A_182 = arith.constant 0 : i32
      %dma_start3A_183 = tpu.memref_slice %arg20[%dma_start3A_181, %dma_start3A_182] : memref<12288x8xf32, #tpu.memory_space<vmem_shared>> -> memref<12288x8xf32, #tpu.memory_space<vmem_shared>>
      tpu.enqueue_indirect_dma source(%dma_start3A_177 : memref<128x8xf32, #tpu.memory_space<vmem>>) target(%dma_start3A_183 : memref<12288x8xf32, #tpu.memory_space<vmem_shared>>) offsets(%dma_start3A_180 : memref<128xi32, #tpu.memory_space<vmem>>) semaphore(%arg22 : memref<!tpu.dma_semaphore, #tpu.memory_space<semaphore_mem>>) {add = true}
      %dma_wait3A_184 = arith.constant 0 : i32
      %dma_wait3A_185 = arith.constant 0 : i32
      %dma_wait3A_186 = arith.constant 0 : i32
      %dma_wait3A_187 = arith.constant 0 : i32
      %dma_wait3A_188 = tpu.memref_slice %arg18[%dma_wait3A_184, %dma_wait3A_186, %dma_wait3A_187] : memref<4x128x8xf32, #tpu.memory_space<vmem>> -> memref<1x128x8xf32, #tpu.memory_space<vmem>>
      %dma_wait3A_189 = tpu.memref_squeeze %dma_wait3A_188 : memref<1x128x8xf32, #tpu.memory_space<vmem>> -> memref<128x8xf32, #tpu.memory_space<vmem>>
      %dma_wait3A_190 = arith.constant 0 : i32
      %dma_wait3A_191 = tpu.memref_slice %arg17[%dma_wait3A_185, %dma_wait3A_190] : memref<80x128xi32, #tpu.memory_space<vmem>> -> memref<1x128xi32, #tpu.memory_space<vmem>>
      %dma_wait3A_192 = tpu.memref_squeeze %dma_wait3A_191 : memref<1x128xi32, #tpu.memory_space<vmem>> -> memref<128xi32, #tpu.memory_space<vmem>>
      %dma_wait3A_193 = arith.constant 0 : i32
      %dma_wait3A_194 = arith.constant 0 : i32
      %dma_wait3A_195 = tpu.memref_slice %arg20[%dma_wait3A_193, %dma_wait3A_194] : memref<12288x8xf32, #tpu.memory_space<vmem_shared>> -> memref<12288x8xf32, #tpu.memory_space<vmem_shared>>
      tpu.wait_indirect_dma semaphore(%arg22 : memref<!tpu.dma_semaphore, #tpu.memory_space<semaphore_mem>>) src(%dma_wait3A_189 : memref<128x8xf32, #tpu.memory_space<vmem>>) dst(%dma_wait3A_195 : memref<12288x8xf32, #tpu.memory_space<vmem_shared>>)
      %add3A_196 = arith.constant 4 : i32
      %add3A_197 = arith.addi %mul3A_84, %add3A_196 : i32
      %add3A_198 = arith.constant 0 : i32
      %add3A_199 = arith.addi %add3A_197, %add3A_198 : i32
      %lt3A = arith.constant 80 : i32
      %lt3A_200 = arith.cmpi slt, %add3A_199, %lt3A : i32
      %convert_element_type3A_201 = arith.extui %lt3A_200 : i1 to i32
      %cond3A_202 = arith.constant 0 : i32
      %cond3A_203 = arith.cmpi ne, %convert_element_type3A_201, %cond3A_202 : i32
      scf.if %cond3A_203 {
        %dma_start3A_268 = arith.constant 0 : i32
        %dma_start3A_269 = arith.constant 0 : i32
        %dma_start3A_270 = arith.constant 0 : i32
        %dma_start3A_271 = tpu.memref_slice %arg18[%dma_start3A_268, %dma_start3A_269, %dma_start3A_270] : memref<4x128x8xf32, #tpu.memory_space<vmem>> -> memref<1x128x8xf32, #tpu.memory_space<vmem>>
        %dma_start3A_272 = tpu.memref_squeeze %dma_start3A_271 : memref<1x128x8xf32, #tpu.memory_space<vmem>> -> memref<128x8xf32, #tpu.memory_space<vmem>>
        %dma_start3A_273 = arith.constant 0 : i32
        %dma_start3A_274 = tpu.memref_slice %arg16[%add3A_199, %dma_start3A_273] : memref<80x128xi32, #tpu.memory_space<vmem>> -> memref<1x128xi32, #tpu.memory_space<vmem>>
        %dma_start3A_275 = tpu.memref_squeeze %dma_start3A_274 : memref<1x128xi32, #tpu.memory_space<vmem>> -> memref<128xi32, #tpu.memory_space<vmem>>
        %dma_start3A_276 = arith.constant 0 : i32
        %dma_start3A_277 = arith.constant 0 : i32
        %dma_start3A_278 = tpu.memref_slice %arg19[%dma_start3A_276, %dma_start3A_277] : memref<12288x8xf32, #tpu.memory_space<vmem_shared>> -> memref<12288x8xf32, #tpu.memory_space<vmem_shared>>
        tpu.enqueue_indirect_dma source(%dma_start3A_278 : memref<12288x8xf32, #tpu.memory_space<vmem_shared>>) target(%dma_start3A_272 : memref<128x8xf32, #tpu.memory_space<vmem>>) offsets(%dma_start3A_275 : memref<128xi32, #tpu.memory_space<vmem>>) semaphore(%arg21 : memref<!tpu.dma_semaphore, #tpu.memory_space<semaphore_mem>>)
      } else {
      }
      %dma_wait3A_204 = arith.constant 1 : i32
      %dma_wait3A_205 = arith.constant 0 : i32
      %dma_wait3A_206 = arith.constant 0 : i32
      %dma_wait3A_207 = arith.constant 0 : i32
      %dma_wait3A_208 = tpu.memref_slice %arg18[%dma_wait3A_204, %dma_wait3A_206, %dma_wait3A_207] : memref<4x128x8xf32, #tpu.memory_space<vmem>> -> memref<1x128x8xf32, #tpu.memory_space<vmem>>
      %dma_wait3A_209 = tpu.memref_squeeze %dma_wait3A_208 : memref<1x128x8xf32, #tpu.memory_space<vmem>> -> memref<128x8xf32, #tpu.memory_space<vmem>>
      %dma_wait3A_210 = arith.constant 0 : i32
      %dma_wait3A_211 = tpu.memref_slice %arg17[%dma_wait3A_205, %dma_wait3A_210] : memref<80x128xi32, #tpu.memory_space<vmem>> -> memref<1x128xi32, #tpu.memory_space<vmem>>
      %dma_wait3A_212 = tpu.memref_squeeze %dma_wait3A_211 : memref<1x128xi32, #tpu.memory_space<vmem>> -> memref<128xi32, #tpu.memory_space<vmem>>
      %dma_wait3A_213 = arith.constant 0 : i32
      %dma_wait3A_214 = arith.constant 0 : i32
      %dma_wait3A_215 = tpu.memref_slice %arg20[%dma_wait3A_213, %dma_wait3A_214] : memref<12288x8xf32, #tpu.memory_space<vmem_shared>> -> memref<12288x8xf32, #tpu.memory_space<vmem_shared>>
      tpu.wait_indirect_dma semaphore(%arg22 : memref<!tpu.dma_semaphore, #tpu.memory_space<semaphore_mem>>) src(%dma_wait3A_209 : memref<128x8xf32, #tpu.memory_space<vmem>>) dst(%dma_wait3A_215 : memref<12288x8xf32, #tpu.memory_space<vmem_shared>>)
      %add3A_216 = arith.constant 4 : i32
      %add3A_217 = arith.addi %mul3A_84, %add3A_216 : i32
      %add3A_218 = arith.constant 1 : i32
      %add3A_219 = arith.addi %add3A_217, %add3A_218 : i32
      %lt3A_220 = arith.constant 80 : i32
      %lt3A_221 = arith.cmpi slt, %add3A_219, %lt3A_220 : i32
      %convert_element_type3A_222 = arith.extui %lt3A_221 : i1 to i32
      %cond3A_223 = arith.constant 0 : i32
      %cond3A_224 = arith.cmpi ne, %convert_element_type3A_222, %cond3A_223 : i32
      scf.if %cond3A_224 {
        %dma_start3A_268 = arith.constant 1 : i32
        %dma_start3A_269 = arith.constant 0 : i32
        %dma_start3A_270 = arith.constant 0 : i32
        %dma_start3A_271 = tpu.memref_slice %arg18[%dma_start3A_268, %dma_start3A_269, %dma_start3A_270] : memref<4x128x8xf32, #tpu.memory_space<vmem>> -> memref<1x128x8xf32, #tpu.memory_space<vmem>>
        %dma_start3A_272 = tpu.memref_squeeze %dma_start3A_271 : memref<1x128x8xf32, #tpu.memory_space<vmem>> -> memref<128x8xf32, #tpu.memory_space<vmem>>
        %dma_start3A_273 = arith.constant 0 : i32
        %dma_start3A_274 = tpu.memref_slice %arg16[%add3A_219, %dma_start3A_273] : memref<80x128xi32, #tpu.memory_space<vmem>> -> memref<1x128xi32, #tpu.memory_space<vmem>>
        %dma_start3A_275 = tpu.memref_squeeze %dma_start3A_274 : memref<1x128xi32, #tpu.memory_space<vmem>> -> memref<128xi32, #tpu.memory_space<vmem>>
        %dma_start3A_276 = arith.constant 0 : i32
        %dma_start3A_277 = arith.constant 0 : i32
        %dma_start3A_278 = tpu.memref_slice %arg19[%dma_start3A_276, %dma_start3A_277] : memref<12288x8xf32, #tpu.memory_space<vmem_shared>> -> memref<12288x8xf32, #tpu.memory_space<vmem_shared>>
        tpu.enqueue_indirect_dma source(%dma_start3A_278 : memref<12288x8xf32, #tpu.memory_space<vmem_shared>>) target(%dma_start3A_272 : memref<128x8xf32, #tpu.memory_space<vmem>>) offsets(%dma_start3A_275 : memref<128xi32, #tpu.memory_space<vmem>>) semaphore(%arg21 : memref<!tpu.dma_semaphore, #tpu.memory_space<semaphore_mem>>)
      } else {
      }
      %dma_wait3A_225 = arith.constant 2 : i32
      %dma_wait3A_226 = arith.constant 0 : i32
      %dma_wait3A_227 = arith.constant 0 : i32
      %dma_wait3A_228 = arith.constant 0 : i32
      %dma_wait3A_229 = tpu.memref_slice %arg18[%dma_wait3A_225, %dma_wait3A_227, %dma_wait3A_228] : memref<4x128x8xf32, #tpu.memory_space<vmem>> -> memref<1x128x8xf32, #tpu.memory_space<vmem>>
      %dma_wait3A_230 = tpu.memref_squeeze %dma_wait3A_229 : memref<1x128x8xf32, #tpu.memory_space<vmem>> -> memref<128x8xf32, #tpu.memory_space<vmem>>
      %dma_wait3A_231 = arith.constant 0 : i32
      %dma_wait3A_232 = tpu.memref_slice %arg17[%dma_wait3A_226, %dma_wait3A_231] : memref<80x128xi32, #tpu.memory_space<vmem>> -> memref<1x128xi32, #tpu.memory_space<vmem>>
      %dma_wait3A_233 = tpu.memref_squeeze %dma_wait3A_232 : memref<1x128xi32, #tpu.memory_space<vmem>> -> memref<128xi32, #tpu.memory_space<vmem>>
      %dma_wait3A_234 = arith.constant 0 : i32
      %dma_wait3A_235 = arith.constant 0 : i32
      %dma_wait3A_236 = tpu.memref_slice %arg20[%dma_wait3A_234, %dma_wait3A_235] : memref<12288x8xf32, #tpu.memory_space<vmem_shared>> -> memref<12288x8xf32, #tpu.memory_space<vmem_shared>>
      tpu.wait_indirect_dma semaphore(%arg22 : memref<!tpu.dma_semaphore, #tpu.memory_space<semaphore_mem>>) src(%dma_wait3A_230 : memref<128x8xf32, #tpu.memory_space<vmem>>) dst(%dma_wait3A_236 : memref<12288x8xf32, #tpu.memory_space<vmem_shared>>)
      %add3A_237 = arith.constant 4 : i32
      %add3A_238 = arith.addi %mul3A_84, %add3A_237 : i32
      %add3A_239 = arith.constant 2 : i32
      %add3A_240 = arith.addi %add3A_238, %add3A_239 : i32
      %lt3A_241 = arith.constant 80 : i32
      %lt3A_242 = arith.cmpi slt, %add3A_240, %lt3A_241 : i32
      %convert_element_type3A_243 = arith.extui %lt3A_242 : i1 to i32
      %cond3A_244 = arith.constant 0 : i32
      %cond3A_245 = arith.cmpi ne, %convert_element_type3A_243, %cond3A_244 : i32
      scf.if %cond3A_245 {
        %dma_start3A_268 = arith.constant 2 : i32
        %dma_start3A_269 = arith.constant 0 : i32
        %dma_start3A_270 = arith.constant 0 : i32
        %dma_start3A_271 = tpu.memref_slice %arg18[%dma_start3A_268, %dma_start3A_269, %dma_start3A_270] : memref<4x128x8xf32, #tpu.memory_space<vmem>> -> memref<1x128x8xf32, #tpu.memory_space<vmem>>
        %dma_start3A_272 = tpu.memref_squeeze %dma_start3A_271 : memref<1x128x8xf32, #tpu.memory_space<vmem>> -> memref<128x8xf32, #tpu.memory_space<vmem>>
        %dma_start3A_273 = arith.constant 0 : i32
        %dma_start3A_274 = tpu.memref_slice %arg16[%add3A_240, %dma_start3A_273] : memref<80x128xi32, #tpu.memory_space<vmem>> -> memref<1x128xi32, #tpu.memory_space<vmem>>
        %dma_start3A_275 = tpu.memref_squeeze %dma_start3A_274 : memref<1x128xi32, #tpu.memory_space<vmem>> -> memref<128xi32, #tpu.memory_space<vmem>>
        %dma_start3A_276 = arith.constant 0 : i32
        %dma_start3A_277 = arith.constant 0 : i32
        %dma_start3A_278 = tpu.memref_slice %arg19[%dma_start3A_276, %dma_start3A_277] : memref<12288x8xf32, #tpu.memory_space<vmem_shared>> -> memref<12288x8xf32, #tpu.memory_space<vmem_shared>>
        tpu.enqueue_indirect_dma source(%dma_start3A_278 : memref<12288x8xf32, #tpu.memory_space<vmem_shared>>) target(%dma_start3A_272 : memref<128x8xf32, #tpu.memory_space<vmem>>) offsets(%dma_start3A_275 : memref<128xi32, #tpu.memory_space<vmem>>) semaphore(%arg21 : memref<!tpu.dma_semaphore, #tpu.memory_space<semaphore_mem>>)
      } else {
      }
      %dma_wait3A_246 = arith.constant 3 : i32
      %dma_wait3A_247 = arith.constant 0 : i32
      %dma_wait3A_248 = arith.constant 0 : i32
      %dma_wait3A_249 = arith.constant 0 : i32
      %dma_wait3A_250 = tpu.memref_slice %arg18[%dma_wait3A_246, %dma_wait3A_248, %dma_wait3A_249] : memref<4x128x8xf32, #tpu.memory_space<vmem>> -> memref<1x128x8xf32, #tpu.memory_space<vmem>>
      %dma_wait3A_251 = tpu.memref_squeeze %dma_wait3A_250 : memref<1x128x8xf32, #tpu.memory_space<vmem>> -> memref<128x8xf32, #tpu.memory_space<vmem>>
      %dma_wait3A_252 = arith.constant 0 : i32
      %dma_wait3A_253 = tpu.memref_slice %arg17[%dma_wait3A_247, %dma_wait3A_252] : memref<80x128xi32, #tpu.memory_space<vmem>> -> memref<1x128xi32, #tpu.memory_space<vmem>>
      %dma_wait3A_254 = tpu.memref_squeeze %dma_wait3A_253 : memref<1x128xi32, #tpu.memory_space<vmem>> -> memref<128xi32, #tpu.memory_space<vmem>>
      %dma_wait3A_255 = arith.constant 0 : i32
      %dma_wait3A_256 = arith.constant 0 : i32
      %dma_wait3A_257 = tpu.memref_slice %arg20[%dma_wait3A_255, %dma_wait3A_256] : memref<12288x8xf32, #tpu.memory_space<vmem_shared>> -> memref<12288x8xf32, #tpu.memory_space<vmem_shared>>
      tpu.wait_indirect_dma semaphore(%arg22 : memref<!tpu.dma_semaphore, #tpu.memory_space<semaphore_mem>>) src(%dma_wait3A_251 : memref<128x8xf32, #tpu.memory_space<vmem>>) dst(%dma_wait3A_257 : memref<12288x8xf32, #tpu.memory_space<vmem_shared>>)
      %add3A_258 = arith.constant 4 : i32
      %add3A_259 = arith.addi %mul3A_84, %add3A_258 : i32
      %add3A_260 = arith.constant 3 : i32
      %add3A_261 = arith.addi %add3A_259, %add3A_260 : i32
      %lt3A_262 = arith.constant 80 : i32
      %lt3A_263 = arith.cmpi slt, %add3A_261, %lt3A_262 : i32
      %convert_element_type3A_264 = arith.extui %lt3A_263 : i1 to i32
      %cond3A_265 = arith.constant 0 : i32
      %cond3A_266 = arith.cmpi ne, %convert_element_type3A_264, %cond3A_265 : i32
      scf.if %cond3A_266 {
        %dma_start3A_268 = arith.constant 3 : i32
        %dma_start3A_269 = arith.constant 0 : i32
        %dma_start3A_270 = arith.constant 0 : i32
        %dma_start3A_271 = tpu.memref_slice %arg18[%dma_start3A_268, %dma_start3A_269, %dma_start3A_270] : memref<4x128x8xf32, #tpu.memory_space<vmem>> -> memref<1x128x8xf32, #tpu.memory_space<vmem>>
        %dma_start3A_272 = tpu.memref_squeeze %dma_start3A_271 : memref<1x128x8xf32, #tpu.memory_space<vmem>> -> memref<128x8xf32, #tpu.memory_space<vmem>>
        %dma_start3A_273 = arith.constant 0 : i32
        %dma_start3A_274 = tpu.memref_slice %arg16[%add3A_261, %dma_start3A_273] : memref<80x128xi32, #tpu.memory_space<vmem>> -> memref<1x128xi32, #tpu.memory_space<vmem>>
        %dma_start3A_275 = tpu.memref_squeeze %dma_start3A_274 : memref<1x128xi32, #tpu.memory_space<vmem>> -> memref<128xi32, #tpu.memory_space<vmem>>
        %dma_start3A_276 = arith.constant 0 : i32
        %dma_start3A_277 = arith.constant 0 : i32
        %dma_start3A_278 = tpu.memref_slice %arg19[%dma_start3A_276, %dma_start3A_277] : memref<12288x8xf32, #tpu.memory_space<vmem_shared>> -> memref<12288x8xf32, #tpu.memory_space<vmem_shared>>
        tpu.enqueue_indirect_dma source(%dma_start3A_278 : memref<12288x8xf32, #tpu.memory_space<vmem_shared>>) target(%dma_start3A_272 : memref<128x8xf32, #tpu.memory_space<vmem>>) offsets(%dma_start3A_275 : memref<128xi32, #tpu.memory_space<vmem>>) semaphore(%arg21 : memref<!tpu.dma_semaphore, #tpu.memory_space<semaphore_mem>>)
      } else {
      }
      %scan3A_267 = arith.constant 0 : i32
      scf.yield %scan3A_267 : i32
    }
    %scan3A_79 = arith.constant 20 : i32
    %barrier3A_80 = arith.constant 0 : index
    tpu.barrier barrier_id(%barrier3A_80)
    "tpu.region"() ({
      %run_scoped3A_81 = tpu.sem_alloc : memref<!tpu.dma_semaphore, #tpu.memory_space<semaphore_mem>>
      %dma_start3A_82 = arith.constant 0 : i32
      %dma_start3A_83 = tpu.memref_slice %arg9[%arg0, %mul3A_2, %dma_start3A_82] : memref<2x12288x8xf32, #tpu.memory_space<hbm>> -> memref<1x768x8xf32, #tpu.memory_space<hbm>>
      %dma_start3A_84 = tpu.memref_squeeze %dma_start3A_83 : memref<1x768x8xf32, #tpu.memory_space<hbm>> -> memref<768x8xf32, #tpu.memory_space<hbm>>
      %dma_start3A_85 = arith.constant 0 : i32
      %dma_start3A_86 = tpu.memref_slice %arg20[%mul3A_2, %dma_start3A_85] : memref<12288x8xf32, #tpu.memory_space<vmem_shared>> -> memref<768x8xf32, #tpu.memory_space<vmem_shared>>
      tpu.enqueue_dma source(%dma_start3A_86 : memref<768x8xf32, #tpu.memory_space<vmem_shared>>) target(%dma_start3A_84 : memref<768x8xf32, #tpu.memory_space<hbm>>) target_semaphore(%run_scoped3A_81 : memref<!tpu.dma_semaphore, #tpu.memory_space<semaphore_mem>>)
      %dma_wait3A = arith.constant 0 : i32
      %dma_wait3A_87 = tpu.memref_slice %arg9[%arg0, %mul3A_2, %dma_wait3A] : memref<2x12288x8xf32, #tpu.memory_space<hbm>> -> memref<1x768x8xf32, #tpu.memory_space<hbm>>
      %dma_wait3A_88 = tpu.memref_squeeze %dma_wait3A_87 : memref<1x768x8xf32, #tpu.memory_space<hbm>> -> memref<768x8xf32, #tpu.memory_space<hbm>>
      %dma_wait3A_89 = arith.constant 0 : i32
      %dma_wait3A_90 = tpu.memref_slice %arg20[%mul3A_2, %dma_wait3A_89] : memref<12288x8xf32, #tpu.memory_space<vmem_shared>> -> memref<768x8xf32, #tpu.memory_space<vmem_shared>>
      tpu.wait_dma2 semaphore(%run_scoped3A_81 : memref<!tpu.dma_semaphore, #tpu.memory_space<semaphore_mem>>) src(%dma_wait3A_90 : memref<768x8xf32, #tpu.memory_space<vmem_shared>>) dst(%dma_wait3A_88 : memref<768x8xf32, #tpu.memory_space<hbm>>)
      tpu.yield
    }) : () -> ()
    return
  }
}

#map = affine_map<(d0, d1) -> (0, 0)>
#map1 = affine_map<(d0, d1) -> (0)>
module attributes {stable_mosaic.version = 14 : i64} {
  func.func @_fin_body(%arg0: i32, %arg1: i32, %arg2: memref<2x12288xf32, #tpu.memory_space<hbm>>, %arg3: memref<12288xf32, #tpu.memory_space<hbm>>, %arg4: memref<16xf32, #tpu.memory_space<hbm>>, %arg5: memref<12288xf32, #tpu.memory_space<hbm>>, %arg6: memref<2x384xf32, #tpu.memory_space<vmem>>, %arg7: memref<384xf32, #tpu.memory_space<vmem>>, %arg8: memref<16xf32, #tpu.memory_space<vmem>>, %arg9: memref<384xf32, #tpu.memory_space<vmem>>) attributes {dimension_semantics = [#tpu.dimension_semantics<core_parallel>, #tpu.dimension_semantics<subcore_parallel>], iteration_bounds = array<i64: 2, 16>, scalar_prefetch = 0 : i64, scratch_operands = 4 : i64, tpu.core_type = #tpu.core_type<sc_vector_subcore>, window_params = [{transform_indices = #map}, {transform_indices = #map1}, {transform_indices = #map1}, {transform_indices = #map1}]} {
    %mul3A = arith.constant 2 : i32
    %mul3A_0 = arith.muli %arg1, %mul3A : i32
    %add3A = arith.addi %mul3A_0, %arg0 : i32
    %mul3A_1 = arith.constant 384 : i32
    %mul3A_2 = arith.muli %add3A, %mul3A_1 : i32
    "tpu.region"() ({
      %run_scoped3A = tpu.sem_alloc : memref<!tpu.dma_semaphore, #tpu.memory_space<semaphore_mem>>
      %dma_start3A = arith.constant 0 : i32
      %dma_start3A_10 = tpu.memref_slice %arg2[%dma_start3A, %mul3A_2] : memref<2x12288xf32, #tpu.memory_space<hbm>> -> memref<2x384xf32, #tpu.memory_space<hbm>>
      %dma_start3A_11 = arith.constant 0 : i32
      %dma_start3A_12 = tpu.memref_slice %arg2[%dma_start3A_11, %mul3A_2] : memref<2x12288xf32, #tpu.memory_space<hbm>> -> memref<2x384xf32, #tpu.memory_space<hbm>>
      tpu.enqueue_dma source(%dma_start3A_12 : memref<2x384xf32, #tpu.memory_space<hbm>>) target(%arg6 : memref<2x384xf32, #tpu.memory_space<vmem>>) target_semaphore(%run_scoped3A : memref<!tpu.dma_semaphore, #tpu.memory_space<semaphore_mem>>)
      %dma_wait3A = arith.constant 0 : i32
      %dma_wait3A_13 = tpu.memref_slice %arg2[%dma_wait3A, %mul3A_2] : memref<2x12288xf32, #tpu.memory_space<hbm>> -> memref<2x384xf32, #tpu.memory_space<hbm>>
      %dma_wait3A_14 = arith.constant 0 : i32
      %dma_wait3A_15 = tpu.memref_slice %arg2[%dma_wait3A_14, %mul3A_2] : memref<2x12288xf32, #tpu.memory_space<hbm>> -> memref<2x384xf32, #tpu.memory_space<hbm>>
      tpu.wait_dma2 semaphore(%run_scoped3A : memref<!tpu.dma_semaphore, #tpu.memory_space<semaphore_mem>>) src(%dma_wait3A_15 : memref<2x384xf32, #tpu.memory_space<hbm>>) dst(%arg6 : memref<2x384xf32, #tpu.memory_space<vmem>>)
      tpu.yield
    }) : () -> ()
    "tpu.region"() ({
      %run_scoped3A = tpu.sem_alloc : memref<!tpu.dma_semaphore, #tpu.memory_space<semaphore_mem>>
      %dma_start3A = tpu.memref_slice %arg3[%mul3A_2] : memref<12288xf32, #tpu.memory_space<hbm>> -> memref<384xf32, #tpu.memory_space<hbm>>
      %dma_start3A_10 = tpu.memref_slice %arg3[%mul3A_2] : memref<12288xf32, #tpu.memory_space<hbm>> -> memref<384xf32, #tpu.memory_space<hbm>>
      tpu.enqueue_dma source(%dma_start3A_10 : memref<384xf32, #tpu.memory_space<hbm>>) target(%arg7 : memref<384xf32, #tpu.memory_space<vmem>>) target_semaphore(%run_scoped3A : memref<!tpu.dma_semaphore, #tpu.memory_space<semaphore_mem>>)
      %dma_wait3A = tpu.memref_slice %arg3[%mul3A_2] : memref<12288xf32, #tpu.memory_space<hbm>> -> memref<384xf32, #tpu.memory_space<hbm>>
      %dma_wait3A_11 = tpu.memref_slice %arg3[%mul3A_2] : memref<12288xf32, #tpu.memory_space<hbm>> -> memref<384xf32, #tpu.memory_space<hbm>>
      tpu.wait_dma2 semaphore(%run_scoped3A : memref<!tpu.dma_semaphore, #tpu.memory_space<semaphore_mem>>) src(%dma_wait3A_11 : memref<384xf32, #tpu.memory_space<hbm>>) dst(%arg7 : memref<384xf32, #tpu.memory_space<vmem>>)
      tpu.yield
    }) : () -> ()
    "tpu.region"() ({
      %run_scoped3A = tpu.sem_alloc : memref<!tpu.dma_semaphore, #tpu.memory_space<semaphore_mem>>
      tpu.enqueue_dma source(%arg4 : memref<16xf32, #tpu.memory_space<hbm>>) target(%arg8 : memref<16xf32, #tpu.memory_space<vmem>>) target_semaphore(%run_scoped3A : memref<!tpu.dma_semaphore, #tpu.memory_space<semaphore_mem>>)
      tpu.wait_dma2 semaphore(%run_scoped3A : memref<!tpu.dma_semaphore, #tpu.memory_space<semaphore_mem>>) src(%arg4 : memref<16xf32, #tpu.memory_space<hbm>>) dst(%arg8 : memref<16xf32, #tpu.memory_space<vmem>>)
      tpu.yield
    }) : () -> ()
    %get3A = arith.constant 0 : index
    %get3A_3 = tpu.vector_load %arg8[%get3A] {strides = array<i32>} : memref<16xf32, #tpu.memory_space<vmem>>, vector<16xf32>,
    %scan3A = arith.constant 0 : i32
    %scan3A_4 = arith.constant 0 : i32
    %scan3A_5 = arith.constant 24 : i32
    %scan3A_6 = arith.addi %scan3A_4, %scan3A_5 : i32
    %scan3A_7 = arith.constant 2 : i32
    %scan3A_8 = scf.for %scan3A_10 = %scan3A_4 to %scan3A_6 step %scan3A_7 iter_args(%scan3A_11 = %scan3A) -> (i32)  : i32 {
      %mul3A_12 = arith.constant 16 : i32
      %mul3A_13 = arith.muli %scan3A_10, %mul3A_12 : i32
      %get3A_14 = arith.constant 0 : i32
      %get3A_15 = arith.index_cast %get3A_14 : i32 to index
      %get3A_16 = arith.index_cast %mul3A_13 : i32 to index
      %get3A_17 = tpu.vector_load %arg6[%get3A_15, %get3A_16] {strides = array<i32>} : memref<2x384xf32, #tpu.memory_space<vmem>>, vector<16xf32>,
      %mul3A_18 = arith.constant 16 : i32
      %mul3A_19 = arith.muli %scan3A_10, %mul3A_18 : i32
      %get3A_20 = arith.constant 1 : i32
      %get3A_21 = arith.index_cast %get3A_20 : i32 to index
      %get3A_22 = arith.index_cast %mul3A_19 : i32 to index
      %get3A_23 = tpu.vector_load %arg6[%get3A_21, %get3A_22] {strides = array<i32>} : memref<2x384xf32, #tpu.memory_space<vmem>>, vector<16xf32>,
      %add3A_24 = arith.addf %get3A_17, %get3A_23 : vector<16xf32>
      %mul3A_25 = arith.constant 16 : i32
      %mul3A_26 = arith.muli %scan3A_10, %mul3A_25 : i32
      %get3A_27 = arith.index_cast %mul3A_26 : i32 to index
      %get3A_28 = tpu.vector_load %arg7[%get3A_27] {strides = array<i32>} : memref<384xf32, #tpu.memory_space<vmem>>, vector<16xf32>,
      %mul3A_29 = arith.mulf %add3A_24, %get3A_28 : vector<16xf32>
      %add3A_30 = arith.addf %mul3A_29, %get3A_3 : vector<16xf32>
      %mul3A_31 = arith.constant 16 : i32
      %mul3A_32 = arith.muli %scan3A_10, %mul3A_31 : i32
      %swap3A = arith.index_cast %mul3A_32 : i32 to index
      %swap3A_33 = tpu.vector_load %arg9[%swap3A] {strides = array<i32>} : memref<384xf32, #tpu.memory_space<vmem>>, vector<16xf32>,
      tpu.vector_store %arg9[%swap3A], %add3A_30 {strides = array<i32>} : memref<384xf32, #tpu.memory_space<vmem>>, vector<16xf32>,
      %scan3A_34 = arith.constant 0 : i32
      %scan3A_35 = arith.constant 1 : i32
      %scan3A_36 = arith.addi %scan3A_10, %scan3A_35 : i32
      %mul3A_37 = arith.constant 16 : i32
      %mul3A_38 = arith.muli %scan3A_36, %mul3A_37 : i32
      %get3A_39 = arith.constant 0 : i32
      %get3A_40 = arith.index_cast %get3A_39 : i32 to index
      %get3A_41 = arith.index_cast %mul3A_38 : i32 to index
      %get3A_42 = tpu.vector_load %arg6[%get3A_40, %get3A_41] {strides = array<i32>} : memref<2x384xf32, #tpu.memory_space<vmem>>, vector<16xf32>,
      %mul3A_43 = arith.constant 16 : i32
      %mul3A_44 = arith.muli %scan3A_36, %mul3A_43 : i32
      %get3A_45 = arith.constant 1 : i32
      %get3A_46 = arith.index_cast %get3A_45 : i32 to index
      %get3A_47 = arith.index_cast %mul3A_44 : i32 to index
      %get3A_48 = tpu.vector_load %arg6[%get3A_46, %get3A_47] {strides = array<i32>} : memref<2x384xf32, #tpu.memory_space<vmem>>, vector<16xf32>,
      %add3A_49 = arith.addf %get3A_42, %get3A_48 : vector<16xf32>
      %mul3A_50 = arith.constant 16 : i32
      %mul3A_51 = arith.muli %scan3A_36, %mul3A_50 : i32
      %get3A_52 = arith.index_cast %mul3A_51 : i32 to index
      %get3A_53 = tpu.vector_load %arg7[%get3A_52] {strides = array<i32>} : memref<384xf32, #tpu.memory_space<vmem>>, vector<16xf32>,
      %mul3A_54 = arith.mulf %add3A_49, %get3A_53 : vector<16xf32>
      %add3A_55 = arith.addf %mul3A_54, %get3A_3 : vector<16xf32>
      %mul3A_56 = arith.constant 16 : i32
      %mul3A_57 = arith.muli %scan3A_36, %mul3A_56 : i32
      %swap3A_58 = arith.index_cast %mul3A_57 : i32 to index
      %swap3A_59 = tpu.vector_load %arg9[%swap3A_58] {strides = array<i32>} : memref<384xf32, #tpu.memory_space<vmem>>, vector<16xf32>,
      tpu.vector_store %arg9[%swap3A_58], %add3A_55 {strides = array<i32>} : memref<384xf32, #tpu.memory_space<vmem>>, vector<16xf32>,
      %scan3A_60 = arith.constant 0 : i32
      scf.yield %scan3A_60 : i32
    }
    %scan3A_9 = arith.constant 24 : i32
    "tpu.region"() ({
      %run_scoped3A = tpu.sem_alloc : memref<!tpu.dma_semaphore, #tpu.memory_space<semaphore_mem>>
      %dma_start3A = tpu.memref_slice %arg5[%mul3A_2] : memref<12288xf32, #tpu.memory_space<hbm>> -> memref<384xf32, #tpu.memory_space<hbm>>
      %dma_start3A_10 = tpu.memref_slice %arg5[%mul3A_2] : memref<12288xf32, #tpu.memory_space<hbm>> -> memref<384xf32, #tpu.memory_space<hbm>>
      tpu.enqueue_dma source(%arg9 : memref<384xf32, #tpu.memory_space<vmem>>) target(%dma_start3A_10 : memref<384xf32, #tpu.memory_space<hbm>>) target_semaphore(%run_scoped3A : memref<!tpu.dma_semaphore, #tpu.memory_space<semaphore_mem>>)
      %dma_wait3A = tpu.memref_slice %arg5[%mul3A_2] : memref<12288xf32, #tpu.memory_space<hbm>> -> memref<384xf32, #tpu.memory_space<hbm>>
      %dma_wait3A_11 = tpu.memref_slice %arg5[%mul3A_2] : memref<12288xf32, #tpu.memory_space<hbm>> -> memref<384xf32, #tpu.memory_space<hbm>>
      tpu.wait_dma2 semaphore(%run_scoped3A : memref<!tpu.dma_semaphore, #tpu.memory_space<semaphore_mem>>) src(%arg9 : memref<384xf32, #tpu.memory_space<vmem>>) dst(%dma_wait3A_11 : memref<384xf32, #tpu.memory_space<hbm>>)
      tpu.yield
    }) : () -> ()
    return
  }
}

module attributes {stable_mosaic.version = 14 : i64} {
  func.func @_mm_body(%arg0: memref<10000x128xf32, #tpu.memory_space<vmem>>, %arg1: memref<128x16xf32, #tpu.memory_space<vmem>>, %arg2: memref<12288x16xf32, #tpu.memory_space<vmem>>) attributes {dimension_semantics = [], scalar_prefetch = 0 : i64, scratch_operands = 0 : i64, tpu.core_type = #tpu.core_type<tc>} {
    %get3A = arith.constant 0 : index
    %get3A_0 = arith.constant 0 : index
    %get3A_1 = vector.load %arg0[%get3A, %get3A_0] : memref<10000x128xf32, #tpu.memory_space<vmem>>, vector<10000x128xf32>
    %get3A_2 = arith.constant 0 : index
    %get3A_3 = arith.constant 0 : index
    %get3A_4 = vector.load %arg1[%get3A_2, %get3A_3] : memref<128x16xf32, #tpu.memory_space<vmem>>, vector<128x16xf32>
    %dot_general3A = arith.constant dense<0.000000e+00> : vector<10000x16xf32>
    %dot_general3A_5 = tpu.matmul %get3A_1, %get3A_4, %dot_general3A {dimension_numbers = #tpu.dot_dimension_numbers<[1], [0], [0], [1], [0, 0, 1, 1], [], []>, precision = #tpu.contract_precision<fp32>, transpose_lhs_hint = false} : vector<10000x128xf32>, vector<128x16xf32>, vector<10000x16xf32> -> vector<10000x16xf32>
    %swap3A = arith.constant 0 : index
    %swap3A_6 = arith.constant 0 : index
    %swap3A_7 = vector.load %arg2[%swap3A, %swap3A_6] : memref<12288x16xf32, #tpu.memory_space<vmem>>, vector<10000x16xf32>
    tpu.vector_store %arg2[%swap3A, %swap3A_6], %dot_general3A_5 {strides = array<i32>} : memref<12288x16xf32, #tpu.memory_space<vmem>>, vector<10000x16xf32>,
    %broadcast_in_dim3A = arith.constant 0.000000e+00 : f32
    %broadcast_in_dim3A_8 = vector.broadcast %broadcast_in_dim3A : f32 to vector<2288x16xf32>
    %swap3A_9 = arith.constant 10000 : index
    %swap3A_10 = arith.constant 0 : index
    %swap3A_11 = vector.load %arg2[%swap3A_9, %swap3A_10] : memref<12288x16xf32, #tpu.memory_space<vmem>>, vector<2288x16xf32>
    tpu.vector_store %arg2[%swap3A_9, %swap3A_10], %broadcast_in_dim3A_8 {strides = array<i32>} : memref<12288x16xf32, #tpu.memory_space<vmem>>, vector<2288x16xf32>,
    return
  }
}

</mosaic_0001>

<sc_bundles>
// kernel: kernel.10.cloned.1.call-start
scs
__scs_entry_jumppad:
0x0: {  	(pc) =	sbr.rel $0x88, $3  }
0x1: {  	(tag) =	ssettag $0x0;
	lr =	simm.s32 $0x1  }
0x2: {  	[smem:$0x3F9B] =	sst lr;
	_ =	strace $0xD0000000  }
0x3: {  	_ = 	snop  }
0x4: {  	_ = 	snop  }
0x5: {  	_ = 	snop  }
0x6: {  	_ = 	snop  }
0x7: {  	_ = 	snop  }
__scs_overlays_trampoline_lowered:
0x8: {  	[smem:$0x3FAA] =	sst s0  }
0x9: {  	[smem:$0x3FAB] =	sst s1  }
0xa: {  	[smem:$0x3FAC] =	sst s2  }
0xb: {  	[smem:$0x3FAD] =	sst s3  }
0xc: {  	[smem:$0x3FAE] =	sst s4  }
0xd: {  	[smem:$0x3FAF] =	sst s5  }
0xe: {  	[smem:$0x3FB0] =	sst s6  }
0xf: {  	[smem:$0x3FB1] =	sst s7  }
0x10: {  	[smem:$0x3FB2] =	sst s8  }
0x11: {  	[smem:$0x3FB3] =	sst s9;
	s0 =	simm.s32 @!p0 $0x0  }
0x12: {  	s1 =	sld [smem:$0x3F99];
	s0 =	simm.s32 @p0 $0x1  }
0x13: {  	[smem:$0x3FB4] =	sst s0;
	s0 =	simm.s32 @!p1 $0x0  }
0x14: {  	s2 =	sld [smem:$0x3F98];
	s0 =	simm.s32 @p1 $0x1  }
0x15: {  	[smem:$0x3FB5] =	sst s0;
	s0 =	simm.s32 @!p2 $0x0  }
0x16: {  	s3 =	sld [smem:$0x3FDB];
	s0 =	simm.s32 @p2 $0x1  }
0x17: {  	s4 =	simm.s32 $0x1BF5;
	[smem:$0x3FB7] =	sst s0  }
0x18: {  	s0 =	sld [smem:$0x3F9A];
	_ =	swait.ge [sflag:s4], $0x0  }
0x19: {  	s7 =	sld [smem:$0x3F9B]  }
0x1a: {  	s8 =	sadd.s32 $0xFFFFE003, lr  }
0x1b: {  	s9 =	sadd.s32 $0xFFFFFEF7, lr;
	s5 =	simm.s32 $0xFFFFFFFF;
	p2 =	slt.u32 s8, $0xFFFFF086  }
0x1c: {  	p1 =	slt.u32 s9, $0xF7A;
	s5 =	simm.s32 @!p2 $0x0  }
0x1d: {  	s5 =	simm.s32 @p1 $0x1;
	p0 =	seq.s32 s7, s2  }
0x1e: {  	s7 =	smul.u32 @!p0 $0xF7A, s2;
	p2 =	seq.s32 @!p0 s5, $0x0  }
0x1f: {  	s9 =	smul.u32 $0xF7A, s1;
	s8 =	simm.s32 @!p0 $0x1BF5;
	p2 =	por !p2, p0  }
0x20: {  	[sflag:s8] =	ssyncset.s32 @!p0 $0xFFFFF086;
	s6 =	sadd.s32 @!p0 s3, s7;
	s7 =	simm.s32 @!p0 $0x108  }
0x21: {  	s3 =	sadd.s32 s3, s9;
	s6 =	sadd.s32 @!p0 $0x88, s6;
	s7 =	simm.s32 @p2 $0x1082  }
0x22: {  	[simem:s7], [sflag:s8] =	dma.local @!p0 [hbm:s6], $0xF7A  }
0x23: {  	s9 =	sor.u32 $0xD0000000, s2;
	s6 =	simm.s32 $0x108;
	_ =	swait.ge @!p0 [sflag:s8], $0x0  }
0x24: {  	s3 =	sadd.s32 $0x88, s3;
	s6 =	simm.s32 @!p1 $0x1082;
	[sflag:s4] =	ssyncset.s32 $0xFFFFF086  }
0x25: {  	[simem:s6], [sflag:s4] =	dma.local [hbm:s3], $0xF7A  }
0x26: {  	[smem:$0x3F9B] =	sst s1;
	(tag) =	ssettag s2;
	_ =	strace s9  }
0x27: {  	s1 =	sld [smem:$0x3FAB]  }
0x28: {  	s2 =	sld [smem:$0x3FAC]  }
0x29: {  	s4 =	sld [smem:$0x3FAE]  }
0x2a: {  	p0 =	seq.s32 s5, $0x0;
	s5 =	sld [smem:$0x3FAF]  }
0x2b: {  	s6 =	sld [smem:$0x3FB0]  }
0x2c: {  	s7 =	sld [smem:$0x3FB1]  }
0x2d: {  	s3 =	simm.s32 $0x108;
	s8 =	sld [smem:$0x3FB2]  }
0x2e: {  	s3 =	simm.s32 @!p0 $0x1082;
	s9 =	sld [smem:$0x3FB3]  }
0x2f: {  	lr =	sadd.s32 s0, s3;
	s0 =	sld [smem:$0x3FAA]  }
0x30: {  	s3 =	sld [smem:$0x3FAD]  }
0x31: {  	[smem:$0x3FB6] =	sst s10  }
0x32: {  	s10 =	sld [smem:$0x3FB4];
	_ =	sdelay $0x3  }
0x33: {  	p0 =	seq.s32 s10, $0x1;
	s10 =	sld [smem:$0x3FB6];
	_ =	sdelay $0x3  }
0x34: {  	[smem:$0x3FB6] =	sst s10  }
0x35: {  	s10 =	sld [smem:$0x3FB5];
	_ =	sdelay $0x3  }
0x36: {  	p1 =	seq.s32 s10, $0x1;
	s10 =	sld [smem:$0x3FB6];
	_ =	sdelay $0x3  }
0x37: {  	[smem:$0x3FB6] =	sst s10  }
0x38: {  	s10 =	sld [smem:$0x3FB7]  }
0x39: {  	_ = 	snop;
	(pc) =	sbr.ind lr, $3  }
0x3a: {  	_ = 	snop  }
0x3b: {  	_ = 	snop  }
0x3c: {  	p2 =	seq.s32 s10, $0x1;
	s10 =	sld [smem:$0x3FB6]  }
0x3d: {  	_ =	shalt  }
0x3e: {  	_ =	shalt  }
0x3f: {  	_ =	shalt  }
0x40: {  	_ =	shalt  }
0x41: {  	_ =	shalt  }
0x42: {  	_ =	shalt  }
0x43: {  	_ =	shalt  }
0x44: {  	_ =	shalt  }
0x45: {  	_ =	shalt  }
0x46: {  	_ =	shalt  }
0x47: {  	_ =	shalt  }
0x48: {  	_ =	shalt  }
0x49: {  	_ =	shalt  }
0x4a: {  	_ =	shalt  }
0x4b: {  	_ =	shalt  }
0x4c: {  	_ =	shalt  }
0x4d: {  	_ =	shalt  }
0x4e: {  	_ =	shalt  }
0x4f: {  	_ =	shalt  }
0x50: {  	_ =	shalt  }
0x51: {  	_ =	shalt  }
0x52: {  	_ =	shalt  }
0x53: {  	_ =	shalt  }
0x54: {  	_ =	shalt  }
0x55: {  	_ =	shalt  }
0x56: {  	_ =	shalt  }
0x57: {  	_ =	shalt  }
0x58: {  	_ =	shalt  }
0x59: {  	_ =	shalt  }
0x5a: {  	_ =	shalt  }
0x5b: {  	_ =	shalt  }
0x5c: {  	_ =	shalt  }
0x5d: {  	_ =	shalt  }
0x5e: {  	_ =	shalt  }
0x5f: {  	_ =	shalt  }
0x60: {  	_ =	shalt  }
0x61: {  	_ =	shalt  }
0x62: {  	_ =	shalt  }
0x63: {  	_ =	shalt  }
0x64: {  	_ =	shalt  }
0x65: {  	_ =	shalt  }
0x66: {  	_ =	shalt  }
0x67: {  	_ =	shalt  }
0x68: {  	_ =	shalt  }
0x69: {  	_ =	shalt  }
0x6a: {  	_ =	shalt  }
0x6b: {  	_ =	shalt  }
0x6c: {  	_ =	shalt  }
0x6d: {  	_ =	shalt  }
0x6e: {  	_ =	shalt  }
0x6f: {  	_ =	shalt  }
0x70: {  	_ =	shalt  }
0x71: {  	_ =	shalt  }
0x72: {  	_ =	shalt  }
0x73: {  	_ =	shalt  }
0x74: {  	_ =	shalt  }
0x75: {  	_ =	shalt  }
0x76: {  	_ =	shalt  }
0x77: {  	_ =	shalt  }
0x78: {  	_ =	shalt  }
0x79: {  	_ =	shalt  }
0x7a: {  	_ =	shalt  }
0x7b: {  	_ =	shalt  }
0x7c: {  	_ =	shalt  }
0x7d: {  	_ =	shalt  }
0x7e: {  	_ =	shalt  }
0x7f: {  	_ =	shalt  }
0x80: {  	_ =	shalt  }
0x81: {  	_ =	shalt  }
0x82: {  	_ =	shalt  }
0x83: {  	_ =	shalt  }
0x84: {  	_ =	shalt  }
0x85: {  	_ =	shalt  }
0x86: {  	_ =	shalt  }
0x87: {  	_ =	shalt  }
.Lfunc_end0:
.L_simem_size_0:
called_computation.1_lowered:
.L_overlay_start_0:
0x88: {  	s2 =	sld [smem:$0x3FD9]  }
0x89: {  	s3 =	sld [smem:$0x3FFE];
	_ =	sdelay $0x1  }
0x8a: {  	s1 =	srdreg.scid  }
0x8b: {  	s0 =	sand.u32 $0x1, s1  }
0x8c: {  	s17 =	sshll.u32 s0, $0xA;
	s2 =	sadd.s32 s3, s2  }
0x8d: {  	s2 =	sadd.s32 s2, s17  }
0x8e: {  	[smem:$0x3FC2] =	sst s2  }
0x8f: {  	_ = 	snop  }
0x90: {  	s2 =	sld [smem:$0x3FD0];
	(tm) =	ssettm $0x1  }
0x91: {  	s18 =	sld [smem:$0x3FFB];
	_ =	sdelay $0x3  }
0x92: {  	_ =	strace s18  }
0x93: {  	s3 =	sld [smem:$0x3FFC];
	_ =	sdelay $0x3  }
0x94: {  	_ =	strace s3  }
0x95: {  	s3 =	sld [smem:$0x3FFD];
	_ =	sdelay $0x3  }
0x96: {  	_ =	strace s3  }
0x97: {  	_ =	strace $0x8FFFFFFF  }
0x98: {  	s19 =	sld [smem:$0x3FDB];
	_ =	sdelay $0x1  }
0x99: {  	s4 =	simm.s32 $_scs_section_size  }
0x9a: {  	s5 =	simm.s32 $_size__tile_overlayer_lowered;
	s6 =	simm.s32 $_tile_overlayer_lowered  }
0x9b: {  	s22 =	simm.s32 $0x1BFF;
	s21 =	sshll.u32 s6, $0x1;
	s3 =	sadd.s32 s4, s19  }
0x9c: {  	s7 =	simm.s32 $0x0;
	s20 =	sshll.u32 s5, $0x1;
	s5 =	sadd.s32 s21, s3  }
0x9d: {  	[timem:s7], [sflag:s22] =	dma.local [hbm:s5], s20  }
0x9e: {  	_ =	swait.ge [sflag:s22], s20  }
0x9f: {  	s4 =	ssub.s32 $0x0, s20;
	[sflag:s22] =	ssyncset.done $0x0  }
0xa0: {  	[sflag:s22] =	ssyncadd.s32 s4;
	_ =	sdelay $0x1  }
0xa1: {  	s23 =	simm.s32 $0x1B8B  }
0xa2: {  	_ =	swait.ge [sflag:s23], $0x1  }
0xa3: {  	[sflag:s23] =	ssyncset.done $0x0  }
0xa4: {  	s25 =	simm.s32 $0x1B8E;
	s24 =	sld [smem:$0x3FFE];
	[sflag:s23] =	ssyncadd.s32 $0xFFFFFFFF  }
0xa5: {  	s26 =	simm.s32 $execute0_lowered;
	[smem:$0x3FD2] =	sst s25  }
0xa6: {  	s5 =	sshll.u32 s26, $0x1;
	_ =	strace $0x80000049;
	[dreg:$0x1] =	wrdreg $0xFFFFFFFF  }
0xa7: {  	s28 =	simm.s32 $_size_execute0_lowered;
	s3 =	sadd.s32 s3, s5;
	[dreg:$0x0] =	wrdreg $0x0  }
0xa8: {  	s5 =	sshll.u32 s28, $0x1;
	[dreg:$0x2] =	wrdreg s3  }
0xa9: {  	[dreg:$0x3] =	wrdreg s5  }
0xaa: {  	[dreg:$0x4] =	wrdreg $0xC0  }
0xab: {  	_ =	task [dreg:s7], $0x5FFFF  }
0xac: {  	[dreg:$0x1] =	wrdreg $0xFFFFFFFF  }
0xad: {  	[dreg:$0x0] =	wrdreg $0x60  }
0xae: {  	[dreg:$0x2] =	wrdreg s24  }
0xaf: {  	[dreg:$0x3] =	wrdreg s2  }
0xb0: {  	[dreg:$0x4] =	wrdreg $0xBA000  }
0xb1: {  	[dreg:$0x5] =	wrdreg $0xD2000  }
0xb2: {  	[dreg:$0x6] =	wrdreg $0x9  }
0xb3: {  	_ =	task.clear_ibuf [dreg:s7], $0x7FFFF;
	_ =	strace $0x90000049  }
0xb4: {  	s29 =	simm.s32 $0x9;
	_ =	strace $0x8000004B  }
0xb5: {  	_ =	swait.ge [sflag:s29], $0x1  }
0xb6: {  	[sflag:s29] =	ssyncadd.s32 $0xFFFFFFFF  }
0xb7: {  	_ =	strace $0x9000004B  }
0xb8: {  	_ =	sfence  }
0xb9: {  	s30 =	sld [smem:$0x0];
	_ =	sdelay $0x2  }
0xba: {  	s31 =	sshll.u32 s1, $0xD;
	s1 =	sshrl.u32 s1, $0x2  }
0xbb: {  	s3 =	sand.u32 $0x4000, s31;
	s1 =	sadd.s32 s1, s30  }
0xbc: {  	s0 =	sor.u32 s3, s0;
	s1 =	sshll.u32 s1, $0x11  }
0xbd: {  	s0 =	sor.u32 s1, s0  }
0xbe: {  	s0 =	sadd.s32 $0x8F2B, s0  }
0xbf: {  	[sflag:s0] =	ssyncadd.remote.s32 $0x1  }
0xc0: {  	_ =	sfence.sel $0xFFFF  }
0xc1: {  	[dreg:$0x0] =	wrdreg $0xFFFFFFFF;
	(pc) =	sbr.abs _section_cstart, $3  }
0xc2: {  	[dreg:$0x1] =	wrdreg $0xFFFFFFFF  }
0xc3: {  	_ =	task.clear_ibuf [dreg:s7], $0x2FFFF;
	_ =	strace $0x9FFFFFFF  }
0xc4: {  	(tm) =	ssettm $0x7FFFFFFF  }
0xc5: {  	_ =	shalt  }
tec
execute0_lowered:
.L_overlay_start_1:
0x0: {  	(tag) =	ssettag $0x1  }
0x1: {  	s0 =	rddreg [dreg:$0x0]  }
0x2: {  	s9 =	stileid.u32;
	s3 =	rddreg [dreg:$0x2]  }
0x3: {  	s1 =	srdreg.scid;
	s4 =	rddreg [dreg:$0x3]  }
0x4: {  	s5 =	simm.s32 $0x0;
	s19 =	simm.s32 $0x3;
	s21 =	simm.s32 $0xC00  }
0x5: {  	s28 =	simm.s32 $0x5A00;
	s29 =	simm.s32 $0xAE00;
	s31 =	simm.s32 $0xB200  }
0x6: {  	s20 =	simm.s32 $0x1;
	s23 =	simm.s32 $0x2;
	s6 =	smul.u32 $0x600, s9  }
0x7: {  	s30 =	simm.s32 $0x0;
	s1 =	sand.u32 $0x1, s1;
	s14 =	smul.u32 $0x1800, s9  }
0x8: {  	s2 =	sshll.u32 s9, $0x1;
	[smem:$0x7FF] =	sst s5;
	s24 =	smul.u32 $0x60, s9  }
0x9: {  	s2 =	sor.u32 s1, s2;
	s7 =	smul.u32 $0x18000, s1;
	_ =	strace $0x8000004A  }
0xa: {  	s25 =	ssub.s32 $0x2, s1;
	p0 =	sne.s32 s1, $0x0;
	s1 =	simm.s32 $0xB600  }
0xb: {  	s2 =	smul.u32 $0x2800, s2;
	s8 =	sadd.s32 s6, s0;
	s12 =	sadd.s32 s24, s0  }
0xc: {  	s26 =	sshrl.u32 s25, $0x1;
	s13 =	sadd.s32 s14, s3;
	s24 =	simm.s32 $0x3C00  }
0xd: {  	s7 =	sadd.s32 s14, s7;
	s16 =	ssub.s32 s25, s26;
	s6 =	sadd.s32 $0x16200, s12  }
0xe: {  	s8 =	sadd.s32 $0x17A00, s8;
	s11 =	sadd.s32 $0x31A00, s12;
	s14 =	sadd.s32 s14, s4  }
0xf: {  	s25 =	simm.s32 $0x80;
	s26 =	simm.s32 $0xAA00;
	s2 =	sshrl.u32 s2, $0x3  }
0x10: {  	s7 =	sshrl.u32 s7, $0x3;
	s16 =	smax.u32 s16, $0x1;
	s2 =	sadd.s32 s2, s0  }
0x11: {  	s0 =	sadd.s32 s7, s0;
	s7 =	sadd.s32 $0x16E00, s12;
	s12 =	sadd.s32 $0x38000, s12  }
0x12: {  	v0 =	vlaneseq.u32;
	s9 =	sadd.s32 $0x1DA00, s2;
	s10 =	sadd.s32 $0x27A00, s2;
	s15 =	sadd.s32 $0x32000, s0  }
.LBB2_1:
0x13: {  	s0 =	simm.s32 $0x300;
	s2 =	simm.s32 $0x3000  }
0x14: {  	[tilespmem:s5], [sflag:$0x3] =	stream.strided.gather [hbm4b:s6+s0], $0x600, s2, s0, $0x38;
	[tilespmem:$0xEA00] =	vst v63  }
0x15: {  	_ =	swait.ge [sflag:s19], $0x600  }
0x16: {  	[sflag:s19] =	ssyncset.done $0x0  }
0x17: {  	s17 =	simm.s32 $0x600;
	[sflag:s19] =	ssyncadd.s32 $0xFFFFFA00  }
0x18: {  	[tilespmem:s17], [sflag:$0x3] =	stream.strided.gather [hbm4b:s7+s0], $0x600, s2, s0, $0x38;
	[tilespmem:$0xEA00] =	vst v63  }
0x19: {  	_ =	swait.ge [sflag:s19], $0x600  }
0x1a: {  	[sflag:s19] =	ssyncset.done $0x0  }
0x1b: {  	[sflag:s19] =	ssyncadd.s32 $0xFFFFFA00  }
0x1c: {  	[tilespmem:s21], [sflag:$0x3] =	stream.linear.gather [hbm4b:s8+s5], $0x3000, $0x38;
	[tilespmem:$0xEA00] =	vst v63  }
0x1d: {  	_ =	swait.ge [sflag:s19], $0x3000  }
0x1e: {  	[sflag:s19] =	ssyncset.done $0x0  }
0x1f: {  	[sflag:s19] =	ssyncadd.s32 $0xFFFFD000  }
0x20: {  	[tilespmem:s28], [sflag:$0x3] =	stream.linear.gather [hbm4b:s9+s5], $0x2800, $0x38;
	[tilespmem:$0xEA00] =	vst v63  }
0x21: {  	_ =	swait.ge [sflag:s19], $0x2800  }
0x22: {  	[sflag:s19] =	ssyncset.done $0x0  }
0x23: {  	s22 =	simm.s32 $0x8200;
	[sflag:s19] =	ssyncadd.s32 $0xFFFFD800  }
0x24: {  	[tilespmem:s22], [sflag:$0x3] =	stream.linear.gather [hbm4b:s10+s5], $0x2800, $0x38;
	[tilespmem:$0xEA00] =	vst v63  }
0x25: {  	_ =	swait.ge [sflag:s19], $0x2800  }
0x26: {  	[sflag:s19] =	ssyncset.done $0x0  }
0x27: {  	s2 =	simm.s32 $0x310;
	[sflag:s19] =	ssyncadd.s32 $0xFFFFD800  }
0x28: {  	v1 =	vld [tilespmem:s2+$0xFFFFFCF0]  }
0x29: {  	v2 =	vld [tilespmem:s2+$0xFFFFFFF0];
	_ =	sdelay $0x4  }
0x2a: {  	v1 =	vadd.f32 v2, v1;
	_ =	sdelay $0x1  }
0x2b: {  	v2 =	vmax.f32 v1, $1.000000000e+00  }
0x2c: {  	v3 =	vshra.s32 v2, $0x1;
	v2 =	vmul.f32 $5.000000000e-01, v2  }
0x2d: {  	v3 =	vsub.s32 $0x5F3759DF, v3  }
0x2e: {  	v4 =	vmul.f32 v3, v2;
	_ =	sdelay $0x1  }
0x2f: {  	v4 =	vmul.f32 v3, v4;
	_ =	sdelay $0x1  }
0x30: {  	v4 =	vsub.f32 $1.500000000e+00, v4;
	_ =	sdelay $0x1  }
0x31: {  	v3 =	vmul.f32 v3, v4;
	_ =	sdelay $0x1  }
0x32: {  	v4 =	vmul.f32 v3, v2;
	_ =	sdelay $0x1  }
0x33: {  	v4 =	vmul.f32 v4, v3;
	_ =	sdelay $0x1  }
0x34: {  	v4 =	vsub.f32 $1.500000000e+00, v4;
	_ =	sdelay $0x1  }
0x35: {  	v3 =	vmul.f32 v4, v3;
	_ =	sdelay $0x1  }
0x36: {  	v2 =	vmul.f32 v3, v2;
	_ =	sdelay $0x1  }
0x37: {  	v2 =	vmul.f32 v2, v3;
	_ =	sdelay $0x1  }
0x38: {  	v2 =	vsub.f32 $1.500000000e+00, v2;
	_ =	sdelay $0x1  }
0x39: {  	v2 =	vmul.f32 v2, v3  }
0x3a: {  	vm0 =	vgt.f32 v1, $0.0e+00  }
0x3b: {  	s17 =	simm.s32 $0x5410;
	v1 =	vnsel vm0, $0x0, v2  }
0x3c: {  	[tilespmem:s17+$0xFFFFFFF0] =	vst v1  }
0x3d: {  	v1 =	vld [tilespmem:s2+$0x0]  }
0x3e: {  	v2 =	vld [tilespmem:s2+$0xFFFFFD00];
	_ =	sdelay $0x4  }
0x3f: {  	v2 =	vadd.f32 v1, v2;
	_ =	sdelay $0x1  }
0x40: {  	v1 =	vmax.f32 v2, $1.000000000e+00  }
0x41: {  	v3 =	vshra.s32 v1, $0x1;
	v1 =	vmul.f32 $5.000000000e-01, v1  }
0x42: {  	v3 =	vsub.s32 $0x5F3759DF, v3  }
0x43: {  	v63 =	vmul.f32 v3, v1;
	_ =	sdelay $0x1  }
0x44: {  	v4 =	vmul.f32 v3, v63;
	_ =	sdelay $0x1  }
0x45: {  	v4 =	vsub.f32 $1.500000000e+00, v4;
	_ =	sdelay $0x1  }
0x46: {  	v3 =	vmul.f32 v3, v4;
	_ =	sdelay $0x1  }
0x47: {  	v4 =	vmul.f32 v3, v1;
	_ =	sdelay $0x1  }
0x48: {  	v4 =	vmul.f32 v4, v3;
	_ =	sdelay $0x1  }
0x49: {  	v4 =	vsub.f32 $1.500000000e+00, v4;
	_ =	sdelay $0x1  }
0x4a: {  	v3 =	vmul.f32 v4, v3;
	_ =	sdelay $0x1  }
0x4b: {  	v1 =	vmul.f32 v3, v1;
	_ =	sdelay $0x1  }
0x4c: {  	v1 =	vmul.f32 v1, v3;
	_ =	sdelay $0x1  }
0x4d: {  	v1 =	vsub.f32 $1.500000000e+00, v1;
	_ =	sdelay $0x1  }
0x4e: {  	s18 =	simm.s32 $0x0;
	v1 =	vmul.f32 v1, v3  }
0x4f: {  	s0 =	simm.s32 $0x5710;
	s28 =	simm.s32 $0x910;
	s22 =	simm.s32 $0x5410;
	vm0 =	vgt.f32 v2, $0.0e+00  }
.LBB2_2:
0x50: {  	s18 =	sadd.s32 $0x2, s18;
	v1 =	vnsel vm0, $0x0, v1;
	s2 =	sadd.s32 $0x20, s2;
	s17 =	sadd.s32 $0x20, s17  }
0x51: {  	p1 =	slt.u32 s18, $0x2E;
	[tilespmem:s22+$0x0] =	vst v1;
	s22 =	smov.u32 s17  }
0x52: {  	v1 =	vld [tilespmem:s2+$0xFFFFFCF0]  }
0x53: {  	v2 =	vld [tilespmem:s2+$0xFFFFFFF0];
	_ =	sdelay $0x4  }
0x54: {  	v1 =	vadd.f32 v2, v1;
	_ =	sdelay $0x1  }
0x55: {  	v2 =	vmax.f32 v1, $1.000000000e+00  }
0x56: {  	v3 =	vshra.s32 v2, $0x1;
	v2 =	vmul.f32 $5.000000000e-01, v2  }
0x57: {  	v3 =	vsub.s32 $0x5F3759DF, v3  }
0x58: {  	v4 =	vmul.f32 v3, v2;
	_ =	sdelay $0x1  }
0x59: {  	v4 =	vmul.f32 v3, v4;
	_ =	sdelay $0x1  }
0x5a: {  	v4 =	vsub.f32 $1.500000000e+00, v4;
	_ =	sdelay $0x1  }
0x5b: {  	v3 =	vmul.f32 v3, v4;
	_ =	sdelay $0x1  }
0x5c: {  	v4 =	vmul.f32 v3, v2;
	_ =	sdelay $0x1  }
0x5d: {  	v4 =	vmul.f32 v4, v3;
	_ =	sdelay $0x1  }
0x5e: {  	v4 =	vsub.f32 $1.500000000e+00, v4;
	_ =	sdelay $0x1  }
0x5f: {  	v3 =	vmul.f32 v4, v3;
	_ =	sdelay $0x1  }
0x60: {  	v2 =	vmul.f32 v3, v2;
	_ =	sdelay $0x1  }
0x61: {  	v2 =	vmul.f32 v2, v3;
	_ =	sdelay $0x1  }
0x62: {  	v2 =	vsub.f32 $1.500000000e+00, v2;
	_ =	sdelay $0x1  }
0x63: {  	v2 =	vmul.f32 v2, v3  }
0x64: {  	vm0 =	vgt.f32 v1, $0.0e+00  }
0x65: {  	v1 =	vnsel vm0, $0x0, v2  }
0x66: {  	[tilespmem:s17+$0xFFFFFFF0] =	vst v1  }
0x67: {  	v1 =	vld [tilespmem:s2+$0x0]  }
0x68: {  	v2 =	vld [tilespmem:s2+$0xFFFFFD00];
	_ =	sdelay $0x4  }
0x69: {  	v2 =	vadd.f32 v1, v2;
	_ =	sdelay $0x1  }
0x6a: {  	v1 =	vmax.f32 v2, $1.000000000e+00  }
0x6b: {  	v3 =	vshra.s32 v1, $0x1;
	v1 =	vmul.f32 $5.000000000e-01, v1  }
0x6c: {  	v3 =	vsub.s32 $0x5F3759DF, v3  }
0x6d: {  	v4 =	vmul.f32 v3, v1;
	_ =	sdelay $0x1  }
0x6e: {  	v4 =	vmul.f32 v3, v4;
	_ =	sdelay $0x1  }
0x6f: {  	v4 =	vsub.f32 $1.500000000e+00, v4;
	_ =	sdelay $0x1  }
0x70: {  	v3 =	vmul.f32 v3, v4;
	_ =	sdelay $0x1  }
0x71: {  	v4 =	vmul.f32 v3, v1;
	_ =	sdelay $0x1  }
0x72: {  	v4 =	vmul.f32 v4, v3;
	_ =	sdelay $0x1  }
0x73: {  	v4 =	vsub.f32 $1.500000000e+00, v4;
	_ =	sdelay $0x1  }
0x74: {  	v3 =	vmul.f32 v4, v3;
	_ =	sdelay $0x1  }
0x75: {  	v1 =	vmul.f32 v3, v1;
	_ =	sdelay $0x1  }
0x76: {  	v1 =	vmul.f32 v1, v3  }
.Ltmp0:
0x77: {  	(pc) =	sbr.rel @p1 .LBB2_2-.Ltmp0, $2  }
0x78: {  	v1 =	vsub.f32 $1.500000000e+00, v1;
	_ =	sdelay $0x1  }
0x79: {  	vm0 =	vgt.f32 v2, $0.0e+00;
	v1 =	vmul.f32 v1, v3;
	_ =	sdelay $0x1  }
0x7a: {  	v1 =	vnsel vm0, $0x0, v1  }
0x7b: {  	[tilespmem:s22+$0x0] =	vst v1  }
0x7c: {  	v1 =	vld [tilespmem:s28+$0xFFFFFCF0]  }
0x7d: {  	v2 =	vld [tilespmem:s28+$0xFFFFFFF0];
	_ =	sdelay $0x4  }
0x7e: {  	v1 =	vadd.f32 v2, v1;
	_ =	sdelay $0x1  }
0x7f: {  	v2 =	vmax.f32 v1, $1.000000000e+00  }
0x80: {  	v3 =	vshra.s32 v2, $0x1;
	v2 =	vmul.f32 $5.000000000e-01, v2  }
0x81: {  	v3 =	vsub.s32 $0x5F3759DF, v3  }
0x82: {  	v4 =	vmul.f32 v3, v2;
	_ =	sdelay $0x1  }
0x83: {  	v4 =	vmul.f32 v3, v4;
	_ =	sdelay $0x1  }
0x84: {  	v4 =	vsub.f32 $1.500000000e+00, v4;
	_ =	sdelay $0x1  }
0x85: {  	v3 =	vmul.f32 v3, v4;
	_ =	sdelay $0x1  }
0x86: {  	v4 =	vmul.f32 v3, v2;
	_ =	sdelay $0x1  }
0x87: {  	v4 =	vmul.f32 v4, v3;
	_ =	sdelay $0x1  }
0x88: {  	v4 =	vsub.f32 $1.500000000e+00, v4;
	_ =	sdelay $0x1  }
0x89: {  	v3 =	vmul.f32 v4, v3;
	_ =	sdelay $0x1  }
0x8a: {  	v2 =	vmul.f32 v3, v2;
	_ =	sdelay $0x1  }
0x8b: {  	v2 =	vmul.f32 v2, v3;
	_ =	sdelay $0x1  }
0x8c: {  	v2 =	vsub.f32 $1.500000000e+00, v2;
	_ =	sdelay $0x1  }
0x8d: {  	v2 =	vmul.f32 v2, v3  }
0x8e: {  	vm0 =	vgt.f32 v1, $0.0e+00  }
0x8f: {  	v1 =	vnsel vm0, $0x0, v2  }
0x90: {  	[tilespmem:s0+$0xFFFFFFF0] =	vst v1  }
0x91: {  	v1 =	vld [tilespmem:s28+$0x0]  }
0x92: {  	v2 =	vld [tilespmem:s28+$0xFFFFFD00];
	_ =	sdelay $0x4  }
0x93: {  	v2 =	vadd.f32 v1, v2;
	_ =	sdelay $0x1  }
0x94: {  	v1 =	vmax.f32 v2, $1.000000000e+00  }
0x95: {  	v3 =	vshra.s32 v1, $0x1;
	v1 =	vmul.f32 $5.000000000e-01, v1  }
0x96: {  	v3 =	vsub.s32 $0x5F3759DF, v3  }
0x97: {  	v63 =	vmul.f32 v3, v1;
	_ =	sdelay $0x1  }
0x98: {  	v4 =	vmul.f32 v3, v63;
	_ =	sdelay $0x1  }
0x99: {  	v4 =	vsub.f32 $1.500000000e+00, v4;
	_ =	sdelay $0x1  }
0x9a: {  	v3 =	vmul.f32 v3, v4;
	_ =	sdelay $0x1  }
0x9b: {  	v4 =	vmul.f32 v3, v1;
	_ =	sdelay $0x1  }
0x9c: {  	v4 =	vmul.f32 v4, v3;
	_ =	sdelay $0x1  }
0x9d: {  	v4 =	vsub.f32 $1.500000000e+00, v4;
	_ =	sdelay $0x1  }
0x9e: {  	v3 =	vmul.f32 v4, v3;
	_ =	sdelay $0x1  }
0x9f: {  	v1 =	vmul.f32 v3, v1;
	_ =	sdelay $0x1  }
0xa0: {  	v1 =	vmul.f32 v1, v3;
	_ =	sdelay $0x1  }
0xa1: {  	v1 =	vsub.f32 $1.500000000e+00, v1;
	_ =	sdelay $0x1  }
0xa2: {  	v1 =	vmul.f32 v1, v3  }
0xa3: {  	s17 =	simm.s32 $0x10;
	s18 =	simm.s32 $0x5710;
	s22 =	simm.s32 $0x0;
	vm0 =	vgt.f32 v2, $0.0e+00  }
.LBB2_4:
0xa4: {  	s22 =	sadd.s32 $0x2, s22;
	v1 =	vnsel vm0, $0x0, v1;
	s28 =	sadd.s32 $0x20, s28;
	s0 =	sadd.s32 $0x20, s0  }
0xa5: {  	p1 =	slt.u32 s22, $0x2E;
	[tilespmem:s18+$0x0] =	vst v1;
	s18 =	smov.u32 s0  }
0xa6: {  	v1 =	vld [tilespmem:s28+$0xFFFFFCF0]  }
0xa7: {  	v2 =	vld [tilespmem:s28+$0xFFFFFFF0];
	_ =	sdelay $0x4  }
0xa8: {  	v1 =	vadd.f32 v2, v1;
	_ =	sdelay $0x1  }
0xa9: {  	v2 =	vmax.f32 v1, $1.000000000e+00  }
0xaa: {  	v3 =	vshra.s32 v2, $0x1;
	v2 =	vmul.f32 $5.000000000e-01, v2  }
0xab: {  	v3 =	vsub.s32 $0x5F3759DF, v3  }
0xac: {  	v4 =	vmul.f32 v3, v2;
	_ =	sdelay $0x1  }
0xad: {  	v4 =	vmul.f32 v3, v4;
	_ =	sdelay $0x1  }
0xae: {  	v4 =	vsub.f32 $1.500000000e+00, v4;
	_ =	sdelay $0x1  }
0xaf: {  	v3 =	vmul.f32 v3, v4;
	_ =	sdelay $0x1  }
0xb0: {  	v4 =	vmul.f32 v3, v2;
	_ =	sdelay $0x1  }
0xb1: {  	v4 =	vmul.f32 v4, v3;
	_ =	sdelay $0x1  }
0xb2: {  	v4 =	vsub.f32 $1.500000000e+00, v4;
	_ =	sdelay $0x1  }
0xb3: {  	v3 =	vmul.f32 v4, v3;
	_ =	sdelay $0x1  }
0xb4: {  	v2 =	vmul.f32 v3, v2;
	_ =	sdelay $0x1  }
0xb5: {  	v2 =	vmul.f32 v2, v3;
	_ =	sdelay $0x1  }
0xb6: {  	v2 =	vsub.f32 $1.500000000e+00, v2;
	_ =	sdelay $0x1  }
0xb7: {  	v2 =	vmul.f32 v2, v3  }
0xb8: {  	vm0 =	vgt.f32 v1, $0.0e+00  }
0xb9: {  	v1 =	vnsel vm0, $0x0, v2  }
0xba: {  	[tilespmem:s0+$0xFFFFFFF0] =	vst v1  }
0xbb: {  	v1 =	vld [tilespmem:s28+$0x0]  }
0xbc: {  	v2 =	vld [tilespmem:s28+$0xFFFFFD00];
	_ =	sdelay $0x4  }
0xbd: {  	v2 =	vadd.f32 v1, v2;
	_ =	sdelay $0x1  }
0xbe: {  	v1 =	vmax.f32 v2, $1.000000000e+00  }
0xbf: {  	v3 =	vshra.s32 v1, $0x1;
	v1 =	vmul.f32 $5.000000000e-01, v1  }
0xc0: {  	v3 =	vsub.s32 $0x5F3759DF, v3  }
0xc1: {  	v4 =	vmul.f32 v3, v1;
	_ =	sdelay $0x1  }
0xc2: {  	v4 =	vmul.f32 v3, v4;
	_ =	sdelay $0x1  }
0xc3: {  	v4 =	vsub.f32 $1.500000000e+00, v4;
	_ =	sdelay $0x1  }
0xc4: {  	v3 =	vmul.f32 v3, v4;
	_ =	sdelay $0x1  }
0xc5: {  	v4 =	vmul.f32 v3, v1;
	_ =	sdelay $0x1  }
0xc6: {  	v4 =	vmul.f32 v4, v3;
	_ =	sdelay $0x1  }
0xc7: {  	v4 =	vsub.f32 $1.500000000e+00, v4;
	_ =	sdelay $0x1  }
0xc8: {  	v3 =	vmul.f32 v4, v3;
	_ =	sdelay $0x1  }
0xc9: {  	v1 =	vmul.f32 v3, v1;
	_ =	sdelay $0x1  }
0xca: {  	v1 =	vmul.f32 v1, v3  }
.Ltmp1:
0xcb: {  	(pc) =	sbr.rel @p1 .LBB2_4-.Ltmp1, $3  }
0xcc: {  	v1 =	vsub.f32 $1.500000000e+00, v1;
	_ =	sdelay $0x1  }
0xcd: {  	vm0 =	vgt.f32 v2, $0.0e+00;
	v1 =	vmul.f32 v1, v3  }
0xce: {  	s2 =	simm.s32 $0x5410  }
0xcf: {  	s0 =	simm.s32 $0x0  }
0xd0: {  	v2 =	vor.u32 s0, v0  }
0xd1: {  	v3 =	vshll.u32 v2, $0x4;
	_ =	sdelay $0x1  }
0xd2: {  	v1 =	vnsel vm0, $0x0, v1  }
0xd3: {  	[tilespmem:s18+$0x0] =	vst v1  }
0xd4: {  	v4 =	vld [tilespmem:s2+$0xFFFFFFF0]  }
0xd5: {  	v1 =	vld.idx.msk [tilespmem:v3+s21+$0x0], $0xffff;
	_ =	sdelay $0x2  }
0xd6: {  	v2 =	vshll.u32 v2, $0x3  }
0xd7: {  	v5 =	vor.u32 $0x1, v3  }
0xd8: {  	v1 =	vmul.f32 v1, v4  }
0xd9: {  	vm14 =	vgt.f32 v4, $0.0e+00  }
0xda: {  	v1 =	vnsel vm14, $0x0, v1  }
0xdb: {  	[tilespmem:v2+s24+$0x0] =	vst.idx.msk $0xffff, v1  }
0xdc: {  	v1 =	vld.idx.msk [tilespmem:v5+s21+$0x0], $0xffff;
	_ =	sdelay $0x2  }
0xdd: {  	v5 =	vor.u32 $0x1, v2  }
0xde: {  	v6 =	vor.u32 $0x2, v3  }
0xdf: {  	v1 =	vmul.f32 v1, v4;
	_ =	sdelay $0x1  }
0xe0: {  	v1 =	vnsel vm14, $0x0, v1  }
0xe1: {  	[tilespmem:v5+s24+$0x0] =	vst.idx.msk $0xffff, v1  }
0xe2: {  	v1 =	vld.idx.msk [tilespmem:v6+s21+$0x0], $0xffff;
	_ =	sdelay $0x2  }
0xe3: {  	v5 =	vor.u32 $0x2, v2  }
0xe4: {  	v6 =	vor.u32 $0x3, v3  }
0xe5: {  	v1 =	vmul.f32 v1, v4;
	_ =	sdelay $0x1  }
0xe6: {  	v1 =	vnsel vm14, $0x0, v1  }
0xe7: {  	[tilespmem:v5+s24+$0x0] =	vst.idx.msk $0xffff, v1  }
0xe8: {  	v1 =	vld.idx.msk [tilespmem:v6+s21+$0x0], $0xffff;
	_ =	sdelay $0x2  }
0xe9: {  	v5 =	vor.u32 $0x3, v2  }
0xea: {  	v6 =	vor.u32 $0x4, v3  }
0xeb: {  	v1 =	vmul.f32 v1, v4;
	_ =	sdelay $0x1  }
0xec: {  	v1 =	vnsel vm14, $0x0, v1  }
0xed: {  	[tilespmem:v5+s24+$0x0] =	vst.idx.msk $0xffff, v1  }
0xee: {  	v1 =	vld.idx.msk [tilespmem:v6+s21+$0x0], $0xffff;
	_ =	sdelay $0x2  }
0xef: {  	v5 =	vor.u32 $0x4, v2  }
0xf0: {  	v6 =	vor.u32 $0x5, v3  }
0xf1: {  	v1 =	vmul.f32 v1, v4;
	_ =	sdelay $0x1  }
0xf2: {  	v1 =	vnsel vm14, $0x0, v1  }
0xf3: {  	[tilespmem:v5+s24+$0x0] =	vst.idx.msk $0xffff, v1  }
0xf4: {  	v1 =	vld.idx.msk [tilespmem:v6+s21+$0x0], $0xffff;
	_ =	sdelay $0x2  }
0xf5: {  	v5 =	vor.u32 $0x5, v2  }
0xf6: {  	v6 =	vor.u32 $0x6, v3  }
0xf7: {  	v1 =	vmul.f32 v1, v4;
	_ =	sdelay $0x1  }
0xf8: {  	v1 =	vnsel vm14, $0x0, v1  }
0xf9: {  	[tilespmem:v5+s24+$0x0] =	vst.idx.msk $0xffff, v1  }
0xfa: {  	v1 =	vld.idx.msk [tilespmem:v6+s21+$0x0], $0xffff;
	_ =	sdelay $0x2  }
0xfb: {  	v5 =	vor.u32 $0x6, v2  }
0xfc: {  	v3 =	vor.u32 $0x7, v3  }
0xfd: {  	v1 =	vmul.f32 v1, v4;
	_ =	sdelay $0x1  }
0xfe: {  	v1 =	vnsel vm14, $0x0, v1  }
0xff: {  	[tilespmem:v5+s24+$0x0] =	vst.idx.msk $0xffff, v1  }
0x100: {  	v1 =	vld.idx.msk [tilespmem:v3+s21+$0x0], $0xffff;
	_ =	sdelay $0x2  }
0x101: {  	v2 =	vor.u32 $0x7, v2;
	v3 =	vor.u32 s17, v0  }
0x102: {  	v5 =	vshll.u32 v3, $0x4  }
0x103: {  	v1 =	vmul.f32 v1, v4;
	_ =	sdelay $0x1  }
0x104: {  	v1 =	vnsel vm14, $0x0, v1  }
0x105: {  	[tilespmem:v2+s24+$0x0] =	vst.idx.msk $0xffff, v1  }
0x106: {  	v1 =	vld.idx.msk [tilespmem:v5+s21+$0x0], $0xffff  }
0x107: {  	v2 =	vld [tilespmem:s2+$0x0];
	_ =	sdelay $0x2  }
0x108: {  	v3 =	vshll.u32 v3, $0x3  }
0x109: {  	v4 =	vor.u32 $0x1, v5  }
0x10a: {  	v1 =	vmul.f32 v1, v2  }
0x10b: {  	vm15 =	vgt.f32 v2, $0.0e+00  }
0x10c: {  	v1 =	vnsel vm15, $0x0, v1  }
0x10d: {  	[tilespmem:v3+s24+$0x0] =	vst.idx.msk $0xffff, v1  }
0x10e: {  	v1 =	vld.idx.msk [tilespmem:v4+s21+$0x0], $0xffff;
	_ =	sdelay $0x2  }
0x10f: {  	v4 =	vor.u32 $0x1, v3  }
0x110: {  	v6 =	vor.u32 $0x2, v5  }
0x111: {  	v1 =	vmul.f32 v1, v2;
	_ =	sdelay $0x1  }
0x112: {  	v1 =	vnsel vm15, $0x0, v1  }
0x113: {  	[tilespmem:v4+s24+$0x0] =	vst.idx.msk $0xffff, v1  }
0x114: {  	v1 =	vld.idx.msk [tilespmem:v6+s21+$0x0], $0xffff;
	_ =	sdelay $0x2  }
0x115: {  	v4 =	vor.u32 $0x2, v3  }
0x116: {  	v6 =	vor.u32 $0x3, v5  }
0x117: {  	v1 =	vmul.f32 v1, v2;
	_ =	sdelay $0x1  }
0x118: {  	v1 =	vnsel vm15, $0x0, v1  }
0x119: {  	[tilespmem:v4+s24+$0x0] =	vst.idx.msk $0xffff, v1  }
0x11a: {  	v1 =	vld.idx.msk [tilespmem:v6+s21+$0x0], $0xffff;
	_ =	sdelay $0x2  }
0x11b: {  	v4 =	vor.u32 $0x3, v3  }
0x11c: {  	v6 =	vor.u32 $0x4, v5  }
0x11d: {  	v1 =	vmul.f32 v1, v2;
	_ =	sdelay $0x1  }
0x11e: {  	v1 =	vnsel vm15, $0x0, v1  }
0x11f: {  	[tilespmem:v4+s24+$0x0] =	vst.idx.msk $0xffff, v1  }
0x120: {  	v1 =	vld.idx.msk [tilespmem:v6+s21+$0x0], $0xffff;
	_ =	sdelay $0x2  }
0x121: {  	v4 =	vor.u32 $0x4, v3  }
0x122: {  	v6 =	vor.u32 $0x5, v5  }
0x123: {  	v1 =	vmul.f32 v1, v2;
	_ =	sdelay $0x1  }
0x124: {  	v1 =	vnsel vm15, $0x0, v1  }
0x125: {  	[tilespmem:v4+s24+$0x0] =	vst.idx.msk $0xffff, v1  }
0x126: {  	v1 =	vld.idx.msk [tilespmem:v6+s21+$0x0], $0xffff;
	_ =	sdelay $0x2  }
0x127: {  	v4 =	vor.u32 $0x5, v3  }
0x128: {  	v6 =	vor.u32 $0x6, v5  }
0x129: {  	v1 =	vmul.f32 v1, v2;
	_ =	sdelay $0x1  }
0x12a: {  	v1 =	vnsel vm15, $0x0, v1  }
0x12b: {  	[tilespmem:v4+s24+$0x0] =	vst.idx.msk $0xffff, v1  }
0x12c: {  	v1 =	vld.idx.msk [tilespmem:v6+s21+$0x0], $0xffff;
	_ =	sdelay $0x2  }
0x12d: {  	v4 =	vor.u32 $0x6, v3  }
0x12e: {  	v5 =	vor.u32 $0x7, v5  }
0x12f: {  	v1 =	vmul.f32 v1, v2;
	_ =	sdelay $0x1  }
0x130: {  	v1 =	vnsel vm15, $0x0, v1  }
0x131: {  	[tilespmem:v4+s24+$0x0] =	vst.idx.msk $0xffff, v1  }
0x132: {  	v1 =	vld.idx.msk [tilespmem:v5+s21+$0x0], $0xffff;
	_ =	sdelay $0x3  }
0x133: {  	s22 =	simm.s32 $0x20  }
0x134: {  	v3 =	vor.u32 $0x7, v3;
	v4 =	vmul.f32 v1, v2;
	v2 =	vor.u32 s22, v0  }
0x135: {  	v1 =	vshll.u32 v2, $0x4;
	_ =	sdelay $0x2  }
0x136: {  	s28 =	simm.s32 $0x30;
	s0 =	simm.s32 $0x2;
	v4 =	vnsel vm15, $0x0, v4  }
.LBB2_6:
0x137: {  	s0 =	sadd.s32 $0x2, s0;
	[tilespmem:v3+s24+$0x0] =	vst.idx.msk $0xffff, v4;
	s2 =	sadd.s32 $0x20, s2  }
0x138: {  	p1 =	slt.u32 s0, $0x2E;
	v3 =	vld.idx.msk [tilespmem:v1+s21+$0x0], $0xffff  }
0x139: {  	v4 =	vld [tilespmem:s2+$0xFFFFFFF0];
	_ =	sdelay $0x2  }
0x13a: {  	v2 =	vshll.u32 v2, $0x3  }
0x13b: {  	v5 =	vor.u32 $0x1, v1  }
0x13c: {  	v3 =	vmul.f32 v3, v4  }
0x13d: {  	vm0 =	vgt.f32 v4, $0.0e+00  }
0x13e: {  	v3 =	vnsel vm0, $0x0, v3  }
0x13f: {  	[tilespmem:v2+s24+$0x0] =	vst.idx.msk $0xffff, v3  }
0x140: {  	v3 =	vld.idx.msk [tilespmem:v5+s21+$0x0], $0xffff;
	_ =	sdelay $0x3  }
0x141: {  	v5 =	vor.u32 $0x1, v2  }
0x142: {  	v6 =	vor.u32 $0x2, v1  }
0x143: {  	v3 =	vmul.f32 v3, v4;
	_ =	sdelay $0x1  }
0x144: {  	v3 =	vnsel vm0, $0x0, v3  }
0x145: {  	[tilespmem:v5+s24+$0x0] =	vst.idx.msk $0xffff, v3  }
0x146: {  	v3 =	vld.idx.msk [tilespmem:v6+s21+$0x0], $0xffff;
	_ =	sdelay $0x3  }
0x147: {  	v5 =	vor.u32 $0x2, v2  }
0x148: {  	v6 =	vor.u32 $0x3, v1  }
0x149: {  	v3 =	vmul.f32 v3, v4;
	_ =	sdelay $0x1  }
0x14a: {  	v3 =	vnsel vm0, $0x0, v3  }
0x14b: {  	[tilespmem:v5+s24+$0x0] =	vst.idx.msk $0xffff, v3  }
0x14c: {  	v3 =	vld.idx.msk [tilespmem:v6+s21+$0x0], $0xffff;
	_ =	sdelay $0x3  }
0x14d: {  	v5 =	vor.u32 $0x3, v2  }
0x14e: {  	v6 =	vor.u32 $0x4, v1  }
0x14f: {  	v3 =	vmul.f32 v3, v4;
	_ =	sdelay $0x1  }
0x150: {  	v3 =	vnsel vm0, $0x0, v3  }
0x151: {  	[tilespmem:v5+s24+$0x0] =	vst.idx.msk $0xffff, v3  }
0x152: {  	v3 =	vld.idx.msk [tilespmem:v6+s21+$0x0], $0xffff;
	_ =	sdelay $0x3  }
0x153: {  	v5 =	vor.u32 $0x4, v2  }
0x154: {  	v6 =	vor.u32 $0x5, v1  }
0x155: {  	v3 =	vmul.f32 v3, v4;
	_ =	sdelay $0x1  }
0x156: {  	v3 =	vnsel vm0, $0x0, v3  }
0x157: {  	[tilespmem:v5+s24+$0x0] =	vst.idx.msk $0xffff, v3  }
0x158: {  	v3 =	vld.idx.msk [tilespmem:v6+s21+$0x0], $0xffff;
	_ =	sdelay $0x3  }
0x159: {  	v5 =	vor.u32 $0x5, v2  }
0x15a: {  	v6 =	vor.u32 $0x6, v1  }
0x15b: {  	v3 =	vmul.f32 v3, v4;
	_ =	sdelay $0x1  }
0x15c: {  	v3 =	vnsel vm0, $0x0, v3  }
0x15d: {  	[tilespmem:v5+s24+$0x0] =	vst.idx.msk $0xffff, v3  }
0x15e: {  	v3 =	vld.idx.msk [tilespmem:v6+s21+$0x0], $0xffff;
	_ =	sdelay $0x3  }
0x15f: {  	v5 =	vor.u32 $0x6, v2  }
0x160: {  	v1 =	vor.u32 $0x7, v1  }
0x161: {  	v3 =	vmul.f32 v3, v4;
	_ =	sdelay $0x1  }
0x162: {  	v3 =	vnsel vm0, $0x0, v3  }
0x163: {  	[tilespmem:v5+s24+$0x0] =	vst.idx.msk $0xffff, v3  }
0x164: {  	v1 =	vld.idx.msk [tilespmem:v1+s21+$0x0], $0xffff;
	_ =	sdelay $0x3  }
0x165: {  	v2 =	vor.u32 $0x7, v2;
	v3 =	vor.u32 s28, v0  }
0x166: {  	v5 =	vshll.u32 v3, $0x4  }
0x167: {  	v1 =	vmul.f32 v1, v4;
	_ =	sdelay $0x1  }
0x168: {  	v1 =	vnsel vm0, $0x0, v1  }
0x169: {  	[tilespmem:v2+s24+$0x0] =	vst.idx.msk $0xffff, v1  }
0x16a: {  	v1 =	vld.idx.msk [tilespmem:v5+s21+$0x0], $0xffff  }
0x16b: {  	v4 =	vld [tilespmem:s2+$0x0];
	_ =	sdelay $0x2  }
0x16c: {  	v3 =	vshll.u32 v3, $0x3  }
0x16d: {  	v2 =	vor.u32 $0x1, v5  }
0x16e: {  	v1 =	vmul.f32 v1, v4  }
0x16f: {  	vm0 =	vgt.f32 v4, $0.0e+00  }
0x170: {  	v1 =	vnsel vm0, $0x0, v1  }
0x171: {  	[tilespmem:v3+s24+$0x0] =	vst.idx.msk $0xffff, v1  }
0x172: {  	v1 =	vld.idx.msk [tilespmem:v2+s21+$0x0], $0xffff;
	_ =	sdelay $0x3  }
0x173: {  	v2 =	vor.u32 $0x1, v3  }
0x174: {  	v6 =	vor.u32 $0x2, v5  }
0x175: {  	v1 =	vmul.f32 v1, v4;
	_ =	sdelay $0x1  }
0x176: {  	v1 =	vnsel vm0, $0x0, v1  }
0x177: {  	[tilespmem:v2+s24+$0x0] =	vst.idx.msk $0xffff, v1  }
0x178: {  	v1 =	vld.idx.msk [tilespmem:v6+s21+$0x0], $0xffff;
	_ =	sdelay $0x3  }
0x179: {  	v2 =	vor.u32 $0x2, v3  }
0x17a: {  	v6 =	vor.u32 $0x3, v5  }
0x17b: {  	v1 =	vmul.f32 v1, v4;
	_ =	sdelay $0x1  }
0x17c: {  	v1 =	vnsel vm0, $0x0, v1  }
0x17d: {  	[tilespmem:v2+s24+$0x0] =	vst.idx.msk $0xffff, v1  }
0x17e: {  	v1 =	vld.idx.msk [tilespmem:v6+s21+$0x0], $0xffff;
	_ =	sdelay $0x3  }
0x17f: {  	v2 =	vor.u32 $0x3, v3  }
0x180: {  	v6 =	vor.u32 $0x4, v5  }
0x181: {  	v1 =	vmul.f32 v1, v4;
	_ =	sdelay $0x1  }
0x182: {  	v1 =	vnsel vm0, $0x0, v1  }
0x183: {  	[tilespmem:v2+s24+$0x0] =	vst.idx.msk $0xffff, v1  }
0x184: {  	v1 =	vld.idx.msk [tilespmem:v6+s21+$0x0], $0xffff;
	_ =	sdelay $0x3  }
0x185: {  	v2 =	vor.u32 $0x4, v3  }
0x186: {  	v6 =	vor.u32 $0x5, v5  }
0x187: {  	v1 =	vmul.f32 v1, v4;
	_ =	sdelay $0x1  }
0x188: {  	v1 =	vnsel vm0, $0x0, v1  }
0x189: {  	[tilespmem:v2+s24+$0x0] =	vst.idx.msk $0xffff, v1  }
0x18a: {  	v1 =	vld.idx.msk [tilespmem:v6+s21+$0x0], $0xffff;
	_ =	sdelay $0x3  }
0x18b: {  	v2 =	vor.u32 $0x5, v3  }
0x18c: {  	v6 =	vor.u32 $0x6, v5  }
0x18d: {  	v1 =	vmul.f32 v1, v4;
	_ =	sdelay $0x1  }
0x18e: {  	v1 =	vnsel vm0, $0x0, v1  }
0x18f: {  	[tilespmem:v2+s24+$0x0] =	vst.idx.msk $0xffff, v1  }
0x190: {  	v1 =	vld.idx.msk [tilespmem:v6+s21+$0x0], $0xffff;
	_ =	sdelay $0x3  }
0x191: {  	v2 =	vor.u32 $0x6, v3  }
0x192: {  	v5 =	vor.u32 $0x7, v5  }
0x193: {  	v1 =	vmul.f32 v1, v4;
	_ =	sdelay $0x1  }
0x194: {  	v1 =	vnsel vm0, $0x0, v1  }
0x195: {  	[tilespmem:v2+s24+$0x0] =	vst.idx.msk $0xffff, v1  }
0x196: {  	v5 =	vld.idx.msk [tilespmem:v5+s21+$0x0], $0xffff;
	_ =	sdelay $0x1  }
0x197: {  	s28 =	sadd.s32 $0x20, s28  }
0x198: {  	s17 =	sadd.s32 $0xFFFFFFF0, s28  }
.Ltmp2:
0x199: {  	v3 =	vor.u32 $0x7, v3;
	v2 =	vor.u32 s17, v0;
	(pc) =	sbr.rel @p1 .LBB2_6-.Ltmp2, $3  }
0x19a: {  	v1 =	vshll.u32 v2, $0x4  }
0x19b: {  	v4 =	vmul.f32 v5, v4;
	_ =	sdelay $0x1  }
0x19c: {  	v4 =	vnsel vm0, $0x0, v4  }
0x19d: {  	_ =	sdelay $0x3  }
0x19e: {  	[tilespmem:v3+s24+$0x0] =	vst.idx.msk $0xffff, v4  }
0x19f: {  	s0 =	sadd.s32 $0x20, s2;
	v3 =	vld.idx.msk [tilespmem:v1+s21+$0x0], $0xffff  }
0x1a0: {  	v4 =	vld [tilespmem:s0+$0xFFFFFFF0];
	_ =	sdelay $0x2  }
0x1a1: {  	v2 =	vshll.u32 v2, $0x3  }
0x1a2: {  	v5 =	vor.u32 $0x1, v1  }
0x1a3: {  	v3 =	vmul.f32 v3, v4  }
0x1a4: {  	vm0 =	vgt.f32 v4, $0.0e+00  }
0x1a5: {  	v3 =	vnsel vm0, $0x0, v3  }
0x1a6: {  	[tilespmem:v2+s24+$0x0] =	vst.idx.msk $0xffff, v3  }
0x1a7: {  	v3 =	vld.idx.msk [tilespmem:v5+s21+$0x0], $0xffff;
	_ =	sdelay $0x2  }
0x1a8: {  	v41 =	vor.u32 $0x1, v2  }
0x1a9: {  	v6 =	vor.u32 $0x2, v1  }
0x1aa: {  	v3 =	vmul.f32 v3, v4;
	_ =	sdelay $0x1  }
0x1ab: {  	v3 =	vnsel vm0, $0x0, v3  }
0x1ac: {  	[tilespmem:v41+s24+$0x0] =	vst.idx.msk $0xffff, v3  }
0x1ad: {  	v3 =	vld.idx.msk [tilespmem:v6+s21+$0x0], $0xffff;
	_ =	sdelay $0x2  }
0x1ae: {  	v42 =	vor.u32 $0x2, v2  }
0x1af: {  	v43 =	vor.u32 $0x3, v1  }
0x1b0: {  	v3 =	vmul.f32 v3, v4;
	_ =	sdelay $0x1  }
0x1b1: {  	v3 =	vnsel vm0, $0x0, v3  }
0x1b2: {  	[tilespmem:v42+s24+$0x0] =	vst.idx.msk $0xffff, v3  }
0x1b3: {  	v3 =	vld.idx.msk [tilespmem:v43+s21+$0x0], $0xffff;
	_ =	sdelay $0x2  }
0x1b4: {  	v44 =	vor.u32 $0x3, v2  }
0x1b5: {  	v45 =	vor.u32 $0x4, v1  }
0x1b6: {  	v3 =	vmul.f32 v3, v4;
	_ =	sdelay $0x1  }
0x1b7: {  	v3 =	vnsel vm0, $0x0, v3  }
0x1b8: {  	[tilespmem:v44+s24+$0x0] =	vst.idx.msk $0xffff, v3  }
0x1b9: {  	v3 =	vld.idx.msk [tilespmem:v45+s21+$0x0], $0xffff;
	_ =	sdelay $0x2  }
0x1ba: {  	v46 =	vor.u32 $0x4, v2  }
0x1bb: {  	v47 =	vor.u32 $0x5, v1  }
0x1bc: {  	v3 =	vmul.f32 v3, v4;
	_ =	sdelay $0x1  }
0x1bd: {  	v3 =	vnsel vm0, $0x0, v3  }
0x1be: {  	[tilespmem:v46+s24+$0x0] =	vst.idx.msk $0xffff, v3  }
0x1bf: {  	v3 =	vld.idx.msk [tilespmem:v47+s21+$0x0], $0xffff;
	_ =	sdelay $0x2  }
0x1c0: {  	v48 =	vor.u32 $0x5, v2  }
0x1c1: {  	v49 =	vor.u32 $0x6, v1  }
0x1c2: {  	v3 =	vmul.f32 v3, v4;
	_ =	sdelay $0x1  }
0x1c3: {  	v3 =	vnsel vm0, $0x0, v3  }
0x1c4: {  	[tilespmem:v48+s24+$0x0] =	vst.idx.msk $0xffff, v3  }
0x1c5: {  	v3 =	vld.idx.msk [tilespmem:v49+s21+$0x0], $0xffff;
	_ =	sdelay $0x2  }
0x1c6: {  	v50 =	vor.u32 $0x6, v2  }
0x1c7: {  	v1 =	vor.u32 $0x7, v1  }
0x1c8: {  	v3 =	vmul.f32 v3, v4;
	_ =	sdelay $0x1  }
0x1c9: {  	v3 =	vnsel vm0, $0x0, v3  }
0x1ca: {  	[tilespmem:v50+s24+$0x0] =	vst.idx.msk $0xffff, v3  }
0x1cb: {  	v1 =	vld.idx.msk [tilespmem:v1+s21+$0x0], $0xffff;
	_ =	sdelay $0x2  }
0x1cc: {  	v2 =	vor.u32 $0x7, v2;
	v3 =	vor.u32 s28, v0  }
0x1cd: {  	v51 =	vshll.u32 v3, $0x4  }
0x1ce: {  	v1 =	vmul.f32 v1, v4;
	_ =	sdelay $0x1  }
0x1cf: {  	v1 =	vnsel vm0, $0x0, v1  }
0x1d0: {  	[tilespmem:v2+s24+$0x0] =	vst.idx.msk $0xffff, v1  }
0x1d1: {  	v1 =	vld.idx.msk [tilespmem:v51+s21+$0x0], $0xffff  }
0x1d2: {  	v2 =	vld [tilespmem:s0+$0x0];
	_ =	sdelay $0x2  }
0x1d3: {  	v3 =	vshll.u32 v3, $0x3  }
0x1d4: {  	v52 =	vor.u32 $0x1, v51  }
0x1d5: {  	v1 =	vmul.f32 v1, v2  }
0x1d6: {  	vm15 =	vgt.f32 v2, $0.0e+00  }
0x1d7: {  	v1 =	vnsel vm15, $0x0, v1  }
0x1d8: {  	[tilespmem:v3+s24+$0x0] =	vst.idx.msk $0xffff, v1  }
0x1d9: {  	v1 =	vld.idx.msk [tilespmem:v52+s21+$0x0], $0xffff;
	_ =	sdelay $0x2  }
0x1da: {  	v53 =	vor.u32 $0x1, v3  }
0x1db: {  	v54 =	vor.u32 $0x2, v51  }
0x1dc: {  	v1 =	vmul.f32 v1, v2;
	_ =	sdelay $0x1  }
0x1dd: {  	v1 =	vnsel vm15, $0x0, v1  }
0x1de: {  	[tilespmem:v53+s24+$0x0] =	vst.idx.msk $0xffff, v1  }
0x1df: {  	v1 =	vld.idx.msk [tilespmem:v54+s21+$0x0], $0xffff;
	_ =	sdelay $0x2  }
0x1e0: {  	v55 =	vor.u32 $0x2, v3  }
0x1e1: {  	v56 =	vor.u32 $0x3, v51  }
0x1e2: {  	v1 =	vmul.f32 v1, v2;
	_ =	sdelay $0x1  }
0x1e3: {  	v1 =	vnsel vm15, $0x0, v1  }
0x1e4: {  	[tilespmem:v55+s24+$0x0] =	vst.idx.msk $0xffff, v1  }
0x1e5: {  	v1 =	vld.idx.msk [tilespmem:v56+s21+$0x0], $0xffff;
	_ =	sdelay $0x2  }
0x1e6: {  	v57 =	vor.u32 $0x3, v3  }
0x1e7: {  	v58 =	vor.u32 $0x4, v51  }
0x1e8: {  	v1 =	vmul.f32 v1, v2;
	_ =	sdelay $0x1  }
0x1e9: {  	v1 =	vnsel vm15, $0x0, v1  }
0x1ea: {  	[tilespmem:v57+s24+$0x0] =	vst.idx.msk $0xffff, v1  }
0x1eb: {  	v1 =	vld.idx.msk [tilespmem:v58+s21+$0x0], $0xffff;
	_ =	sdelay $0x2  }
0x1ec: {  	v59 =	vor.u32 $0x4, v3  }
0x1ed: {  	v60 =	vor.u32 $0x5, v51  }
0x1ee: {  	v1 =	vmul.f32 v1, v2;
	_ =	sdelay $0x1  }
0x1ef: {  	v1 =	vnsel vm15, $0x0, v1  }
0x1f0: {  	[tilespmem:v59+s24+$0x0] =	vst.idx.msk $0xffff, v1  }
0x1f1: {  	v1 =	vld.idx.msk [tilespmem:v60+s21+$0x0], $0xffff;
	_ =	sdelay $0x2  }
0x1f2: {  	v61 =	vor.u32 $0x5, v3  }
0x1f3: {  	v62 =	vor.u32 $0x6, v51  }
0x1f4: {  	v1 =	vmul.f32 v1, v2;
	_ =	sdelay $0x1  }
0x1f5: {  	v1 =	vnsel vm15, $0x0, v1  }
0x1f6: {  	[tilespmem:v61+s24+$0x0] =	vst.idx.msk $0xffff, v1  }
0x1f7: {  	v1 =	vld.idx.msk [tilespmem:v62+s21+$0x0], $0xffff;
	_ =	sdelay $0x2  }
0x1f8: {  	v63 =	vor.u32 $0x6, v3  }
0x1f9: {  	v5 =	vor.u32 $0x7, v51  }
0x1fa: {  	v1 =	vmul.f32 v1, v2;
	_ =	sdelay $0x1  }
0x1fb: {  	v1 =	vnsel vm15, $0x0, v1  }
0x1fc: {  	[tilespmem:v63+s24+$0x0] =	vst.idx.msk $0xffff, v1  }
0x1fd: {  	v1 =	vld.idx.msk [tilespmem:v5+s21+$0x0], $0xffff;
	_ =	sdelay $0x2  }
0x1fe: {  	v3 =	vor.u32 $0x7, v3;
	_ =	sdelay $0x1  }
0x1ff: {  	v1 =	vmul.f32 v1, v2;
	_ =	sdelay $0x1  }
0x200: {  	v1 =	vnsel vm15, $0x0, v1  }
0x201: {  	s2 =	simm.s32 @!p0 $0x5400;
	s0 =	simm.s32 @!p0 $0x0;
	[tilespmem:v3+s24+$0x0] =	vst.idx.msk $0xffff, v1  }
0x202: {  	[hbm4b:s11+s0] =	stream.linear.scatter @!p0 [tilespmem:s2], [sflag:$0x3], $0x300, $0x38;
	[tilespmem:$0xEA00] =	vst v63  }
0x203: {  	s2 =	simm.s32 @!p0 $0x3  }
0x204: {  	_ =	swait.ge @!p0 [sflag:s2], $0x300  }
0x205: {  	[sflag:s2] =	ssyncset.done @!p0 $0x0  }
0x206: {  	s17 =	simm.s32 @!p0 $0x5700;
	[sflag:s2] =	ssyncadd.s32 @!p0 $0xFFFFFD00  }
0x207: {  	[hbm4b:s12+s0] =	stream.linear.scatter @!p0 [tilespmem:s17], [sflag:$0x3], $0x300, $0x38;
	[tilespmem:$0xEA00] =	vst v63  }
0x208: {  	_ =	swait.ge @!p0 [sflag:s2], $0x300  }
0x209: {  	[sflag:s2] =	ssyncset.done @!p0 $0x0  }
0x20a: {  	[sflag:s2] =	ssyncadd.s32 @!p0 $0xFFFFFD00  }
0x20b: {  	[spmem:s13] =	stream.linear.scatter [tilespmem:s24], [sflag:$0x3], $0x1800, $0x38;
	[tilespmem:$0xEA00] =	vst v63  }
0x20c: {  	_ =	swait.ge [sflag:s19], $0x1800  }
0x20d: {  	s18 =	stileid.u32;
	[sflag:s19] =	ssyncset.done $0x0  }
0x20e: {  	s0 =	sshll.u32 s18, $0x6;
	[sflag:s19] =	ssyncadd.s32 $0xFFFFE800  }
0x20f: {  	s0 =	sor.u32 $0x1C03, s0;
	s2 =	sshrl.u32 s14, $0x3;
	s22 =	rddreg [dreg:$0x1]  }
0x210: {  	[spmem:s2], [sflag:s0] =	dma.local [hbm:s22], $0x300  }
0x211: {  	_ =	swait.ge [sflag:s19], $0x300  }
0x212: {  	[sflag:s19] =	ssyncset.done $0x0  }
0x213: {  	[sflag:s19] =	ssyncadd.s32 $0xFFFFFD00  }
0x214: {  	s28 =	simm.s32 $0x5A00;
	[bflag:$0x0] =	sbarrier.arrive $0xFFFF  }
0x215: {  	[tilespmem:s26], [sflag:$0x1] =	stream.indirect.gather [spmem:s3], $0x8, s28, s25, $0xb8;
	[tilespmem:$0xEA00] =	vst v63  }
0x216: {  	s18 =	simm.s32 $0x5A80  }
0x217: {  	[tilespmem:s29], [sflag:$0x1] =	stream.indirect.gather [spmem:s3], $0x8, s18, s25, $0xb8;
	[tilespmem:$0xEA00] =	vst v63  }
0x218: {  	s22 =	simm.s32 $0x5B00  }
0x219: {  	[tilespmem:s31], [sflag:$0x1] =	stream.indirect.gather [spmem:s3], $0x8, s22, s25, $0xb8;
	[tilespmem:$0xEA00] =	vst v63  }
0x21a: {  	s18 =	simm.s32 $0x5B80  }
0x21b: {  	[tilespmem:s1], [sflag:$0x1] =	stream.indirect.gather [spmem:s3], $0x8, s18, s25, $0xb8;
	[tilespmem:$0xEA00] =	vst v63  }
0x21c: {  	_ =	swait.ge [sflag:s20], $0x400  }
0x21d: {  	[sflag:s20] =	ssyncset.done $0x0  }
0x21e: {  	s22 =	simm.s32 $0x8200;
	[sflag:s20] =	ssyncadd.s32 $0xFFFFFC00  }
0x21f: {  	[spmem:s4] =	stream.indirect.scatter.add.f32 [tilespmem:s26], [sflag:$0x2], $0x8, s22, s25, $0xb8;
	[tilespmem:$0xEA00] =	vst v63  }
0x220: {  	_ =	swait.ge [sflag:s20], $0x400  }
0x221: {  	[sflag:s20] =	ssyncset.done $0x0  }
0x222: {  	s18 =	simm.s32 $0x8280;
	[sflag:s20] =	ssyncadd.s32 $0xFFFFFC00  }
0x223: {  	[spmem:s4] =	stream.indirect.scatter.add.f32 [tilespmem:s29], [sflag:$0x2], $0x8, s18, s25, $0xb8;
	[tilespmem:$0xEA00] =	vst v63  }
0x224: {  	_ =	swait.ge [sflag:s20], $0x400  }
0x225: {  	[sflag:s20] =	ssyncset.done $0x0  }
0x226: {  	s22 =	simm.s32 $0x8300;
	[sflag:s20] =	ssyncadd.s32 $0xFFFFFC00  }
0x227: {  	[spmem:s4] =	stream.indirect.scatter.add.f32 [tilespmem:s31], [sflag:$0x2], $0x8, s22, s25, $0xb8;
	[tilespmem:$0xEA00] =	vst v63  }
0x228: {  	_ =	swait.ge [sflag:s20], $0x400  }
0x229: {  	[sflag:s20] =	ssyncset.done $0x0  }
0x22a: {  	s18 =	simm.s32 $0x8380;
	[sflag:s20] =	ssyncadd.s32 $0xFFFFFC00  }
0x22b: {  	[spmem:s4] =	stream.indirect.scatter.add.f32 [tilespmem:s1], [sflag:$0x2], $0x8, s18, s25, $0xb8;
	[tilespmem:$0xEA00] =	vst v63  }
0x22c: {  	_ =	swait.ge [sflag:s23], $0x400  }
0x22d: {  	[sflag:s23] =	ssyncset.done $0x0  }
0x22e: {  	s22 =	simm.s32 $0x5C00;
	[sflag:s23] =	ssyncadd.s32 $0xFFFFFC00  }
0x22f: {  	[tilespmem:s26], [sflag:$0x1] =	stream.indirect.gather [spmem:s3], $0x8, s22, s25, $0xb8;
	[tilespmem:$0xEA00] =	vst v63  }
0x230: {  	_ =	swait.ge [sflag:s23], $0x400  }
0x231: {  	[sflag:s23] =	ssyncset.done $0x0  }
0x232: {  	s18 =	simm.s32 $0x5C80;
	[sflag:s23] =	ssyncadd.s32 $0xFFFFFC00  }
0x233: {  	[tilespmem:s29], [sflag:$0x1] =	stream.indirect.gather [spmem:s3], $0x8, s18, s25, $0xb8;
	[tilespmem:$0xEA00] =	vst v63  }
0x234: {  	_ =	swait.ge [sflag:s23], $0x400  }
0x235: {  	[sflag:s23] =	ssyncset.done $0x0  }
0x236: {  	s22 =	simm.s32 $0x5D00;
	[sflag:s23] =	ssyncadd.s32 $0xFFFFFC00  }
0x237: {  	[tilespmem:s31], [sflag:$0x1] =	stream.indirect.gather [spmem:s3], $0x8, s22, s25, $0xb8;
	[tilespmem:$0xEA00] =	vst v63  }
0x238: {  	_ =	swait.ge [sflag:s23], $0x400  }
0x239: {  	[sflag:s23] =	ssyncset.done $0x0  }
0x23a: {  	s17 =	simm.s32 $0x800;
	s18 =	simm.s32 $0x5D80;
	[sflag:s23] =	ssyncadd.s32 $0xFFFFFC00  }
.LBB2_8:
0x23b: {  	[tilespmem:s1], [sflag:$0x1] =	stream.indirect.gather [spmem:s3], $0x8, s18, s25, $0xb8;
	[tilespmem:$0xEA00] =	vst v63  }
0x23c: {  	s18 =	smov.u32 s17  }
0x23d: {  	p1 =	sne.s32 s17, $0x9000;
	s17 =	sadd.s32 $0x800, s17;
	_ =	swait.ge [sflag:s20], $0x400  }
0x23e: {  	s18 =	sshra.s32 s18, $0x2;
	[sflag:s20] =	ssyncset.done $0x0  }
0x23f: {  	s22 =	sadd.s32 $0x8200, s18;
	[sflag:s20] =	ssyncadd.s32 $0xFFFFFC00  }
0x240: {  	[spmem:s4] =	stream.indirect.scatter.add.f32 [tilespmem:s26], [sflag:$0x2], $0x8, s22, s25, $0xb8;
	[tilespmem:$0xEA00] =	vst v63  }
0x241: {  	_ =	swait.ge [sflag:s20], $0x400  }
0x242: {  	[sflag:s20] =	ssyncset.done $0x0  }
0x243: {  	s22 =	sadd.s32 $0x8280, s18;
	[sflag:s20] =	ssyncadd.s32 $0xFFFFFC00  }
0x244: {  	[spmem:s4] =	stream.indirect.scatter.add.f32 [tilespmem:s29], [sflag:$0x2], $0x8, s22, s25, $0xb8;
	[tilespmem:$0xEA00] =	vst v63  }
0x245: {  	_ =	swait.ge [sflag:s20], $0x400  }
0x246: {  	[sflag:s20] =	ssyncset.done $0x0  }
0x247: {  	s22 =	sadd.s32 $0x8300, s18;
	[sflag:s20] =	ssyncadd.s32 $0xFFFFFC00  }
0x248: {  	[spmem:s4] =	stream.indirect.scatter.add.f32 [tilespmem:s31], [sflag:$0x2], $0x8, s22, s25, $0xb8;
	[tilespmem:$0xEA00] =	vst v63  }
0x249: {  	_ =	swait.ge [sflag:s20], $0x400  }
0x24a: {  	[sflag:s20] =	ssyncset.done $0x0  }
0x24b: {  	s22 =	sadd.s32 $0x8380, s18;
	[sflag:s20] =	ssyncadd.s32 $0xFFFFFC00  }
0x24c: {  	[spmem:s4] =	stream.indirect.scatter.add.f32 [tilespmem:s1], [sflag:$0x2], $0x8, s22, s25, $0xb8;
	[tilespmem:$0xEA00] =	vst v63  }
0x24d: {  	_ =	swait.ge [sflag:s23], $0x400  }
0x24e: {  	[sflag:s23] =	ssyncset.done $0x0  }
0x24f: {  	s22 =	sadd.s32 $0x5C00, s18;
	[sflag:s23] =	ssyncadd.s32 $0xFFFFFC00  }
0x250: {  	[tilespmem:s26], [sflag:$0x1] =	stream.indirect.gather [spmem:s3], $0x8, s22, s25, $0xb8;
	[tilespmem:$0xEA00] =	vst v63  }
0x251: {  	_ =	swait.ge [sflag:s23], $0x400  }
0x252: {  	[sflag:s23] =	ssyncset.done $0x0  }
0x253: {  	s22 =	sadd.s32 $0x5C80, s18;
	[sflag:s23] =	ssyncadd.s32 $0xFFFFFC00  }
0x254: {  	[tilespmem:s29], [sflag:$0x1] =	stream.indirect.gather [spmem:s3], $0x8, s22, s25, $0xb8;
	[tilespmem:$0xEA00] =	vst v63  }
0x255: {  	_ =	swait.ge [sflag:s23], $0x400  }
0x256: {  	[sflag:s23] =	ssyncset.done $0x0  }
.Ltmp3:
0x257: {  	s22 =	sadd.s32 $0x5D00, s18;
	[sflag:s23] =	ssyncadd.s32 $0xFFFFFC00;
	(pc) =	sbr.rel @p1 .LBB2_8-.Ltmp3, $4  }
0x258: {  	[tilespmem:s31], [sflag:$0x1] =	stream.indirect.gather [spmem:s3], $0x8, s22, s25, $0xb8;
	[tilespmem:$0xEA00] =	vst v63  }
0x259: {  	_ =	swait.ge [sflag:s23], $0x400  }
0x25a: {  	[sflag:s23] =	ssyncset.done $0x0  }
0x25b: {  	s18 =	sadd.s32 $0x5D80, s18;
	[sflag:s23] =	ssyncadd.s32 $0xFFFFFC00  }
0x25c: {  	[tilespmem:s1], [sflag:$0x1] =	stream.indirect.gather [spmem:s3], $0x8, s18, s25, $0xb8;
	[tilespmem:$0xEA00] =	vst v63  }
0x25d: {  	_ =	swait.ge [sflag:s20], $0x400  }
0x25e: {  	[sflag:s20] =	ssyncset.done $0x0  }
0x25f: {  	s17 =	simm.s32 $0xA800;
	[sflag:s20] =	ssyncadd.s32 $0xFFFFFC00  }
0x260: {  	[spmem:s4] =	stream.indirect.scatter.add.f32 [tilespmem:s26], [sflag:$0x2], $0x8, s17, s25, $0xb8;
	[tilespmem:$0xEA00] =	vst v63  }
0x261: {  	_ =	swait.ge [sflag:s20], $0x400  }
0x262: {  	[sflag:s20] =	ssyncset.done $0x0  }
0x263: {  	s22 =	simm.s32 $0xA880;
	[sflag:s20] =	ssyncadd.s32 $0xFFFFFC00  }
0x264: {  	[spmem:s4] =	stream.indirect.scatter.add.f32 [tilespmem:s29], [sflag:$0x2], $0x8, s22, s25, $0xb8;
	[tilespmem:$0xEA00] =	vst v63  }
0x265: {  	_ =	swait.ge [sflag:s20], $0x400  }
0x266: {  	[sflag:s20] =	ssyncset.done $0x0  }
0x267: {  	s18 =	simm.s32 $0xA900;
	[sflag:s20] =	ssyncadd.s32 $0xFFFFFC00  }
0x268: {  	[spmem:s4] =	stream.indirect.scatter.add.f32 [tilespmem:s31], [sflag:$0x2], $0x8, s18, s25, $0xb8;
	[tilespmem:$0xEA00] =	vst v63  }
0x269: {  	_ =	swait.ge [sflag:s20], $0x400  }
0x26a: {  	[sflag:s20] =	ssyncset.done $0x0  }
0x26b: {  	s22 =	simm.s32 $0xA980;
	[sflag:s20] =	ssyncadd.s32 $0xFFFFFC00  }
0x26c: {  	[spmem:s4] =	stream.indirect.scatter.add.f32 [tilespmem:s1], [sflag:$0x2], $0x8, s22, s25, $0xb8;
	[tilespmem:$0xEA00] =	vst v63  }
0x26d: {  	_ =	swait.ge [sflag:s23], $0x400  }
0x26e: {  	[sflag:s23] =	ssyncset.done $0x0  }
0x26f: {  	[sflag:s23] =	ssyncadd.s32 $0xFFFFFC00  }
0x270: {  	_ =	swait.ge [sflag:s23], $0x400  }
0x271: {  	[sflag:s23] =	ssyncset.done $0x0  }
0x272: {  	[sflag:s23] =	ssyncadd.s32 $0xFFFFFC00  }
0x273: {  	_ =	swait.ge [sflag:s23], $0x400  }
0x274: {  	[sflag:s23] =	ssyncset.done $0x0  }
0x275: {  	[sflag:s23] =	ssyncadd.s32 $0xFFFFFC00  }
0x276: {  	_ =	swait.ge [sflag:s23], $0x400  }
0x277: {  	s30 =	sadd.s32 $0x1, s30;
	[sflag:s23] =	ssyncset.done $0x0  }
0x278: {  	p1 =	sne.s32 s30, s16;
	[sflag:s23] =	ssyncadd.s32 $0xFFFFFC00  }
.Ltmp4:
0x279: {  	[bflag:$0x0] =	sbarrier.arrive $0xFFFF;
	(pc) =	sbr.rel @p1 .LBB2_1-.Ltmp4, $4  }
0x27a: {  	[hbm:s15], [sflag:s0] =	dma.local [spmem:s2], $0x300  }
0x27b: {  	_ =	swait.ge [sflag:s19], $0x300  }
0x27c: {  	[sflag:s19] =	ssyncset.done $0x0  }
0x27d: {  	[sflag:s19] =	ssyncadd.s32 $0xFFFFFD00  }
0x27e: {  	_ =	sfence.sel $0x180000  }
0x27f: {  	[bflag:$0x0] =	sbarrier.arrive $0xFFFF  }
0x280: {  	_ =	strace $0x9000004A  }
0x281: {  	s0 =	stileid.u32;
	[bflag:$0x2] =	sbarrier.arrive $0xFFFF  }
0x282: {  	p0 =	sne.s32 s0, $0x0;
	s0 =	rddreg [dreg:$0x4]  }
0x283: {  	s0 =	sadd.s32 @!p0 $0x100000, s0  }
0x284: {  	[sflag:s0] =	ssyncadd.tile.s32 @!p0 $0x1;
	_ =	shalt  }
.Lfunc_end2:
_tile_overlayer_lowered:
.L_overlay_start_2:
0x285: {  	(tag) =	ssettag $0x2  }
0x286: {  	s0 =	rddreg [dreg:$0x0];
	s2 =	stileid.u32  }
0x287: {  	s1 =	rddreg [dreg:$0x1];
	p0 =	sne.s32 s2, $0x0  }
0x288: {  	s3 =	rddreg [dreg:$0x2];
	[bflag:$0x3] =	sbarrier.arrive $0xFFFF;
	s2 =	simm.s32 @!p0 $0x1C03  }
0x289: {  	[timem:s3], [sflag:s2] =	dma.local @!p0 [hbm:s0], s1  }
0x28a: {  	s0 =	simm.s32 @!p0 $0x3  }
0x28b: {  	_ =	swait.ge @!p0 [sflag:s0], s1  }
0x28c: {  	s1 =	ssub.s32 @!p0 $0x0, s1;
	[sflag:s0] =	ssyncset.done @!p0 $0x0  }
0x28d: {  	[sflag:s0] =	ssyncadd.s32 @!p0 s1  }
0x28e: {  	[bflag:$0x3] =	sbarrier.arrive $0xFFFF  }
0x28f: {  	_ =	shalt  }

// kernel: kernel.13.cloned.1.call-start
scs
__scs_entry_jumppad:
0x0: {  	(pc) =	sbr.rel $0x88, $3  }
0x1: {  	(tag) =	ssettag $0x0;
	lr =	simm.s32 $0x1  }
0x2: {  	[smem:$0x3F9B] =	sst lr;
	_ =	strace $0xD0000000  }
0x3: {  	_ = 	snop  }
0x4: {  	_ = 	snop  }
0x5: {  	_ = 	snop  }
0x6: {  	_ = 	snop  }
0x7: {  	_ = 	snop  }
__scs_overlays_trampoline_lowered:
0x8: {  	[smem:$0x3FAA] =	sst s0  }
0x9: {  	[smem:$0x3FAB] =	sst s1  }
0xa: {  	[smem:$0x3FAC] =	sst s2  }
0xb: {  	[smem:$0x3FAD] =	sst s3  }
0xc: {  	[smem:$0x3FAE] =	sst s4  }
0xd: {  	[smem:$0x3FAF] =	sst s5  }
0xe: {  	[smem:$0x3FB0] =	sst s6  }
0xf: {  	[smem:$0x3FB1] =	sst s7  }
0x10: {  	[smem:$0x3FB2] =	sst s8  }
0x11: {  	[smem:$0x3FB3] =	sst s9;
	s0 =	simm.s32 @!p0 $0x0  }
0x12: {  	s1 =	sld [smem:$0x3F99];
	s0 =	simm.s32 @p0 $0x1  }
0x13: {  	[smem:$0x3FB4] =	sst s0;
	s0 =	simm.s32 @!p1 $0x0  }
0x14: {  	s2 =	sld [smem:$0x3F98];
	s0 =	simm.s32 @p1 $0x1  }
0x15: {  	[smem:$0x3FB5] =	sst s0;
	s0 =	simm.s32 @!p2 $0x0  }
0x16: {  	s3 =	sld [smem:$0x3FDB];
	s0 =	simm.s32 @p2 $0x1  }
0x17: {  	s4 =	simm.s32 $0x1BF5;
	[smem:$0x3FB7] =	sst s0  }
0x18: {  	s0 =	sld [smem:$0x3F9A];
	_ =	swait.ge [sflag:s4], $0x0  }
0x19: {  	s7 =	sld [smem:$0x3F9B]  }
0x1a: {  	s8 =	sadd.s32 $0xFFFFE003, lr  }
0x1b: {  	s9 =	sadd.s32 $0xFFFFFEF7, lr;
	s5 =	simm.s32 $0xFFFFFFFF;
	p2 =	slt.u32 s8, $0xFFFFF086  }
0x1c: {  	p1 =	slt.u32 s9, $0xF7A;
	s5 =	simm.s32 @!p2 $0x0  }
0x1d: {  	s5 =	simm.s32 @p1 $0x1;
	p0 =	seq.s32 s7, s2  }
0x1e: {  	s7 =	smul.u32 @!p0 $0xF7A, s2;
	p2 =	seq.s32 @!p0 s5, $0x0  }
0x1f: {  	s9 =	smul.u32 $0xF7A, s1;
	s8 =	simm.s32 @!p0 $0x1BF5;
	p2 =	por !p2, p0  }
0x20: {  	[sflag:s8] =	ssyncset.s32 @!p0 $0xFFFFF086;
	s6 =	sadd.s32 @!p0 s3, s7;
	s7 =	simm.s32 @!p0 $0x108  }
0x21: {  	s3 =	sadd.s32 s3, s9;
	s6 =	sadd.s32 @!p0 $0x88, s6;
	s7 =	simm.s32 @p2 $0x1082  }
0x22: {  	[simem:s7], [sflag:s8] =	dma.local @!p0 [hbm:s6], $0xF7A  }
0x23: {  	s9 =	sor.u32 $0xD0000000, s2;
	s6 =	simm.s32 $0x108;
	_ =	swait.ge @!p0 [sflag:s8], $0x0  }
0x24: {  	s3 =	sadd.s32 $0x88, s3;
	s6 =	simm.s32 @!p1 $0x1082;
	[sflag:s4] =	ssyncset.s32 $0xFFFFF086  }
0x25: {  	[simem:s6], [sflag:s4] =	dma.local [hbm:s3], $0xF7A  }
0x26: {  	[smem:$0x3F9B] =	sst s1;
	(tag) =	ssettag s2;
	_ =	strace s9  }
0x27: {  	s1 =	sld [smem:$0x3FAB]  }
0x28: {  	s2 =	sld [smem:$0x3FAC]  }
0x29: {  	s4 =	sld [smem:$0x3FAE]  }
0x2a: {  	p0 =	seq.s32 s5, $0x0;
	s5 =	sld [smem:$0x3FAF]  }
0x2b: {  	s6 =	sld [smem:$0x3FB0]  }
0x2c: {  	s7 =	sld [smem:$0x3FB1]  }
0x2d: {  	s3 =	simm.s32 $0x108;
	s8 =	sld [smem:$0x3FB2]  }
0x2e: {  	s3 =	simm.s32 @!p0 $0x1082;
	s9 =	sld [smem:$0x3FB3]  }
0x2f: {  	lr =	sadd.s32 s0, s3;
	s0 =	sld [smem:$0x3FAA]  }
0x30: {  	s3 =	sld [smem:$0x3FAD]  }
0x31: {  	[smem:$0x3FB6] =	sst s10  }
0x32: {  	s10 =	sld [smem:$0x3FB4];
	_ =	sdelay $0x3  }
0x33: {  	p0 =	seq.s32 s10, $0x1;
	s10 =	sld [smem:$0x3FB6];
	_ =	sdelay $0x3  }
0x34: {  	[smem:$0x3FB6] =	sst s10  }
0x35: {  	s10 =	sld [smem:$0x3FB5];
	_ =	sdelay $0x3  }
0x36: {  	p1 =	seq.s32 s10, $0x1;
	s10 =	sld [smem:$0x3FB6];
	_ =	sdelay $0x3  }
0x37: {  	[smem:$0x3FB6] =	sst s10  }
0x38: {  	s10 =	sld [smem:$0x3FB7]  }
0x39: {  	_ = 	snop;
	(pc) =	sbr.ind lr, $3  }
0x3a: {  	_ = 	snop  }
0x3b: {  	_ = 	snop  }
0x3c: {  	p2 =	seq.s32 s10, $0x1;
	s10 =	sld [smem:$0x3FB6]  }
0x3d: {  	_ =	shalt  }
0x3e: {  	_ =	shalt  }
0x3f: {  	_ =	shalt  }
0x40: {  	_ =	shalt  }
0x41: {  	_ =	shalt  }
0x42: {  	_ =	shalt  }
0x43: {  	_ =	shalt  }
0x44: {  	_ =	shalt  }
0x45: {  	_ =	shalt  }
0x46: {  	_ =	shalt  }
0x47: {  	_ =	shalt  }
0x48: {  	_ =	shalt  }
0x49: {  	_ =	shalt  }
0x4a: {  	_ =	shalt  }
0x4b: {  	_ =	shalt  }
0x4c: {  	_ =	shalt  }
0x4d: {  	_ =	shalt  }
0x4e: {  	_ =	shalt  }
0x4f: {  	_ =	shalt  }
0x50: {  	_ =	shalt  }
0x51: {  	_ =	shalt  }
0x52: {  	_ =	shalt  }
0x53: {  	_ =	shalt  }
0x54: {  	_ =	shalt  }
0x55: {  	_ =	shalt  }
0x56: {  	_ =	shalt  }
0x57: {  	_ =	shalt  }
0x58: {  	_ =	shalt  }
0x59: {  	_ =	shalt  }
0x5a: {  	_ =	shalt  }
0x5b: {  	_ =	shalt  }
0x5c: {  	_ =	shalt  }
0x5d: {  	_ =	shalt  }
0x5e: {  	_ =	shalt  }
0x5f: {  	_ =	shalt  }
0x60: {  	_ =	shalt  }
0x61: {  	_ =	shalt  }
0x62: {  	_ =	shalt  }
0x63: {  	_ =	shalt  }
0x64: {  	_ =	shalt  }
0x65: {  	_ =	shalt  }
0x66: {  	_ =	shalt  }
0x67: {  	_ =	shalt  }
0x68: {  	_ =	shalt  }
0x69: {  	_ =	shalt  }
0x6a: {  	_ =	shalt  }
0x6b: {  	_ =	shalt  }
0x6c: {  	_ =	shalt  }
0x6d: {  	_ =	shalt  }
0x6e: {  	_ =	shalt  }
0x6f: {  	_ =	shalt  }
0x70: {  	_ =	shalt  }
0x71: {  	_ =	shalt  }
0x72: {  	_ =	shalt  }
0x73: {  	_ =	shalt  }
0x74: {  	_ =	shalt  }
0x75: {  	_ =	shalt  }
0x76: {  	_ =	shalt  }
0x77: {  	_ =	shalt  }
0x78: {  	_ =	shalt  }
0x79: {  	_ =	shalt  }
0x7a: {  	_ =	shalt  }
0x7b: {  	_ =	shalt  }
0x7c: {  	_ =	shalt  }
0x7d: {  	_ =	shalt  }
0x7e: {  	_ =	shalt  }
0x7f: {  	_ =	shalt  }
0x80: {  	_ =	shalt  }
0x81: {  	_ =	shalt  }
0x82: {  	_ =	shalt  }
0x83: {  	_ =	shalt  }
0x84: {  	_ =	shalt  }
0x85: {  	_ =	shalt  }
0x86: {  	_ =	shalt  }
0x87: {  	_ =	shalt  }
.Lfunc_end0:
.L_simem_size_0:
called_computation.2_lowered:
.L_overlay_start_0:
0x88: {  	s2 =	sld [smem:$0x3FD9]  }
0x89: {  	s3 =	sld [smem:$0x3FFE];
	_ =	sdelay $0x1  }
0x8a: {  	s1 =	srdreg.scid  }
0x8b: {  	s0 =	sand.u32 $0x1, s1  }
0x8c: {  	s16 =	sshll.u32 s0, $0xA;
	s2 =	sadd.s32 s3, s2  }
0x8d: {  	s2 =	sadd.s32 s2, s16  }
0x8e: {  	[smem:$0x3FC2] =	sst s2  }
0x8f: {  	_ = 	snop  }
0x90: {  	(tm) =	ssettm $0x1  }
0x91: {  	s17 =	sld [smem:$0x3FFB];
	_ =	sdelay $0x3  }
0x92: {  	_ =	strace s17  }
0x93: {  	s2 =	sld [smem:$0x3FFC];
	_ =	sdelay $0x3  }
0x94: {  	_ =	strace s2  }
0x95: {  	s2 =	sld [smem:$0x3FFD];
	_ =	sdelay $0x3  }
0x96: {  	_ =	strace s2  }
0x97: {  	_ =	strace $0x8FFFFFFF  }
0x98: {  	s18 =	sld [smem:$0x3FDB];
	_ =	sdelay $0x1  }
0x99: {  	s19 =	simm.s32 $_scs_section_size  }
0x9a: {  	s4 =	simm.s32 $_size__tile_overlayer_lowered;
	s5 =	simm.s32 $_tile_overlayer_lowered  }
0x9b: {  	s22 =	simm.s32 $0x1BFF;
	s21 =	sshll.u32 s5, $0x1;
	s2 =	sadd.s32 s19, s18  }
0x9c: {  	s6 =	simm.s32 $0x0;
	s20 =	sshll.u32 s4, $0x1;
	s4 =	sadd.s32 s21, s2  }
0x9d: {  	[timem:s6], [sflag:s22] =	dma.local [hbm:s4], s20  }
0x9e: {  	_ =	swait.ge [sflag:s22], s20  }
0x9f: {  	s3 =	ssub.s32 $0x0, s20;
	[sflag:s22] =	ssyncset.done $0x0  }
0xa0: {  	[sflag:s22] =	ssyncadd.s32 s3;
	_ =	sdelay $0x1  }
0xa1: {  	s23 =	simm.s32 $0x1B8B  }
0xa2: {  	_ =	swait.ge [sflag:s23], $0x1  }
0xa3: {  	[sflag:s23] =	ssyncset.done $0x0  }
0xa4: {  	s25 =	simm.s32 $0x1B8E;
	s24 =	sld [smem:$0x3FFE];
	[sflag:s23] =	ssyncadd.s32 $0xFFFFFFFF  }
0xa5: {  	s26 =	simm.s32 $execute0_lowered;
	[smem:$0x3FD2] =	sst s25  }
0xa6: {  	s4 =	sshll.u32 s26, $0x1;
	_ =	strace $0x8000004C;
	[dreg:$0x1] =	wrdreg $0xFFFFFFFF  }
0xa7: {  	s28 =	simm.s32 $_size_execute0_lowered;
	s2 =	sadd.s32 s2, s4;
	[dreg:$0x0] =	wrdreg $0x0  }
0xa8: {  	s4 =	sshll.u32 s28, $0x1;
	[dreg:$0x2] =	wrdreg s2  }
0xa9: {  	[dreg:$0x3] =	wrdreg s4  }
0xaa: {  	[dreg:$0x4] =	wrdreg $0xC0  }
0xab: {  	_ =	task [dreg:s6], $0x5FFFF  }
0xac: {  	[dreg:$0x1] =	wrdreg $0xFFFFFFFF  }
0xad: {  	[dreg:$0x0] =	wrdreg $0x60  }
0xae: {  	[dreg:$0x2] =	wrdreg s24  }
0xaf: {  	[dreg:$0x3] =	wrdreg $0x117400  }
0xb0: {  	[dreg:$0x4] =	wrdreg $0x11A400  }
0xb1: {  	[dreg:$0x5] =	wrdreg $0x9  }
0xb2: {  	_ =	task.clear_ibuf [dreg:s6], $0x6FFFF;
	_ =	strace $0x9000004C  }
0xb3: {  	s29 =	simm.s32 $0x9;
	_ =	strace $0x8000004E  }
0xb4: {  	_ =	swait.ge [sflag:s29], $0x1  }
0xb5: {  	[sflag:s29] =	ssyncadd.s32 $0xFFFFFFFF  }
0xb6: {  	_ =	strace $0x9000004E  }
0xb7: {  	_ =	sfence  }
0xb8: {  	s30 =	sld [smem:$0x0];
	_ =	sdelay $0x2  }
0xb9: {  	s31 =	sshll.u32 s1, $0xD;
	s1 =	sshrl.u32 s1, $0x2  }
0xba: {  	s3 =	sand.u32 $0x4000, s31;
	s1 =	sadd.s32 s1, s30  }
0xbb: {  	s0 =	sor.u32 s3, s0;
	s1 =	sshll.u32 s1, $0x11  }
0xbc: {  	s0 =	sor.u32 s1, s0  }
0xbd: {  	s0 =	sadd.s32 $0x8F2B, s0  }
0xbe: {  	[sflag:s0] =	ssyncadd.remote.s32 $0x1  }
0xbf: {  	_ =	sfence.sel $0xFFFF  }
0xc0: {  	[dreg:$0x0] =	wrdreg $0xFFFFFFFF;
	(pc) =	sbr.abs _section_cstart, $3  }
0xc1: {  	[dreg:$0x1] =	wrdreg $0xFFFFFFFF  }
0xc2: {  	_ =	task.clear_ibuf [dreg:s6], $0x2FFFF;
	_ =	strace $0x9FFFFFFF  }
0xc3: {  	(tm) =	ssettm $0x7FFFFFFF  }
tec
execute0_lowered:
.L_overlay_start_1:
0x0: {  	(tag) =	ssettag $0x1  }
0x1: {  	s0 =	rddreg [dreg:$0x0]  }
0x2: {  	s13 =	rddreg [dreg:$0x1]  }
0x3: {  	s1 =	rddreg [dreg:$0x2];
	s3 =	simm.s32 $0x0;
	s12 =	stileid.u32  }
0x4: {  	s4 =	srdreg.scid;
	s17 =	simm.s32 $0x1;
	s18 =	simm.s32 $0x1800  }
0x5: {  	s19 =	simm.s32 $0x3000;
	s23 =	simm.s32 $0x9920;
	s24 =	simm.s32 $0xC030  }
0x6: {  	s28 =	simm.s32 $0x6920;
	s29 =	simm.s32 $0x300;
	s30 =	simm.s32 $0xE740  }
0x7: {  	s31 =	simm.s32 $0x0;
	[smem:$0x7FF] =	sst s3;
	s2 =	smul.u32 $0x1800, s12  }
0x8: {  	s14 =	smul.u32 $0x300, s12;
	s6 =	sand.u32 $0x1, s4;
	s25 =	sshll.u32 s12, $0x1  }
0x9: {  	s4 =	sadd.s32 $0x38600, s0;
	s26 =	smul.u32 $0xC000, s12;
	_ =	strace $0x8000004D  }
0xa: {  	s7 =	sor.u32 s6, s25;
	s8 =	smul.u32 $0x3000, s6;
	s6 =	ssub.s32 $0x2, s6  }
0xb: {  	s25 =	simm.s32 $0x3620;
	s2 =	sshrl.u32 s2, $0x3;
	s5 =	sshrl.u32 s14, $0x3  }
0xc: {  	s7 =	smul.u32 $0x2710, s7;
	s10 =	sshrl.u32 s6, $0x1;
	s12 =	sadd.s32 s14, s13  }
0xd: {  	s2 =	sadd.s32 s2, s0;
	s9 =	sadd.s32 s5, s0;
	s5 =	sadd.s32 $0x38800, s0  }
0xe: {  	s8 =	sadd.s32 s14, s8;
	s16 =	ssub.s32 s6, s10;
	s14 =	sadd.s32 s14, s1  }
0xf: {  	s7 =	sshrl.u32 s7, $0x3;
	s8 =	sshrl.u32 s8, $0x3;
	s6 =	sadd.s32 $0x32000, s2  }
0x10: {  	s16 =	smax.u32 s16, $0x1;
	s11 =	sadd.s32 s7, s0;
	s0 =	sadd.s32 s8, s0  }
0x11: {  	s7 =	sadd.s32 $0x35000, s2;
	s8 =	sadd.s32 $0x31A00, s9;
	s9 =	sadd.s32 $0x38000, s9  }
0x12: {  	v0 =	vlaneseq.u32;
	s2 =	sshrl.u32 s26, $0x2;
	s26 =	simm.s32 $0x3920;
	s10 =	sadd.s32 $0x2800, s11  }
0x13: {  	v1 =	vimm.f32 $0.0e+00;
	v0 =	vmul.u32 $0x8, v0;
	s11 =	sadd.s32 $0xC440, s11;
	s13 =	sadd.s32 s2, s1;
	s15 =	sadd.s32 $0x16200, s0  }
.LBB2_1:
0x14: {  	[tilespmem:s3], [sflag:$0x1] =	stream.linear.gather [hbm4b:s6+s3], $0x1800, $0x38;
	[tilespmem:$0x14A40] =	vst v63  }
0x15: {  	_ =	swait.ge [sflag:s17], $0x1800  }
0x16: {  	[sflag:s17] =	ssyncset.done $0x0  }
0x17: {  	[sflag:s17] =	ssyncadd.s32 $0xFFFFE800  }
0x18: {  	[tilespmem:s18], [sflag:$0x1] =	stream.linear.gather [hbm4b:s7+s3], $0x1800, $0x38;
	[tilespmem:$0x14A40] =	vst v63  }
0x19: {  	_ =	swait.ge [sflag:s17], $0x1800  }
0x1a: {  	[sflag:s17] =	ssyncset.done $0x0  }
0x1b: {  	[sflag:s17] =	ssyncadd.s32 $0xFFFFE800  }
0x1c: {  	[tilespmem:s19], [sflag:$0x1] =	stream.linear.gather [hbm4b:s8+s3], $0x300, $0x38;
	[tilespmem:$0x14A40] =	vst v63  }
0x1d: {  	_ =	swait.ge [sflag:s17], $0x300  }
0x1e: {  	[sflag:s17] =	ssyncset.done $0x0  }
0x1f: {  	s0 =	simm.s32 $0x3300;
	[sflag:s17] =	ssyncadd.s32 $0xFFFFFD00  }
0x20: {  	[tilespmem:s0], [sflag:$0x1] =	stream.linear.gather [hbm4b:s9+s3], $0x300, $0x38;
	[tilespmem:$0x14A40] =	vst v63  }
0x21: {  	_ =	swait.ge [sflag:s17], $0x300  }
0x22: {  	[sflag:s17] =	ssyncset.done $0x0  }
0x23: {  	s21 =	simm.s32 $0x3600;
	[sflag:s17] =	ssyncadd.s32 $0xFFFFFD00  }
0x24: {  	[tilespmem:s21], [sflag:$0x1] =	stream.linear.gather [hbm4b:s4+s3], $0x10, $0x38;
	[tilespmem:$0x14A40] =	vst v63  }
0x25: {  	_ =	swait.ge [sflag:s17], $0x10  }
0x26: {  	[sflag:s17] =	ssyncset.done $0x0  }
0x27: {  	s22 =	simm.s32 $0x3610;
	[sflag:s17] =	ssyncadd.s32 $0xFFFFFFF0  }
0x28: {  	[tilespmem:s22], [sflag:$0x1] =	stream.linear.gather [hbm4b:s5+s3], $0x10, $0x38;
	[tilespmem:$0x14A40] =	vst v63  }
0x29: {  	_ =	swait.ge [sflag:s17], $0x10  }
0x2a: {  	[sflag:s17] =	ssyncset.done $0x0  }
0x2b: {  	[sflag:s17] =	ssyncadd.s32 $0xFFFFFFF0  }
0x2c: {  	[tilespmem:s23], [sflag:$0x1] =	stream.linear.gather [hbm4b:s10+s3], $0x2710, $0x38;
	[tilespmem:$0x14A40] =	vst v63  }
0x2d: {  	_ =	swait.ge [sflag:s17], $0x2710  }
0x2e: {  	[sflag:s17] =	ssyncset.done $0x0  }
0x2f: {  	[sflag:s17] =	ssyncadd.s32 $0xFFFFD8F0  }
0x30: {  	[tilespmem:s24], [sflag:$0x1] =	stream.linear.gather [hbm4b:s11+s3], $0x2710, $0x38;
	[tilespmem:$0x14A40] =	vst v63  }
0x31: {  	_ =	swait.ge [sflag:s17], $0x2710  }
0x32: {  	[sflag:s17] =	ssyncset.done $0x0  }
0x33: {  	[sflag:s17] =	ssyncadd.s32 $0xFFFFD8F0  }
0x34: {  	v16 =	vld [tilespmem:$0x3600]  }
0x35: {  	v17 =	vld [tilespmem:$0x3610];
	_ =	sdelay $0x4  }
0x36: {  	v2 =	vbroadcast v16, $0x0;
	v3 =	vbroadcast v17, $0x0  }
0x37: {  	v4 =	vbroadcast v16, $0x1;
	v5 =	vbroadcast v17, $0x1  }
0x38: {  	v6 =	vbroadcast v16, $0x2;
	v7 =	vbroadcast v17, $0x2  }
0x39: {  	v8 =	vbroadcast v16, $0x3;
	v9 =	vbroadcast v17, $0x3  }
0x3a: {  	v10 =	vbroadcast v16, $0x4;
	v11 =	vbroadcast v17, $0x4  }
0x3b: {  	v12 =	vbroadcast v16, $0x5;
	v13 =	vbroadcast v17, $0x5  }
0x3c: {  	s1 =	simm.s32 $0x3310;
	s2 =	simm.s32 $0x3010;
	v14 =	vbroadcast v16, $0x6;
	v15 =	vbroadcast v17, $0x6  }
0x3d: {  	s20 =	simm.s32 $0x3630;
	s0 =	simm.s32 $0xFFFFFFFE;
	s21 =	simm.s32 $0x10;
	v16 =	vbroadcast v16, $0x7;
	v17 =	vbroadcast v17, $0x7  }
.LBB2_2:
0x3e: {  	s22 =	sadd.s32 $0xFFFFFFF0, s21  }
0x3f: {  	v18 =	vmov s22  }
0x40: {  	v18 =	vshll.u32 v18, $0x3  }
0x41: {  	v18 =	vor.u32 v0, v18;
	_ =	sdelay $0x1  }
0x42: {  	v19 =	vor.u32 $0x1, v18;
	_ =	sdelay $0x1  }
0x43: {  	v20 =	vld [tilespmem:s1+$0xFFFFFFF0];
	v21 =	vor.u32 $0x2, v18  }
0x44: {  	v22 =	vld.idx.msk [tilespmem:v18+s3+$0x0], $0xffff  }
0x45: {  	v24 =	vor.u32 $0x3, v18;
	v23 =	vld.idx.msk [tilespmem:v18+s18+$0x0], $0xffff  }
0x46: {  	v25 =	vld.idx.msk [tilespmem:v19+s3+$0x0], $0xffff  }
0x47: {  	v26 =	vor.u32 $0x4, v18;
	v19 =	vld.idx.msk [tilespmem:v19+s18+$0x0], $0xffff  }
0x48: {  	v27 =	vld.idx.msk [tilespmem:v21+s3+$0x0], $0xffff  }
0x49: {  	v28 =	vor.u32 $0x5, v18;
	v21 =	vld.idx.msk [tilespmem:v21+s18+$0x0], $0xffff  }
0x4a: {  	v53 =	vld.idx.msk [tilespmem:v24+s3+$0x0], $0xffff  }
0x4b: {  	v30 =	vor.u32 $0x6, v18;
	v24 =	vld.idx.msk [tilespmem:v24+s18+$0x0], $0xffff;
	v22 =	vadd.f32 v23, v22  }
0x4c: {  	v29 =	vld.idx.msk [tilespmem:v26+s3+$0x0], $0xffff  }
0x4d: {  	v54 =	vld.idx.msk [tilespmem:v26+s18+$0x0], $0xffff;
	v19 =	vadd.f32 v19, v25;
	v22 =	vmul.f32 v22, v20  }
0x4e: {  	v18 =	vor.u32 $0x7, v18;
	v55 =	vld.idx.msk [tilespmem:v28+s3+$0x0], $0xffff  }
0x4f: {  	v56 =	vld.idx.msk [tilespmem:v28+s18+$0x0], $0xffff;
	v21 =	vadd.f32 v21, v27;
	v19 =	vmul.f32 v19, v20;
	v22 =	vadd.f32 v22, v2  }
0x50: {  	v57 =	vld.idx.msk [tilespmem:v30+s3+$0x0], $0xffff;
	v23 =	vadd.f32 v24, v53  }
0x51: {  	v58 =	vld.idx.msk [tilespmem:v30+s18+$0x0], $0xffff;
	v21 =	vmul.f32 v21, v20;
	v19 =	vadd.f32 v19, v4;
	v22 =	vmax.f32 v22, $0.0e+00  }
0x52: {  	v25 =	vadd.f32 v54, v29;
	v22 =	vmul.f32 v22, v3  }
0x53: {  	v59 =	vld.idx.msk [tilespmem:v18+s3+$0x0], $0xffff;
	v23 =	vmul.f32 v23, v20;
	v21 =	vadd.f32 v21, v6;
	v19 =	vmax.f32 v19, $0.0e+00  }
0x54: {  	v18 =	vld.idx.msk [tilespmem:v18+s18+$0x0], $0xffff;
	v26 =	vadd.f32 v56, v55;
	v19 =	vmul.f32 v19, v5;
	v22 =	vadd.f32 $0.0e+00, v22  }
0x55: {  	v25 =	vmul.f32 v25, v20;
	v23 =	vadd.f32 v23, v8;
	v21 =	vmax.f32 v21, $0.0e+00  }
0x56: {  	v24 =	vadd.f32 v58, v57;
	v21 =	vmul.f32 v21, v7;
	v19 =	vadd.f32 v19, v22  }
0x57: {  	v61 =	vmul.f32 v26, v20;
	v60 =	vadd.f32 v25, v10;
	v23 =	vmax.f32 v23, $0.0e+00  }
0x58: {  	v24 =	vmul.f32 v24, v20;
	v62 =	vmul.f32 v23, v9;
	v19 =	vadd.f32 v21, v19  }
0x59: {  	v63 =	vadd.f32 v61, v12;
	v18 =	vadd.f32 v18, v59;
	v22 =	vmax.f32 v60, $0.0e+00  }
0x5a: {  	v26 =	vmul.f32 v22, v11;
	v19 =	vadd.f32 v62, v19  }
0x5b: {  	v28 =	vadd.f32 v24, v14;
	v27 =	vmax.f32 v63, $0.0e+00;
	v18 =	vmul.f32 v18, v20  }
0x5c: {  	v29 =	vmul.f32 v27, v13;
	v19 =	vadd.f32 v26, v19  }
0x5d: {  	v30 =	vmax.f32 v28, $0.0e+00;
	v18 =	vadd.f32 v18, v16  }
0x5e: {  	v31 =	vmul.f32 v30, v15;
	v19 =	vadd.f32 v29, v19  }
0x5f: {  	v32 =	vld [tilespmem:s2+$0xFFFFFFF0];
	v18 =	vmax.f32 v18, $0.0e+00  }
0x60: {  	v18 =	vmul.f32 v18, v17;
	v19 =	vadd.f32 v31, v19  }
0x61: {  	v33 =	vmov s21  }
0x62: {  	v18 =	vadd.f32 v18, v19;
	v19 =	vshll.u32 v33, $0x3  }
0x63: {  	v19 =	vor.u32 v0, v19  }
0x64: {  	v18 =	vmul.f32 v18, v32  }
0x65: {  	v34 =	vor.u32 $0x1, v19  }
0x66: {  	[tilespmem:s20+$0xFFFFFFF0] =	vst v18  }
0x67: {  	v35 =	vor.u32 $0x2, v19;
	v18 =	vld [tilespmem:s1+$0x0]  }
0x68: {  	v36 =	vld.idx.msk [tilespmem:v19+s3+$0x0], $0xffff  }
0x69: {  	v38 =	vor.u32 $0x3, v19;
	v37 =	vld.idx.msk [tilespmem:v19+s18+$0x0], $0xffff  }
0x6a: {  	v39 =	vld.idx.msk [tilespmem:v34+s3+$0x0], $0xffff  }
0x6b: {  	v40 =	vor.u32 $0x4, v19;
	v20 =	vld.idx.msk [tilespmem:v34+s18+$0x0], $0xffff  }
0x6c: {  	v41 =	vld.idx.msk [tilespmem:v35+s3+$0x0], $0xffff  }
0x6d: {  	v42 =	vor.u32 $0x5, v19;
	v21 =	vld.idx.msk [tilespmem:v35+s18+$0x0], $0xffff  }
0x6e: {  	v43 =	vld.idx.msk [tilespmem:v38+s3+$0x0], $0xffff  }
0x6f: {  	v45 =	vor.u32 $0x6, v19;
	v44 =	vld.idx.msk [tilespmem:v38+s18+$0x0], $0xffff;
	v22 =	vadd.f32 v37, v36  }
0x70: {  	v46 =	vld.idx.msk [tilespmem:v40+s3+$0x0], $0xffff  }
0x71: {  	v19 =	vor.u32 $0x7, v19;
	v47 =	vld.idx.msk [tilespmem:v40+s18+$0x0], $0xffff;
	v20 =	vadd.f32 v20, v39;
	v22 =	vmul.f32 v22, v18  }
0x72: {  	v48 =	vld.idx.msk [tilespmem:v42+s3+$0x0], $0xffff  }
0x73: {  	v49 =	vld.idx.msk [tilespmem:v42+s18+$0x0], $0xffff;
	v21 =	vadd.f32 v21, v41;
	v20 =	vmul.f32 v20, v18;
	v22 =	vadd.f32 v22, v2  }
0x74: {  	v50 =	vld.idx.msk [tilespmem:v45+s3+$0x0], $0xffff;
	v23 =	vadd.f32 v44, v43  }
0x75: {  	v24 =	vld.idx.msk [tilespmem:v45+s18+$0x0], $0xffff;
	v21 =	vmul.f32 v21, v18;
	v20 =	vadd.f32 v20, v4;
	v22 =	vmax.f32 v22, $0.0e+00  }
0x76: {  	v51 =	vld.idx.msk [tilespmem:v19+s3+$0x0], $0xffff;
	v25 =	vadd.f32 v47, v46;
	v22 =	vmul.f32 v22, v3  }
0x77: {  	v19 =	vld.idx.msk [tilespmem:v19+s18+$0x0], $0xffff;
	v23 =	vmul.f32 v23, v18;
	v21 =	vadd.f32 v21, v6;
	v20 =	vmax.f32 v20, $0.0e+00  }
0x78: {  	v26 =	vadd.f32 v49, v48;
	v20 =	vmul.f32 v20, v5;
	v22 =	vadd.f32 $0.0e+00, v22  }
0x79: {  	v25 =	vmul.f32 v25, v18;
	v23 =	vadd.f32 v23, v8;
	v21 =	vmax.f32 v21, $0.0e+00  }
0x7a: {  	v52 =	vadd.f32 v24, v50;
	v21 =	vmul.f32 v21, v7;
	v20 =	vadd.f32 v20, v22  }
0x7b: {  	v54 =	vmul.f32 v26, v18;
	v53 =	vadd.f32 v25, v10;
	v23 =	vmax.f32 v23, $0.0e+00  }
0x7c: {  	v19 =	vadd.f32 v19, v51;
	v55 =	vmul.f32 v23, v9;
	v20 =	vadd.f32 v21, v20  }
0x7d: {  	v57 =	vadd.f32 v54, v12;
	v56 =	vmax.f32 v53, $0.0e+00;
	v22 =	vmul.f32 v52, v18  }
0x7e: {  	v58 =	vmul.f32 v56, v11;
	v20 =	vadd.f32 v55, v20  }
0x7f: {  	v59 =	vmax.f32 v57, $0.0e+00;
	v18 =	vmul.f32 v19, v18;
	v22 =	vadd.f32 v22, v14  }
0x80: {  	v60 =	vmul.f32 v59, v13;
	v19 =	vadd.f32 v58, v20  }
0x81: {  	v18 =	vadd.f32 v18, v16;
	v61 =	vmax.f32 v22, $0.0e+00  }
0x82: {  	v62 =	vmul.f32 v61, v15;
	v19 =	vadd.f32 v60, v19  }
0x83: {  	v63 =	vld [tilespmem:s2+$0x0];
	v18 =	vmax.f32 v18, $0.0e+00  }
0x84: {  	s0 =	sadd.s32 $0x2, s0;
	v18 =	vmul.f32 v18, v17;
	v19 =	vadd.f32 v62, v19  }
0x85: {  	p0 =	slt.u32 s0, $0x2E  }
.Ltmp0:
0x86: {  	v18 =	vadd.f32 v18, v19;
	(pc) =	sbr.rel @p0 .LBB2_2-.Ltmp0, $4  }
0x87: {  	_ = 	snop  }
0x88: {  	v18 =	vmul.f32 v18, v63  }
0x89: {  	s21 =	sadd.s32 $0x20, s21  }
0x8a: {  	s1 =	sadd.s32 $0x20, s1;
	s2 =	sadd.s32 $0x20, s2;
	[tilespmem:s20+$0x0] =	vst v18;
	s20 =	sadd.s32 $0x20, s20  }
0x8b: {  	[spmem:s12] =	stream.linear.scatter [tilespmem:s25], [sflag:$0x1], $0x300, $0x38;
	[tilespmem:$0x14A40] =	vst v63  }
0x8c: {  	_ =	swait.ge [sflag:s17], $0x300  }
0x8d: {  	[sflag:s17] =	ssyncset.done $0x0  }
0x8e: {  	s0 =	simm.s32 $0x6960;
	[sflag:s17] =	ssyncadd.s32 $0xFFFFFD00  }
0x8f: {  	[tilespmem:s0+$0xFFFFFFC0] =	vst v1  }
0x90: {  	[tilespmem:s0+$0x30] =	vst v1  }
0x91: {  	[tilespmem:s0+$0x20] =	vst v1  }
0x92: {  	[tilespmem:s0+$0x10] =	vst v1  }
0x93: {  	[tilespmem:s0+$0x0] =	vst v1  }
0x94: {  	[tilespmem:s0+$0xFFFFFFF0] =	vst v1  }
0x95: {  	s1 =	simm.s32 $0x0;
	[tilespmem:s0+$0xFFFFFFE0] =	vst v1  }
.LBB2_4:
0x96: {  	s1 =	sadd.s32 $0x8, s1;
	[tilespmem:s0+$0xFFFFFFD0] =	vst v1;
	s0 =	sadd.s32 $0x80, s0  }
0x97: {  	[tilespmem:s0+$0xFFFFFFC0] =	vst v1;
	p0 =	slt.u32 s1, $0x2F8  }
0x98: {  	[tilespmem:s0+$0x30] =	vst v1  }
.Ltmp1:
0x99: {  	[tilespmem:s0+$0x20] =	vst v1;
	(pc) =	sbr.rel @p0 .LBB2_4-.Ltmp1, $4  }
0x9a: {  	[tilespmem:s0+$0x10] =	vst v1  }
0x9b: {  	[tilespmem:s0+$0x0] =	vst v1  }
0x9c: {  	[tilespmem:s0+$0xFFFFFFF0] =	vst v1  }
0x9d: {  	[tilespmem:s0+$0xFFFFFFE0] =	vst v1  }
0x9e: {  	[tilespmem:s0+$0xFFFFFFD0] =	vst v1  }
0x9f: {  	[bflag:$0x0] =	sbarrier.arrive $0xFFFF  }
0xa0: {  	s22 =	rddreg [dreg:$0x1]  }
0xa1: {  	[tilespmem:s26], [sflag:$0x1] =	stream.linear.gather [spmem:s22], $0x3000, $0x38;
	[tilespmem:$0x14A40] =	vst v63  }
0xa2: {  	_ =	swait.ge [sflag:s17], $0x3000  }
0xa3: {  	s0 =	simm.s32 $0xFFFFFFF8;
	[sflag:s17] =	ssyncset.done $0x0  }
0xa4: {  	s1 =	simm.s32 $0x9960;
	s2 =	simm.s32 $0xC070;
	[sflag:s17] =	ssyncadd.s32 $0xFFFFD000  }
.LBB2_6:
0xa5: {  	v2 =	vld [tilespmem:s1+$0xFFFFFFC0];
	_ =	sdelay $0x4  }
0xa6: {  	v3 =	vld [tilespmem:s2+$0xFFFFFFC0];
	_ =	sdelay $0x2  }
0xa7: {  	v2 =	vld.idx.msk [tilespmem:v2+s26+$0x0], $0xffff;
	_ =	sdelay $0x4  }
0xa8: {  	[tilespmem:v3+s28+$0x0] =	vst.idx.add.f32.msk $0xffff, v2  }
0xa9: {  	v2 =	vld [tilespmem:s1+$0xFFFFFFD0];
	_ =	sdelay $0x4  }
0xaa: {  	v3 =	vld [tilespmem:s2+$0xFFFFFFD0];
	_ =	sdelay $0x2  }
0xab: {  	v2 =	vld.idx.msk [tilespmem:v2+s26+$0x0], $0xffff;
	_ =	sdelay $0x4  }
0xac: {  	[tilespmem:v3+s28+$0x0] =	vst.idx.add.f32.msk $0xffff, v2  }
0xad: {  	v2 =	vld [tilespmem:s1+$0xFFFFFFE0];
	_ =	sdelay $0x4  }
0xae: {  	v3 =	vld [tilespmem:s2+$0xFFFFFFE0];
	_ =	sdelay $0x2  }
0xaf: {  	v2 =	vld.idx.msk [tilespmem:v2+s26+$0x0], $0xffff;
	_ =	sdelay $0x4  }
0xb0: {  	[tilespmem:v3+s28+$0x0] =	vst.idx.add.f32.msk $0xffff, v2  }
0xb1: {  	v2 =	vld [tilespmem:s1+$0xFFFFFFF0];
	_ =	sdelay $0x4  }
0xb2: {  	v3 =	vld [tilespmem:s2+$0xFFFFFFF0];
	_ =	sdelay $0x2  }
0xb3: {  	v2 =	vld.idx.msk [tilespmem:v2+s26+$0x0], $0xffff;
	_ =	sdelay $0x4  }
0xb4: {  	[tilespmem:v3+s28+$0x0] =	vst.idx.add.f32.msk $0xffff, v2  }
0xb5: {  	v2 =	vld [tilespmem:s1+$0x0];
	_ =	sdelay $0x4  }
0xb6: {  	v3 =	vld [tilespmem:s2+$0x0];
	_ =	sdelay $0x2  }
0xb7: {  	v2 =	vld.idx.msk [tilespmem:v2+s26+$0x0], $0xffff;
	_ =	sdelay $0x4  }
0xb8: {  	[tilespmem:v3+s28+$0x0] =	vst.idx.add.f32.msk $0xffff, v2  }
0xb9: {  	v2 =	vld [tilespmem:s1+$0x10];
	_ =	sdelay $0x4  }
0xba: {  	v3 =	vld [tilespmem:s2+$0x10];
	_ =	sdelay $0x2  }
0xbb: {  	v2 =	vld.idx.msk [tilespmem:v2+s26+$0x0], $0xffff;
	_ =	sdelay $0x4  }
0xbc: {  	[tilespmem:v3+s28+$0x0] =	vst.idx.add.f32.msk $0xffff, v2  }
0xbd: {  	v2 =	vld [tilespmem:s1+$0x20];
	_ =	sdelay $0x4  }
0xbe: {  	v3 =	vld [tilespmem:s2+$0x20];
	_ =	sdelay $0x2  }
0xbf: {  	v2 =	vld.idx.msk [tilespmem:v2+s26+$0x0], $0xffff;
	_ =	sdelay $0x4  }
0xc0: {  	[tilespmem:v3+s28+$0x0] =	vst.idx.add.f32.msk $0xffff, v2  }
0xc1: {  	v2 =	vld [tilespmem:s1+$0x30];
	_ =	sdelay $0x4  }
0xc2: {  	v3 =	vld [tilespmem:s2+$0x30];
	_ =	sdelay $0x1  }
0xc3: {  	s0 =	sadd.s32 $0x8, s0  }
0xc4: {  	p0 =	slt.u32 s0, $0x268;
	v2 =	vld.idx.msk [tilespmem:v2+s26+$0x0], $0xffff  }
.Ltmp2:
0xc5: {  	_ = 	snop;
	(pc) =	sbr.rel @p0 .LBB2_6-.Ltmp2, $2  }
0xc6: {  	_ =	sdelay $0x2  }
0xc7: {  	s1 =	sadd.s32 $0x80, s1;
	s2 =	sadd.s32 $0x80, s2;
	[tilespmem:v3+s28+$0x0] =	vst.idx.add.f32.msk $0xffff, v2  }
0xc8: {  	v2 =	vld [tilespmem:$0xC020];
	_ =	sdelay $0x4  }
0xc9: {  	v3 =	vld [tilespmem:$0xE730];
	_ =	sdelay $0x2  }
0xca: {  	v2 =	vld.idx.msk [tilespmem:v2+s26+$0x0], $0xffff;
	_ =	sdelay $0x4  }
0xcb: {  	[tilespmem:v3+s28+$0x0] =	vst.idx.add.f32.msk $0xffff, v2  }
0xcc: {  	[spmem:s13] =	stream.linear.scatter [tilespmem:s28], [sflag:$0x1], $0x3000, $0x38;
	[tilespmem:$0x14A40] =	vst v63  }
0xcd: {  	_ =	swait.ge [sflag:s17], $0x3000  }
0xce: {  	[sflag:s17] =	ssyncset.done $0x0  }
0xcf: {  	[sflag:s17] =	ssyncadd.s32 $0xFFFFD000  }
0xd0: {  	[bflag:$0x0] =	sbarrier.arrive $0xFFFF  }
0xd1: {  	[tilespmem:s30], [sflag:$0x1] =	stream.strided.gather [spmem:s14], $0x3000, s19, s29, $0x38;
	[tilespmem:$0x14A40] =	vst v63  }
0xd2: {  	_ =	swait.ge [sflag:s17], $0x3000  }
0xd3: {  	[sflag:s17] =	ssyncset.done $0x0  }
0xd4: {  	s0 =	simm.s32 $0xFF40;
	[sflag:s17] =	ssyncadd.s32 $0xFFFFD000  }
0xd5: {  	v2 =	vld [tilespmem:s0+$0xFFFFE800]  }
0xd6: {  	v3 =	vld [tilespmem:s0+$0xFFFFEB00];
	_ =	sdelay $0x1  }
0xd7: {  	v4 =	vld [tilespmem:s0+$0xFFFFEE00];
	_ =	sdelay $0x1  }
0xd8: {  	v5 =	vld [tilespmem:s0+$0xFFFFF100]  }
0xd9: {  	v2 =	vadd.f32 v3, v2  }
0xda: {  	v3 =	vld [tilespmem:s0+$0xFFFFF400]  }
0xdb: {  	v2 =	vadd.f32 v4, v2  }
0xdc: {  	v46 =	vld [tilespmem:s0+$0xFFFFF700]  }
0xdd: {  	v2 =	vadd.f32 v5, v2  }
0xde: {  	v47 =	vld [tilespmem:s0+$0xFFFFFA00]  }
0xdf: {  	v2 =	vadd.f32 v3, v2  }
0xe0: {  	v3 =	vld [tilespmem:s0+$0xFFFFFD00]  }
0xe1: {  	v2 =	vadd.f32 v46, v2  }
0xe2: {  	v48 =	vld [tilespmem:s0+$0x0]  }
0xe3: {  	v2 =	vadd.f32 v47, v2  }
0xe4: {  	v49 =	vld [tilespmem:s0+$0x300]  }
0xe5: {  	v2 =	vadd.f32 v3, v2  }
0xe6: {  	v3 =	vld [tilespmem:s0+$0x600]  }
0xe7: {  	v2 =	vadd.f32 v48, v2  }
0xe8: {  	v50 =	vld [tilespmem:s0+$0x900]  }
0xe9: {  	v2 =	vadd.f32 v49, v2  }
0xea: {  	v51 =	vld [tilespmem:s0+$0xC00]  }
0xeb: {  	v2 =	vadd.f32 v3, v2  }
0xec: {  	v3 =	vld [tilespmem:s0+$0xF00]  }
0xed: {  	v2 =	vadd.f32 v50, v2  }
0xee: {  	v52 =	vld [tilespmem:s0+$0x1200]  }
0xef: {  	v2 =	vadd.f32 v51, v2  }
0xf0: {  	v53 =	vld [tilespmem:s0+$0x1500]  }
0xf1: {  	v2 =	vadd.f32 v3, v2;
	_ =	sdelay $0x1  }
0xf2: {  	v2 =	vadd.f32 v52, v2;
	_ =	sdelay $0x1  }
0xf3: {  	v2 =	vadd.f32 v53, v2  }
0xf4: {  	s1 =	simm.s32 $0x6930  }
0xf5: {  	[tilespmem:s1+$0xFFFFFFF0] =	vst v2  }
0xf6: {  	v2 =	vld [tilespmem:s0+$0xFFFFE810]  }
0xf7: {  	v3 =	vld [tilespmem:s0+$0xFFFFEB10];
	_ =	sdelay $0x1  }
0xf8: {  	v54 =	vld [tilespmem:s0+$0xFFFFEE10];
	_ =	sdelay $0x1  }
0xf9: {  	v55 =	vld [tilespmem:s0+$0xFFFFF110]  }
0xfa: {  	v2 =	vadd.f32 v3, v2  }
0xfb: {  	v3 =	vld [tilespmem:s0+$0xFFFFF410]  }
0xfc: {  	v2 =	vadd.f32 v54, v2  }
0xfd: {  	v56 =	vld [tilespmem:s0+$0xFFFFF710]  }
0xfe: {  	v2 =	vadd.f32 v55, v2  }
0xff: {  	v57 =	vld [tilespmem:s0+$0xFFFFFA10]  }
0x100: {  	v2 =	vadd.f32 v3, v2  }
0x101: {  	v3 =	vld [tilespmem:s0+$0xFFFFFD10]  }
0x102: {  	v2 =	vadd.f32 v56, v2  }
0x103: {  	v58 =	vld [tilespmem:s0+$0x10]  }
0x104: {  	v2 =	vadd.f32 v57, v2  }
0x105: {  	v59 =	vld [tilespmem:s0+$0x310]  }
0x106: {  	v2 =	vadd.f32 v3, v2  }
0x107: {  	v3 =	vld [tilespmem:s0+$0x610]  }
0x108: {  	v2 =	vadd.f32 v58, v2  }
0x109: {  	v60 =	vld [tilespmem:s0+$0x910]  }
0x10a: {  	v2 =	vadd.f32 v59, v2  }
0x10b: {  	v61 =	vld [tilespmem:s0+$0xC10]  }
0x10c: {  	v2 =	vadd.f32 v3, v2  }
0x10d: {  	v3 =	vld [tilespmem:s0+$0xF10]  }
0x10e: {  	v2 =	vadd.f32 v60, v2  }
0x10f: {  	v62 =	vld [tilespmem:s0+$0x1210]  }
0x110: {  	v2 =	vadd.f32 v61, v2  }
0x111: {  	v63 =	vld [tilespmem:s0+$0x1510]  }
0x112: {  	v2 =	vadd.f32 v3, v2;
	_ =	sdelay $0x1  }
0x113: {  	v2 =	vadd.f32 v62, v2;
	_ =	sdelay $0x1  }
0x114: {  	s2 =	simm.s32 $0x0;
	s20 =	simm.s32 $0x6930;
	v2 =	vadd.f32 v63, v2  }
.LBB2_8:
0x115: {  	s2 =	sadd.s32 $0x2, s2;
	s0 =	sadd.s32 $0x20, s0;
	s1 =	sadd.s32 $0x20, s1  }
0x116: {  	p0 =	slt.u32 s2, $0x2E;
	[tilespmem:s20+$0x0] =	vst v2;
	s20 =	smov.u32 s1  }
0x117: {  	v2 =	vld [tilespmem:s0+$0xFFFFE800]  }
0x118: {  	v3 =	vld [tilespmem:s0+$0xFFFFEB00];
	_ =	sdelay $0x1  }
0x119: {  	v4 =	vld [tilespmem:s0+$0xFFFFEE00];
	_ =	sdelay $0x1  }
0x11a: {  	v5 =	vld [tilespmem:s0+$0xFFFFF100]  }
0x11b: {  	v2 =	vadd.f32 v3, v2  }
0x11c: {  	v3 =	vld [tilespmem:s0+$0xFFFFF400]  }
0x11d: {  	v2 =	vadd.f32 v4, v2  }
0x11e: {  	v4 =	vld [tilespmem:s0+$0xFFFFF700]  }
0x11f: {  	v2 =	vadd.f32 v5, v2  }
0x120: {  	v5 =	vld [tilespmem:s0+$0xFFFFFA00]  }
0x121: {  	v2 =	vadd.f32 v3, v2  }
0x122: {  	v3 =	vld [tilespmem:s0+$0xFFFFFD00]  }
0x123: {  	v2 =	vadd.f32 v4, v2  }
0x124: {  	v4 =	vld [tilespmem:s0+$0x0]  }
0x125: {  	v2 =	vadd.f32 v5, v2  }
0x126: {  	v5 =	vld [tilespmem:s0+$0x300]  }
0x127: {  	v2 =	vadd.f32 v3, v2  }
0x128: {  	v3 =	vld [tilespmem:s0+$0x600]  }
0x129: {  	v2 =	vadd.f32 v4, v2  }
0x12a: {  	v4 =	vld [tilespmem:s0+$0x900]  }
0x12b: {  	v2 =	vadd.f32 v5, v2  }
0x12c: {  	v5 =	vld [tilespmem:s0+$0xC00]  }
0x12d: {  	v2 =	vadd.f32 v3, v2  }
0x12e: {  	v3 =	vld [tilespmem:s0+$0xF00]  }
0x12f: {  	v2 =	vadd.f32 v4, v2  }
0x130: {  	v4 =	vld [tilespmem:s0+$0x1200]  }
0x131: {  	v2 =	vadd.f32 v5, v2  }
0x132: {  	v5 =	vld [tilespmem:s0+$0x1500]  }
0x133: {  	v2 =	vadd.f32 v3, v2;
	_ =	sdelay $0x1  }
0x134: {  	v2 =	vadd.f32 v4, v2;
	_ =	sdelay $0x1  }
0x135: {  	v2 =	vadd.f32 v5, v2;
	_ =	sdelay $0x1  }
0x136: {  	[tilespmem:s1+$0xFFFFFFF0] =	vst v2  }
0x137: {  	v2 =	vld [tilespmem:s0+$0xFFFFE810]  }
0x138: {  	v3 =	vld [tilespmem:s0+$0xFFFFEB10]  }
0x139: {  	v4 =	vld [tilespmem:s0+$0xFFFFEE10];
	_ =	sdelay $0x1  }
0x13a: {  	v5 =	vld [tilespmem:s0+$0xFFFFF110];
	_ =	sdelay $0x1  }
0x13b: {  	v2 =	vadd.f32 v3, v2;
	v3 =	vld [tilespmem:s0+$0xFFFFF410];
	_ =	sdelay $0x1  }
0x13c: {  	v2 =	vadd.f32 v4, v2;
	v4 =	vld [tilespmem:s0+$0xFFFFF710];
	_ =	sdelay $0x1  }
0x13d: {  	v2 =	vadd.f32 v5, v2;
	v5 =	vld [tilespmem:s0+$0xFFFFFA10];
	_ =	sdelay $0x1  }
0x13e: {  	v2 =	vadd.f32 v3, v2;
	v3 =	vld [tilespmem:s0+$0xFFFFFD10];
	_ =	sdelay $0x1  }
0x13f: {  	v2 =	vadd.f32 v4, v2;
	v4 =	vld [tilespmem:s0+$0x10];
	_ =	sdelay $0x1  }
0x140: {  	v2 =	vadd.f32 v5, v2;
	v5 =	vld [tilespmem:s0+$0x310];
	_ =	sdelay $0x1  }
0x141: {  	v2 =	vadd.f32 v3, v2;
	v3 =	vld [tilespmem:s0+$0x610];
	_ =	sdelay $0x1  }
0x142: {  	v2 =	vadd.f32 v4, v2;
	v4 =	vld [tilespmem:s0+$0x910];
	_ =	sdelay $0x1  }
0x143: {  	v2 =	vadd.f32 v5, v2;
	v5 =	vld [tilespmem:s0+$0xC10];
	_ =	sdelay $0x1  }
0x144: {  	v2 =	vadd.f32 v3, v2;
	v3 =	vld [tilespmem:s0+$0xF10];
	_ =	sdelay $0x1  }
0x145: {  	v2 =	vadd.f32 v4, v2;
	v4 =	vld [tilespmem:s0+$0x1210];
	_ =	sdelay $0x1  }
0x146: {  	v2 =	vadd.f32 v5, v2;
	v5 =	vld [tilespmem:s0+$0x1510];
	_ =	sdelay $0x1  }
.Ltmp3:
0x147: {  	v2 =	vadd.f32 v3, v2;
	(pc) =	sbr.rel @p0 .LBB2_8-.Ltmp3, $3  }
0x148: {  	_ = 	snop  }
0x149: {  	v2 =	vadd.f32 v4, v2;
	_ =	sdelay $0x1  }
0x14a: {  	v2 =	vadd.f32 v5, v2  }
0x14b: {  	s31 =	sadd.s32 $0x1, s31  }
0x14c: {  	p0 =	sne.s32 s31, s16  }
.Ltmp4:
0x14d: {  	[tilespmem:s20+$0x0] =	vst v2;
	(pc) =	sbr.rel @p0 .LBB2_1-.Ltmp4, $4  }
0x14e: {  	[hbm4b:s15+s3] =	stream.linear.scatter [tilespmem:s28], [sflag:$0x1], $0x300, $0x38;
	[tilespmem:$0x14A40] =	vst v63  }
0x14f: {  	_ =	swait.ge [sflag:s17], $0x300  }
0x150: {  	[sflag:s17] =	ssyncset.done $0x0  }
0x151: {  	[sflag:s17] =	ssyncadd.s32 $0xFFFFFD00  }
0x152: {  	_ =	sfence.sel $0x180000  }
0x153: {  	[bflag:$0x0] =	sbarrier.arrive $0xFFFF  }
0x154: {  	_ =	strace $0x9000004D  }
0x155: {  	s0 =	stileid.u32;
	[bflag:$0x2] =	sbarrier.arrive $0xFFFF  }
0x156: {  	p0 =	sne.s32 s0, $0x0;
	s0 =	rddreg [dreg:$0x3]  }
0x157: {  	s0 =	sadd.s32 @!p0 $0x100000, s0  }
0x158: {  	[sflag:s0] =	ssyncadd.tile.s32 @!p0 $0x1;
	_ =	shalt  }
.Lfunc_end2:
_tile_overlayer_lowered:
.L_overlay_start_2:
0x159: {  	(tag) =	ssettag $0x2  }
0x15a: {  	s0 =	rddreg [dreg:$0x0];
	s2 =	stileid.u32  }
0x15b: {  	s1 =	rddreg [dreg:$0x1];
	p0 =	sne.s32 s2, $0x0  }
0x15c: {  	s3 =	rddreg [dreg:$0x2];
	[bflag:$0x3] =	sbarrier.arrive $0xFFFF;
	s2 =	simm.s32 @!p0 $0x1C01  }
0x15d: {  	[timem:s3], [sflag:s2] =	dma.local @!p0 [hbm:s0], s1  }
0x15e: {  	s0 =	simm.s32 @!p0 $0x1  }
0x15f: {  	_ =	swait.ge @!p0 [sflag:s0], s1  }
0x160: {  	s1 =	ssub.s32 @!p0 $0x0, s1;
	[sflag:s0] =	ssyncset.done @!p0 $0x0  }
0x161: {  	[sflag:s0] =	ssyncadd.s32 @!p0 s1  }
0x162: {  	[bflag:$0x3] =	sbarrier.arrive $0xFFFF  }
0x163: {  	_ =	shalt  }

// kernel: kernel.16.cloned.1.call-start
scs
__scs_entry_jumppad:
0x0: {  	(pc) =	sbr.rel $0x88, $3  }
0x1: {  	(tag) =	ssettag $0x0;
	lr =	simm.s32 $0x1  }
0x2: {  	[smem:$0x3F9B] =	sst lr;
	_ =	strace $0xD0000000  }
0x3: {  	_ = 	snop  }
0x4: {  	_ = 	snop  }
0x5: {  	_ = 	snop  }
0x6: {  	_ = 	snop  }
0x7: {  	_ = 	snop  }
__scs_overlays_trampoline_lowered:
0x8: {  	[smem:$0x3FAA] =	sst s0  }
0x9: {  	[smem:$0x3FAB] =	sst s1  }
0xa: {  	[smem:$0x3FAC] =	sst s2  }
0xb: {  	[smem:$0x3FAD] =	sst s3  }
0xc: {  	[smem:$0x3FAE] =	sst s4  }
0xd: {  	[smem:$0x3FAF] =	sst s5  }
0xe: {  	[smem:$0x3FB0] =	sst s6  }
0xf: {  	[smem:$0x3FB1] =	sst s7  }
0x10: {  	[smem:$0x3FB2] =	sst s8  }
0x11: {  	[smem:$0x3FB3] =	sst s9;
	s0 =	simm.s32 @!p0 $0x0  }
0x12: {  	s1 =	sld [smem:$0x3F99];
	s0 =	simm.s32 @p0 $0x1  }
0x13: {  	[smem:$0x3FB4] =	sst s0;
	s0 =	simm.s32 @!p1 $0x0  }
0x14: {  	s2 =	sld [smem:$0x3F98];
	s0 =	simm.s32 @p1 $0x1  }
0x15: {  	[smem:$0x3FB5] =	sst s0;
	s0 =	simm.s32 @!p2 $0x0  }
0x16: {  	s3 =	sld [smem:$0x3FDB];
	s0 =	simm.s32 @p2 $0x1  }
0x17: {  	s4 =	simm.s32 $0x1BF5;
	[smem:$0x3FB7] =	sst s0  }
0x18: {  	s0 =	sld [smem:$0x3F9A];
	_ =	swait.ge [sflag:s4], $0x0  }
0x19: {  	s7 =	sld [smem:$0x3F9B]  }
0x1a: {  	s8 =	sadd.s32 $0xFFFFE003, lr  }
0x1b: {  	s9 =	sadd.s32 $0xFFFFFEF7, lr;
	s5 =	simm.s32 $0xFFFFFFFF;
	p2 =	slt.u32 s8, $0xFFFFF086  }
0x1c: {  	p1 =	slt.u32 s9, $0xF7A;
	s5 =	simm.s32 @!p2 $0x0  }
0x1d: {  	s5 =	simm.s32 @p1 $0x1;
	p0 =	seq.s32 s7, s2  }
0x1e: {  	s7 =	smul.u32 @!p0 $0xF7A, s2;
	p2 =	seq.s32 @!p0 s5, $0x0  }
0x1f: {  	s9 =	smul.u32 $0xF7A, s1;
	s8 =	simm.s32 @!p0 $0x1BF5;
	p2 =	por !p2, p0  }
0x20: {  	[sflag:s8] =	ssyncset.s32 @!p0 $0xFFFFF086;
	s6 =	sadd.s32 @!p0 s3, s7;
	s7 =	simm.s32 @!p0 $0x108  }
0x21: {  	s3 =	sadd.s32 s3, s9;
	s6 =	sadd.s32 @!p0 $0x88, s6;
	s7 =	simm.s32 @p2 $0x1082  }
0x22: {  	[simem:s7], [sflag:s8] =	dma.local @!p0 [hbm:s6], $0xF7A  }
0x23: {  	s9 =	sor.u32 $0xD0000000, s2;
	s6 =	simm.s32 $0x108;
	_ =	swait.ge @!p0 [sflag:s8], $0x0  }
0x24: {  	s3 =	sadd.s32 $0x88, s3;
	s6 =	simm.s32 @!p1 $0x1082;
	[sflag:s4] =	ssyncset.s32 $0xFFFFF086  }
0x25: {  	[simem:s6], [sflag:s4] =	dma.local [hbm:s3], $0xF7A  }
0x26: {  	[smem:$0x3F9B] =	sst s1;
	(tag) =	ssettag s2;
	_ =	strace s9  }
0x27: {  	s1 =	sld [smem:$0x3FAB]  }
0x28: {  	s2 =	sld [smem:$0x3FAC]  }
0x29: {  	s4 =	sld [smem:$0x3FAE]  }
0x2a: {  	p0 =	seq.s32 s5, $0x0;
	s5 =	sld [smem:$0x3FAF]  }
0x2b: {  	s6 =	sld [smem:$0x3FB0]  }
0x2c: {  	s7 =	sld [smem:$0x3FB1]  }
0x2d: {  	s3 =	simm.s32 $0x108;
	s8 =	sld [smem:$0x3FB2]  }
0x2e: {  	s3 =	simm.s32 @!p0 $0x1082;
	s9 =	sld [smem:$0x3FB3]  }
0x2f: {  	lr =	sadd.s32 s0, s3;
	s0 =	sld [smem:$0x3FAA]  }
0x30: {  	s3 =	sld [smem:$0x3FAD]  }
0x31: {  	[smem:$0x3FB6] =	sst s10  }
0x32: {  	s10 =	sld [smem:$0x3FB4];
	_ =	sdelay $0x3  }
0x33: {  	p0 =	seq.s32 s10, $0x1;
	s10 =	sld [smem:$0x3FB6];
	_ =	sdelay $0x3  }
0x34: {  	[smem:$0x3FB6] =	sst s10  }
0x35: {  	s10 =	sld [smem:$0x3FB5];
	_ =	sdelay $0x3  }
0x36: {  	p1 =	seq.s32 s10, $0x1;
	s10 =	sld [smem:$0x3FB6];
	_ =	sdelay $0x3  }
0x37: {  	[smem:$0x3FB6] =	sst s10  }
0x38: {  	s10 =	sld [smem:$0x3FB7]  }
0x39: {  	_ = 	snop;
	(pc) =	sbr.ind lr, $3  }
0x3a: {  	_ = 	snop  }
0x3b: {  	_ = 	snop  }
0x3c: {  	p2 =	seq.s32 s10, $0x1;
	s10 =	sld [smem:$0x3FB6]  }
0x3d: {  	_ =	shalt  }
0x3e: {  	_ =	shalt  }
0x3f: {  	_ =	shalt  }
0x40: {  	_ =	shalt  }
0x41: {  	_ =	shalt  }
0x42: {  	_ =	shalt  }
0x43: {  	_ =	shalt  }
0x44: {  	_ =	shalt  }
0x45: {  	_ =	shalt  }
0x46: {  	_ =	shalt  }
0x47: {  	_ =	shalt  }
0x48: {  	_ =	shalt  }
0x49: {  	_ =	shalt  }
0x4a: {  	_ =	shalt  }
0x4b: {  	_ =	shalt  }
0x4c: {  	_ =	shalt  }
0x4d: {  	_ =	shalt  }
0x4e: {  	_ =	shalt  }
0x4f: {  	_ =	shalt  }
0x50: {  	_ =	shalt  }
0x51: {  	_ =	shalt  }
0x52: {  	_ =	shalt  }
0x53: {  	_ =	shalt  }
0x54: {  	_ =	shalt  }
0x55: {  	_ =	shalt  }
0x56: {  	_ =	shalt  }
0x57: {  	_ =	shalt  }
0x58: {  	_ =	shalt  }
0x59: {  	_ =	shalt  }
0x5a: {  	_ =	shalt  }
0x5b: {  	_ =	shalt  }
0x5c: {  	_ =	shalt  }
0x5d: {  	_ =	shalt  }
0x5e: {  	_ =	shalt  }
0x5f: {  	_ =	shalt  }
0x60: {  	_ =	shalt  }
0x61: {  	_ =	shalt  }
0x62: {  	_ =	shalt  }
0x63: {  	_ =	shalt  }
0x64: {  	_ =	shalt  }
0x65: {  	_ =	shalt  }
0x66: {  	_ =	shalt  }
0x67: {  	_ =	shalt  }
0x68: {  	_ =	shalt  }
0x69: {  	_ =	shalt  }
0x6a: {  	_ =	shalt  }
0x6b: {  	_ =	shalt  }
0x6c: {  	_ =	shalt  }
0x6d: {  	_ =	shalt  }
0x6e: {  	_ =	shalt  }
0x6f: {  	_ =	shalt  }
0x70: {  	_ =	shalt  }
0x71: {  	_ =	shalt  }
0x72: {  	_ =	shalt  }
0x73: {  	_ =	shalt  }
0x74: {  	_ =	shalt  }
0x75: {  	_ =	shalt  }
0x76: {  	_ =	shalt  }
0x77: {  	_ =	shalt  }
0x78: {  	_ =	shalt  }
0x79: {  	_ =	shalt  }
0x7a: {  	_ =	shalt  }
0x7b: {  	_ =	shalt  }
0x7c: {  	_ =	shalt  }
0x7d: {  	_ =	shalt  }
0x7e: {  	_ =	shalt  }
0x7f: {  	_ =	shalt  }
0x80: {  	_ =	shalt  }
0x81: {  	_ =	shalt  }
0x82: {  	_ =	shalt  }
0x83: {  	_ =	shalt  }
0x84: {  	_ =	shalt  }
0x85: {  	_ =	shalt  }
0x86: {  	_ =	shalt  }
0x87: {  	_ =	shalt  }
.Lfunc_end0:
.L_simem_size_0:
called_computation.3_lowered:
.L_overlay_start_0:
0x88: {  	s2 =	sld [smem:$0x3FD9]  }
0x89: {  	s3 =	sld [smem:$0x3FFE];
	_ =	sdelay $0x1  }
0x8a: {  	s1 =	srdreg.scid  }
0x8b: {  	s0 =	sand.u32 $0x1, s1  }
0x8c: {  	s16 =	sshll.u32 s0, $0xA;
	s2 =	sadd.s32 s3, s2  }
0x8d: {  	s2 =	sadd.s32 s2, s16  }
0x8e: {  	[smem:$0x3FC2] =	sst s2  }
0x8f: {  	_ = 	snop  }
0x90: {  	(tm) =	ssettm $0x1  }
0x91: {  	s17 =	sld [smem:$0x3FFB];
	_ =	sdelay $0x3  }
0x92: {  	_ =	strace s17  }
0x93: {  	s2 =	sld [smem:$0x3FFC];
	_ =	sdelay $0x3  }
0x94: {  	_ =	strace s2  }
0x95: {  	s2 =	sld [smem:$0x3FFD];
	_ =	sdelay $0x3  }
0x96: {  	_ =	strace s2  }
0x97: {  	_ =	strace $0x8FFFFFFF  }
0x98: {  	s18 =	sld [smem:$0x3FDB];
	_ =	sdelay $0x1  }
0x99: {  	s19 =	simm.s32 $_scs_section_size  }
0x9a: {  	s4 =	simm.s32 $_size__tile_overlayer_lowered;
	s5 =	simm.s32 $_tile_overlayer_lowered  }
0x9b: {  	s22 =	simm.s32 $0x1BFF;
	s21 =	sshll.u32 s5, $0x1;
	s2 =	sadd.s32 s19, s18  }
0x9c: {  	s6 =	simm.s32 $0x0;
	s20 =	sshll.u32 s4, $0x1;
	s4 =	sadd.s32 s21, s2  }
0x9d: {  	[timem:s6], [sflag:s22] =	dma.local [hbm:s4], s20  }
0x9e: {  	_ =	swait.ge [sflag:s22], s20  }
0x9f: {  	s3 =	ssub.s32 $0x0, s20;
	[sflag:s22] =	ssyncset.done $0x0  }
0xa0: {  	[sflag:s22] =	ssyncadd.s32 s3;
	_ =	sdelay $0x1  }
0xa1: {  	s23 =	simm.s32 $0x1B8B  }
0xa2: {  	_ =	swait.ge [sflag:s23], $0x1  }
0xa3: {  	[sflag:s23] =	ssyncset.done $0x0  }
0xa4: {  	s25 =	simm.s32 $0x1B8E;
	s24 =	sld [smem:$0x3FFE];
	[sflag:s23] =	ssyncadd.s32 $0xFFFFFFFF  }
0xa5: {  	s26 =	simm.s32 $execute0_lowered;
	[smem:$0x3FD2] =	sst s25  }
0xa6: {  	s4 =	sshll.u32 s26, $0x1;
	_ =	strace $0x8000004F;
	[dreg:$0x1] =	wrdreg $0xFFFFFFFF  }
0xa7: {  	s28 =	simm.s32 $_size_execute0_lowered;
	s2 =	sadd.s32 s2, s4;
	[dreg:$0x0] =	wrdreg $0x0  }
0xa8: {  	s4 =	sshll.u32 s28, $0x1;
	[dreg:$0x2] =	wrdreg s2  }
0xa9: {  	[dreg:$0x3] =	wrdreg s4  }
0xaa: {  	[dreg:$0x4] =	wrdreg $0xC0  }
0xab: {  	_ =	task [dreg:s6], $0x5FFFF  }
0xac: {  	[dreg:$0x1] =	wrdreg $0xFFFFFFFF  }
0xad: {  	[dreg:$0x0] =	wrdreg $0x60  }
0xae: {  	[dreg:$0x2] =	wrdreg s24  }
0xaf: {  	[dreg:$0x3] =	wrdreg $0x9  }
0xb0: {  	_ =	task.clear_ibuf [dreg:s6], $0x4FFFF;
	_ =	strace $0x9000004F  }
0xb1: {  	s29 =	simm.s32 $0x9;
	_ =	strace $0x80000051  }
0xb2: {  	_ =	swait.ge [sflag:s29], $0x1  }
0xb3: {  	[sflag:s29] =	ssyncadd.s32 $0xFFFFFFFF  }
0xb4: {  	_ =	strace $0x90000051  }
0xb5: {  	_ =	sfence  }
0xb6: {  	s30 =	sld [smem:$0x0];
	_ =	sdelay $0x2  }
0xb7: {  	s31 =	sshll.u32 s1, $0xD;
	s1 =	sshrl.u32 s1, $0x2  }
0xb8: {  	s3 =	sand.u32 $0x4000, s31;
	s1 =	sadd.s32 s1, s30  }
0xb9: {  	s0 =	sor.u32 s3, s0;
	s1 =	sshll.u32 s1, $0x11  }
0xba: {  	s0 =	sor.u32 s1, s0  }
0xbb: {  	s0 =	sadd.s32 $0x8F2B, s0  }
0xbc: {  	[sflag:s0] =	ssyncadd.remote.s32 $0x1  }
0xbd: {  	_ =	sfence.sel $0xFFFF  }
0xbe: {  	[dreg:$0x0] =	wrdreg $0xFFFFFFFF;
	(pc) =	sbr.abs _section_cstart, $3  }
0xbf: {  	[dreg:$0x1] =	wrdreg $0xFFFFFFFF  }
0xc0: {  	_ =	task.clear_ibuf [dreg:s6], $0x2FFFF;
	_ =	strace $0x9FFFFFFF  }
0xc1: {  	(tm) =	ssettm $0x7FFFFFFF  }
tec
execute0_lowered:
.L_overlay_start_1:
0x0: {  	(tag) =	ssettag $0x1  }
0x1: {  	s1 =	srdreg.scid  }
0x2: {  	s0 =	stileid.u32;
	s4 =	rddreg [dreg:$0x0]  }
0x3: {  	s2 =	simm.s32 $0x0;
	s9 =	simm.s32 $0x3000;
	s10 =	simm.s32 $0x1  }
0x4: {  	s11 =	simm.s32 $0x300;
	s3 =	sand.u32 $0x1, s1;
	s5 =	sshll.u32 s0, $0x1  }
0x5: {  	s12 =	simm.s32 $0x480;
	s13 =	simm.s32 $0x490;
	s5 =	sor.u32 s3, s5  }
0x6: {  	s14 =	simm.s32 $0x0;
	[smem:$0x7FF] =	sst s2;
	s5 =	smul.u32 $0x30, s5  }
0x7: {  	s1 =	rddreg [dreg:$0x1];
	_ =	strace $0x80000050;
	s6 =	ssub.s32 $0x2, s3  }
0x8: {  	s3 =	sadd.s32 $0x2800, s4;
	s31 =	sshrl.u32 s6, $0x1;
	s7 =	sadd.s32 s5, s4  }
0x9: {  	s8 =	ssub.s32 s6, s31;
	s4 =	sadd.s32 $0x16200, s7;
	s5 =	sadd.s32 $0x38000, s7  }
0xa: {  	s6 =	sadd.s32 $0x2A00, s7;
	s7 =	smax.u32 s8, $0x1;
	s8 =	simm.s32 $0x180  }
.LBB2_1:
0xb: {  	[tilespmem:s2], [sflag:$0x1] =	stream.strided.gather [hbm4b:s4+s8], $0x300, s9, s8, $0x38;
	[tilespmem:$0x610] =	vst v63  }
0xc: {  	_ =	swait.ge [sflag:s10], $0x300  }
0xd: {  	[sflag:s10] =	ssyncset.done $0x0  }
0xe: {  	[sflag:s10] =	ssyncadd.s32 $0xFFFFFD00  }
0xf: {  	[tilespmem:s11], [sflag:$0x1] =	stream.linear.gather [hbm4b:s5+s2], $0x180, $0x38;
	[tilespmem:$0x610] =	vst v63  }
0x10: {  	_ =	swait.ge [sflag:s10], $0x180  }
0x11: {  	[sflag:s10] =	ssyncset.done $0x0  }
0x12: {  	[sflag:s10] =	ssyncadd.s32 $0xFFFFFE80  }
0x13: {  	[tilespmem:s12], [sflag:$0x1] =	stream.linear.gather [hbm4b:s3+s2], $0x10, $0x38;
	[tilespmem:$0x610] =	vst v63  }
0x14: {  	_ =	swait.ge [sflag:s10], $0x10  }
0x15: {  	[sflag:s10] =	ssyncset.done $0x0  }
0x16: {  	s15 =	simm.s32 $0x190;
	[sflag:s10] =	ssyncadd.s32 $0xFFFFFFF0  }
0x17: {  	v1 =	vld [tilespmem:s15+$0xFFFFFE70]  }
0x18: {  	v2 =	vld [tilespmem:s15+$0xFFFFFFF0]  }
0x19: {  	s16 =	simm.s32 $0x310  }
0x1a: {  	v3 =	vld [tilespmem:s16+$0xFFFFFFF0];
	_ =	sdelay $0x1  }
0x1b: {  	v0 =	vld [tilespmem:$0x480]  }
0x1c: {  	v1 =	vadd.f32 v2, v1;
	_ =	sdelay $0x1  }
0x1d: {  	v1 =	vmul.f32 v3, v1;
	_ =	sdelay $0x1  }
0x1e: {  	v1 =	vadd.f32 v1, v0  }
0x1f: {  	s17 =	simm.s32 $0x4A0  }
0x20: {  	[tilespmem:s17+$0xFFFFFFF0] =	vst v1  }
0x21: {  	v1 =	vld [tilespmem:s15+$0xFFFFFE80]  }
0x22: {  	v2 =	vld [tilespmem:s15+$0x0];
	_ =	sdelay $0x1  }
0x23: {  	v3 =	vld [tilespmem:s16+$0x0];
	_ =	sdelay $0x2  }
0x24: {  	v1 =	vadd.f32 v2, v1;
	_ =	sdelay $0x1  }
0x25: {  	v1 =	vmul.f32 v3, v1;
	_ =	sdelay $0x1  }
0x26: {  	s18 =	simm.s32 $0x0;
	s19 =	simm.s32 $0x4C0;
	v1 =	vadd.f32 v1, v0  }
.LBB2_2:
0x27: {  	s18 =	sadd.s32 $0x2, s18;
	s15 =	sadd.s32 $0x20, s15;
	s16 =	sadd.s32 $0x20, s16  }
0x28: {  	p0 =	slt.u32 s18, $0x16;
	[tilespmem:s17+$0x0] =	vst v1;
	s17 =	smov.u32 s19  }
0x29: {  	v1 =	vld [tilespmem:s15+$0xFFFFFE70]  }
0x2a: {  	v2 =	vld [tilespmem:s15+$0xFFFFFFF0];
	_ =	sdelay $0x1  }
0x2b: {  	v3 =	vld [tilespmem:s16+$0xFFFFFFF0];
	_ =	sdelay $0x2  }
0x2c: {  	v1 =	vadd.f32 v2, v1;
	_ =	sdelay $0x1  }
0x2d: {  	v1 =	vmul.f32 v3, v1;
	_ =	sdelay $0x1  }
0x2e: {  	v1 =	vadd.f32 v1, v0;
	_ =	sdelay $0x1  }
0x2f: {  	[tilespmem:s19+$0xFFFFFFF0] =	vst v1  }
0x30: {  	v1 =	vld [tilespmem:s15+$0xFFFFFE80]  }
0x31: {  	v2 =	vld [tilespmem:s15+$0x0]  }
0x32: {  	v3 =	vld [tilespmem:s16+$0x0];
	_ =	sdelay $0x3  }
.Ltmp0:
0x33: {  	v1 =	vadd.f32 v2, v1;
	(pc) =	sbr.rel @p0 .LBB2_2-.Ltmp0, $3  }
0x34: {  	_ = 	snop  }
0x35: {  	v1 =	vmul.f32 v3, v1;
	_ =	sdelay $0x1  }
0x36: {  	s19 =	sadd.s32 $0x20, s19;
	v1 =	vadd.f32 v1, v0  }
0x37: {  	s14 =	sadd.s32 $0x1, s14  }
0x38: {  	p0 =	sne.s32 s14, s7  }
.Ltmp1:
0x39: {  	[tilespmem:s17+$0x0] =	vst v1;
	(pc) =	sbr.rel @p0 .LBB2_1-.Ltmp1, $4  }
0x3a: {  	[hbm4b:s6+s2] =	stream.linear.scatter [tilespmem:s13], [sflag:$0x1], $0x180, $0x38;
	[tilespmem:$0x610] =	vst v63  }
0x3b: {  	_ =	swait.ge [sflag:s10], $0x180  }
0x3c: {  	[sflag:s10] =	ssyncset.done $0x0  }
0x3d: {  	[sflag:s10] =	ssyncadd.s32 $0xFFFFFE80  }
0x3e: {  	_ =	sfence.sel $0x180000  }
0x3f: {  	[bflag:$0x0] =	sbarrier.arrive $0xFFFF  }
0x40: {  	p0 =	sne.s32 s0, $0x0;
	_ =	strace $0x90000050  }
0x41: {  	s0 =	sadd.s32 @!p0 $0x100000, s1;
	[bflag:$0x2] =	sbarrier.arrive $0xFFFF  }
0x42: {  	[sflag:s0] =	ssyncadd.tile.s32 @!p0 $0x1;
	_ =	shalt  }
.Lfunc_end2:
_tile_overlayer_lowered:
.L_overlay_start_2:
0x43: {  	(tag) =	ssettag $0x2  }
0x44: {  	s0 =	rddreg [dreg:$0x0];
	s2 =	stileid.u32  }
0x45: {  	s1 =	rddreg [dreg:$0x1];
	p0 =	sne.s32 s2, $0x0  }
0x46: {  	s3 =	rddreg [dreg:$0x2];
	[bflag:$0x3] =	sbarrier.arrive $0xFFFF;
	s2 =	simm.s32 @!p0 $0x1C01  }
0x47: {  	[timem:s3], [sflag:s2] =	dma.local @!p0 [hbm:s0], s1  }
0x48: {  	s0 =	simm.s32 @!p0 $0x1  }
0x49: {  	_ =	swait.ge @!p0 [sflag:s0], s1  }
0x4a: {  	s1 =	ssub.s32 @!p0 $0x0, s1;
	[sflag:s0] =	ssyncset.done @!p0 $0x0  }
0x4b: {  	[sflag:s0] =	ssyncadd.s32 @!p0 s1  }
0x4c: {  	[bflag:$0x3] =	sbarrier.arrive $0xFFFF  }
0x4d: {  	_ =	shalt  }

// kernel: kernel.7.cloned.1.call-start
scs
__scs_entry_jumppad:
0x0: {  	(pc) =	sbr.rel $0x88, $3  }
0x1: {  	(tag) =	ssettag $0x0;
	lr =	simm.s32 $0x1  }
0x2: {  	[smem:$0x3F9B] =	sst lr;
	_ =	strace $0xD0000000  }
0x3: {  	_ = 	snop  }
0x4: {  	_ = 	snop  }
0x5: {  	_ = 	snop  }
0x6: {  	_ = 	snop  }
0x7: {  	_ = 	snop  }
__scs_overlays_trampoline_lowered:
0x8: {  	[smem:$0x3FAA] =	sst s0  }
0x9: {  	[smem:$0x3FAB] =	sst s1  }
0xa: {  	[smem:$0x3FAC] =	sst s2  }
0xb: {  	[smem:$0x3FAD] =	sst s3  }
0xc: {  	[smem:$0x3FAE] =	sst s4  }
0xd: {  	[smem:$0x3FAF] =	sst s5  }
0xe: {  	[smem:$0x3FB0] =	sst s6  }
0xf: {  	[smem:$0x3FB1] =	sst s7  }
0x10: {  	[smem:$0x3FB2] =	sst s8  }
0x11: {  	[smem:$0x3FB3] =	sst s9;
	s0 =	simm.s32 @!p0 $0x0  }
0x12: {  	s1 =	sld [smem:$0x3F99];
	s0 =	simm.s32 @p0 $0x1  }
0x13: {  	[smem:$0x3FB4] =	sst s0;
	s0 =	simm.s32 @!p1 $0x0  }
0x14: {  	s2 =	sld [smem:$0x3F98];
	s0 =	simm.s32 @p1 $0x1  }
0x15: {  	[smem:$0x3FB5] =	sst s0;
	s0 =	simm.s32 @!p2 $0x0  }
0x16: {  	s3 =	sld [smem:$0x3FDB];
	s0 =	simm.s32 @p2 $0x1  }
0x17: {  	s4 =	simm.s32 $0x1BF5;
	[smem:$0x3FB7] =	sst s0  }
0x18: {  	s0 =	sld [smem:$0x3F9A];
	_ =	swait.ge [sflag:s4], $0x0  }
0x19: {  	s7 =	sld [smem:$0x3F9B]  }
0x1a: {  	s8 =	sadd.s32 $0xFFFFE003, lr  }
0x1b: {  	s9 =	sadd.s32 $0xFFFFFEF7, lr;
	s5 =	simm.s32 $0xFFFFFFFF;
	p2 =	slt.u32 s8, $0xFFFFF086  }
0x1c: {  	p1 =	slt.u32 s9, $0xF7A;
	s5 =	simm.s32 @!p2 $0x0  }
0x1d: {  	s5 =	simm.s32 @p1 $0x1;
	p0 =	seq.s32 s7, s2  }
0x1e: {  	s7 =	smul.u32 @!p0 $0xF7A, s2;
	p2 =	seq.s32 @!p0 s5, $0x0  }
0x1f: {  	s9 =	smul.u32 $0xF7A, s1;
	s8 =	simm.s32 @!p0 $0x1BF5;
	p2 =	por !p2, p0  }
0x20: {  	[sflag:s8] =	ssyncset.s32 @!p0 $0xFFFFF086;
	s6 =	sadd.s32 @!p0 s3, s7;
	s7 =	simm.s32 @!p0 $0x108  }
0x21: {  	s3 =	sadd.s32 s3, s9;
	s6 =	sadd.s32 @!p0 $0x88, s6;
	s7 =	simm.s32 @p2 $0x1082  }
0x22: {  	[simem:s7], [sflag:s8] =	dma.local @!p0 [hbm:s6], $0xF7A  }
0x23: {  	s9 =	sor.u32 $0xD0000000, s2;
	s6 =	simm.s32 $0x108;
	_ =	swait.ge @!p0 [sflag:s8], $0x0  }
0x24: {  	s3 =	sadd.s32 $0x88, s3;
	s6 =	simm.s32 @!p1 $0x1082;
	[sflag:s4] =	ssyncset.s32 $0xFFFFF086  }
0x25: {  	[simem:s6], [sflag:s4] =	dma.local [hbm:s3], $0xF7A  }
0x26: {  	[smem:$0x3F9B] =	sst s1;
	(tag) =	ssettag s2;
	_ =	strace s9  }
0x27: {  	s1 =	sld [smem:$0x3FAB]  }
0x28: {  	s2 =	sld [smem:$0x3FAC]  }
0x29: {  	s4 =	sld [smem:$0x3FAE]  }
0x2a: {  	p0 =	seq.s32 s5, $0x0;
	s5 =	sld [smem:$0x3FAF]  }
0x2b: {  	s6 =	sld [smem:$0x3FB0]  }
0x2c: {  	s7 =	sld [smem:$0x3FB1]  }
0x2d: {  	s3 =	simm.s32 $0x108;
	s8 =	sld [smem:$0x3FB2]  }
0x2e: {  	s3 =	simm.s32 @!p0 $0x1082;
	s9 =	sld [smem:$0x3FB3]  }
0x2f: {  	lr =	sadd.s32 s0, s3;
	s0 =	sld [smem:$0x3FAA]  }
0x30: {  	s3 =	sld [smem:$0x3FAD]  }
0x31: {  	[smem:$0x3FB6] =	sst s10  }
0x32: {  	s10 =	sld [smem:$0x3FB4];
	_ =	sdelay $0x3  }
0x33: {  	p0 =	seq.s32 s10, $0x1;
	s10 =	sld [smem:$0x3FB6];
	_ =	sdelay $0x3  }
0x34: {  	[smem:$0x3FB6] =	sst s10  }
0x35: {  	s10 =	sld [smem:$0x3FB5];
	_ =	sdelay $0x3  }
0x36: {  	p1 =	seq.s32 s10, $0x1;
	s10 =	sld [smem:$0x3FB6];
	_ =	sdelay $0x3  }
0x37: {  	[smem:$0x3FB6] =	sst s10  }
0x38: {  	s10 =	sld [smem:$0x3FB7]  }
0x39: {  	_ = 	snop;
	(pc) =	sbr.ind lr, $3  }
0x3a: {  	_ = 	snop  }
0x3b: {  	_ = 	snop  }
0x3c: {  	p2 =	seq.s32 s10, $0x1;
	s10 =	sld [smem:$0x3FB6]  }
0x3d: {  	_ =	shalt  }
0x3e: {  	_ =	shalt  }
0x3f: {  	_ =	shalt  }
0x40: {  	_ =	shalt  }
0x41: {  	_ =	shalt  }
0x42: {  	_ =	shalt  }
0x43: {  	_ =	shalt  }
0x44: {  	_ =	shalt  }
0x45: {  	_ =	shalt  }
0x46: {  	_ =	shalt  }
0x47: {  	_ =	shalt  }
0x48: {  	_ =	shalt  }
0x49: {  	_ =	shalt  }
0x4a: {  	_ =	shalt  }
0x4b: {  	_ =	shalt  }
0x4c: {  	_ =	shalt  }
0x4d: {  	_ =	shalt  }
0x4e: {  	_ =	shalt  }
0x4f: {  	_ =	shalt  }
0x50: {  	_ =	shalt  }
0x51: {  	_ =	shalt  }
0x52: {  	_ =	shalt  }
0x53: {  	_ =	shalt  }
0x54: {  	_ =	shalt  }
0x55: {  	_ =	shalt  }
0x56: {  	_ =	shalt  }
0x57: {  	_ =	shalt  }
0x58: {  	_ =	shalt  }
0x59: {  	_ =	shalt  }
0x5a: {  	_ =	shalt  }
0x5b: {  	_ =	shalt  }
0x5c: {  	_ =	shalt  }
0x5d: {  	_ =	shalt  }
0x5e: {  	_ =	shalt  }
0x5f: {  	_ =	shalt  }
0x60: {  	_ =	shalt  }
0x61: {  	_ =	shalt  }
0x62: {  	_ =	shalt  }
0x63: {  	_ =	shalt  }
0x64: {  	_ =	shalt  }
0x65: {  	_ =	shalt  }
0x66: {  	_ =	shalt  }
0x67: {  	_ =	shalt  }
0x68: {  	_ =	shalt  }
0x69: {  	_ =	shalt  }
0x6a: {  	_ =	shalt  }
0x6b: {  	_ =	shalt  }
0x6c: {  	_ =	shalt  }
0x6d: {  	_ =	shalt  }
0x6e: {  	_ =	shalt  }
0x6f: {  	_ =	shalt  }
0x70: {  	_ =	shalt  }
0x71: {  	_ =	shalt  }
0x72: {  	_ =	shalt  }
0x73: {  	_ =	shalt  }
0x74: {  	_ =	shalt  }
0x75: {  	_ =	shalt  }
0x76: {  	_ =	shalt  }
0x77: {  	_ =	shalt  }
0x78: {  	_ =	shalt  }
0x79: {  	_ =	shalt  }
0x7a: {  	_ =	shalt  }
0x7b: {  	_ =	shalt  }
0x7c: {  	_ =	shalt  }
0x7d: {  	_ =	shalt  }
0x7e: {  	_ =	shalt  }
0x7f: {  	_ =	shalt  }
0x80: {  	_ =	shalt  }
0x81: {  	_ =	shalt  }
0x82: {  	_ =	shalt  }
0x83: {  	_ =	shalt  }
0x84: {  	_ =	shalt  }
0x85: {  	_ =	shalt  }
0x86: {  	_ =	shalt  }
0x87: {  	_ =	shalt  }
.Lfunc_end0:
.L_simem_size_0:
called_computation_lowered:
.L_overlay_start_0:
0x88: {  	s2 =	sld [smem:$0x3FD9]  }
0x89: {  	s3 =	sld [smem:$0x3FFE];
	_ =	sdelay $0x1  }
0x8a: {  	s1 =	srdreg.scid  }
0x8b: {  	s0 =	sand.u32 $0x1, s1  }
0x8c: {  	s16 =	sshll.u32 s0, $0xA;
	s2 =	sadd.s32 s3, s2  }
0x8d: {  	s2 =	sadd.s32 s2, s16  }
0x8e: {  	[smem:$0x3FC2] =	sst s2  }
0x8f: {  	_ = 	snop  }
0x90: {  	(tm) =	ssettm $0x1  }
0x91: {  	s17 =	sld [smem:$0x3FFB];
	_ =	sdelay $0x3  }
0x92: {  	_ =	strace s17  }
0x93: {  	s2 =	sld [smem:$0x3FFC];
	_ =	sdelay $0x3  }
0x94: {  	_ =	strace s2  }
0x95: {  	s2 =	sld [smem:$0x3FFD];
	_ =	sdelay $0x3  }
0x96: {  	_ =	strace s2  }
0x97: {  	_ =	strace $0x8FFFFFFF  }
0x98: {  	s18 =	sld [smem:$0x3FDB];
	_ =	sdelay $0x1  }
0x99: {  	s19 =	simm.s32 $_scs_section_size  }
0x9a: {  	s4 =	simm.s32 $_size__tile_overlayer_lowered;
	s5 =	simm.s32 $_tile_overlayer_lowered  }
0x9b: {  	s22 =	simm.s32 $0x1BFF;
	s21 =	sshll.u32 s5, $0x1;
	s2 =	sadd.s32 s19, s18  }
0x9c: {  	s6 =	simm.s32 $0x0;
	s20 =	sshll.u32 s4, $0x1;
	s4 =	sadd.s32 s21, s2  }
0x9d: {  	[timem:s6], [sflag:s22] =	dma.local [hbm:s4], s20  }
0x9e: {  	_ =	swait.ge [sflag:s22], s20  }
0x9f: {  	s3 =	ssub.s32 $0x0, s20;
	[sflag:s22] =	ssyncset.done $0x0  }
0xa0: {  	[sflag:s22] =	ssyncadd.s32 s3;
	_ =	sdelay $0x1  }
0xa1: {  	s23 =	simm.s32 $0x1B8B  }
0xa2: {  	_ =	swait.ge [sflag:s23], $0x1  }
0xa3: {  	[sflag:s23] =	ssyncset.done $0x0  }
0xa4: {  	s25 =	simm.s32 $0x1B8E;
	s24 =	sld [smem:$0x3FFE];
	[sflag:s23] =	ssyncadd.s32 $0xFFFFFFFF  }
0xa5: {  	s26 =	simm.s32 $execute0_lowered;
	[smem:$0x3FD2] =	sst s25  }
0xa6: {  	s4 =	sshll.u32 s26, $0x1;
	_ =	strace $0x80000046;
	[dreg:$0x1] =	wrdreg $0xFFFFFFFF  }
0xa7: {  	s28 =	simm.s32 $_size_execute0_lowered;
	s2 =	sadd.s32 s2, s4;
	[dreg:$0x0] =	wrdreg $0x0  }
0xa8: {  	s4 =	sshll.u32 s28, $0x1;
	[dreg:$0x2] =	wrdreg s2  }
0xa9: {  	[dreg:$0x3] =	wrdreg s4  }
0xaa: {  	[dreg:$0x4] =	wrdreg $0xC0  }
0xab: {  	_ =	task [dreg:s6], $0x5FFFF  }
0xac: {  	[dreg:$0x1] =	wrdreg $0xFFFFFFFF  }
0xad: {  	[dreg:$0x0] =	wrdreg $0x60  }
0xae: {  	[dreg:$0x2] =	wrdreg s24  }
0xaf: {  	[dreg:$0x3] =	wrdreg $0xB7100  }
0xb0: {  	[dreg:$0x4] =	wrdreg $0xE7100  }
0xb1: {  	[dreg:$0x5] =	wrdreg $0x9  }
0xb2: {  	_ =	task.clear_ibuf [dreg:s6], $0x6FFFF;
	_ =	strace $0x90000046  }
0xb3: {  	s29 =	simm.s32 $0x9;
	_ =	strace $0x80000048  }
0xb4: {  	_ =	swait.ge [sflag:s29], $0x1  }
0xb5: {  	[sflag:s29] =	ssyncadd.s32 $0xFFFFFFFF  }
0xb6: {  	_ =	strace $0x90000048  }
0xb7: {  	_ =	sfence  }
0xb8: {  	s30 =	sld [smem:$0x0];
	_ =	sdelay $0x2  }
0xb9: {  	s31 =	sshll.u32 s1, $0xD;
	s1 =	sshrl.u32 s1, $0x2  }
0xba: {  	s3 =	sand.u32 $0x4000, s31;
	s1 =	sadd.s32 s1, s30  }
0xbb: {  	s0 =	sor.u32 s3, s0;
	s1 =	sshll.u32 s1, $0x11  }
0xbc: {  	s0 =	sor.u32 s1, s0  }
0xbd: {  	s0 =	sadd.s32 $0x8F2B, s0  }
0xbe: {  	[sflag:s0] =	ssyncadd.remote.s32 $0x1  }
0xbf: {  	_ =	sfence.sel $0xFFFF  }
0xc0: {  	[dreg:$0x0] =	wrdreg $0xFFFFFFFF;
	(pc) =	sbr.abs _section_cstart, $3  }
0xc1: {  	[dreg:$0x1] =	wrdreg $0xFFFFFFFF  }
0xc2: {  	_ =	task.clear_ibuf [dreg:s6], $0x2FFFF;
	_ =	strace $0x9FFFFFFF  }
0xc3: {  	(tm) =	ssettm $0x7FFFFFFF  }
tec
execute0_lowered:
.L_overlay_start_1:
0x0: {  	(tag) =	ssettag $0x1  }
0x1: {  	s1 =	srdreg.scid;
	s3 =	rddreg [dreg:$0x0]  }
0x2: {  	s0 =	stileid.u32;
	s7 =	rddreg [dreg:$0x1]  }
0x3: {  	s9 =	rddreg [dreg:$0x2];
	s2 =	simm.s32 $0x0;
	s14 =	simm.s32 $0x5710  }
0x4: {  	s15 =	simm.s32 $0x300;
	s16 =	simm.s32 $0x3000;
	s10 =	smul.u32 $0x300, s0  }
0x5: {  	s4 =	sand.u32 $0x1, s1;
	s31 =	sshll.u32 s0, $0x1;
	s11 =	smul.u32 $0x3000, s0  }
0x6: {  	s17 =	simm.s32 $0x8710;
	s1 =	sor.u32 s4, s31;
	s6 =	smul.u32 $0x3000, s4  }
0x7: {  	s18 =	simm.s32 $0x0;
	[smem:$0x7FF] =	sst s2;
	s5 =	smul.u32 $0x2710, s1  }
0x8: {  	s4 =	ssub.s32 $0x2, s4;
	s1 =	rddreg [dreg:$0x3];
	_ =	strace $0x80000047  }
0x9: {  	s8 =	sshrl.u32 s4, $0x1;
	s6 =	sadd.s32 s10, s6;
	s5 =	sshrl.u32 s5, $0x3  }
0xa: {  	s13 =	ssub.s32 s4, s8;
	s6 =	sshrl.u32 s6, $0x3;
	s5 =	sadd.s32 s5, s3  }
0xb: {  	s12 =	sadd.s32 s6, s3;
	s6 =	sadd.s32 s11, s9;
	s9 =	sadd.s32 s10, s9  }
0xc: {  	s3 =	sadd.s32 $0x2800, s5;
	s4 =	sadd.s32 $0xC440, s5;
	s5 =	sadd.s32 s11, s7  }
0xd: {  	s7 =	sadd.s32 s10, s7;
	s8 =	sadd.s32 $0x16200, s12;
	s10 =	sadd.s32 $0x16E00, s12  }
0xe: {  	v0 =	vimm.f32 $0.0e+00;
	v1 =	vimm.f32 $1.000000000e+00;
	s11 =	smax.u32 s13, $0x1;
	s12 =	simm.s32 $0x1;
	s13 =	simm.s32 $0x2710  }
.LBB2_1:
0xf: {  	s20 =	simm.s32 $0x2750  }
0x10: {  	s19 =	simm.s32 $0x5750;
	[tilespmem:s20+$0xFFFFFFC0] =	vst v0  }
0x11: {  	[tilespmem:s19+$0xFFFFFFC0] =	vst v0  }
0x12: {  	[tilespmem:s20+$0xFFFFFFD0] =	vst v0  }
0x13: {  	[tilespmem:s19+$0xFFFFFFD0] =	vst v0  }
0x14: {  	[tilespmem:s20+$0xFFFFFFE0] =	vst v0  }
0x15: {  	[tilespmem:s19+$0xFFFFFFE0] =	vst v0  }
0x16: {  	[tilespmem:s20+$0xFFFFFFF0] =	vst v0  }
0x17: {  	[tilespmem:s19+$0xFFFFFFF0] =	vst v0  }
0x18: {  	[tilespmem:s20+$0x0] =	vst v0  }
0x19: {  	[tilespmem:s19+$0x0] =	vst v0  }
0x1a: {  	[tilespmem:s20+$0x10] =	vst v0  }
0x1b: {  	[tilespmem:s19+$0x10] =	vst v0  }
0x1c: {  	[tilespmem:s20+$0x20] =	vst v0  }
0x1d: {  	[tilespmem:s19+$0x20] =	vst v0  }
0x1e: {  	[tilespmem:s20+$0x30] =	vst v0  }
0x1f: {  	s21 =	simm.s32 $0x27D0;
	s20 =	simm.s32 $0x0;
	[tilespmem:s19+$0x30] =	vst v0  }
.LBB2_2:
0x20: {  	[tilespmem:s21+$0xFFFFFFC0] =	vst v0;
	s19 =	sadd.s32 $0x80, s19  }
0x21: {  	[tilespmem:s19+$0xFFFFFFC0] =	vst v0  }
0x22: {  	[tilespmem:s21+$0xFFFFFFD0] =	vst v0  }
0x23: {  	[tilespmem:s19+$0xFFFFFFD0] =	vst v0  }
0x24: {  	[tilespmem:s21+$0xFFFFFFE0] =	vst v0  }
0x25: {  	[tilespmem:s19+$0xFFFFFFE0] =	vst v0  }
0x26: {  	[tilespmem:s21+$0xFFFFFFF0] =	vst v0  }
0x27: {  	[tilespmem:s19+$0xFFFFFFF0] =	vst v0  }
0x28: {  	[tilespmem:s21+$0x0] =	vst v0  }
0x29: {  	s20 =	sadd.s32 $0x8, s20;
	[tilespmem:s19+$0x0] =	vst v0  }
0x2a: {  	p0 =	slt.u32 s20, $0x2F8;
	[tilespmem:s21+$0x10] =	vst v0  }
.Ltmp0:
0x2b: {  	[tilespmem:s19+$0x10] =	vst v0;
	(pc) =	sbr.rel @p0 .LBB2_2-.Ltmp0, $4  }
0x2c: {  	[tilespmem:s21+$0x20] =	vst v0  }
0x2d: {  	[tilespmem:s19+$0x20] =	vst v0  }
0x2e: {  	[tilespmem:s21+$0x30] =	vst v0  }
0x2f: {  	s21 =	sadd.s32 $0x80, s21;
	[tilespmem:s19+$0x30] =	vst v0  }
0x30: {  	[tilespmem:s2], [sflag:$0x1] =	stream.linear.gather [hbm4b:s3+s2], $0x2710, $0x38;
	[tilespmem:$0x11710] =	vst v63  }
0x31: {  	_ =	swait.ge [sflag:s12], $0x2710  }
0x32: {  	[sflag:s12] =	ssyncset.done $0x0  }
0x33: {  	s19 =	simm.s32 $0xFFFFFFF8;
	s20 =	simm.s32 $0x40;
	[sflag:s12] =	ssyncadd.s32 $0xFFFFD8F0  }
.LBB2_4:
0x34: {  	v2 =	vld [tilespmem:s20+$0xFFFFFFC0];
	_ =	sdelay $0x7  }
0x35: {  	[tilespmem:v2+s13+$0x0] =	vst.idx.add.f32.msk $0xffff, v1  }
0x36: {  	v2 =	vld [tilespmem:s20+$0xFFFFFFD0];
	_ =	sdelay $0x7  }
0x37: {  	[tilespmem:v2+s13+$0x0] =	vst.idx.add.f32.msk $0xffff, v1  }
0x38: {  	v2 =	vld [tilespmem:s20+$0xFFFFFFE0];
	_ =	sdelay $0x7  }
0x39: {  	[tilespmem:v2+s13+$0x0] =	vst.idx.add.f32.msk $0xffff, v1  }
0x3a: {  	v2 =	vld [tilespmem:s20+$0xFFFFFFF0];
	_ =	sdelay $0x7  }
0x3b: {  	[tilespmem:v2+s13+$0x0] =	vst.idx.add.f32.msk $0xffff, v1  }
0x3c: {  	v2 =	vld [tilespmem:s20+$0x0];
	_ =	sdelay $0x7  }
0x3d: {  	[tilespmem:v2+s13+$0x0] =	vst.idx.add.f32.msk $0xffff, v1  }
0x3e: {  	v2 =	vld [tilespmem:s20+$0x10];
	_ =	sdelay $0x7  }
0x3f: {  	[tilespmem:v2+s13+$0x0] =	vst.idx.add.f32.msk $0xffff, v1  }
0x40: {  	v2 =	vld [tilespmem:s20+$0x20];
	_ =	sdelay $0x7  }
0x41: {  	[tilespmem:v2+s13+$0x0] =	vst.idx.add.f32.msk $0xffff, v1  }
0x42: {  	v2 =	vld [tilespmem:s20+$0x30];
	_ =	sdelay $0x1  }
0x43: {  	s19 =	sadd.s32 $0x8, s19  }
0x44: {  	p0 =	slt.u32 s19, $0x268  }
.Ltmp1:
0x45: {  	_ = 	snop;
	(pc) =	sbr.rel @p0 .LBB2_4-.Ltmp1, $2  }
0x46: {  	_ =	sdelay $0x2  }
0x47: {  	s20 =	sadd.s32 $0x80, s20;
	[tilespmem:v2+s13+$0x0] =	vst.idx.add.f32.msk $0xffff, v1  }
0x48: {  	v2 =	vld [tilespmem:$0x2700];
	_ =	sdelay $0x7  }
0x49: {  	[tilespmem:v2+s13+$0x0] =	vst.idx.add.f32.msk $0xffff, v1  }
0x4a: {  	[tilespmem:s2], [sflag:$0x1] =	stream.linear.gather [hbm4b:s4+s2], $0x2710, $0x38;
	[tilespmem:$0x11710] =	vst v63  }
0x4b: {  	_ =	swait.ge [sflag:s12], $0x2710  }
0x4c: {  	[sflag:s12] =	ssyncset.done $0x0  }
0x4d: {  	s19 =	simm.s32 $0xFFFFFFF8;
	s20 =	simm.s32 $0x40;
	[sflag:s12] =	ssyncadd.s32 $0xFFFFD8F0  }
.LBB2_6:
0x4e: {  	v2 =	vld [tilespmem:s20+$0xFFFFFFC0];
	_ =	sdelay $0x7  }
0x4f: {  	[tilespmem:v2+s14+$0x0] =	vst.idx.add.f32.msk $0xffff, v1  }
0x50: {  	v2 =	vld [tilespmem:s20+$0xFFFFFFD0];
	_ =	sdelay $0x7  }
0x51: {  	[tilespmem:v2+s14+$0x0] =	vst.idx.add.f32.msk $0xffff, v1  }
0x52: {  	v2 =	vld [tilespmem:s20+$0xFFFFFFE0];
	_ =	sdelay $0x7  }
0x53: {  	[tilespmem:v2+s14+$0x0] =	vst.idx.add.f32.msk $0xffff, v1  }
0x54: {  	v2 =	vld [tilespmem:s20+$0xFFFFFFF0];
	_ =	sdelay $0x7  }
0x55: {  	[tilespmem:v2+s14+$0x0] =	vst.idx.add.f32.msk $0xffff, v1  }
0x56: {  	v2 =	vld [tilespmem:s20+$0x0];
	_ =	sdelay $0x7  }
0x57: {  	[tilespmem:v2+s14+$0x0] =	vst.idx.add.f32.msk $0xffff, v1  }
0x58: {  	v2 =	vld [tilespmem:s20+$0x10];
	_ =	sdelay $0x7  }
0x59: {  	[tilespmem:v2+s14+$0x0] =	vst.idx.add.f32.msk $0xffff, v1  }
0x5a: {  	v2 =	vld [tilespmem:s20+$0x20];
	_ =	sdelay $0x7  }
0x5b: {  	[tilespmem:v2+s14+$0x0] =	vst.idx.add.f32.msk $0xffff, v1  }
0x5c: {  	v2 =	vld [tilespmem:s20+$0x30];
	_ =	sdelay $0x1  }
0x5d: {  	s19 =	sadd.s32 $0x8, s19  }
0x5e: {  	p0 =	slt.u32 s19, $0x268  }
.Ltmp2:
0x5f: {  	_ = 	snop;
	(pc) =	sbr.rel @p0 .LBB2_6-.Ltmp2, $2  }
0x60: {  	_ =	sdelay $0x2  }
0x61: {  	s20 =	sadd.s32 $0x80, s20;
	[tilespmem:v2+s14+$0x0] =	vst.idx.add.f32.msk $0xffff, v1  }
0x62: {  	v2 =	vld [tilespmem:$0x2700];
	_ =	sdelay $0x7  }
0x63: {  	[tilespmem:v2+s14+$0x0] =	vst.idx.add.f32.msk $0xffff, v1  }
0x64: {  	[spmem:s5] =	stream.linear.scatter [tilespmem:s13], [sflag:$0x1], $0x3000, $0x38;
	[tilespmem:$0x11710] =	vst v63  }
0x65: {  	_ =	swait.ge [sflag:s12], $0x3000  }
0x66: {  	[sflag:s12] =	ssyncset.done $0x0  }
0x67: {  	[sflag:s12] =	ssyncadd.s32 $0xFFFFD000  }
0x68: {  	[spmem:s6] =	stream.linear.scatter [tilespmem:s14], [sflag:$0x1], $0x3000, $0x38;
	[tilespmem:$0x11710] =	vst v63  }
0x69: {  	_ =	swait.ge [sflag:s12], $0x3000  }
0x6a: {  	[sflag:s12] =	ssyncset.done $0x0  }
0x6b: {  	[sflag:s12] =	ssyncadd.s32 $0xFFFFD000  }
0x6c: {  	[bflag:$0x0] =	sbarrier.arrive $0xFFFF  }
0x6d: {  	[tilespmem:s17], [sflag:$0x1] =	stream.strided.gather [spmem:s7], $0x3000, s16, s15, $0x38;
	[tilespmem:$0x11710] =	vst v63  }
0x6e: {  	_ =	swait.ge [sflag:s12], $0x3000  }
0x6f: {  	[sflag:s12] =	ssyncset.done $0x0  }
0x70: {  	s19 =	simm.s32 $0x9F10;
	[sflag:s12] =	ssyncadd.s32 $0xFFFFD000  }
0x71: {  	v2 =	vld [tilespmem:s19+$0xFFFFE800]  }
0x72: {  	v3 =	vld [tilespmem:s19+$0xFFFFEB00];
	_ =	sdelay $0x1  }
0x73: {  	v4 =	vld [tilespmem:s19+$0xFFFFEE00];
	_ =	sdelay $0x1  }
0x74: {  	v5 =	vld [tilespmem:s19+$0xFFFFF100]  }
0x75: {  	v2 =	vadd.f32 v3, v2  }
0x76: {  	v3 =	vld [tilespmem:s19+$0xFFFFF400]  }
0x77: {  	v2 =	vadd.f32 v4, v2  }
0x78: {  	v46 =	vld [tilespmem:s19+$0xFFFFF700]  }
0x79: {  	v2 =	vadd.f32 v5, v2  }
0x7a: {  	v47 =	vld [tilespmem:s19+$0xFFFFFA00]  }
0x7b: {  	v2 =	vadd.f32 v3, v2  }
0x7c: {  	v3 =	vld [tilespmem:s19+$0xFFFFFD00]  }
0x7d: {  	v2 =	vadd.f32 v46, v2  }
0x7e: {  	v48 =	vld [tilespmem:s19+$0x0]  }
0x7f: {  	v2 =	vadd.f32 v47, v2  }
0x80: {  	v49 =	vld [tilespmem:s19+$0x300]  }
0x81: {  	v2 =	vadd.f32 v3, v2  }
0x82: {  	v3 =	vld [tilespmem:s19+$0x600]  }
0x83: {  	v2 =	vadd.f32 v48, v2  }
0x84: {  	v50 =	vld [tilespmem:s19+$0x900]  }
0x85: {  	v2 =	vadd.f32 v49, v2  }
0x86: {  	v51 =	vld [tilespmem:s19+$0xC00]  }
0x87: {  	v2 =	vadd.f32 v3, v2  }
0x88: {  	v3 =	vld [tilespmem:s19+$0xF00]  }
0x89: {  	v2 =	vadd.f32 v50, v2  }
0x8a: {  	v52 =	vld [tilespmem:s19+$0x1200]  }
0x8b: {  	v2 =	vadd.f32 v51, v2  }
0x8c: {  	v53 =	vld [tilespmem:s19+$0x1500]  }
0x8d: {  	v2 =	vadd.f32 v3, v2;
	_ =	sdelay $0x1  }
0x8e: {  	v2 =	vadd.f32 v52, v2;
	_ =	sdelay $0x1  }
0x8f: {  	v2 =	vadd.f32 v53, v2  }
0x90: {  	s20 =	simm.s32 $0x2720  }
0x91: {  	[tilespmem:s20+$0xFFFFFFF0] =	vst v2  }
0x92: {  	v2 =	vld [tilespmem:s19+$0xFFFFE810]  }
0x93: {  	v3 =	vld [tilespmem:s19+$0xFFFFEB10];
	_ =	sdelay $0x1  }
0x94: {  	v54 =	vld [tilespmem:s19+$0xFFFFEE10];
	_ =	sdelay $0x1  }
0x95: {  	v55 =	vld [tilespmem:s19+$0xFFFFF110]  }
0x96: {  	v2 =	vadd.f32 v3, v2  }
0x97: {  	v3 =	vld [tilespmem:s19+$0xFFFFF410]  }
0x98: {  	v2 =	vadd.f32 v54, v2  }
0x99: {  	v56 =	vld [tilespmem:s19+$0xFFFFF710]  }
0x9a: {  	v2 =	vadd.f32 v55, v2  }
0x9b: {  	v57 =	vld [tilespmem:s19+$0xFFFFFA10]  }
0x9c: {  	v2 =	vadd.f32 v3, v2  }
0x9d: {  	v3 =	vld [tilespmem:s19+$0xFFFFFD10]  }
0x9e: {  	v2 =	vadd.f32 v56, v2  }
0x9f: {  	v58 =	vld [tilespmem:s19+$0x10]  }
0xa0: {  	v2 =	vadd.f32 v57, v2  }
0xa1: {  	v59 =	vld [tilespmem:s19+$0x310]  }
0xa2: {  	v2 =	vadd.f32 v3, v2  }
0xa3: {  	v3 =	vld [tilespmem:s19+$0x610]  }
0xa4: {  	v2 =	vadd.f32 v58, v2  }
0xa5: {  	v60 =	vld [tilespmem:s19+$0x910]  }
0xa6: {  	v2 =	vadd.f32 v59, v2  }
0xa7: {  	v61 =	vld [tilespmem:s19+$0xC10]  }
0xa8: {  	v2 =	vadd.f32 v3, v2  }
0xa9: {  	v3 =	vld [tilespmem:s19+$0xF10]  }
0xaa: {  	v2 =	vadd.f32 v60, v2  }
0xab: {  	v62 =	vld [tilespmem:s19+$0x1210]  }
0xac: {  	v2 =	vadd.f32 v61, v2  }
0xad: {  	v63 =	vld [tilespmem:s19+$0x1510]  }
0xae: {  	v2 =	vadd.f32 v3, v2;
	_ =	sdelay $0x1  }
0xaf: {  	v2 =	vadd.f32 v62, v2;
	_ =	sdelay $0x1  }
0xb0: {  	s21 =	simm.s32 $0x0;
	s22 =	simm.s32 $0x2720;
	v2 =	vadd.f32 v63, v2  }
.LBB2_8:
0xb1: {  	s21 =	sadd.s32 $0x2, s21;
	s19 =	sadd.s32 $0x20, s19;
	s20 =	sadd.s32 $0x20, s20  }
0xb2: {  	p0 =	slt.u32 s21, $0x2E;
	[tilespmem:s22+$0x0] =	vst v2;
	s22 =	smov.u32 s20  }
0xb3: {  	v2 =	vld [tilespmem:s19+$0xFFFFE800]  }
0xb4: {  	v3 =	vld [tilespmem:s19+$0xFFFFEB00];
	_ =	sdelay $0x1  }
0xb5: {  	v4 =	vld [tilespmem:s19+$0xFFFFEE00];
	_ =	sdelay $0x1  }
0xb6: {  	v5 =	vld [tilespmem:s19+$0xFFFFF100]  }
0xb7: {  	v2 =	vadd.f32 v3, v2  }
0xb8: {  	v3 =	vld [tilespmem:s19+$0xFFFFF400]  }
0xb9: {  	v2 =	vadd.f32 v4, v2  }
0xba: {  	v4 =	vld [tilespmem:s19+$0xFFFFF700]  }
0xbb: {  	v2 =	vadd.f32 v5, v2  }
0xbc: {  	v5 =	vld [tilespmem:s19+$0xFFFFFA00]  }
0xbd: {  	v2 =	vadd.f32 v3, v2  }
0xbe: {  	v3 =	vld [tilespmem:s19+$0xFFFFFD00]  }
0xbf: {  	v2 =	vadd.f32 v4, v2  }
0xc0: {  	v4 =	vld [tilespmem:s19+$0x0]  }
0xc1: {  	v2 =	vadd.f32 v5, v2  }
0xc2: {  	v5 =	vld [tilespmem:s19+$0x300]  }
0xc3: {  	v2 =	vadd.f32 v3, v2  }
0xc4: {  	v3 =	vld [tilespmem:s19+$0x600]  }
0xc5: {  	v2 =	vadd.f32 v4, v2  }
0xc6: {  	v4 =	vld [tilespmem:s19+$0x900]  }
0xc7: {  	v2 =	vadd.f32 v5, v2  }
0xc8: {  	v5 =	vld [tilespmem:s19+$0xC00]  }
0xc9: {  	v2 =	vadd.f32 v3, v2  }
0xca: {  	v3 =	vld [tilespmem:s19+$0xF00]  }
0xcb: {  	v2 =	vadd.f32 v4, v2  }
0xcc: {  	v4 =	vld [tilespmem:s19+$0x1200]  }
0xcd: {  	v2 =	vadd.f32 v5, v2  }
0xce: {  	v5 =	vld [tilespmem:s19+$0x1500]  }
0xcf: {  	v2 =	vadd.f32 v3, v2;
	_ =	sdelay $0x1  }
0xd0: {  	v2 =	vadd.f32 v4, v2;
	_ =	sdelay $0x1  }
0xd1: {  	v2 =	vadd.f32 v5, v2;
	_ =	sdelay $0x1  }
0xd2: {  	[tilespmem:s20+$0xFFFFFFF0] =	vst v2  }
0xd3: {  	v2 =	vld [tilespmem:s19+$0xFFFFE810]  }
0xd4: {  	v3 =	vld [tilespmem:s19+$0xFFFFEB10]  }
0xd5: {  	v4 =	vld [tilespmem:s19+$0xFFFFEE10];
	_ =	sdelay $0x1  }
0xd6: {  	v5 =	vld [tilespmem:s19+$0xFFFFF110];
	_ =	sdelay $0x1  }
0xd7: {  	v2 =	vadd.f32 v3, v2;
	v3 =	vld [tilespmem:s19+$0xFFFFF410];
	_ =	sdelay $0x1  }
0xd8: {  	v2 =	vadd.f32 v4, v2;
	v4 =	vld [tilespmem:s19+$0xFFFFF710];
	_ =	sdelay $0x1  }
0xd9: {  	v2 =	vadd.f32 v5, v2;
	v5 =	vld [tilespmem:s19+$0xFFFFFA10];
	_ =	sdelay $0x1  }
0xda: {  	v2 =	vadd.f32 v3, v2;
	v3 =	vld [tilespmem:s19+$0xFFFFFD10];
	_ =	sdelay $0x1  }
0xdb: {  	v2 =	vadd.f32 v4, v2;
	v4 =	vld [tilespmem:s19+$0x10];
	_ =	sdelay $0x1  }
0xdc: {  	v2 =	vadd.f32 v5, v2;
	v5 =	vld [tilespmem:s19+$0x310];
	_ =	sdelay $0x1  }
0xdd: {  	v2 =	vadd.f32 v3, v2;
	v3 =	vld [tilespmem:s19+$0x610];
	_ =	sdelay $0x1  }
0xde: {  	v2 =	vadd.f32 v4, v2;
	v4 =	vld [tilespmem:s19+$0x910];
	_ =	sdelay $0x1  }
0xdf: {  	v2 =	vadd.f32 v5, v2;
	v5 =	vld [tilespmem:s19+$0xC10];
	_ =	sdelay $0x1  }
0xe0: {  	v2 =	vadd.f32 v3, v2;
	v3 =	vld [tilespmem:s19+$0xF10];
	_ =	sdelay $0x1  }
0xe1: {  	v2 =	vadd.f32 v4, v2;
	v4 =	vld [tilespmem:s19+$0x1210];
	_ =	sdelay $0x1  }
0xe2: {  	v2 =	vadd.f32 v5, v2;
	v5 =	vld [tilespmem:s19+$0x1510];
	_ =	sdelay $0x1  }
.Ltmp3:
0xe3: {  	v2 =	vadd.f32 v3, v2;
	(pc) =	sbr.rel @p0 .LBB2_8-.Ltmp3, $3  }
0xe4: {  	_ = 	snop  }
0xe5: {  	v2 =	vadd.f32 v4, v2;
	_ =	sdelay $0x1  }
0xe6: {  	v2 =	vadd.f32 v5, v2  }
0xe7: {  	_ = 	snop  }
0xe8: {  	[tilespmem:s22+$0x0] =	vst v2  }
0xe9: {  	[hbm4b:s8+s2] =	stream.linear.scatter [tilespmem:s13], [sflag:$0x1], $0x300, $0x38;
	[tilespmem:$0x11710] =	vst v63  }
0xea: {  	_ =	swait.ge [sflag:s12], $0x300  }
0xeb: {  	[sflag:s12] =	ssyncset.done $0x0  }
0xec: {  	[sflag:s12] =	ssyncadd.s32 $0xFFFFFD00  }
0xed: {  	[tilespmem:s17], [sflag:$0x1] =	stream.strided.gather [spmem:s9], $0x3000, s16, s15, $0x38;
	[tilespmem:$0x11710] =	vst v63  }
0xee: {  	_ =	swait.ge [sflag:s12], $0x3000  }
0xef: {  	[sflag:s12] =	ssyncset.done $0x0  }
0xf0: {  	s19 =	simm.s32 $0x9F10;
	[sflag:s12] =	ssyncadd.s32 $0xFFFFD000  }
0xf1: {  	v2 =	vld [tilespmem:s19+$0xFFFFE800]  }
0xf2: {  	v3 =	vld [tilespmem:s19+$0xFFFFEB00];
	_ =	sdelay $0x1  }
0xf3: {  	v4 =	vld [tilespmem:s19+$0xFFFFEE00];
	_ =	sdelay $0x1  }
0xf4: {  	v5 =	vld [tilespmem:s19+$0xFFFFF100]  }
0xf5: {  	v2 =	vadd.f32 v3, v2  }
0xf6: {  	v3 =	vld [tilespmem:s19+$0xFFFFF400]  }
0xf7: {  	v2 =	vadd.f32 v4, v2  }
0xf8: {  	v46 =	vld [tilespmem:s19+$0xFFFFF700]  }
0xf9: {  	v2 =	vadd.f32 v5, v2  }
0xfa: {  	v47 =	vld [tilespmem:s19+$0xFFFFFA00]  }
0xfb: {  	v2 =	vadd.f32 v3, v2  }
0xfc: {  	v3 =	vld [tilespmem:s19+$0xFFFFFD00]  }
0xfd: {  	v2 =	vadd.f32 v46, v2  }
0xfe: {  	v48 =	vld [tilespmem:s19+$0x0]  }
0xff: {  	v2 =	vadd.f32 v47, v2  }
0x100: {  	v49 =	vld [tilespmem:s19+$0x300]  }
0x101: {  	v2 =	vadd.f32 v3, v2  }
0x102: {  	v3 =	vld [tilespmem:s19+$0x600]  }
0x103: {  	v2 =	vadd.f32 v48, v2  }
0x104: {  	v50 =	vld [tilespmem:s19+$0x900]  }
0x105: {  	v2 =	vadd.f32 v49, v2  }
0x106: {  	v51 =	vld [tilespmem:s19+$0xC00]  }
0x107: {  	v2 =	vadd.f32 v3, v2  }
0x108: {  	v3 =	vld [tilespmem:s19+$0xF00]  }
0x109: {  	v2 =	vadd.f32 v50, v2  }
0x10a: {  	v52 =	vld [tilespmem:s19+$0x1200]  }
0x10b: {  	v2 =	vadd.f32 v51, v2  }
0x10c: {  	v53 =	vld [tilespmem:s19+$0x1500]  }
0x10d: {  	v2 =	vadd.f32 v3, v2;
	_ =	sdelay $0x1  }
0x10e: {  	v2 =	vadd.f32 v52, v2;
	_ =	sdelay $0x1  }
0x10f: {  	v2 =	vadd.f32 v53, v2  }
0x110: {  	s20 =	simm.s32 $0x2720  }
0x111: {  	[tilespmem:s20+$0xFFFFFFF0] =	vst v2  }
0x112: {  	v2 =	vld [tilespmem:s19+$0xFFFFE810]  }
0x113: {  	v3 =	vld [tilespmem:s19+$0xFFFFEB10];
	_ =	sdelay $0x1  }
0x114: {  	v54 =	vld [tilespmem:s19+$0xFFFFEE10];
	_ =	sdelay $0x1  }
0x115: {  	v55 =	vld [tilespmem:s19+$0xFFFFF110]  }
0x116: {  	v2 =	vadd.f32 v3, v2  }
0x117: {  	v3 =	vld [tilespmem:s19+$0xFFFFF410]  }
0x118: {  	v2 =	vadd.f32 v54, v2  }
0x119: {  	v56 =	vld [tilespmem:s19+$0xFFFFF710]  }
0x11a: {  	v2 =	vadd.f32 v55, v2  }
0x11b: {  	v57 =	vld [tilespmem:s19+$0xFFFFFA10]  }
0x11c: {  	v2 =	vadd.f32 v3, v2  }
0x11d: {  	v3 =	vld [tilespmem:s19+$0xFFFFFD10]  }
0x11e: {  	v2 =	vadd.f32 v56, v2  }
0x11f: {  	v58 =	vld [tilespmem:s19+$0x10]  }
0x120: {  	v2 =	vadd.f32 v57, v2  }
0x121: {  	v59 =	vld [tilespmem:s19+$0x310]  }
0x122: {  	v2 =	vadd.f32 v3, v2  }
0x123: {  	v3 =	vld [tilespmem:s19+$0x610]  }
0x124: {  	v2 =	vadd.f32 v58, v2  }
0x125: {  	v60 =	vld [tilespmem:s19+$0x910]  }
0x126: {  	v2 =	vadd.f32 v59, v2  }
0x127: {  	v61 =	vld [tilespmem:s19+$0xC10]  }
0x128: {  	v2 =	vadd.f32 v3, v2  }
0x129: {  	v3 =	vld [tilespmem:s19+$0xF10]  }
0x12a: {  	v2 =	vadd.f32 v60, v2  }
0x12b: {  	v62 =	vld [tilespmem:s19+$0x1210]  }
0x12c: {  	v2 =	vadd.f32 v61, v2  }
0x12d: {  	v63 =	vld [tilespmem:s19+$0x1510]  }
0x12e: {  	v2 =	vadd.f32 v3, v2;
	_ =	sdelay $0x1  }
0x12f: {  	v2 =	vadd.f32 v62, v2;
	_ =	sdelay $0x1  }
0x130: {  	s21 =	simm.s32 $0x0;
	s22 =	simm.s32 $0x2720;
	v2 =	vadd.f32 v63, v2  }
.LBB2_10:
0x131: {  	s21 =	sadd.s32 $0x2, s21;
	s19 =	sadd.s32 $0x20, s19;
	s20 =	sadd.s32 $0x20, s20  }
0x132: {  	p0 =	slt.u32 s21, $0x2E;
	[tilespmem:s22+$0x0] =	vst v2;
	s22 =	smov.u32 s20  }
0x133: {  	v2 =	vld [tilespmem:s19+$0xFFFFE800]  }
0x134: {  	v3 =	vld [tilespmem:s19+$0xFFFFEB00];
	_ =	sdelay $0x1  }
0x135: {  	v4 =	vld [tilespmem:s19+$0xFFFFEE00];
	_ =	sdelay $0x1  }
0x136: {  	v5 =	vld [tilespmem:s19+$0xFFFFF100]  }
0x137: {  	v2 =	vadd.f32 v3, v2  }
0x138: {  	v3 =	vld [tilespmem:s19+$0xFFFFF400]  }
0x139: {  	v2 =	vadd.f32 v4, v2  }
0x13a: {  	v4 =	vld [tilespmem:s19+$0xFFFFF700]  }
0x13b: {  	v2 =	vadd.f32 v5, v2  }
0x13c: {  	v5 =	vld [tilespmem:s19+$0xFFFFFA00]  }
0x13d: {  	v2 =	vadd.f32 v3, v2  }
0x13e: {  	v3 =	vld [tilespmem:s19+$0xFFFFFD00]  }
0x13f: {  	v2 =	vadd.f32 v4, v2  }
0x140: {  	v4 =	vld [tilespmem:s19+$0x0]  }
0x141: {  	v2 =	vadd.f32 v5, v2  }
0x142: {  	v5 =	vld [tilespmem:s19+$0x300]  }
0x143: {  	v2 =	vadd.f32 v3, v2  }
0x144: {  	v3 =	vld [tilespmem:s19+$0x600]  }
0x145: {  	v2 =	vadd.f32 v4, v2  }
0x146: {  	v4 =	vld [tilespmem:s19+$0x900]  }
0x147: {  	v2 =	vadd.f32 v5, v2  }
0x148: {  	v5 =	vld [tilespmem:s19+$0xC00]  }
0x149: {  	v2 =	vadd.f32 v3, v2  }
0x14a: {  	v3 =	vld [tilespmem:s19+$0xF00]  }
0x14b: {  	v2 =	vadd.f32 v4, v2  }
0x14c: {  	v4 =	vld [tilespmem:s19+$0x1200]  }
0x14d: {  	v2 =	vadd.f32 v5, v2  }
0x14e: {  	v5 =	vld [tilespmem:s19+$0x1500]  }
0x14f: {  	v2 =	vadd.f32 v3, v2;
	_ =	sdelay $0x1  }
0x150: {  	v2 =	vadd.f32 v4, v2;
	_ =	sdelay $0x1  }
0x151: {  	v2 =	vadd.f32 v5, v2;
	_ =	sdelay $0x1  }
0x152: {  	[tilespmem:s20+$0xFFFFFFF0] =	vst v2  }
0x153: {  	v2 =	vld [tilespmem:s19+$0xFFFFE810]  }
0x154: {  	v3 =	vld [tilespmem:s19+$0xFFFFEB10]  }
0x155: {  	v4 =	vld [tilespmem:s19+$0xFFFFEE10];
	_ =	sdelay $0x1  }
0x156: {  	v5 =	vld [tilespmem:s19+$0xFFFFF110];
	_ =	sdelay $0x1  }
0x157: {  	v2 =	vadd.f32 v3, v2;
	v3 =	vld [tilespmem:s19+$0xFFFFF410];
	_ =	sdelay $0x1  }
0x158: {  	v2 =	vadd.f32 v4, v2;
	v4 =	vld [tilespmem:s19+$0xFFFFF710];
	_ =	sdelay $0x1  }
0x159: {  	v2 =	vadd.f32 v5, v2;
	v5 =	vld [tilespmem:s19+$0xFFFFFA10];
	_ =	sdelay $0x1  }
0x15a: {  	v2 =	vadd.f32 v3, v2;
	v3 =	vld [tilespmem:s19+$0xFFFFFD10];
	_ =	sdelay $0x1  }
0x15b: {  	v2 =	vadd.f32 v4, v2;
	v4 =	vld [tilespmem:s19+$0x10];
	_ =	sdelay $0x1  }
0x15c: {  	v2 =	vadd.f32 v5, v2;
	v5 =	vld [tilespmem:s19+$0x310];
	_ =	sdelay $0x1  }
0x15d: {  	v2 =	vadd.f32 v3, v2;
	v3 =	vld [tilespmem:s19+$0x610];
	_ =	sdelay $0x1  }
0x15e: {  	v2 =	vadd.f32 v4, v2;
	v4 =	vld [tilespmem:s19+$0x910];
	_ =	sdelay $0x1  }
0x15f: {  	v2 =	vadd.f32 v5, v2;
	v5 =	vld [tilespmem:s19+$0xC10];
	_ =	sdelay $0x1  }
0x160: {  	v2 =	vadd.f32 v3, v2;
	v3 =	vld [tilespmem:s19+$0xF10];
	_ =	sdelay $0x1  }
0x161: {  	v2 =	vadd.f32 v4, v2;
	v4 =	vld [tilespmem:s19+$0x1210];
	_ =	sdelay $0x1  }
0x162: {  	v2 =	vadd.f32 v5, v2;
	v5 =	vld [tilespmem:s19+$0x1510];
	_ =	sdelay $0x1  }
.Ltmp4:
0x163: {  	v2 =	vadd.f32 v3, v2;
	(pc) =	sbr.rel @p0 .LBB2_10-.Ltmp4, $3  }
0x164: {  	_ = 	snop  }
0x165: {  	v2 =	vadd.f32 v4, v2;
	_ =	sdelay $0x1  }
0x166: {  	v2 =	vadd.f32 v5, v2  }
0x167: {  	s18 =	sadd.s32 $0x1, s18  }
0x168: {  	p0 =	sne.s32 s18, s11  }
.Ltmp5:
0x169: {  	[tilespmem:s22+$0x0] =	vst v2;
	(pc) =	sbr.rel @p0 .LBB2_1-.Ltmp5, $4  }
0x16a: {  	[hbm4b:s10+s2] =	stream.linear.scatter [tilespmem:s13], [sflag:$0x1], $0x300, $0x38;
	[tilespmem:$0x11710] =	vst v63  }
0x16b: {  	_ =	swait.ge [sflag:s12], $0x300  }
0x16c: {  	[sflag:s12] =	ssyncset.done $0x0  }
0x16d: {  	[sflag:s12] =	ssyncadd.s32 $0xFFFFFD00  }
0x16e: {  	_ =	sfence.sel $0x180000  }
0x16f: {  	[bflag:$0x0] =	sbarrier.arrive $0xFFFF  }
0x170: {  	p0 =	sne.s32 s0, $0x0;
	_ =	strace $0x90000047  }
0x171: {  	s0 =	sadd.s32 @!p0 $0x100000, s1;
	[bflag:$0x2] =	sbarrier.arrive $0xFFFF  }
0x172: {  	[sflag:s0] =	ssyncadd.tile.s32 @!p0 $0x1;
	_ =	shalt  }
.Lfunc_end2:
_tile_overlayer_lowered:
.L_overlay_start_2:
0x173: {  	(tag) =	ssettag $0x2  }
0x174: {  	s0 =	rddreg [dreg:$0x0];
	s2 =	stileid.u32  }
0x175: {  	s1 =	rddreg [dreg:$0x1];
	p0 =	sne.s32 s2, $0x0  }
0x176: {  	s3 =	rddreg [dreg:$0x2];
	[bflag:$0x3] =	sbarrier.arrive $0xFFFF;
	s2 =	simm.s32 @!p0 $0x1C01  }
0x177: {  	[timem:s3], [sflag:s2] =	dma.local @!p0 [hbm:s0], s1  }
0x178: {  	s0 =	simm.s32 @!p0 $0x1  }
0x179: {  	_ =	swait.ge @!p0 [sflag:s0], s1  }
0x17a: {  	s1 =	ssub.s32 @!p0 $0x0, s1;
	[sflag:s0] =	ssyncset.done @!p0 $0x0  }
0x17b: {  	[sflag:s0] =	ssyncadd.s32 @!p0 s1  }
0x17c: {  	[bflag:$0x3] =	sbarrier.arrive $0xFFFF  }
0x17d: {  	_ =	shalt  }

</sc_bundles>
